<compile_context>
chip_gen: v7x
topology: tpu7x:2x2x1
jax: 0.10.2.dev20260603
libtpu: 0.0.44.dev20260713+nightly
codegen_flags: <defaults>
</compile_context>

<pallas_src>
import jax
import jax.numpy as jnp
from jax import lax
from jax.experimental import pallas as pl
from jax.experimental.pallas import tpu as pltpu
from jax.experimental.pallas import tpu_sc as plsc

N = 10000
E = 160000
F = 128
FE = 16
FG = 16
H = 256
G = 64

NC = 2
NS = 16
NW = NC * NS
CH = 128
EP = 163840
NCH = EP // (NW * CH)
SCH = EP // (NS * CH)
NPAD = 10240
NROW = NPAD // NS
BE = 2048
BN = 1024

_f32 = jnp.float32
_i32 = jnp.int32



def _mesh():
    return plsc.VectorSubcoreMesh(core_axis_name="c", subcore_axis_name="s",
                                  num_cores=NC, num_subcores=NS)


def _count_body(col2, cntp, coli, buf, obuf, acc):
    c = lax.axis_index("c")
    s = lax.axis_index("s")
    w = s * NC + c
    zero16 = jnp.zeros((16,), _f32)
    one16 = jnp.ones((16,), _f32)

    def zb(i, carry):
        for j in range(F // 16):
            buf[i, pl.ds(j * 16, 16)] = zero16
            obuf[i, pl.ds(j * 16, 16)] = one16
        return carry

    lax.fori_loop(0, CH, zb, 0)

    def zc(k, carry):
        pltpu.sync_copy(buf, acc.at[pl.ds(s * NROW + k * CH, CH)])
        return carry

    lax.fori_loop(0, NROW // CH, zc, 0)
    plsc.subcore_barrier()
    pltpu.sync_copy(col2.at[pl.ds(w * NCH, NCH)], coli)

    def step(i, carry):
        pltpu.sync_copy(obuf, acc.at[coli.at[i]], add=True)
        return carry

    lax.fori_loop(0, NCH, step, 0)
    plsc.subcore_barrier()
    pltpu.sync_copy(acc.at[pl.ds(s * NROW, NROW)],
                    cntp.at[c, pl.ds(s * NROW, NROW)])


def _count_call(col2):
    k = pl.kernel(
        _count_body,
        out_type=jax.ShapeDtypeStruct((NC, NPAD, F), _f32),
        mesh=_mesh(),
        scratch_types=[
            pltpu.VMEM((NCH, CH), _i32),
            pltpu.VMEM((CH, F), _f32),
            pltpu.VMEM((CH, F), _f32),
            pltpu.VMEM_SHARED((NPAD, F), _f32),
        ],
    )
    return k(col2)


def _gidx_body(row2, b128, gw, rowi, bufg0, bufg1, s0, s1):
    c = lax.axis_index("c")
    s = lax.axis_index("s")
    w = s * NC + c
    pltpu.sync_copy(row2.at[pl.ds(w * NCH, NCH)], rowi)

    def start(l, b, sv):
        pltpu.async_copy(b128.at[rowi.at[l]], b, sv)

    def finish(l, b, sv):
        pltpu.make_async_copy(b128.at[rowi.at[l]], b, sv).wait()
        pltpu.sync_copy(b, gw.at[pl.ds((w * NCH + l) * CH, CH)])

    start(0, bufg0, s0)
    start(1, bufg1, s1)

    def step(k, carry):
        i0 = 2 * k
        finish(i0, bufg0, s0)
        start(i0 + 2, bufg0, s0)
        finish(i0 + 1, bufg1, s1)
        start(i0 + 3, bufg1, s1)
        return carry

    lax.fori_loop(0, NCH // 2 - 1, step, 0)
    finish(NCH - 2, bufg0, s0)
    finish(NCH - 1, bufg1, s1)


def _gidx_call(row2, b128):
    k = pl.kernel(
        _gidx_body,
        out_type=jax.ShapeDtypeStruct((EP, F), _i32),
        mesh=_mesh(),
        scratch_types=[
            pltpu.VMEM((NCH, CH), _i32),
            pltpu.VMEM((CH, F), _i32),
            pltpu.VMEM((CH, F), _i32),
            pltpu.SemaphoreType.DMA,
            pltpu.SemaphoreType.DMA,
        ],
    )
    return k(row2, b128)


def _compact_body(gw, gi_o):
    gi_o[...] = gw[...][:, :1]


def _compact_call(gw):
    return pl.pallas_call(
        _compact_body,
        grid=(EP // BE,),
        in_specs=[pl.BlockSpec((BE, F), lambda i: (i, 0))],
        out_specs=pl.BlockSpec((BE, 1), lambda i: (i, 0)),
        out_shape=jax.ShapeDtypeStruct((EP, 1), _i32),
        compiler_params=pltpu.CompilerParams(
            dimension_semantics=("arbitrary",)),
    )(gw)


GA = 72
GB = 8
GPAD = 1344


def _gather_body(xtab, row2, col2, xr_o, xc_o,
                 rowi, coli, bxr0, bxc0, bxr1, bxc1, sr0, sc0, sr1, sc1):
    c = lax.axis_index("c")
    s = lax.axis_index("s")
    nch = jnp.where(c == 0, GA, GB)
    cbase = jnp.where(c == 0, s * GA, 16 * GA + s * GB)
    pltpu.sync_copy(row2.at[pl.ds(cbase, GA)], rowi)
    pltpu.sync_copy(col2.at[pl.ds(cbase, GA)], coli)

    def start(l, br, bc, svr, svc):
        pltpu.async_copy(xtab.at[rowi.at[l]], br, svr)
        pltpu.async_copy(xtab.at[coli.at[l]], bc, svc)

    def finish(l, br, bc, svr, svc):
        pltpu.make_async_copy(xtab.at[rowi.at[l]], br, svr).wait()
        pltpu.make_async_copy(xtab.at[coli.at[l]], bc, svc).wait()
        base = (cbase + l) * CH
        pltpu.sync_copy(br, xr_o.at[pl.ds(base, CH)])
        pltpu.sync_copy(bc, xc_o.at[pl.ds(base, CH)])

    start(0, bxr0, bxc0, sr0, sc0)
    start(1, bxr1, bxc1, sr1, sc1)

    def step(k, carry):
        i0 = 2 * k
        finish(i0, bxr0, bxc0, sr0, sc0)
        start(i0 + 2, bxr0, bxc0, sr0, sc0)
        finish(i0 + 1, bxr1, bxc1, sr1, sc1)
        start(i0 + 3, bxr1, bxc1, sr1, sc1)
        return carry

    lax.fori_loop(0, nch // 2 - 1, step, 0)
    finish(nch - 2, bxr0, bxc0, sr0, sc0)
    finish(nch - 1, bxr1, bxc1, sr1, sc1)


def _gather_call(xtab, row2p, col2p):
    k = pl.kernel(
        _gather_body,
        out_type=[
            jax.ShapeDtypeStruct((EP, F), _f32),
            jax.ShapeDtypeStruct((EP, F), _f32),
        ],
        mesh=_mesh(),
        scratch_types=[
            pltpu.VMEM((GA, CH), _i32),
            pltpu.VMEM((GA, CH), _i32),
            pltpu.VMEM((CH, F), _f32),
            pltpu.VMEM((CH, F), _f32),
            pltpu.VMEM((CH, F), _f32),
            pltpu.VMEM((CH, F), _f32),
            pltpu.SemaphoreType.DMA,
            pltpu.SemaphoreType.DMA,
            pltpu.SemaphoreType.DMA,
            pltpu.SemaphoreType.DMA,
        ],
    )
    return k(xtab, row2p, col2p)


def _scatter_body(h3, col2, s_out, coli, buf0, buf1, acc, s0, s1):
    c = lax.axis_index("c")
    s = lax.axis_index("s")
    zero16 = jnp.zeros((16,), _f32)

    def zb(i, carry):
        for j in range(F // 16):
            buf0[i, pl.ds(j * 16, 16)] = zero16
        return carry

    lax.fori_loop(0, CH, zb, 0)

    def zc(k, carry):
        pltpu.sync_copy(buf0, acc.at[pl.ds(s * NROW + k * CH, CH)])
        return carry

    lax.fori_loop(0, NROW // CH, zc, 0)
    plsc.subcore_barrier()

    pltpu.sync_copy(col2.at[pl.ds(s * SCH, SCH)], coli)

    def start(l, b, sv):
        pltpu.async_copy(h3.at[c, pl.ds((s * SCH + l) * CH, CH)], b, sv)

    def finish(l, b, sv):
        pltpu.make_async_copy(h3.at[c, pl.ds((s * SCH + l) * CH, CH)],
                              b, sv).wait()
        pltpu.sync_copy(b, acc.at[coli.at[l]], add=True)

    start(0, buf0, s0)
    start(1, buf1, s1)

    def step(k, carry):
        i0 = 2 * k
        finish(i0, buf0, s0)
        start(i0 + 2, buf0, s0)
        finish(i0 + 1, buf1, s1)
        start(i0 + 3, buf1, s1)
        return carry

    lax.fori_loop(0, SCH // 2 - 1, step, 0)
    finish(SCH - 2, buf0, s0)
    finish(SCH - 1, buf1, s1)
    plsc.subcore_barrier()
    pltpu.sync_copy(acc.at[pl.ds(s * NROW, NROW)],
                    s_out.at[c, pl.ds(s * NROW, NROW)])


def _scatter_call(h3, col2):
    k = pl.kernel(
        _scatter_body,
        out_type=jax.ShapeDtypeStruct((NC, NPAD, F), _f32),
        mesh=_mesh(),
        scratch_types=[
            pltpu.VMEM((SCH, CH), _i32),
            pltpu.VMEM((CH, F), _f32),
            pltpu.VMEM((CH, F), _f32),
            pltpu.VMEM_SHARED((NPAD, F), _f32),
            pltpu.SemaphoreType.DMA,
            pltpu.SemaphoreType.DMA,
        ],
    )
    return k(h3, col2)


def _prep_body(b2, cntp, u, wd, b1e, oh_o, p_o, cnt_o, gc_o):
    oh = (b2[...] == lax.broadcasted_iota(_i32, (1, G), 1)).astype(_f32)
    oh_o[...] = oh
    p_o[...] = jnp.dot(u[...], wd[...], preferred_element_type=_f32) + b1e[...]
    cnt_o[...] = cntp[0][:, :1] + cntp[1][:, :1]

    @pl.when(pl.program_id(0) == 0)
    def _():
        gc_o[...] = jnp.zeros_like(gc_o)

    gc_o[...] += lax.dot_general(oh, jnp.ones((BN, 1), _f32),
                                 (((0,), (0,)), ((), ())),
                                 preferred_element_type=_f32)


def _prep_call(b2, cntp, u, wd, b1e):
    grid = (NPAD // BN,)
    return pl.pallas_call(
        _prep_body,
        grid=grid,
        in_specs=[
            pl.BlockSpec((BN, 1), lambda i: (i, 0)),
            pl.BlockSpec((NC, BN, F), lambda i: (0, i, 0)),
            pl.BlockSpec((G, FG), lambda i: (0, 0)),
            pl.BlockSpec((FG, H), lambda i: (0, 0)),
            pl.BlockSpec((1, H), lambda i: (0, 0)),
        ],
        out_specs=[
            pl.BlockSpec((BN, G), lambda i: (i, 0)),
            pl.BlockSpec((G, H), lambda i: (0, 0)),
            pl.BlockSpec((BN, 1), lambda i: (i, 0)),
            pl.BlockSpec((G, 1), lambda i: (0, 0)),
        ],
        out_shape=[
            jax.ShapeDtypeStruct((NPAD, G), _f32),
            jax.ShapeDtypeStruct((G, H), _f32),
            jax.ShapeDtypeStruct((NPAD, 1), _f32),
            jax.ShapeDtypeStruct((G, 1), _f32),
        ],
        compiler_params=pltpu.CompilerParams(
            dimension_semantics=("arbitrary",)),
    )(b2, cntp, u, wd, b1e)


def _edge_body(xr, xc, gi, ea, wxx, wc, pmat, w2e, b2e, wna, wnb, b1n,
               ea_o, h3_o):
    xx = jnp.concatenate([xr[...], xc[...]], axis=1)
    ohe = (gi[...] == lax.broadcasted_iota(_i32, (1, G), 1)).astype(_f32)
    h = jnp.dot(xx, wxx[...], preferred_element_type=_f32)
    h += jnp.dot(ea[...], wc[...], preferred_element_type=_f32)
    h += jnp.dot(ohe, pmat[...], preferred_element_type=_f32)
    h = jnp.maximum(h, 0.0)
    ean = jnp.dot(h, w2e[...], preferred_element_type=_f32) + b2e[...]
    hn = jnp.dot(xr[...], wna[...], preferred_element_type=_f32)
    hn += jnp.dot(ean, wnb[...], preferred_element_type=_f32) + b1n[...]
    hn = jnp.maximum(hn, 0.0)
    ea_o[...] = ean
    h3_o[0] = hn[:, :F]
    h3_o[1] = hn[:, F:]


def _edge_call(xr, xc, gi, ea, wxx, wc, pmat, w2e, b2e, wna, wnb, b1n):
    grid = (EP // BE,)
    wspec = lambda r, c: pl.BlockSpec((r, c), lambda i: (0, 0))
    return pl.pallas_call(
        _edge_body,
        grid=grid,
        in_specs=[
            pl.BlockSpec((BE, F), lambda i: (i, 0)),
            pl.BlockSpec((BE, F), lambda i: (i, 0)),
            pl.BlockSpec((BE, 1), lambda i: (i, 0)),
            pl.BlockSpec((BE, FE), lambda i: (i, 0)),
            wspec(2 * F, H), wspec(FE, H), wspec(G, H),
            wspec(H, FE), wspec(1, FE),
            wspec(F, H), wspec(FE, H), wspec(1, H),
        ],
        out_specs=[
            pl.BlockSpec((BE, FE), lambda i: (i, 0)),
            pl.BlockSpec((NC, BE, F), lambda i: (0, i, 0)),
        ],
        out_shape=[
            jax.ShapeDtypeStruct((EP, FE), _f32),
            jax.ShapeDtypeStruct((NC, EP, F), _f32),
        ],
        compiler_params=pltpu.CompilerParams(
            dimension_semantics=("arbitrary",)),
    )(xr, xc, gi, ea, wxx, wc, pmat, w2e, b2e, wna, wnb, b1n)


def _node_body(S, x, oh, cnt, u, w2a, w2b, b2n1, n2a, n2b, n2c, b1n2,
               n2w2, b2n2, xo, xmo):
    cnt_ = cnt[...]
    agg = jnp.dot(S[0], w2a[...], preferred_element_type=_f32)
    agg += jnp.dot(S[1], w2b[...], preferred_element_type=_f32)
    agg = (agg + cnt_ * b2n1[...]) / jnp.maximum(cnt_, 1.0)
    ub = jnp.dot(oh[...], u[...], preferred_element_type=_f32)
    t = jnp.dot(x[...], n2a[...], preferred_element_type=_f32)
    t += jnp.dot(agg, n2b[...], preferred_element_type=_f32)
    t += jnp.dot(ub, n2c[...], preferred_element_type=_f32) + b1n2[...]
    t = jnp.maximum(t, 0.0)
    xn = jnp.dot(t, n2w2[...], preferred_element_type=_f32) + b2n2[...]
    xo[...] = xn

    @pl.when(pl.program_id(0) == 0)
    def _():
        xmo[...] = jnp.zeros_like(xmo)

    xmo[...] += lax.dot_general(oh[...], xn, (((0,), (0,)), ((), ())),
                                preferred_element_type=_f32)


def _node_call(S, x, oh, cnt, u, w2a, w2b, b2n1, n2a, n2b, n2c, b1n2,
               n2w2, b2n2):
    grid = (NPAD // BN,)
    wspec = lambda r, c: pl.BlockSpec((r, c), lambda i: (0, 0))
    return pl.pallas_call(
        _node_body,
        grid=grid,
        in_specs=[
            pl.BlockSpec((NC, BN, F), lambda i: (0, i, 0)),
            pl.BlockSpec((BN, F), lambda i: (i, 0)),
            pl.BlockSpec((BN, G), lambda i: (i, 0)),
            pl.BlockSpec((BN, 1), lambda i: (i, 0)),
            wspec(G, FG),
            wspec(F, H), wspec(F, H), wspec(1, H),
            wspec(F, H), wspec(H, H), wspec(FG, H), wspec(1, H),
            wspec(H, F), wspec(1, F),
        ],
        out_specs=[
            pl.BlockSpec((BN, F), lambda i: (i, 0)),
            pl.BlockSpec((G, F), lambda i: (0, 0)),
        ],
        out_shape=[
            jax.ShapeDtypeStruct((NPAD, F), _f32),
            jax.ShapeDtypeStruct((G, F), _f32),
        ],
        compiler_params=pltpu.CompilerParams(
            dimension_semantics=("arbitrary",)),
    )(S, x, oh, cnt, u, w2a, w2b, b2n1, n2a, n2b, n2c, b1n2, n2w2, b2n2)


def _glob_body(u, xms, gc, ga, gb, b1g, gw2, b2g, wd, b1e, uo, po):
    xm = xms[...] / jnp.maximum(gc[...], 1.0)
    t = jnp.dot(u[...], ga[...], preferred_element_type=_f32)
    t += jnp.dot(xm, gb[...], preferred_element_type=_f32) + b1g[...]
    t = jnp.maximum(t, 0.0)
    un = jnp.dot(t, gw2[...], preferred_element_type=_f32) + b2g[...]
    uo[...] = un
    po[...] = jnp.dot(un, wd[...], preferred_element_type=_f32) + b1e[...]


def _glob_call(u, xms, gc, ga, gb, b1g, gw2, b2g, wd, b1e):
    wspec = lambda r, c: pl.BlockSpec((r, c), lambda i: (0, 0))
    return pl.pallas_call(
        _glob_body,
        grid=(1,),
        in_specs=[
            wspec(G, FG), wspec(G, F), wspec(G, 1),
            wspec(FG, H), wspec(F, H), wspec(1, H),
            wspec(H, FG), wspec(1, FG),
            wspec(FG, H), wspec(1, H),
        ],
        out_specs=[
            pl.BlockSpec((G, FG), lambda i: (0, 0)),
            pl.BlockSpec((G, H), lambda i: (0, 0)),
        ],
        out_shape=[
            jax.ShapeDtypeStruct((G, FG), _f32),
            jax.ShapeDtypeStruct((G, H), _f32),
        ],
        compiler_params=pltpu.CompilerParams(
            dimension_semantics=("arbitrary",)),
    )(u, xms, gc, ga, gb, b1g, gw2, b2g, wd, b1e)


def kernel(x, edge_index, edge_attr, u, batch,
           edge_w1, edge_b1, edge_w2, edge_b2,
           node1_w1, node1_b1, node1_w2, node1_b2,
           node2_w1, node2_b1, node2_w2, node2_b2,
           glob_w1, glob_b1, glob_w2, glob_b2):
    row = edge_index[0].astype(_i32)
    col = edge_index[1].astype(_i32)
    row2 = jnp.pad(row, (0, GPAD * CH - E),
                   constant_values=N).reshape(GPAD, CH)
    col2 = jnp.pad(col, (0, GPAD * CH - E),
                   constant_values=N).reshape(GPAD, CH)
    xt = jnp.pad(x, ((0, NPAD - N), (0, 0)))
    b2 = jnp.pad(batch.astype(_i32), (0, NPAD - N),
                 constant_values=G).reshape(NPAD, 1)
    ea = jnp.pad(edge_attr, ((0, EP - E), (0, 0)))

    wxx = edge_w1[:2 * F]
    wc = edge_w1[2 * F:2 * F + FE]
    wd = edge_w1[2 * F + FE:]
    b1e = edge_b1.reshape(1, H)
    b2e = edge_b2.reshape(1, FE)
    wna = node1_w1[:F]
    wnb = node1_w1[F:]
    b1n = node1_b1.reshape(1, H)
    w2a = node1_w2[:F]
    w2b = node1_w2[F:]
    b2n1 = node1_b2.reshape(1, H)
    n2a = node2_w1[:F]
    n2b = node2_w1[F:F + H]
    n2c = node2_w1[F + H:]
    b1n2 = node2_b1.reshape(1, H)
    b2n2 = node2_b2.reshape(1, F)
    ga = glob_w1[:FG]
    gb = glob_w1[FG:]
    b1g = glob_b1.reshape(1, H)
    b2g = glob_b2.reshape(1, FG)

    bat = jnp.pad(batch.astype(_i32), (0, NPAD - N), constant_values=0)
    b128 = jnp.broadcast_to(bat[:, None], (NPAD, F))
    cntp = _count_call(col2)
    gw = _gidx_call(row2, b128)
    gi = _compact_call(gw)
    oh, pmat, cnt, gc = _prep_call(b2, cntp, u, wd, b1e)

    for _ in range(3):
        xr, xc = _gather_call(xt, row2, col2)
        ea, h3 = _edge_call(xr, xc, gi, ea, wxx, wc, pmat, edge_w2, b2e,
                            wna, wnb, b1n)
        S = _scatter_call(h3, col2)
        xt, xms = _node_call(S, xt, oh, cnt, u, w2a, w2b, b2n1,
                             n2a, n2b, n2c, b1n2, node2_w2, b2n2)
        u, pmat = _glob_call(u, xms, gc, ga, gb, b1g, glob_w2, b2g, wd, b1e)

    return xt[:N], ea[:E], u

# --- scband reference (transcript-rebuilt; emitter-appended) ---
"""Pipeline reference for scband-graph2-graph-model-17497696764459 (READ-ONLY COPY).

The authoritative reference and input builder live on the scoring server;
editing this copy changes nothing except your own understanding.
"""

import jax, jax.numpy as jnp
import numpy as np

N = 10000
E = 160000
F = 128
FE = 16
FG = 16
H = 256
G = 64
NUM_UPDATES = 2


def _mlp(x, w1, b1, w2, b2):
    return jnp.maximum(x @ w1 + b1, 0.0) @ w2 + b2


def _seg_mean(data, ids, num):
    s = jax.ops.segment_sum(data, ids, num_segments=num)
    c = jax.ops.segment_sum(jnp.ones((data.shape[0],), data.dtype), ids, num_segments=num)
    return s / jnp.maximum(c, 1.0)[:, None]


def _glorot(k, shape):
    lim = np.sqrt(6.0 / (shape[0] + shape[1]))
    return jax.random.uniform(k, shape, jnp.float32, -lim, lim)


def setup_inputs(seed: int = 0):
    key = jax.random.key(seed)
    ks = jax.random.split(key, 16)
    inp = {}
    inp['x'] = jax.random.normal(ks[0], (N, F), jnp.float32)
    inp['edge_index'] = jax.random.randint(ks[1], (2, E), 0, N)
    inp['edge_attr'] = jax.random.normal(ks[2], (E, FE), jnp.float32)
    inp['u'] = jax.random.normal(ks[3], (G, FG), jnp.float32)
    inp['batch'] = jnp.sort(jax.random.randint(ks[4], (N,), 0, G))
    # EdgeModel MLP: in = 2F + FE + FG -> H -> FE
    inp['edge_w1'] = _glorot(ks[5], (2 * F + FE + FG, H))
    inp['edge_b1'] = jnp.zeros((H,), jnp.float32)
    inp['edge_w2'] = _glorot(ks[6], (H, FE))
    inp['edge_b2'] = jnp.zeros((FE,), jnp.float32)
    # NodeModel MLP1: in = F + FE -> H -> H
    inp['node1_w1'] = _glorot(ks[7], (F + FE, H))
    inp['node1_b1'] = jnp.zeros((H,), jnp.float32)
    inp['node1_w2'] = _glorot(ks[8], (H, H))
    inp['node1_b2'] = jnp.zeros((H,), jnp.float32)
    # NodeModel MLP2: in = F + H + FG -> H -> F
    inp['node2_w1'] = _glorot(ks[9], (F + H + FG, H))
    inp['node2_b1'] = jnp.zeros((H,), jnp.float32)
    inp['node2_w2'] = _glorot(ks[10], (H, F))
    inp['node2_b2'] = jnp.zeros((F,), jnp.float32)
    # GlobalModel MLP: in = FG + F -> H -> FG
    inp['glob_w1'] = _glorot(ks[11], (FG + F, H))
    inp['glob_b1'] = jnp.zeros((H,), jnp.float32)
    inp['glob_w2'] = _glorot(ks[12], (H, FG))
    inp['glob_b2'] = jnp.zeros((FG,), jnp.float32)
    return inp


def reference(x, edge_index, edge_attr, u, batch,
              edge_w1, edge_b1, edge_w2, edge_b2,
              node1_w1, node1_b1, node1_w2, node1_b2,
              node2_w1, node2_b1, node2_w2, node2_b2,
              glob_w1, glob_b1, glob_w2, glob_b2):
    row = edge_index[0]
    col = edge_index[1]

    def step(x, edge_attr, u):
        # EdgeModel (MetaLayer passes x[row], x[col], edge_attr, u, batch[row])
        e_in = jnp.concatenate([x[row], x[col], edge_attr, u[batch[row]]], axis=1)
        edge_attr = _mlp(e_in, edge_w1, edge_b1, edge_w2, edge_b2)
        # NodeModel
        n_in = jnp.concatenate([x[row], edge_attr], axis=1)
        m = _mlp(n_in, node1_w1, node1_b1, node1_w2, node1_b2)
        agg = _seg_mean(m, col, N)
        x = _mlp(jnp.concatenate([x, agg, u[batch]], axis=1), node2_w1, node2_b1, node2_w2, node2_b2)
        # GlobalModel
        xm = _seg_mean(x, batch, G)
        u = _mlp(jnp.concatenate([u, xm], axis=1), glob_w1, glob_b1, glob_w2, glob_b2)
        return x, edge_attr, u

    for _ in range(1 + NUM_UPDATES):
        x, edge_attr, u = step(x, edge_attr, u)
    return (x, edge_attr, u)

if __name__ == "__main__":
    import jax
    _d = setup_inputs()
    print(jax.jit(kernel)(*tuple(_d.values())))

</pallas_src>

<mosaic_0001>
#map = affine_map<(d0, d1) -> (0, 0)>
module attributes {stable_mosaic.version = 14 : i64} {
  func.func @_gidx_body(%arg0: i32, %arg1: i32, %arg2: memref<1344x128xi32, #tpu.memory_space<hbm>>, %arg3: memref<10240x128xi32, #tpu.memory_space<hbm>>, %arg4: memref<163840x128xi32, #tpu.memory_space<hbm>>, %arg5: memref<40x128xi32, #tpu.memory_space<vmem>>, %arg6: memref<128x128xi32, #tpu.memory_space<vmem>>, %arg7: memref<128x128xi32, #tpu.memory_space<vmem>>, %arg8: memref<!tpu.dma_semaphore, #tpu.memory_space<semaphore_mem>>, %arg9: memref<!tpu.dma_semaphore, #tpu.memory_space<semaphore_mem>>) attributes {dimension_semantics = [#tpu.dimension_semantics<core_parallel>, #tpu.dimension_semantics<subcore_parallel>], iteration_bounds = array<i64: 2, 16>, scalar_prefetch = 0 : i64, scratch_operands = 5 : i64, tpu.core_type = #tpu.core_type<sc_vector_subcore>, window_params = [{transform_indices = #map}, {transform_indices = #map}, {transform_indices = #map}]} {
    %mul3A = arith.constant 2 : i32
    %mul3A_0 = arith.muli %arg1, %mul3A : i32
    %add3A = arith.addi %mul3A_0, %arg0 : i32
    %mul3A_1 = arith.constant 40 : i32
    %mul3A_2 = arith.muli %add3A, %mul3A_1 : i32
    "tpu.region"() ({
      %run_scoped3A = tpu.sem_alloc : memref<!tpu.dma_semaphore, #tpu.memory_space<semaphore_mem>>
      %dma_start3A_46 = arith.constant 0 : i32
      %dma_start3A_47 = tpu.memref_slice %arg2[%mul3A_2, %dma_start3A_46] : memref<1344x128xi32, #tpu.memory_space<hbm>> -> memref<40x128xi32, #tpu.memory_space<hbm>>
      %dma_start3A_48 = arith.constant 0 : i32
      %dma_start3A_49 = tpu.memref_slice %arg2[%mul3A_2, %dma_start3A_48] : memref<1344x128xi32, #tpu.memory_space<hbm>> -> memref<40x128xi32, #tpu.memory_space<hbm>>
      tpu.enqueue_dma source(%dma_start3A_49 : memref<40x128xi32, #tpu.memory_space<hbm>>) target(%arg5 : memref<40x128xi32, #tpu.memory_space<vmem>>) target_semaphore(%run_scoped3A : memref<!tpu.dma_semaphore, #tpu.memory_space<semaphore_mem>>)
      %dma_wait3A_50 = arith.constant 0 : i32
      %dma_wait3A_51 = tpu.memref_slice %arg2[%mul3A_2, %dma_wait3A_50] : memref<1344x128xi32, #tpu.memory_space<hbm>> -> memref<40x128xi32, #tpu.memory_space<hbm>>
      %dma_wait3A_52 = arith.constant 0 : i32
      %dma_wait3A_53 = tpu.memref_slice %arg2[%mul3A_2, %dma_wait3A_52] : memref<1344x128xi32, #tpu.memory_space<hbm>> -> memref<40x128xi32, #tpu.memory_space<hbm>>
      tpu.wait_dma2 semaphore(%run_scoped3A : memref<!tpu.dma_semaphore, #tpu.memory_space<semaphore_mem>>) src(%dma_wait3A_53 : memref<40x128xi32, #tpu.memory_space<hbm>>) dst(%arg5 : memref<40x128xi32, #tpu.memory_space<vmem>>)
      tpu.yield
    }) : () -> ()
    %dma_start3A = arith.constant 0 : i32
    %dma_start3A_3 = arith.constant 0 : i32
    %dma_start3A_4 = tpu.memref_slice %arg5[%dma_start3A, %dma_start3A_3] : memref<40x128xi32, #tpu.memory_space<vmem>> -> memref<1x128xi32, #tpu.memory_space<vmem>>
    %dma_start3A_5 = tpu.memref_squeeze %dma_start3A_4 : memref<1x128xi32, #tpu.memory_space<vmem>> -> memref<128xi32, #tpu.memory_space<vmem>>
    %dma_start3A_6 = arith.constant 0 : i32
    %dma_start3A_7 = arith.constant 0 : i32
    %dma_start3A_8 = tpu.memref_slice %arg3[%dma_start3A_6, %dma_start3A_7] : memref<10240x128xi32, #tpu.memory_space<hbm>> -> memref<10240x128xi32, #tpu.memory_space<hbm>>
    tpu.enqueue_indirect_dma source(%dma_start3A_8 : memref<10240x128xi32, #tpu.memory_space<hbm>>) target(%arg6 : memref<128x128xi32, #tpu.memory_space<vmem>>) offsets(%dma_start3A_5 : memref<128xi32, #tpu.memory_space<vmem>>) semaphore(%arg8 : memref<!tpu.dma_semaphore, #tpu.memory_space<semaphore_mem>>)
    %dma_start3A_9 = arith.constant 1 : i32
    %dma_start3A_10 = arith.constant 0 : i32
    %dma_start3A_11 = tpu.memref_slice %arg5[%dma_start3A_9, %dma_start3A_10] : memref<40x128xi32, #tpu.memory_space<vmem>> -> memref<1x128xi32, #tpu.memory_space<vmem>>
    %dma_start3A_12 = tpu.memref_squeeze %dma_start3A_11 : memref<1x128xi32, #tpu.memory_space<vmem>> -> memref<128xi32, #tpu.memory_space<vmem>>
    %dma_start3A_13 = arith.constant 0 : i32
    %dma_start3A_14 = arith.constant 0 : i32
    %dma_start3A_15 = tpu.memref_slice %arg3[%dma_start3A_13, %dma_start3A_14] : memref<10240x128xi32, #tpu.memory_space<hbm>> -> memref<10240x128xi32, #tpu.memory_space<hbm>>
    tpu.enqueue_indirect_dma source(%dma_start3A_15 : memref<10240x128xi32, #tpu.memory_space<hbm>>) target(%arg7 : memref<128x128xi32, #tpu.memory_space<vmem>>) offsets(%dma_start3A_12 : memref<128xi32, #tpu.memory_space<vmem>>) semaphore(%arg9 : memref<!tpu.dma_semaphore, #tpu.memory_space<semaphore_mem>>)
    %scan3A = arith.constant 0 : i32
    %scan3A_16 = arith.constant 0 : i32
    %scan3A_17 = arith.constant 19 : i32
    %scan3A_18 = arith.addi %scan3A_16, %scan3A_17 : i32
    %scan3A_19 = arith.constant 1 : i32
    scf.for %scan3A_46 = %scan3A_16 to %scan3A_18 step %scan3A_19  : i32 {
      %mul3A_47 = arith.constant 2 : i32
      %mul3A_48 = arith.muli %mul3A_47, %scan3A_46 : i32
      %dma_wait3A_49 = arith.constant 0 : i32
      %dma_wait3A_50 = tpu.memref_slice %arg5[%mul3A_48, %dma_wait3A_49] : memref<40x128xi32, #tpu.memory_space<vmem>> -> memref<1x128xi32, #tpu.memory_space<vmem>>
      %dma_wait3A_51 = tpu.memref_squeeze %dma_wait3A_50 : memref<1x128xi32, #tpu.memory_space<vmem>> -> memref<128xi32, #tpu.memory_space<vmem>>
      %dma_wait3A_52 = arith.constant 0 : i32
      %dma_wait3A_53 = arith.constant 0 : i32
      %dma_wait3A_54 = tpu.memref_slice %arg3[%dma_wait3A_52, %dma_wait3A_53] : memref<10240x128xi32, #tpu.memory_space<hbm>> -> memref<10240x128xi32, #tpu.memory_space<hbm>>
      tpu.wait_indirect_dma semaphore(%arg8 : memref<!tpu.dma_semaphore, #tpu.memory_space<semaphore_mem>>) src(%dma_wait3A_54 : memref<10240x128xi32, #tpu.memory_space<hbm>>) dst(%arg6 : memref<128x128xi32, #tpu.memory_space<vmem>>)
      %mul3A_55 = arith.constant 40 : i32
      %mul3A_56 = arith.muli %add3A, %mul3A_55 : i32
      %add3A_57 = arith.addi %mul3A_56, %mul3A_48 : i32
      %mul3A_58 = arith.constant 128 : i32
      %mul3A_59 = arith.muli %add3A_57, %mul3A_58 : i32
      "tpu.region"() ({
        %run_scoped3A = tpu.sem_alloc : memref<!tpu.dma_semaphore, #tpu.memory_space<semaphore_mem>>
        %dma_start3A_89 = arith.constant 0 : i32
        %dma_start3A_90 = tpu.memref_slice %arg4[%mul3A_59, %dma_start3A_89] : memref<163840x128xi32, #tpu.memory_space<hbm>> -> memref<128x128xi32, #tpu.memory_space<hbm>>
        %dma_start3A_91 = arith.constant 0 : i32
        %dma_start3A_92 = tpu.memref_slice %arg4[%mul3A_59, %dma_start3A_91] : memref<163840x128xi32, #tpu.memory_space<hbm>> -> memref<128x128xi32, #tpu.memory_space<hbm>>
        tpu.enqueue_dma source(%arg6 : memref<128x128xi32, #tpu.memory_space<vmem>>) target(%dma_start3A_92 : memref<128x128xi32, #tpu.memory_space<hbm>>) target_semaphore(%run_scoped3A : memref<!tpu.dma_semaphore, #tpu.memory_space<semaphore_mem>>)
        %dma_wait3A_93 = arith.constant 0 : i32
        %dma_wait3A_94 = tpu.memref_slice %arg4[%mul3A_59, %dma_wait3A_93] : memref<163840x128xi32, #tpu.memory_space<hbm>> -> memref<128x128xi32, #tpu.memory_space<hbm>>
        %dma_wait3A_95 = arith.constant 0 : i32
        %dma_wait3A_96 = tpu.memref_slice %arg4[%mul3A_59, %dma_wait3A_95] : memref<163840x128xi32, #tpu.memory_space<hbm>> -> memref<128x128xi32, #tpu.memory_space<hbm>>
        tpu.wait_dma2 semaphore(%run_scoped3A : memref<!tpu.dma_semaphore, #tpu.memory_space<semaphore_mem>>) src(%arg6 : memref<128x128xi32, #tpu.memory_space<vmem>>) dst(%dma_wait3A_96 : memref<128x128xi32, #tpu.memory_space<hbm>>)
        tpu.yield
      }) : () -> ()
      %add3A_60 = arith.constant 2 : i32
      %add3A_61 = arith.addi %mul3A_48, %add3A_60 : i32
      %dma_start3A_62 = arith.constant 0 : i32
      %dma_start3A_63 = tpu.memref_slice %arg5[%add3A_61, %dma_start3A_62] : memref<40x128xi32, #tpu.memory_space<vmem>> -> memref<1x128xi32, #tpu.memory_space<vmem>>
      %dma_start3A_64 = tpu.memref_squeeze %dma_start3A_63 : memref<1x128xi32, #tpu.memory_space<vmem>> -> memref<128xi32, #tpu.memory_space<vmem>>
      %dma_start3A_65 = arith.constant 0 : i32
      %dma_start3A_66 = arith.constant 0 : i32
      %dma_start3A_67 = tpu.memref_slice %arg3[%dma_start3A_65, %dma_start3A_66] : memref<10240x128xi32, #tpu.memory_space<hbm>> -> memref<10240x128xi32, #tpu.memory_space<hbm>>
      tpu.enqueue_indirect_dma source(%dma_start3A_67 : memref<10240x128xi32, #tpu.memory_space<hbm>>) target(%arg6 : memref<128x128xi32, #tpu.memory_space<vmem>>) offsets(%dma_start3A_64 : memref<128xi32, #tpu.memory_space<vmem>>) semaphore(%arg8 : memref<!tpu.dma_semaphore, #tpu.memory_space<semaphore_mem>>)
      %add3A_68 = arith.constant 1 : i32
      %add3A_69 = arith.addi %mul3A_48, %add3A_68 : i32
      %dma_wait3A_70 = arith.constant 0 : i32
      %dma_wait3A_71 = tpu.memref_slice %arg5[%add3A_69, %dma_wait3A_70] : memref<40x128xi32, #tpu.memory_space<vmem>> -> memref<1x128xi32, #tpu.memory_space<vmem>>
      %dma_wait3A_72 = tpu.memref_squeeze %dma_wait3A_71 : memref<1x128xi32, #tpu.memory_space<vmem>> -> memref<128xi32, #tpu.memory_space<vmem>>
      %dma_wait3A_73 = arith.constant 0 : i32
      %dma_wait3A_74 = arith.constant 0 : i32
      %dma_wait3A_75 = tpu.memref_slice %arg3[%dma_wait3A_73, %dma_wait3A_74] : memref<10240x128xi32, #tpu.memory_space<hbm>> -> memref<10240x128xi32, #tpu.memory_space<hbm>>
      tpu.wait_indirect_dma semaphore(%arg9 : memref<!tpu.dma_semaphore, #tpu.memory_space<semaphore_mem>>) src(%dma_wait3A_75 : memref<10240x128xi32, #tpu.memory_space<hbm>>) dst(%arg7 : memref<128x128xi32, #tpu.memory_space<vmem>>)
      %mul3A_76 = arith.constant 40 : i32
      %mul3A_77 = arith.muli %add3A, %mul3A_76 : i32
      %add3A_78 = arith.addi %mul3A_77, %add3A_69 : i32
      %mul3A_79 = arith.constant 128 : i32
      %mul3A_80 = arith.muli %add3A_78, %mul3A_79 : i32
      "tpu.region"() ({
        %run_scoped3A = tpu.sem_alloc : memref<!tpu.dma_semaphore, #tpu.memory_space<semaphore_mem>>
        %dma_start3A_89 = arith.constant 0 : i32
        %dma_start3A_90 = tpu.memref_slice %arg4[%mul3A_80, %dma_start3A_89] : memref<163840x128xi32, #tpu.memory_space<hbm>> -> memref<128x128xi32, #tpu.memory_space<hbm>>
        %dma_start3A_91 = arith.constant 0 : i32
        %dma_start3A_92 = tpu.memref_slice %arg4[%mul3A_80, %dma_start3A_91] : memref<163840x128xi32, #tpu.memory_space<hbm>> -> memref<128x128xi32, #tpu.memory_space<hbm>>
        tpu.enqueue_dma source(%arg7 : memref<128x128xi32, #tpu.memory_space<vmem>>) target(%dma_start3A_92 : memref<128x128xi32, #tpu.memory_space<hbm>>) target_semaphore(%run_scoped3A : memref<!tpu.dma_semaphore, #tpu.memory_space<semaphore_mem>>)
        %dma_wait3A_93 = arith.constant 0 : i32
        %dma_wait3A_94 = tpu.memref_slice %arg4[%mul3A_80, %dma_wait3A_93] : memref<163840x128xi32, #tpu.memory_space<hbm>> -> memref<128x128xi32, #tpu.memory_space<hbm>>
        %dma_wait3A_95 = arith.constant 0 : i32
        %dma_wait3A_96 = tpu.memref_slice %arg4[%mul3A_80, %dma_wait3A_95] : memref<163840x128xi32, #tpu.memory_space<hbm>> -> memref<128x128xi32, #tpu.memory_space<hbm>>
        tpu.wait_dma2 semaphore(%run_scoped3A : memref<!tpu.dma_semaphore, #tpu.memory_space<semaphore_mem>>) src(%arg7 : memref<128x128xi32, #tpu.memory_space<vmem>>) dst(%dma_wait3A_96 : memref<128x128xi32, #tpu.memory_space<hbm>>)
        tpu.yield
      }) : () -> ()
      %add3A_81 = arith.constant 3 : i32
      %add3A_82 = arith.addi %mul3A_48, %add3A_81 : i32
      %dma_start3A_83 = arith.constant 0 : i32
      %dma_start3A_84 = tpu.memref_slice %arg5[%add3A_82, %dma_start3A_83] : memref<40x128xi32, #tpu.memory_space<vmem>> -> memref<1x128xi32, #tpu.memory_space<vmem>>
      %dma_start3A_85 = tpu.memref_squeeze %dma_start3A_84 : memref<1x128xi32, #tpu.memory_space<vmem>> -> memref<128xi32, #tpu.memory_space<vmem>>
      %dma_start3A_86 = arith.constant 0 : i32
      %dma_start3A_87 = arith.constant 0 : i32
      %dma_start3A_88 = tpu.memref_slice %arg3[%dma_start3A_86, %dma_start3A_87] : memref<10240x128xi32, #tpu.memory_space<hbm>> -> memref<10240x128xi32, #tpu.memory_space<hbm>>
      tpu.enqueue_indirect_dma source(%dma_start3A_88 : memref<10240x128xi32, #tpu.memory_space<hbm>>) target(%arg7 : memref<128x128xi32, #tpu.memory_space<vmem>>) offsets(%dma_start3A_85 : memref<128xi32, #tpu.memory_space<vmem>>) semaphore(%arg9 : memref<!tpu.dma_semaphore, #tpu.memory_space<semaphore_mem>>)
    }
    %scan3A_20 = arith.constant 19 : i32
    %dma_wait3A = arith.constant 38 : i32
    %dma_wait3A_21 = arith.constant 0 : i32
    %dma_wait3A_22 = tpu.memref_slice %arg5[%dma_wait3A, %dma_wait3A_21] : memref<40x128xi32, #tpu.memory_space<vmem>> -> memref<1x128xi32, #tpu.memory_space<vmem>>
    %dma_wait3A_23 = tpu.memref_squeeze %dma_wait3A_22 : memref<1x128xi32, #tpu.memory_space<vmem>> -> memref<128xi32, #tpu.memory_space<vmem>>
    %dma_wait3A_24 = arith.constant 0 : i32
    %dma_wait3A_25 = arith.constant 0 : i32
    %dma_wait3A_26 = tpu.memref_slice %arg3[%dma_wait3A_24, %dma_wait3A_25] : memref<10240x128xi32, #tpu.memory_space<hbm>> -> memref<10240x128xi32, #tpu.memory_space<hbm>>
    tpu.wait_indirect_dma semaphore(%arg8 : memref<!tpu.dma_semaphore, #tpu.memory_space<semaphore_mem>>) src(%dma_wait3A_26 : memref<10240x128xi32, #tpu.memory_space<hbm>>) dst(%arg6 : memref<128x128xi32, #tpu.memory_space<vmem>>)
    %mul3A_27 = arith.constant 40 : i32
    %mul3A_28 = arith.muli %add3A, %mul3A_27 : i32
    %add3A_29 = arith.constant 38 : i32
    %add3A_30 = arith.addi %mul3A_28, %add3A_29 : i32
    %mul3A_31 = arith.constant 128 : i32
    %mul3A_32 = arith.muli %add3A_30, %mul3A_31 : i32
    "tpu.region"() ({
      %run_scoped3A = tpu.sem_alloc : memref<!tpu.dma_semaphore, #tpu.memory_space<semaphore_mem>>
      %dma_start3A_46 = arith.constant 0 : i32
      %dma_start3A_47 = tpu.memref_slice %arg4[%mul3A_32, %dma_start3A_46] : memref<163840x128xi32, #tpu.memory_space<hbm>> -> memref<128x128xi32, #tpu.memory_space<hbm>>
      %dma_start3A_48 = arith.constant 0 : i32
      %dma_start3A_49 = tpu.memref_slice %arg4[%mul3A_32, %dma_start3A_48] : memref<163840x128xi32, #tpu.memory_space<hbm>> -> memref<128x128xi32, #tpu.memory_space<hbm>>
      tpu.enqueue_dma source(%arg6 : memref<128x128xi32, #tpu.memory_space<vmem>>) target(%dma_start3A_49 : memref<128x128xi32, #tpu.memory_space<hbm>>) target_semaphore(%run_scoped3A : memref<!tpu.dma_semaphore, #tpu.memory_space<semaphore_mem>>)
      %dma_wait3A_50 = arith.constant 0 : i32
      %dma_wait3A_51 = tpu.memref_slice %arg4[%mul3A_32, %dma_wait3A_50] : memref<163840x128xi32, #tpu.memory_space<hbm>> -> memref<128x128xi32, #tpu.memory_space<hbm>>
      %dma_wait3A_52 = arith.constant 0 : i32
      %dma_wait3A_53 = tpu.memref_slice %arg4[%mul3A_32, %dma_wait3A_52] : memref<163840x128xi32, #tpu.memory_space<hbm>> -> memref<128x128xi32, #tpu.memory_space<hbm>>
      tpu.wait_dma2 semaphore(%run_scoped3A : memref<!tpu.dma_semaphore, #tpu.memory_space<semaphore_mem>>) src(%arg6 : memref<128x128xi32, #tpu.memory_space<vmem>>) dst(%dma_wait3A_53 : memref<128x128xi32, #tpu.memory_space<hbm>>)
      tpu.yield
    }) : () -> ()
    %dma_wait3A_33 = arith.constant 39 : i32
    %dma_wait3A_34 = arith.constant 0 : i32
    %dma_wait3A_35 = tpu.memref_slice %arg5[%dma_wait3A_33, %dma_wait3A_34] : memref<40x128xi32, #tpu.memory_space<vmem>> -> memref<1x128xi32, #tpu.memory_space<vmem>>
    %dma_wait3A_36 = tpu.memref_squeeze %dma_wait3A_35 : memref<1x128xi32, #tpu.memory_space<vmem>> -> memref<128xi32, #tpu.memory_space<vmem>>
    %dma_wait3A_37 = arith.constant 0 : i32
    %dma_wait3A_38 = arith.constant 0 : i32
    %dma_wait3A_39 = tpu.memref_slice %arg3[%dma_wait3A_37, %dma_wait3A_38] : memref<10240x128xi32, #tpu.memory_space<hbm>> -> memref<10240x128xi32, #tpu.memory_space<hbm>>
    tpu.wait_indirect_dma semaphore(%arg9 : memref<!tpu.dma_semaphore, #tpu.memory_space<semaphore_mem>>) src(%dma_wait3A_39 : memref<10240x128xi32, #tpu.memory_space<hbm>>) dst(%arg7 : memref<128x128xi32, #tpu.memory_space<vmem>>)
    %mul3A_40 = arith.constant 40 : i32
    %mul3A_41 = arith.muli %add3A, %mul3A_40 : i32
    %add3A_42 = arith.constant 39 : i32
    %add3A_43 = arith.addi %mul3A_41, %add3A_42 : i32
    %mul3A_44 = arith.constant 128 : i32
    %mul3A_45 = arith.muli %add3A_43, %mul3A_44 : i32
    "tpu.region"() ({
      %run_scoped3A = tpu.sem_alloc : memref<!tpu.dma_semaphore, #tpu.memory_space<semaphore_mem>>
      %dma_start3A_46 = arith.constant 0 : i32
      %dma_start3A_47 = tpu.memref_slice %arg4[%mul3A_45, %dma_start3A_46] : memref<163840x128xi32, #tpu.memory_space<hbm>> -> memref<128x128xi32, #tpu.memory_space<hbm>>
      %dma_start3A_48 = arith.constant 0 : i32
      %dma_start3A_49 = tpu.memref_slice %arg4[%mul3A_45, %dma_start3A_48] : memref<163840x128xi32, #tpu.memory_space<hbm>> -> memref<128x128xi32, #tpu.memory_space<hbm>>
      tpu.enqueue_dma source(%arg7 : memref<128x128xi32, #tpu.memory_space<vmem>>) target(%dma_start3A_49 : memref<128x128xi32, #tpu.memory_space<hbm>>) target_semaphore(%run_scoped3A : memref<!tpu.dma_semaphore, #tpu.memory_space<semaphore_mem>>)
      %dma_wait3A_50 = arith.constant 0 : i32
      %dma_wait3A_51 = tpu.memref_slice %arg4[%mul3A_45, %dma_wait3A_50] : memref<163840x128xi32, #tpu.memory_space<hbm>> -> memref<128x128xi32, #tpu.memory_space<hbm>>
      %dma_wait3A_52 = arith.constant 0 : i32
      %dma_wait3A_53 = tpu.memref_slice %arg4[%mul3A_45, %dma_wait3A_52] : memref<163840x128xi32, #tpu.memory_space<hbm>> -> memref<128x128xi32, #tpu.memory_space<hbm>>
      tpu.wait_dma2 semaphore(%run_scoped3A : memref<!tpu.dma_semaphore, #tpu.memory_space<semaphore_mem>>) src(%arg7 : memref<128x128xi32, #tpu.memory_space<vmem>>) dst(%dma_wait3A_53 : memref<128x128xi32, #tpu.memory_space<hbm>>)
      tpu.yield
    }) : () -> ()
    return
  }
}

#map = affine_map<(d0, d1) -> (0, 0)>
module attributes {stable_mosaic.version = 14 : i64} {
  func.func @_gather_body(%arg0: i32, %arg1: i32, %arg2: memref<10240x128xf32, #tpu.memory_space<hbm>>, %arg3: memref<1344x128xi32, #tpu.memory_space<hbm>>, %arg4: memref<1344x128xi32, #tpu.memory_space<hbm>>, %arg5: memref<163840x128xf32, #tpu.memory_space<hbm>>, %arg6: memref<163840x128xf32, #tpu.memory_space<hbm>>, %arg7: memref<72x128xi32, #tpu.memory_space<vmem>>, %arg8: memref<72x128xi32, #tpu.memory_space<vmem>>, %arg9: memref<128x128xf32, #tpu.memory_space<vmem>>, %arg10: memref<128x128xf32, #tpu.memory_space<vmem>>, %arg11: memref<128x128xf32, #tpu.memory_space<vmem>>, %arg12: memref<128x128xf32, #tpu.memory_space<vmem>>, %arg13: memref<!tpu.dma_semaphore, #tpu.memory_space<semaphore_mem>>, %arg14: memref<!tpu.dma_semaphore, #tpu.memory_space<semaphore_mem>>, %arg15: memref<!tpu.dma_semaphore, #tpu.memory_space<semaphore_mem>>, %arg16: memref<!tpu.dma_semaphore, #tpu.memory_space<semaphore_mem>>) attributes {dimension_semantics = [#tpu.dimension_semantics<core_parallel>, #tpu.dimension_semantics<subcore_parallel>], iteration_bounds = array<i64: 2, 16>, scalar_prefetch = 0 : i64, scratch_operands = 10 : i64, tpu.core_type = #tpu.core_type<sc_vector_subcore>, window_params = [{transform_indices = #map}, {transform_indices = #map}, {transform_indices = #map}, {transform_indices = #map}, {transform_indices = #map}]} {
    %eq3A = arith.constant 0 : i32
    %eq3A_0 = arith.cmpi eq, %arg0, %eq3A : i32
    %jit3A = arith.constant 72 : i32
    %jit3A_1 = arith.constant 8 : i32
    %select_n3A = arith.select %eq3A_0, %jit3A, %jit3A_1 : i32
    %eq3A_2 = arith.constant 0 : i32
    %eq3A_3 = arith.cmpi eq, %arg0, %eq3A_2 : i32
    %mul3A = arith.constant 72 : i32
    %mul3A_4 = arith.muli %arg1, %mul3A : i32
    %mul3A_5 = arith.constant 8 : i32
    %mul3A_6 = arith.muli %arg1, %mul3A_5 : i32
    %add3A = arith.constant 1152 : i32
    %add3A_7 = arith.addi %add3A, %mul3A_6 : i32
    %select_n3A_8 = arith.select %eq3A_3, %mul3A_4, %add3A_7 : i32
    "tpu.region"() ({
      %run_scoped3A = tpu.sem_alloc : memref<!tpu.dma_semaphore, #tpu.memory_space<semaphore_mem>>
      %dma_start3A_98 = arith.constant 0 : i32
      %dma_start3A_99 = tpu.memref_slice %arg3[%select_n3A_8, %dma_start3A_98] : memref<1344x128xi32, #tpu.memory_space<hbm>> -> memref<72x128xi32, #tpu.memory_space<hbm>>
      %dma_start3A_100 = arith.constant 0 : i32
      %dma_start3A_101 = tpu.memref_slice %arg3[%select_n3A_8, %dma_start3A_100] : memref<1344x128xi32, #tpu.memory_space<hbm>> -> memref<72x128xi32, #tpu.memory_space<hbm>>
      tpu.enqueue_dma source(%dma_start3A_101 : memref<72x128xi32, #tpu.memory_space<hbm>>) target(%arg7 : memref<72x128xi32, #tpu.memory_space<vmem>>) target_semaphore(%run_scoped3A : memref<!tpu.dma_semaphore, #tpu.memory_space<semaphore_mem>>)
      %dma_wait3A_102 = arith.constant 0 : i32
      %dma_wait3A_103 = tpu.memref_slice %arg3[%select_n3A_8, %dma_wait3A_102] : memref<1344x128xi32, #tpu.memory_space<hbm>> -> memref<72x128xi32, #tpu.memory_space<hbm>>
      %dma_wait3A_104 = arith.constant 0 : i32
      %dma_wait3A_105 = tpu.memref_slice %arg3[%select_n3A_8, %dma_wait3A_104] : memref<1344x128xi32, #tpu.memory_space<hbm>> -> memref<72x128xi32, #tpu.memory_space<hbm>>
      tpu.wait_dma2 semaphore(%run_scoped3A : memref<!tpu.dma_semaphore, #tpu.memory_space<semaphore_mem>>) src(%dma_wait3A_105 : memref<72x128xi32, #tpu.memory_space<hbm>>) dst(%arg7 : memref<72x128xi32, #tpu.memory_space<vmem>>)
      tpu.yield
    }) : () -> ()
    "tpu.region"() ({
      %run_scoped3A = tpu.sem_alloc : memref<!tpu.dma_semaphore, #tpu.memory_space<semaphore_mem>>
      %dma_start3A_98 = arith.constant 0 : i32
      %dma_start3A_99 = tpu.memref_slice %arg4[%select_n3A_8, %dma_start3A_98] : memref<1344x128xi32, #tpu.memory_space<hbm>> -> memref<72x128xi32, #tpu.memory_space<hbm>>
      %dma_start3A_100 = arith.constant 0 : i32
      %dma_start3A_101 = tpu.memref_slice %arg4[%select_n3A_8, %dma_start3A_100] : memref<1344x128xi32, #tpu.memory_space<hbm>> -> memref<72x128xi32, #tpu.memory_space<hbm>>
      tpu.enqueue_dma source(%dma_start3A_101 : memref<72x128xi32, #tpu.memory_space<hbm>>) target(%arg8 : memref<72x128xi32, #tpu.memory_space<vmem>>) target_semaphore(%run_scoped3A : memref<!tpu.dma_semaphore, #tpu.memory_space<semaphore_mem>>)
      %dma_wait3A_102 = arith.constant 0 : i32
      %dma_wait3A_103 = tpu.memref_slice %arg4[%select_n3A_8, %dma_wait3A_102] : memref<1344x128xi32, #tpu.memory_space<hbm>> -> memref<72x128xi32, #tpu.memory_space<hbm>>
      %dma_wait3A_104 = arith.constant 0 : i32
      %dma_wait3A_105 = tpu.memref_slice %arg4[%select_n3A_8, %dma_wait3A_104] : memref<1344x128xi32, #tpu.memory_space<hbm>> -> memref<72x128xi32, #tpu.memory_space<hbm>>
      tpu.wait_dma2 semaphore(%run_scoped3A : memref<!tpu.dma_semaphore, #tpu.memory_space<semaphore_mem>>) src(%dma_wait3A_105 : memref<72x128xi32, #tpu.memory_space<hbm>>) dst(%arg8 : memref<72x128xi32, #tpu.memory_space<vmem>>)
      tpu.yield
    }) : () -> ()
    %dma_start3A = arith.constant 0 : i32
    %dma_start3A_9 = arith.constant 0 : i32
    %dma_start3A_10 = tpu.memref_slice %arg7[%dma_start3A, %dma_start3A_9] : memref<72x128xi32, #tpu.memory_space<vmem>> -> memref<1x128xi32, #tpu.memory_space<vmem>>
    %dma_start3A_11 = tpu.memref_squeeze %dma_start3A_10 : memref<1x128xi32, #tpu.memory_space<vmem>> -> memref<128xi32, #tpu.memory_space<vmem>>
    %dma_start3A_12 = arith.constant 0 : i32
    %dma_start3A_13 = arith.constant 0 : i32
    %dma_start3A_14 = tpu.memref_slice %arg2[%dma_start3A_12, %dma_start3A_13] : memref<10240x128xf32, #tpu.memory_space<hbm>> -> memref<10240x128xf32, #tpu.memory_space<hbm>>
    tpu.enqueue_indirect_dma source(%dma_start3A_14 : memref<10240x128xf32, #tpu.memory_space<hbm>>) target(%arg9 : memref<128x128xf32, #tpu.memory_space<vmem>>) offsets(%dma_start3A_11 : memref<128xi32, #tpu.memory_space<vmem>>) semaphore(%arg13 : memref<!tpu.dma_semaphore, #tpu.memory_space<semaphore_mem>>)
    %dma_start3A_15 = arith.constant 0 : i32
    %dma_start3A_16 = arith.constant 0 : i32
    %dma_start3A_17 = tpu.memref_slice %arg8[%dma_start3A_15, %dma_start3A_16] : memref<72x128xi32, #tpu.memory_space<vmem>> -> memref<1x128xi32, #tpu.memory_space<vmem>>
    %dma_start3A_18 = tpu.memref_squeeze %dma_start3A_17 : memref<1x128xi32, #tpu.memory_space<vmem>> -> memref<128xi32, #tpu.memory_space<vmem>>
    %dma_start3A_19 = arith.constant 0 : i32
    %dma_start3A_20 = arith.constant 0 : i32
    %dma_start3A_21 = tpu.memref_slice %arg2[%dma_start3A_19, %dma_start3A_20] : memref<10240x128xf32, #tpu.memory_space<hbm>> -> memref<10240x128xf32, #tpu.memory_space<hbm>>
    tpu.enqueue_indirect_dma source(%dma_start3A_21 : memref<10240x128xf32, #tpu.memory_space<hbm>>) target(%arg10 : memref<128x128xf32, #tpu.memory_space<vmem>>) offsets(%dma_start3A_18 : memref<128xi32, #tpu.memory_space<vmem>>) semaphore(%arg14 : memref<!tpu.dma_semaphore, #tpu.memory_space<semaphore_mem>>)
    %dma_start3A_22 = arith.constant 1 : i32
    %dma_start3A_23 = arith.constant 0 : i32
    %dma_start3A_24 = tpu.memref_slice %arg7[%dma_start3A_22, %dma_start3A_23] : memref<72x128xi32, #tpu.memory_space<vmem>> -> memref<1x128xi32, #tpu.memory_space<vmem>>
    %dma_start3A_25 = tpu.memref_squeeze %dma_start3A_24 : memref<1x128xi32, #tpu.memory_space<vmem>> -> memref<128xi32, #tpu.memory_space<vmem>>
    %dma_start3A_26 = arith.constant 0 : i32
    %dma_start3A_27 = arith.constant 0 : i32
    %dma_start3A_28 = tpu.memref_slice %arg2[%dma_start3A_26, %dma_start3A_27] : memref<10240x128xf32, #tpu.memory_space<hbm>> -> memref<10240x128xf32, #tpu.memory_space<hbm>>
    tpu.enqueue_indirect_dma source(%dma_start3A_28 : memref<10240x128xf32, #tpu.memory_space<hbm>>) target(%arg11 : memref<128x128xf32, #tpu.memory_space<vmem>>) offsets(%dma_start3A_25 : memref<128xi32, #tpu.memory_space<vmem>>) semaphore(%arg15 : memref<!tpu.dma_semaphore, #tpu.memory_space<semaphore_mem>>)
    %dma_start3A_29 = arith.constant 1 : i32
    %dma_start3A_30 = arith.constant 0 : i32
    %dma_start3A_31 = tpu.memref_slice %arg8[%dma_start3A_29, %dma_start3A_30] : memref<72x128xi32, #tpu.memory_space<vmem>> -> memref<1x128xi32, #tpu.memory_space<vmem>>
    %dma_start3A_32 = tpu.memref_squeeze %dma_start3A_31 : memref<1x128xi32, #tpu.memory_space<vmem>> -> memref<128xi32, #tpu.memory_space<vmem>>
    %dma_start3A_33 = arith.constant 0 : i32
    %dma_start3A_34 = arith.constant 0 : i32
    %dma_start3A_35 = tpu.memref_slice %arg2[%dma_start3A_33, %dma_start3A_34] : memref<10240x128xf32, #tpu.memory_space<hbm>> -> memref<10240x128xf32, #tpu.memory_space<hbm>>
    tpu.enqueue_indirect_dma source(%dma_start3A_35 : memref<10240x128xf32, #tpu.memory_space<hbm>>) target(%arg12 : memref<128x128xf32, #tpu.memory_space<vmem>>) offsets(%dma_start3A_32 : memref<128xi32, #tpu.memory_space<vmem>>) semaphore(%arg16 : memref<!tpu.dma_semaphore, #tpu.memory_space<semaphore_mem>>)
    %jit3A_36 = arith.constant 2 : i32
    %div3A = arith.divsi %select_n3A, %jit3A_36 : i32
    %sign3A = arith.constant 0 : i32
    %sign3A_37 = arith.cmpi sgt, %select_n3A, %sign3A : i32
    %sign3A_38 = arith.extui %sign3A_37 : i1 to i32
    %sign3A_39 = arith.constant 0 : i32
    %sign3A_40 = arith.cmpi slt, %select_n3A, %sign3A_39 : i32
    %sign3A_41 = arith.extui %sign3A_40 : i1 to i32
    %sign3A_42 = arith.subi %sign3A_38, %sign3A_41 : i32
    %sign3A_43 = arith.constant 0 : i32
    %sign3A_44 = arith.cmpi sgt, %jit3A_36, %sign3A_43 : i32
    %sign3A_45 = arith.extui %sign3A_44 : i1 to i32
    %sign3A_46 = arith.constant 0 : i32
    %sign3A_47 = arith.cmpi slt, %jit3A_36, %sign3A_46 : i32
    %sign3A_48 = arith.extui %sign3A_47 : i1 to i32
    %sign3A_49 = arith.subi %sign3A_45, %sign3A_48 : i32
    %ne3A = arith.cmpi ne, %sign3A_42, %sign3A_49 : i32
    %rem3A = arith.remsi %select_n3A, %jit3A_36 : i32
    %ne3A_50 = arith.constant 0 : i32
    %ne3A_51 = arith.cmpi ne, %rem3A, %ne3A_50 : i32
    %and3A = arith.andi %ne3A, %ne3A_51 : i1
    %sub3A = arith.constant 1 : i32
    %sub3A_52 = arith.subi %div3A, %sub3A : i32
    %select_n3A_53 = arith.select %and3A, %sub3A_52, %div3A : i32
    %sub3A_54 = arith.constant 1 : i32
    %sub3A_55 = arith.subi %select_n3A_53, %sub3A_54 : i32
    %while3A = arith.constant 0 : i32
    %while3A_56 = arith.constant 0 : i32
    %while3A_57 = arith.subi %sub3A_55, %while3A_56 : i32
    %while3A_58 = arith.addi %while3A_56, %while3A_57 : i32
    %while3A_59 = arith.constant 1 : i32
    %while3A_60 = arith.divsi %while3A_57, %while3A_59 : i32
    %while3A_61 = arith.muli %while3A_60, %while3A_59 : i32
    %while3A_62 = arith.addi %while3A_56, %while3A_61 : i32
    %while3A_63 = arith.constant 1 : i32
    scf.for %while3A_98 = %while3A_56 to %while3A_62 step %while3A_63  : i32 {
      %mul3A_99 = arith.constant 2 : i32
      %mul3A_100 = arith.muli %mul3A_99, %while3A_98 : i32
      %dma_wait3A_101 = arith.constant 0 : i32
      %dma_wait3A_102 = tpu.memref_slice %arg7[%mul3A_100, %dma_wait3A_101] : memref<72x128xi32, #tpu.memory_space<vmem>> -> memref<1x128xi32, #tpu.memory_space<vmem>>
      %dma_wait3A_103 = tpu.memref_squeeze %dma_wait3A_102 : memref<1x128xi32, #tpu.memory_space<vmem>> -> memref<128xi32, #tpu.memory_space<vmem>>
      %dma_wait3A_104 = arith.constant 0 : i32
      %dma_wait3A_105 = arith.constant 0 : i32
      %dma_wait3A_106 = tpu.memref_slice %arg2[%dma_wait3A_104, %dma_wait3A_105] : memref<10240x128xf32, #tpu.memory_space<hbm>> -> memref<10240x128xf32, #tpu.memory_space<hbm>>
      tpu.wait_indirect_dma semaphore(%arg13 : memref<!tpu.dma_semaphore, #tpu.memory_space<semaphore_mem>>) src(%dma_wait3A_106 : memref<10240x128xf32, #tpu.memory_space<hbm>>) dst(%arg9 : memref<128x128xf32, #tpu.memory_space<vmem>>)
      %dma_wait3A_107 = arith.constant 0 : i32
      %dma_wait3A_108 = tpu.memref_slice %arg8[%mul3A_100, %dma_wait3A_107] : memref<72x128xi32, #tpu.memory_space<vmem>> -> memref<1x128xi32, #tpu.memory_space<vmem>>
      %dma_wait3A_109 = tpu.memref_squeeze %dma_wait3A_108 : memref<1x128xi32, #tpu.memory_space<vmem>> -> memref<128xi32, #tpu.memory_space<vmem>>
      %dma_wait3A_110 = arith.constant 0 : i32
      %dma_wait3A_111 = arith.constant 0 : i32
      %dma_wait3A_112 = tpu.memref_slice %arg2[%dma_wait3A_110, %dma_wait3A_111] : memref<10240x128xf32, #tpu.memory_space<hbm>> -> memref<10240x128xf32, #tpu.memory_space<hbm>>
      tpu.wait_indirect_dma semaphore(%arg14 : memref<!tpu.dma_semaphore, #tpu.memory_space<semaphore_mem>>) src(%dma_wait3A_112 : memref<10240x128xf32, #tpu.memory_space<hbm>>) dst(%arg10 : memref<128x128xf32, #tpu.memory_space<vmem>>)
      %add3A_113 = arith.addi %select_n3A_8, %mul3A_100 : i32
      %mul3A_114 = arith.constant 128 : i32
      %mul3A_115 = arith.muli %add3A_113, %mul3A_114 : i32
      "tpu.region"() ({
        %run_scoped3A = tpu.sem_alloc : memref<!tpu.dma_semaphore, #tpu.memory_space<semaphore_mem>>
        %dma_start3A_161 = arith.constant 0 : i32
        %dma_start3A_162 = tpu.memref_slice %arg5[%mul3A_115, %dma_start3A_161] : memref<163840x128xf32, #tpu.memory_space<hbm>> -> memref<128x128xf32, #tpu.memory_space<hbm>>
        %dma_start3A_163 = arith.constant 0 : i32
        %dma_start3A_164 = tpu.memref_slice %arg5[%mul3A_115, %dma_start3A_163] : memref<163840x128xf32, #tpu.memory_space<hbm>> -> memref<128x128xf32, #tpu.memory_space<hbm>>
        tpu.enqueue_dma source(%arg9 : memref<128x128xf32, #tpu.memory_space<vmem>>) target(%dma_start3A_164 : memref<128x128xf32, #tpu.memory_space<hbm>>) target_semaphore(%run_scoped3A : memref<!tpu.dma_semaphore, #tpu.memory_space<semaphore_mem>>)
        %dma_wait3A_165 = arith.constant 0 : i32
        %dma_wait3A_166 = tpu.memref_slice %arg5[%mul3A_115, %dma_wait3A_165] : memref<163840x128xf32, #tpu.memory_space<hbm>> -> memref<128x128xf32, #tpu.memory_space<hbm>>
        %dma_wait3A_167 = arith.constant 0 : i32
        %dma_wait3A_168 = tpu.memref_slice %arg5[%mul3A_115, %dma_wait3A_167] : memref<163840x128xf32, #tpu.memory_space<hbm>> -> memref<128x128xf32, #tpu.memory_space<hbm>>
        tpu.wait_dma2 semaphore(%run_scoped3A : memref<!tpu.dma_semaphore, #tpu.memory_space<semaphore_mem>>) src(%arg9 : memref<128x128xf32, #tpu.memory_space<vmem>>) dst(%dma_wait3A_168 : memref<128x128xf32, #tpu.memory_space<hbm>>)
        tpu.yield
      }) : () -> ()
      "tpu.region"() ({
        %run_scoped3A = tpu.sem_alloc : memref<!tpu.dma_semaphore, #tpu.memory_space<semaphore_mem>>
        %dma_start3A_161 = arith.constant 0 : i32
        %dma_start3A_162 = tpu.memref_slice %arg6[%mul3A_115, %dma_start3A_161] : memref<163840x128xf32, #tpu.memory_space<hbm>> -> memref<128x128xf32, #tpu.memory_space<hbm>>
        %dma_start3A_163 = arith.constant 0 : i32
        %dma_start3A_164 = tpu.memref_slice %arg6[%mul3A_115, %dma_start3A_163] : memref<163840x128xf32, #tpu.memory_space<hbm>> -> memref<128x128xf32, #tpu.memory_space<hbm>>
        tpu.enqueue_dma source(%arg10 : memref<128x128xf32, #tpu.memory_space<vmem>>) target(%dma_start3A_164 : memref<128x128xf32, #tpu.memory_space<hbm>>) target_semaphore(%run_scoped3A : memref<!tpu.dma_semaphore, #tpu.memory_space<semaphore_mem>>)
        %dma_wait3A_165 = arith.constant 0 : i32
        %dma_wait3A_166 = tpu.memref_slice %arg6[%mul3A_115, %dma_wait3A_165] : memref<163840x128xf32, #tpu.memory_space<hbm>> -> memref<128x128xf32, #tpu.memory_space<hbm>>
        %dma_wait3A_167 = arith.constant 0 : i32
        %dma_wait3A_168 = tpu.memref_slice %arg6[%mul3A_115, %dma_wait3A_167] : memref<163840x128xf32, #tpu.memory_space<hbm>> -> memref<128x128xf32, #tpu.memory_space<hbm>>
        tpu.wait_dma2 semaphore(%run_scoped3A : memref<!tpu.dma_semaphore, #tpu.memory_space<semaphore_mem>>) src(%arg10 : memref<128x128xf32, #tpu.memory_space<vmem>>) dst(%dma_wait3A_168 : memref<128x128xf32, #tpu.memory_space<hbm>>)
        tpu.yield
      }) : () -> ()
      %add3A_116 = arith.constant 2 : i32
      %add3A_117 = arith.addi %mul3A_100, %add3A_116 : i32
      %dma_start3A_118 = arith.constant 0 : i32
      %dma_start3A_119 = tpu.memref_slice %arg7[%add3A_117, %dma_start3A_118] : memref<72x128xi32, #tpu.memory_space<vmem>> -> memref<1x128xi32, #tpu.memory_space<vmem>>
      %dma_start3A_120 = tpu.memref_squeeze %dma_start3A_119 : memref<1x128xi32, #tpu.memory_space<vmem>> -> memref<128xi32, #tpu.memory_space<vmem>>
      %dma_start3A_121 = arith.constant 0 : i32
      %dma_start3A_122 = arith.constant 0 : i32
      %dma_start3A_123 = tpu.memref_slice %arg2[%dma_start3A_121, %dma_start3A_122] : memref<10240x128xf32, #tpu.memory_space<hbm>> -> memref<10240x128xf32, #tpu.memory_space<hbm>>
      tpu.enqueue_indirect_dma source(%dma_start3A_123 : memref<10240x128xf32, #tpu.memory_space<hbm>>) target(%arg9 : memref<128x128xf32, #tpu.memory_space<vmem>>) offsets(%dma_start3A_120 : memref<128xi32, #tpu.memory_space<vmem>>) semaphore(%arg13 : memref<!tpu.dma_semaphore, #tpu.memory_space<semaphore_mem>>)
      %dma_start3A_124 = arith.constant 0 : i32
      %dma_start3A_125 = tpu.memref_slice %arg8[%add3A_117, %dma_start3A_124] : memref<72x128xi32, #tpu.memory_space<vmem>> -> memref<1x128xi32, #tpu.memory_space<vmem>>
      %dma_start3A_126 = tpu.memref_squeeze %dma_start3A_125 : memref<1x128xi32, #tpu.memory_space<vmem>> -> memref<128xi32, #tpu.memory_space<vmem>>
      %dma_start3A_127 = arith.constant 0 : i32
      %dma_start3A_128 = arith.constant 0 : i32
      %dma_start3A_129 = tpu.memref_slice %arg2[%dma_start3A_127, %dma_start3A_128] : memref<10240x128xf32, #tpu.memory_space<hbm>> -> memref<10240x128xf32, #tpu.memory_space<hbm>>
      tpu.enqueue_indirect_dma source(%dma_start3A_129 : memref<10240x128xf32, #tpu.memory_space<hbm>>) target(%arg10 : memref<128x128xf32, #tpu.memory_space<vmem>>) offsets(%dma_start3A_126 : memref<128xi32, #tpu.memory_space<vmem>>) semaphore(%arg14 : memref<!tpu.dma_semaphore, #tpu.memory_space<semaphore_mem>>)
      %add3A_130 = arith.constant 1 : i32
      %add3A_131 = arith.addi %mul3A_100, %add3A_130 : i32
      %dma_wait3A_132 = arith.constant 0 : i32
      %dma_wait3A_133 = tpu.memref_slice %arg7[%add3A_131, %dma_wait3A_132] : memref<72x128xi32, #tpu.memory_space<vmem>> -> memref<1x128xi32, #tpu.memory_space<vmem>>
      %dma_wait3A_134 = tpu.memref_squeeze %dma_wait3A_133 : memref<1x128xi32, #tpu.memory_space<vmem>> -> memref<128xi32, #tpu.memory_space<vmem>>
      %dma_wait3A_135 = arith.constant 0 : i32
      %dma_wait3A_136 = arith.constant 0 : i32
      %dma_wait3A_137 = tpu.memref_slice %arg2[%dma_wait3A_135, %dma_wait3A_136] : memref<10240x128xf32, #tpu.memory_space<hbm>> -> memref<10240x128xf32, #tpu.memory_space<hbm>>
      tpu.wait_indirect_dma semaphore(%arg15 : memref<!tpu.dma_semaphore, #tpu.memory_space<semaphore_mem>>) src(%dma_wait3A_137 : memref<10240x128xf32, #tpu.memory_space<hbm>>) dst(%arg11 : memref<128x128xf32, #tpu.memory_space<vmem>>)
      %dma_wait3A_138 = arith.constant 0 : i32
      %dma_wait3A_139 = tpu.memref_slice %arg8[%add3A_131, %dma_wait3A_138] : memref<72x128xi32, #tpu.memory_space<vmem>> -> memref<1x128xi32, #tpu.memory_space<vmem>>
      %dma_wait3A_140 = tpu.memref_squeeze %dma_wait3A_139 : memref<1x128xi32, #tpu.memory_space<vmem>> -> memref<128xi32, #tpu.memory_space<vmem>>
      %dma_wait3A_141 = arith.constant 0 : i32
      %dma_wait3A_142 = arith.constant 0 : i32
      %dma_wait3A_143 = tpu.memref_slice %arg2[%dma_wait3A_141, %dma_wait3A_142] : memref<10240x128xf32, #tpu.memory_space<hbm>> -> memref<10240x128xf32, #tpu.memory_space<hbm>>
      tpu.wait_indirect_dma semaphore(%arg16 : memref<!tpu.dma_semaphore, #tpu.memory_space<semaphore_mem>>) src(%dma_wait3A_143 : memref<10240x128xf32, #tpu.memory_space<hbm>>) dst(%arg12 : memref<128x128xf32, #tpu.memory_space<vmem>>)
      %add3A_144 = arith.addi %select_n3A_8, %add3A_131 : i32
      %mul3A_145 = arith.constant 128 : i32
      %mul3A_146 = arith.muli %add3A_144, %mul3A_145 : i32
      "tpu.region"() ({
        %run_scoped3A = tpu.sem_alloc : memref<!tpu.dma_semaphore, #tpu.memory_space<semaphore_mem>>
        %dma_start3A_161 = arith.constant 0 : i32
        %dma_start3A_162 = tpu.memref_slice %arg5[%mul3A_146, %dma_start3A_161] : memref<163840x128xf32, #tpu.memory_space<hbm>> -> memref<128x128xf32, #tpu.memory_space<hbm>>
        %dma_start3A_163 = arith.constant 0 : i32
        %dma_start3A_164 = tpu.memref_slice %arg5[%mul3A_146, %dma_start3A_163] : memref<163840x128xf32, #tpu.memory_space<hbm>> -> memref<128x128xf32, #tpu.memory_space<hbm>>
        tpu.enqueue_dma source(%arg11 : memref<128x128xf32, #tpu.memory_space<vmem>>) target(%dma_start3A_164 : memref<128x128xf32, #tpu.memory_space<hbm>>) target_semaphore(%run_scoped3A : memref<!tpu.dma_semaphore, #tpu.memory_space<semaphore_mem>>)
        %dma_wait3A_165 = arith.constant 0 : i32
        %dma_wait3A_166 = tpu.memref_slice %arg5[%mul3A_146, %dma_wait3A_165] : memref<163840x128xf32, #tpu.memory_space<hbm>> -> memref<128x128xf32, #tpu.memory_space<hbm>>
        %dma_wait3A_167 = arith.constant 0 : i32
        %dma_wait3A_168 = tpu.memref_slice %arg5[%mul3A_146, %dma_wait3A_167] : memref<163840x128xf32, #tpu.memory_space<hbm>> -> memref<128x128xf32, #tpu.memory_space<hbm>>
        tpu.wait_dma2 semaphore(%run_scoped3A : memref<!tpu.dma_semaphore, #tpu.memory_space<semaphore_mem>>) src(%arg11 : memref<128x128xf32, #tpu.memory_space<vmem>>) dst(%dma_wait3A_168 : memref<128x128xf32, #tpu.memory_space<hbm>>)
        tpu.yield
      }) : () -> ()
      "tpu.region"() ({
        %run_scoped3A = tpu.sem_alloc : memref<!tpu.dma_semaphore, #tpu.memory_space<semaphore_mem>>
        %dma_start3A_161 = arith.constant 0 : i32
        %dma_start3A_162 = tpu.memref_slice %arg6[%mul3A_146, %dma_start3A_161] : memref<163840x128xf32, #tpu.memory_space<hbm>> -> memref<128x128xf32, #tpu.memory_space<hbm>>
        %dma_start3A_163 = arith.constant 0 : i32
        %dma_start3A_164 = tpu.memref_slice %arg6[%mul3A_146, %dma_start3A_163] : memref<163840x128xf32, #tpu.memory_space<hbm>> -> memref<128x128xf32, #tpu.memory_space<hbm>>
        tpu.enqueue_dma source(%arg12 : memref<128x128xf32, #tpu.memory_space<vmem>>) target(%dma_start3A_164 : memref<128x128xf32, #tpu.memory_space<hbm>>) target_semaphore(%run_scoped3A : memref<!tpu.dma_semaphore, #tpu.memory_space<semaphore_mem>>)
        %dma_wait3A_165 = arith.constant 0 : i32
        %dma_wait3A_166 = tpu.memref_slice %arg6[%mul3A_146, %dma_wait3A_165] : memref<163840x128xf32, #tpu.memory_space<hbm>> -> memref<128x128xf32, #tpu.memory_space<hbm>>
        %dma_wait3A_167 = arith.constant 0 : i32
        %dma_wait3A_168 = tpu.memref_slice %arg6[%mul3A_146, %dma_wait3A_167] : memref<163840x128xf32, #tpu.memory_space<hbm>> -> memref<128x128xf32, #tpu.memory_space<hbm>>
        tpu.wait_dma2 semaphore(%run_scoped3A : memref<!tpu.dma_semaphore, #tpu.memory_space<semaphore_mem>>) src(%arg12 : memref<128x128xf32, #tpu.memory_space<vmem>>) dst(%dma_wait3A_168 : memref<128x128xf32, #tpu.memory_space<hbm>>)
        tpu.yield
      }) : () -> ()
      %add3A_147 = arith.constant 3 : i32
      %add3A_148 = arith.addi %mul3A_100, %add3A_147 : i32
      %dma_start3A_149 = arith.constant 0 : i32
      %dma_start3A_150 = tpu.memref_slice %arg7[%add3A_148, %dma_start3A_149] : memref<72x128xi32, #tpu.memory_space<vmem>> -> memref<1x128xi32, #tpu.memory_space<vmem>>
      %dma_start3A_151 = tpu.memref_squeeze %dma_start3A_150 : memref<1x128xi32, #tpu.memory_space<vmem>> -> memref<128xi32, #tpu.memory_space<vmem>>
      %dma_start3A_152 = arith.constant 0 : i32
      %dma_start3A_153 = arith.constant 0 : i32
      %dma_start3A_154 = tpu.memref_slice %arg2[%dma_start3A_152, %dma_start3A_153] : memref<10240x128xf32, #tpu.memory_space<hbm>> -> memref<10240x128xf32, #tpu.memory_space<hbm>>
      tpu.enqueue_indirect_dma source(%dma_start3A_154 : memref<10240x128xf32, #tpu.memory_space<hbm>>) target(%arg11 : memref<128x128xf32, #tpu.memory_space<vmem>>) offsets(%dma_start3A_151 : memref<128xi32, #tpu.memory_space<vmem>>) semaphore(%arg15 : memref<!tpu.dma_semaphore, #tpu.memory_space<semaphore_mem>>)
      %dma_start3A_155 = arith.constant 0 : i32
      %dma_start3A_156 = tpu.memref_slice %arg8[%add3A_148, %dma_start3A_155] : memref<72x128xi32, #tpu.memory_space<vmem>> -> memref<1x128xi32, #tpu.memory_space<vmem>>
      %dma_start3A_157 = tpu.memref_squeeze %dma_start3A_156 : memref<1x128xi32, #tpu.memory_space<vmem>> -> memref<128xi32, #tpu.memory_space<vmem>>
      %dma_start3A_158 = arith.constant 0 : i32
      %dma_start3A_159 = arith.constant 0 : i32
      %dma_start3A_160 = tpu.memref_slice %arg2[%dma_start3A_158, %dma_start3A_159] : memref<10240x128xf32, #tpu.memory_space<hbm>> -> memref<10240x128xf32, #tpu.memory_space<hbm>>
      tpu.enqueue_indirect_dma source(%dma_start3A_160 : memref<10240x128xf32, #tpu.memory_space<hbm>>) target(%arg12 : memref<128x128xf32, #tpu.memory_space<vmem>>) offsets(%dma_start3A_157 : memref<128xi32, #tpu.memory_space<vmem>>) semaphore(%arg16 : memref<!tpu.dma_semaphore, #tpu.memory_space<semaphore_mem>>)
    }
    %while3A_64 = arith.constant 1 : i32
    scf.for %while3A_98 = %while3A_62 to %while3A_58 step %while3A_64  : i32 {
      %mul3A_99 = arith.constant 2 : i32
      %mul3A_100 = arith.muli %mul3A_99, %while3A_98 : i32
      %dma_wait3A_101 = arith.constant 0 : i32
      %dma_wait3A_102 = tpu.memref_slice %arg7[%mul3A_100, %dma_wait3A_101] : memref<72x128xi32, #tpu.memory_space<vmem>> -> memref<1x128xi32, #tpu.memory_space<vmem>>
      %dma_wait3A_103 = tpu.memref_squeeze %dma_wait3A_102 : memref<1x128xi32, #tpu.memory_space<vmem>> -> memref<128xi32, #tpu.memory_space<vmem>>
      %dma_wait3A_104 = arith.constant 0 : i32
      %dma_wait3A_105 = arith.constant 0 : i32
      %dma_wait3A_106 = tpu.memref_slice %arg2[%dma_wait3A_104, %dma_wait3A_105] : memref<10240x128xf32, #tpu.memory_space<hbm>> -> memref<10240x128xf32, #tpu.memory_space<hbm>>
      tpu.wait_indirect_dma semaphore(%arg13 : memref<!tpu.dma_semaphore, #tpu.memory_space<semaphore_mem>>) src(%dma_wait3A_106 : memref<10240x128xf32, #tpu.memory_space<hbm>>) dst(%arg9 : memref<128x128xf32, #tpu.memory_space<vmem>>)
      %dma_wait3A_107 = arith.constant 0 : i32
      %dma_wait3A_108 = tpu.memref_slice %arg8[%mul3A_100, %dma_wait3A_107] : memref<72x128xi32, #tpu.memory_space<vmem>> -> memref<1x128xi32, #tpu.memory_space<vmem>>
      %dma_wait3A_109 = tpu.memref_squeeze %dma_wait3A_108 : memref<1x128xi32, #tpu.memory_space<vmem>> -> memref<128xi32, #tpu.memory_space<vmem>>
      %dma_wait3A_110 = arith.constant 0 : i32
      %dma_wait3A_111 = arith.constant 0 : i32
      %dma_wait3A_112 = tpu.memref_slice %arg2[%dma_wait3A_110, %dma_wait3A_111] : memref<10240x128xf32, #tpu.memory_space<hbm>> -> memref<10240x128xf32, #tpu.memory_space<hbm>>
      tpu.wait_indirect_dma semaphore(%arg14 : memref<!tpu.dma_semaphore, #tpu.memory_space<semaphore_mem>>) src(%dma_wait3A_112 : memref<10240x128xf32, #tpu.memory_space<hbm>>) dst(%arg10 : memref<128x128xf32, #tpu.memory_space<vmem>>)
      %add3A_113 = arith.addi %select_n3A_8, %mul3A_100 : i32
      %mul3A_114 = arith.constant 128 : i32
      %mul3A_115 = arith.muli %add3A_113, %mul3A_114 : i32
      "tpu.region"() ({
        %run_scoped3A = tpu.sem_alloc : memref<!tpu.dma_semaphore, #tpu.memory_space<semaphore_mem>>
        %dma_start3A_161 = arith.constant 0 : i32
        %dma_start3A_162 = tpu.memref_slice %arg5[%mul3A_115, %dma_start3A_161] : memref<163840x128xf32, #tpu.memory_space<hbm>> -> memref<128x128xf32, #tpu.memory_space<hbm>>
        %dma_start3A_163 = arith.constant 0 : i32
        %dma_start3A_164 = tpu.memref_slice %arg5[%mul3A_115, %dma_start3A_163] : memref<163840x128xf32, #tpu.memory_space<hbm>> -> memref<128x128xf32, #tpu.memory_space<hbm>>
        tpu.enqueue_dma source(%arg9 : memref<128x128xf32, #tpu.memory_space<vmem>>) target(%dma_start3A_164 : memref<128x128xf32, #tpu.memory_space<hbm>>) target_semaphore(%run_scoped3A : memref<!tpu.dma_semaphore, #tpu.memory_space<semaphore_mem>>)
        %dma_wait3A_165 = arith.constant 0 : i32
        %dma_wait3A_166 = tpu.memref_slice %arg5[%mul3A_115, %dma_wait3A_165] : memref<163840x128xf32, #tpu.memory_space<hbm>> -> memref<128x128xf32, #tpu.memory_space<hbm>>
        %dma_wait3A_167 = arith.constant 0 : i32
        %dma_wait3A_168 = tpu.memref_slice %arg5[%mul3A_115, %dma_wait3A_167] : memref<163840x128xf32, #tpu.memory_space<hbm>> -> memref<128x128xf32, #tpu.memory_space<hbm>>
        tpu.wait_dma2 semaphore(%run_scoped3A : memref<!tpu.dma_semaphore, #tpu.memory_space<semaphore_mem>>) src(%arg9 : memref<128x128xf32, #tpu.memory_space<vmem>>) dst(%dma_wait3A_168 : memref<128x128xf32, #tpu.memory_space<hbm>>)
        tpu.yield
      }) : () -> ()
      "tpu.region"() ({
        %run_scoped3A = tpu.sem_alloc : memref<!tpu.dma_semaphore, #tpu.memory_space<semaphore_mem>>
        %dma_start3A_161 = arith.constant 0 : i32
        %dma_start3A_162 = tpu.memref_slice %arg6[%mul3A_115, %dma_start3A_161] : memref<163840x128xf32, #tpu.memory_space<hbm>> -> memref<128x128xf32, #tpu.memory_space<hbm>>
        %dma_start3A_163 = arith.constant 0 : i32
        %dma_start3A_164 = tpu.memref_slice %arg6[%mul3A_115, %dma_start3A_163] : memref<163840x128xf32, #tpu.memory_space<hbm>> -> memref<128x128xf32, #tpu.memory_space<hbm>>
        tpu.enqueue_dma source(%arg10 : memref<128x128xf32, #tpu.memory_space<vmem>>) target(%dma_start3A_164 : memref<128x128xf32, #tpu.memory_space<hbm>>) target_semaphore(%run_scoped3A : memref<!tpu.dma_semaphore, #tpu.memory_space<semaphore_mem>>)
        %dma_wait3A_165 = arith.constant 0 : i32
        %dma_wait3A_166 = tpu.memref_slice %arg6[%mul3A_115, %dma_wait3A_165] : memref<163840x128xf32, #tpu.memory_space<hbm>> -> memref<128x128xf32, #tpu.memory_space<hbm>>
        %dma_wait3A_167 = arith.constant 0 : i32
        %dma_wait3A_168 = tpu.memref_slice %arg6[%mul3A_115, %dma_wait3A_167] : memref<163840x128xf32, #tpu.memory_space<hbm>> -> memref<128x128xf32, #tpu.memory_space<hbm>>
        tpu.wait_dma2 semaphore(%run_scoped3A : memref<!tpu.dma_semaphore, #tpu.memory_space<semaphore_mem>>) src(%arg10 : memref<128x128xf32, #tpu.memory_space<vmem>>) dst(%dma_wait3A_168 : memref<128x128xf32, #tpu.memory_space<hbm>>)
        tpu.yield
      }) : () -> ()
      %add3A_116 = arith.constant 2 : i32
      %add3A_117 = arith.addi %mul3A_100, %add3A_116 : i32
      %dma_start3A_118 = arith.constant 0 : i32
      %dma_start3A_119 = tpu.memref_slice %arg7[%add3A_117, %dma_start3A_118] : memref<72x128xi32, #tpu.memory_space<vmem>> -> memref<1x128xi32, #tpu.memory_space<vmem>>
      %dma_start3A_120 = tpu.memref_squeeze %dma_start3A_119 : memref<1x128xi32, #tpu.memory_space<vmem>> -> memref<128xi32, #tpu.memory_space<vmem>>
      %dma_start3A_121 = arith.constant 0 : i32
      %dma_start3A_122 = arith.constant 0 : i32
      %dma_start3A_123 = tpu.memref_slice %arg2[%dma_start3A_121, %dma_start3A_122] : memref<10240x128xf32, #tpu.memory_space<hbm>> -> memref<10240x128xf32, #tpu.memory_space<hbm>>
      tpu.enqueue_indirect_dma source(%dma_start3A_123 : memref<10240x128xf32, #tpu.memory_space<hbm>>) target(%arg9 : memref<128x128xf32, #tpu.memory_space<vmem>>) offsets(%dma_start3A_120 : memref<128xi32, #tpu.memory_space<vmem>>) semaphore(%arg13 : memref<!tpu.dma_semaphore, #tpu.memory_space<semaphore_mem>>)
      %dma_start3A_124 = arith.constant 0 : i32
      %dma_start3A_125 = tpu.memref_slice %arg8[%add3A_117, %dma_start3A_124] : memref<72x128xi32, #tpu.memory_space<vmem>> -> memref<1x128xi32, #tpu.memory_space<vmem>>
      %dma_start3A_126 = tpu.memref_squeeze %dma_start3A_125 : memref<1x128xi32, #tpu.memory_space<vmem>> -> memref<128xi32, #tpu.memory_space<vmem>>
      %dma_start3A_127 = arith.constant 0 : i32
      %dma_start3A_128 = arith.constant 0 : i32
      %dma_start3A_129 = tpu.memref_slice %arg2[%dma_start3A_127, %dma_start3A_128] : memref<10240x128xf32, #tpu.memory_space<hbm>> -> memref<10240x128xf32, #tpu.memory_space<hbm>>
      tpu.enqueue_indirect_dma source(%dma_start3A_129 : memref<10240x128xf32, #tpu.memory_space<hbm>>) target(%arg10 : memref<128x128xf32, #tpu.memory_space<vmem>>) offsets(%dma_start3A_126 : memref<128xi32, #tpu.memory_space<vmem>>) semaphore(%arg14 : memref<!tpu.dma_semaphore, #tpu.memory_space<semaphore_mem>>)
      %add3A_130 = arith.constant 1 : i32
      %add3A_131 = arith.addi %mul3A_100, %add3A_130 : i32
      %dma_wait3A_132 = arith.constant 0 : i32
      %dma_wait3A_133 = tpu.memref_slice %arg7[%add3A_131, %dma_wait3A_132] : memref<72x128xi32, #tpu.memory_space<vmem>> -> memref<1x128xi32, #tpu.memory_space<vmem>>
      %dma_wait3A_134 = tpu.memref_squeeze %dma_wait3A_133 : memref<1x128xi32, #tpu.memory_space<vmem>> -> memref<128xi32, #tpu.memory_space<vmem>>
      %dma_wait3A_135 = arith.constant 0 : i32
      %dma_wait3A_136 = arith.constant 0 : i32
      %dma_wait3A_137 = tpu.memref_slice %arg2[%dma_wait3A_135, %dma_wait3A_136] : memref<10240x128xf32, #tpu.memory_space<hbm>> -> memref<10240x128xf32, #tpu.memory_space<hbm>>
      tpu.wait_indirect_dma semaphore(%arg15 : memref<!tpu.dma_semaphore, #tpu.memory_space<semaphore_mem>>) src(%dma_wait3A_137 : memref<10240x128xf32, #tpu.memory_space<hbm>>) dst(%arg11 : memref<128x128xf32, #tpu.memory_space<vmem>>)
      %dma_wait3A_138 = arith.constant 0 : i32
      %dma_wait3A_139 = tpu.memref_slice %arg8[%add3A_131, %dma_wait3A_138] : memref<72x128xi32, #tpu.memory_space<vmem>> -> memref<1x128xi32, #tpu.memory_space<vmem>>
      %dma_wait3A_140 = tpu.memref_squeeze %dma_wait3A_139 : memref<1x128xi32, #tpu.memory_space<vmem>> -> memref<128xi32, #tpu.memory_space<vmem>>
      %dma_wait3A_141 = arith.constant 0 : i32
      %dma_wait3A_142 = arith.constant 0 : i32
      %dma_wait3A_143 = tpu.memref_slice %arg2[%dma_wait3A_141, %dma_wait3A_142] : memref<10240x128xf32, #tpu.memory_space<hbm>> -> memref<10240x128xf32, #tpu.memory_space<hbm>>
      tpu.wait_indirect_dma semaphore(%arg16 : memref<!tpu.dma_semaphore, #tpu.memory_space<semaphore_mem>>) src(%dma_wait3A_143 : memref<10240x128xf32, #tpu.memory_space<hbm>>) dst(%arg12 : memref<128x128xf32, #tpu.memory_space<vmem>>)
      %add3A_144 = arith.addi %select_n3A_8, %add3A_131 : i32
      %mul3A_145 = arith.constant 128 : i32
      %mul3A_146 = arith.muli %add3A_144, %mul3A_145 : i32
      "tpu.region"() ({
        %run_scoped3A = tpu.sem_alloc : memref<!tpu.dma_semaphore, #tpu.memory_space<semaphore_mem>>
        %dma_start3A_161 = arith.constant 0 : i32
        %dma_start3A_162 = tpu.memref_slice %arg5[%mul3A_146, %dma_start3A_161] : memref<163840x128xf32, #tpu.memory_space<hbm>> -> memref<128x128xf32, #tpu.memory_space<hbm>>
        %dma_start3A_163 = arith.constant 0 : i32
        %dma_start3A_164 = tpu.memref_slice %arg5[%mul3A_146, %dma_start3A_163] : memref<163840x128xf32, #tpu.memory_space<hbm>> -> memref<128x128xf32, #tpu.memory_space<hbm>>
        tpu.enqueue_dma source(%arg11 : memref<128x128xf32, #tpu.memory_space<vmem>>) target(%dma_start3A_164 : memref<128x128xf32, #tpu.memory_space<hbm>>) target_semaphore(%run_scoped3A : memref<!tpu.dma_semaphore, #tpu.memory_space<semaphore_mem>>)
        %dma_wait3A_165 = arith.constant 0 : i32
        %dma_wait3A_166 = tpu.memref_slice %arg5[%mul3A_146, %dma_wait3A_165] : memref<163840x128xf32, #tpu.memory_space<hbm>> -> memref<128x128xf32, #tpu.memory_space<hbm>>
        %dma_wait3A_167 = arith.constant 0 : i32
        %dma_wait3A_168 = tpu.memref_slice %arg5[%mul3A_146, %dma_wait3A_167] : memref<163840x128xf32, #tpu.memory_space<hbm>> -> memref<128x128xf32, #tpu.memory_space<hbm>>
        tpu.wait_dma2 semaphore(%run_scoped3A : memref<!tpu.dma_semaphore, #tpu.memory_space<semaphore_mem>>) src(%arg11 : memref<128x128xf32, #tpu.memory_space<vmem>>) dst(%dma_wait3A_168 : memref<128x128xf32, #tpu.memory_space<hbm>>)
        tpu.yield
      }) : () -> ()
      "tpu.region"() ({
        %run_scoped3A = tpu.sem_alloc : memref<!tpu.dma_semaphore, #tpu.memory_space<semaphore_mem>>
        %dma_start3A_161 = arith.constant 0 : i32
        %dma_start3A_162 = tpu.memref_slice %arg6[%mul3A_146, %dma_start3A_161] : memref<163840x128xf32, #tpu.memory_space<hbm>> -> memref<128x128xf32, #tpu.memory_space<hbm>>
        %dma_start3A_163 = arith.constant 0 : i32
        %dma_start3A_164 = tpu.memref_slice %arg6[%mul3A_146, %dma_start3A_163] : memref<163840x128xf32, #tpu.memory_space<hbm>> -> memref<128x128xf32, #tpu.memory_space<hbm>>
        tpu.enqueue_dma source(%arg12 : memref<128x128xf32, #tpu.memory_space<vmem>>) target(%dma_start3A_164 : memref<128x128xf32, #tpu.memory_space<hbm>>) target_semaphore(%run_scoped3A : memref<!tpu.dma_semaphore, #tpu.memory_space<semaphore_mem>>)
        %dma_wait3A_165 = arith.constant 0 : i32
        %dma_wait3A_166 = tpu.memref_slice %arg6[%mul3A_146, %dma_wait3A_165] : memref<163840x128xf32, #tpu.memory_space<hbm>> -> memref<128x128xf32, #tpu.memory_space<hbm>>
        %dma_wait3A_167 = arith.constant 0 : i32
        %dma_wait3A_168 = tpu.memref_slice %arg6[%mul3A_146, %dma_wait3A_167] : memref<163840x128xf32, #tpu.memory_space<hbm>> -> memref<128x128xf32, #tpu.memory_space<hbm>>
        tpu.wait_dma2 semaphore(%run_scoped3A : memref<!tpu.dma_semaphore, #tpu.memory_space<semaphore_mem>>) src(%arg12 : memref<128x128xf32, #tpu.memory_space<vmem>>) dst(%dma_wait3A_168 : memref<128x128xf32, #tpu.memory_space<hbm>>)
        tpu.yield
      }) : () -> ()
      %add3A_147 = arith.constant 3 : i32
      %add3A_148 = arith.addi %mul3A_100, %add3A_147 : i32
      %dma_start3A_149 = arith.constant 0 : i32
      %dma_start3A_150 = tpu.memref_slice %arg7[%add3A_148, %dma_start3A_149] : memref<72x128xi32, #tpu.memory_space<vmem>> -> memref<1x128xi32, #tpu.memory_space<vmem>>
      %dma_start3A_151 = tpu.memref_squeeze %dma_start3A_150 : memref<1x128xi32, #tpu.memory_space<vmem>> -> memref<128xi32, #tpu.memory_space<vmem>>
      %dma_start3A_152 = arith.constant 0 : i32
      %dma_start3A_153 = arith.constant 0 : i32
      %dma_start3A_154 = tpu.memref_slice %arg2[%dma_start3A_152, %dma_start3A_153] : memref<10240x128xf32, #tpu.memory_space<hbm>> -> memref<10240x128xf32, #tpu.memory_space<hbm>>
      tpu.enqueue_indirect_dma source(%dma_start3A_154 : memref<10240x128xf32, #tpu.memory_space<hbm>>) target(%arg11 : memref<128x128xf32, #tpu.memory_space<vmem>>) offsets(%dma_start3A_151 : memref<128xi32, #tpu.memory_space<vmem>>) semaphore(%arg15 : memref<!tpu.dma_semaphore, #tpu.memory_space<semaphore_mem>>)
      %dma_start3A_155 = arith.constant 0 : i32
      %dma_start3A_156 = tpu.memref_slice %arg8[%add3A_148, %dma_start3A_155] : memref<72x128xi32, #tpu.memory_space<vmem>> -> memref<1x128xi32, #tpu.memory_space<vmem>>
      %dma_start3A_157 = tpu.memref_squeeze %dma_start3A_156 : memref<1x128xi32, #tpu.memory_space<vmem>> -> memref<128xi32, #tpu.memory_space<vmem>>
      %dma_start3A_158 = arith.constant 0 : i32
      %dma_start3A_159 = arith.constant 0 : i32
      %dma_start3A_160 = tpu.memref_slice %arg2[%dma_start3A_158, %dma_start3A_159] : memref<10240x128xf32, #tpu.memory_space<hbm>> -> memref<10240x128xf32, #tpu.memory_space<hbm>>
      tpu.enqueue_indirect_dma source(%dma_start3A_160 : memref<10240x128xf32, #tpu.memory_space<hbm>>) target(%arg12 : memref<128x128xf32, #tpu.memory_space<vmem>>) offsets(%dma_start3A_157 : memref<128xi32, #tpu.memory_space<vmem>>) semaphore(%arg16 : memref<!tpu.dma_semaphore, #tpu.memory_space<semaphore_mem>>)
    }
    %sub3A_65 = arith.constant 2 : i32
    %sub3A_66 = arith.subi %select_n3A, %sub3A_65 : i32
    %dma_wait3A = arith.constant 0 : i32
    %dma_wait3A_67 = tpu.memref_slice %arg7[%sub3A_66, %dma_wait3A] : memref<72x128xi32, #tpu.memory_space<vmem>> -> memref<1x128xi32, #tpu.memory_space<vmem>>
    %dma_wait3A_68 = tpu.memref_squeeze %dma_wait3A_67 : memref<1x128xi32, #tpu.memory_space<vmem>> -> memref<128xi32, #tpu.memory_space<vmem>>
    %dma_wait3A_69 = arith.constant 0 : i32
    %dma_wait3A_70 = arith.constant 0 : i32
    %dma_wait3A_71 = tpu.memref_slice %arg2[%dma_wait3A_69, %dma_wait3A_70] : memref<10240x128xf32, #tpu.memory_space<hbm>> -> memref<10240x128xf32, #tpu.memory_space<hbm>>
    tpu.wait_indirect_dma semaphore(%arg13 : memref<!tpu.dma_semaphore, #tpu.memory_space<semaphore_mem>>) src(%dma_wait3A_71 : memref<10240x128xf32, #tpu.memory_space<hbm>>) dst(%arg9 : memref<128x128xf32, #tpu.memory_space<vmem>>)
    %dma_wait3A_72 = arith.constant 0 : i32
    %dma_wait3A_73 = tpu.memref_slice %arg8[%sub3A_66, %dma_wait3A_72] : memref<72x128xi32, #tpu.memory_space<vmem>> -> memref<1x128xi32, #tpu.memory_space<vmem>>
    %dma_wait3A_74 = tpu.memref_squeeze %dma_wait3A_73 : memref<1x128xi32, #tpu.memory_space<vmem>> -> memref<128xi32, #tpu.memory_space<vmem>>
    %dma_wait3A_75 = arith.constant 0 : i32
    %dma_wait3A_76 = arith.constant 0 : i32
    %dma_wait3A_77 = tpu.memref_slice %arg2[%dma_wait3A_75, %dma_wait3A_76] : memref<10240x128xf32, #tpu.memory_space<hbm>> -> memref<10240x128xf32, #tpu.memory_space<hbm>>
    tpu.wait_indirect_dma semaphore(%arg14 : memref<!tpu.dma_semaphore, #tpu.memory_space<semaphore_mem>>) src(%dma_wait3A_77 : memref<10240x128xf32, #tpu.memory_space<hbm>>) dst(%arg10 : memref<128x128xf32, #tpu.memory_space<vmem>>)
    %add3A_78 = arith.addi %select_n3A_8, %sub3A_66 : i32
    %mul3A_79 = arith.constant 128 : i32
    %mul3A_80 = arith.muli %add3A_78, %mul3A_79 : i32
    "tpu.region"() ({
      %run_scoped3A = tpu.sem_alloc : memref<!tpu.dma_semaphore, #tpu.memory_space<semaphore_mem>>
      %dma_start3A_98 = arith.constant 0 : i32
      %dma_start3A_99 = tpu.memref_slice %arg5[%mul3A_80, %dma_start3A_98] : memref<163840x128xf32, #tpu.memory_space<hbm>> -> memref<128x128xf32, #tpu.memory_space<hbm>>
      %dma_start3A_100 = arith.constant 0 : i32
      %dma_start3A_101 = tpu.memref_slice %arg5[%mul3A_80, %dma_start3A_100] : memref<163840x128xf32, #tpu.memory_space<hbm>> -> memref<128x128xf32, #tpu.memory_space<hbm>>
      tpu.enqueue_dma source(%arg9 : memref<128x128xf32, #tpu.memory_space<vmem>>) target(%dma_start3A_101 : memref<128x128xf32, #tpu.memory_space<hbm>>) target_semaphore(%run_scoped3A : memref<!tpu.dma_semaphore, #tpu.memory_space<semaphore_mem>>)
      %dma_wait3A_102 = arith.constant 0 : i32
      %dma_wait3A_103 = tpu.memref_slice %arg5[%mul3A_80, %dma_wait3A_102] : memref<163840x128xf32, #tpu.memory_space<hbm>> -> memref<128x128xf32, #tpu.memory_space<hbm>>
      %dma_wait3A_104 = arith.constant 0 : i32
      %dma_wait3A_105 = tpu.memref_slice %arg5[%mul3A_80, %dma_wait3A_104] : memref<163840x128xf32, #tpu.memory_space<hbm>> -> memref<128x128xf32, #tpu.memory_space<hbm>>
      tpu.wait_dma2 semaphore(%run_scoped3A : memref<!tpu.dma_semaphore, #tpu.memory_space<semaphore_mem>>) src(%arg9 : memref<128x128xf32, #tpu.memory_space<vmem>>) dst(%dma_wait3A_105 : memref<128x128xf32, #tpu.memory_space<hbm>>)
      tpu.yield
    }) : () -> ()
    "tpu.region"() ({
      %run_scoped3A = tpu.sem_alloc : memref<!tpu.dma_semaphore, #tpu.memory_space<semaphore_mem>>
      %dma_start3A_98 = arith.constant 0 : i32
      %dma_start3A_99 = tpu.memref_slice %arg6[%mul3A_80, %dma_start3A_98] : memref<163840x128xf32, #tpu.memory_space<hbm>> -> memref<128x128xf32, #tpu.memory_space<hbm>>
      %dma_start3A_100 = arith.constant 0 : i32
      %dma_start3A_101 = tpu.memref_slice %arg6[%mul3A_80, %dma_start3A_100] : memref<163840x128xf32, #tpu.memory_space<hbm>> -> memref<128x128xf32, #tpu.memory_space<hbm>>
      tpu.enqueue_dma source(%arg10 : memref<128x128xf32, #tpu.memory_space<vmem>>) target(%dma_start3A_101 : memref<128x128xf32, #tpu.memory_space<hbm>>) target_semaphore(%run_scoped3A : memref<!tpu.dma_semaphore, #tpu.memory_space<semaphore_mem>>)
      %dma_wait3A_102 = arith.constant 0 : i32
      %dma_wait3A_103 = tpu.memref_slice %arg6[%mul3A_80, %dma_wait3A_102] : memref<163840x128xf32, #tpu.memory_space<hbm>> -> memref<128x128xf32, #tpu.memory_space<hbm>>
      %dma_wait3A_104 = arith.constant 0 : i32
      %dma_wait3A_105 = tpu.memref_slice %arg6[%mul3A_80, %dma_wait3A_104] : memref<163840x128xf32, #tpu.memory_space<hbm>> -> memref<128x128xf32, #tpu.memory_space<hbm>>
      tpu.wait_dma2 semaphore(%run_scoped3A : memref<!tpu.dma_semaphore, #tpu.memory_space<semaphore_mem>>) src(%arg10 : memref<128x128xf32, #tpu.memory_space<vmem>>) dst(%dma_wait3A_105 : memref<128x128xf32, #tpu.memory_space<hbm>>)
      tpu.yield
    }) : () -> ()
    %sub3A_81 = arith.constant 1 : i32
    %sub3A_82 = arith.subi %select_n3A, %sub3A_81 : i32
    %dma_wait3A_83 = arith.constant 0 : i32
    %dma_wait3A_84 = tpu.memref_slice %arg7[%sub3A_82, %dma_wait3A_83] : memref<72x128xi32, #tpu.memory_space<vmem>> -> memref<1x128xi32, #tpu.memory_space<vmem>>
    %dma_wait3A_85 = tpu.memref_squeeze %dma_wait3A_84 : memref<1x128xi32, #tpu.memory_space<vmem>> -> memref<128xi32, #tpu.memory_space<vmem>>
    %dma_wait3A_86 = arith.constant 0 : i32
    %dma_wait3A_87 = arith.constant 0 : i32
    %dma_wait3A_88 = tpu.memref_slice %arg2[%dma_wait3A_86, %dma_wait3A_87] : memref<10240x128xf32, #tpu.memory_space<hbm>> -> memref<10240x128xf32, #tpu.memory_space<hbm>>
    tpu.wait_indirect_dma semaphore(%arg15 : memref<!tpu.dma_semaphore, #tpu.memory_space<semaphore_mem>>) src(%dma_wait3A_88 : memref<10240x128xf32, #tpu.memory_space<hbm>>) dst(%arg11 : memref<128x128xf32, #tpu.memory_space<vmem>>)
    %dma_wait3A_89 = arith.constant 0 : i32
    %dma_wait3A_90 = tpu.memref_slice %arg8[%sub3A_82, %dma_wait3A_89] : memref<72x128xi32, #tpu.memory_space<vmem>> -> memref<1x128xi32, #tpu.memory_space<vmem>>
    %dma_wait3A_91 = tpu.memref_squeeze %dma_wait3A_90 : memref<1x128xi32, #tpu.memory_space<vmem>> -> memref<128xi32, #tpu.memory_space<vmem>>
    %dma_wait3A_92 = arith.constant 0 : i32
    %dma_wait3A_93 = arith.constant 0 : i32
    %dma_wait3A_94 = tpu.memref_slice %arg2[%dma_wait3A_92, %dma_wait3A_93] : memref<10240x128xf32, #tpu.memory_space<hbm>> -> memref<10240x128xf32, #tpu.memory_space<hbm>>
    tpu.wait_indirect_dma semaphore(%arg16 : memref<!tpu.dma_semaphore, #tpu.memory_space<semaphore_mem>>) src(%dma_wait3A_94 : memref<10240x128xf32, #tpu.memory_space<hbm>>) dst(%arg12 : memref<128x128xf32, #tpu.memory_space<vmem>>)
    %add3A_95 = arith.addi %select_n3A_8, %sub3A_82 : i32
    %mul3A_96 = arith.constant 128 : i32
    %mul3A_97 = arith.muli %add3A_95, %mul3A_96 : i32
    "tpu.region"() ({
      %run_scoped3A = tpu.sem_alloc : memref<!tpu.dma_semaphore, #tpu.memory_space<semaphore_mem>>
      %dma_start3A_98 = arith.constant 0 : i32
      %dma_start3A_99 = tpu.memref_slice %arg5[%mul3A_97, %dma_start3A_98] : memref<163840x128xf32, #tpu.memory_space<hbm>> -> memref<128x128xf32, #tpu.memory_space<hbm>>
      %dma_start3A_100 = arith.constant 0 : i32
      %dma_start3A_101 = tpu.memref_slice %arg5[%mul3A_97, %dma_start3A_100] : memref<163840x128xf32, #tpu.memory_space<hbm>> -> memref<128x128xf32, #tpu.memory_space<hbm>>
      tpu.enqueue_dma source(%arg11 : memref<128x128xf32, #tpu.memory_space<vmem>>) target(%dma_start3A_101 : memref<128x128xf32, #tpu.memory_space<hbm>>) target_semaphore(%run_scoped3A : memref<!tpu.dma_semaphore, #tpu.memory_space<semaphore_mem>>)
      %dma_wait3A_102 = arith.constant 0 : i32
      %dma_wait3A_103 = tpu.memref_slice %arg5[%mul3A_97, %dma_wait3A_102] : memref<163840x128xf32, #tpu.memory_space<hbm>> -> memref<128x128xf32, #tpu.memory_space<hbm>>
      %dma_wait3A_104 = arith.constant 0 : i32
      %dma_wait3A_105 = tpu.memref_slice %arg5[%mul3A_97, %dma_wait3A_104] : memref<163840x128xf32, #tpu.memory_space<hbm>> -> memref<128x128xf32, #tpu.memory_space<hbm>>
      tpu.wait_dma2 semaphore(%run_scoped3A : memref<!tpu.dma_semaphore, #tpu.memory_space<semaphore_mem>>) src(%arg11 : memref<128x128xf32, #tpu.memory_space<vmem>>) dst(%dma_wait3A_105 : memref<128x128xf32, #tpu.memory_space<hbm>>)
      tpu.yield
    }) : () -> ()
    "tpu.region"() ({
      %run_scoped3A = tpu.sem_alloc : memref<!tpu.dma_semaphore, #tpu.memory_space<semaphore_mem>>
      %dma_start3A_98 = arith.constant 0 : i32
      %dma_start3A_99 = tpu.memref_slice %arg6[%mul3A_97, %dma_start3A_98] : memref<163840x128xf32, #tpu.memory_space<hbm>> -> memref<128x128xf32, #tpu.memory_space<hbm>>
      %dma_start3A_100 = arith.constant 0 : i32
      %dma_start3A_101 = tpu.memref_slice %arg6[%mul3A_97, %dma_start3A_100] : memref<163840x128xf32, #tpu.memory_space<hbm>> -> memref<128x128xf32, #tpu.memory_space<hbm>>
      tpu.enqueue_dma source(%arg12 : memref<128x128xf32, #tpu.memory_space<vmem>>) target(%dma_start3A_101 : memref<128x128xf32, #tpu.memory_space<hbm>>) target_semaphore(%run_scoped3A : memref<!tpu.dma_semaphore, #tpu.memory_space<semaphore_mem>>)
      %dma_wait3A_102 = arith.constant 0 : i32
      %dma_wait3A_103 = tpu.memref_slice %arg6[%mul3A_97, %dma_wait3A_102] : memref<163840x128xf32, #tpu.memory_space<hbm>> -> memref<128x128xf32, #tpu.memory_space<hbm>>
      %dma_wait3A_104 = arith.constant 0 : i32
      %dma_wait3A_105 = tpu.memref_slice %arg6[%mul3A_97, %dma_wait3A_104] : memref<163840x128xf32, #tpu.memory_space<hbm>> -> memref<128x128xf32, #tpu.memory_space<hbm>>
      tpu.wait_dma2 semaphore(%run_scoped3A : memref<!tpu.dma_semaphore, #tpu.memory_space<semaphore_mem>>) src(%arg12 : memref<128x128xf32, #tpu.memory_space<vmem>>) dst(%dma_wait3A_105 : memref<128x128xf32, #tpu.memory_space<hbm>>)
      tpu.yield
    }) : () -> ()
    return
  }
}

#map = affine_map<(d0, d1) -> (0, 0)>
#map1 = affine_map<(d0, d1) -> (0, 0, 0)>
module attributes {stable_mosaic.version = 14 : i64} {
  func.func @_count_body(%arg0: i32, %arg1: i32, %arg2: memref<1344x128xi32, #tpu.memory_space<hbm>>, %arg3: memref<2x10240x128xf32, #tpu.memory_space<hbm>>, %arg4: memref<40x128xi32, #tpu.memory_space<vmem>>, %arg5: memref<128x128xf32, #tpu.memory_space<vmem>>, %arg6: memref<128x128xf32, #tpu.memory_space<vmem>>, %arg7: memref<10240x128xf32, #tpu.memory_space<vmem_shared>>) attributes {dimension_semantics = [#tpu.dimension_semantics<core_parallel>, #tpu.dimension_semantics<subcore_parallel>], iteration_bounds = array<i64: 2, 16>, scalar_prefetch = 0 : i64, scratch_operands = 4 : i64, tpu.core_type = #tpu.core_type<sc_vector_subcore>, window_params = [{transform_indices = #map}, {transform_indices = #map1}]} {
    %mul3A = arith.constant 2 : i32
    %mul3A_0 = arith.muli %arg1, %mul3A : i32
    %add3A = arith.addi %mul3A_0, %arg0 : i32
    %broadcast_in_dim3A = arith.constant 0.000000e+00 : f32
    %broadcast_in_dim3A_1 = vector.broadcast %broadcast_in_dim3A : f32 to vector<16xf32>
    %broadcast_in_dim3A_2 = arith.constant 1.000000e+00 : f32
    %broadcast_in_dim3A_3 = vector.broadcast %broadcast_in_dim3A_2 : f32 to vector<16xf32>
    %scan3A = arith.constant 0 : i32
    %scan3A_4 = arith.constant 0 : i32
    %scan3A_5 = arith.constant 128 : i32
    %scan3A_6 = arith.addi %scan3A_4, %scan3A_5 : i32
    %scan3A_7 = arith.constant 1 : i32
    scf.for %scan3A_28 = %scan3A_4 to %scan3A_6 step %scan3A_7  : i32 {
      %swap3A = arith.index_cast %scan3A_28 : i32 to index
      %swap3A_29 = arith.constant 0 : index
      %swap3A_30 = tpu.vector_load %arg5[%swap3A, %swap3A_29] {strides = array<i32>} : memref<128x128xf32, #tpu.memory_space<vmem>>, vector<1x16xf32>,
      %swap3A_31 = vector.shape_cast %swap3A_30 : vector<1x16xf32> to vector<16xf32>
      %swap3A_32 = vector.shape_cast %broadcast_in_dim3A_1 : vector<16xf32> to vector<1x16xf32>
      tpu.vector_store %arg5[%swap3A, %swap3A_29], %swap3A_32 {strides = array<i32>} : memref<128x128xf32, #tpu.memory_space<vmem>>, vector<1x16xf32>,
      %swap3A_33 = arith.index_cast %scan3A_28 : i32 to index
      %swap3A_34 = arith.constant 0 : index
      %swap3A_35 = tpu.vector_load %arg6[%swap3A_33, %swap3A_34] {strides = array<i32>} : memref<128x128xf32, #tpu.memory_space<vmem>>, vector<1x16xf32>,
      %swap3A_36 = vector.shape_cast %swap3A_35 : vector<1x16xf32> to vector<16xf32>
      %swap3A_37 = vector.shape_cast %broadcast_in_dim3A_3 : vector<16xf32> to vector<1x16xf32>
      tpu.vector_store %arg6[%swap3A_33, %swap3A_34], %swap3A_37 {strides = array<i32>} : memref<128x128xf32, #tpu.memory_space<vmem>>, vector<1x16xf32>,
      %swap3A_38 = arith.index_cast %scan3A_28 : i32 to index
      %swap3A_39 = arith.constant 16 : index
      %swap3A_40 = tpu.vector_load %arg5[%swap3A_38, %swap3A_39] {strides = array<i32>} : memref<128x128xf32, #tpu.memory_space<vmem>>, vector<1x16xf32>,
      %swap3A_41 = vector.shape_cast %swap3A_40 : vector<1x16xf32> to vector<16xf32>
      %swap3A_42 = vector.shape_cast %broadcast_in_dim3A_1 : vector<16xf32> to vector<1x16xf32>
      tpu.vector_store %arg5[%swap3A_38, %swap3A_39], %swap3A_42 {strides = array<i32>} : memref<128x128xf32, #tpu.memory_space<vmem>>, vector<1x16xf32>,
      %swap3A_43 = arith.index_cast %scan3A_28 : i32 to index
      %swap3A_44 = arith.constant 16 : index
      %swap3A_45 = tpu.vector_load %arg6[%swap3A_43, %swap3A_44] {strides = array<i32>} : memref<128x128xf32, #tpu.memory_space<vmem>>, vector<1x16xf32>,
      %swap3A_46 = vector.shape_cast %swap3A_45 : vector<1x16xf32> to vector<16xf32>
      %swap3A_47 = vector.shape_cast %broadcast_in_dim3A_3 : vector<16xf32> to vector<1x16xf32>
      tpu.vector_store %arg6[%swap3A_43, %swap3A_44], %swap3A_47 {strides = array<i32>} : memref<128x128xf32, #tpu.memory_space<vmem>>, vector<1x16xf32>,
      %swap3A_48 = arith.index_cast %scan3A_28 : i32 to index
      %swap3A_49 = arith.constant 32 : index
      %swap3A_50 = tpu.vector_load %arg5[%swap3A_48, %swap3A_49] {strides = array<i32>} : memref<128x128xf32, #tpu.memory_space<vmem>>, vector<1x16xf32>,
      %swap3A_51 = vector.shape_cast %swap3A_50 : vector<1x16xf32> to vector<16xf32>
      %swap3A_52 = vector.shape_cast %broadcast_in_dim3A_1 : vector<16xf32> to vector<1x16xf32>
      tpu.vector_store %arg5[%swap3A_48, %swap3A_49], %swap3A_52 {strides = array<i32>} : memref<128x128xf32, #tpu.memory_space<vmem>>, vector<1x16xf32>,
      %swap3A_53 = arith.index_cast %scan3A_28 : i32 to index
      %swap3A_54 = arith.constant 32 : index
      %swap3A_55 = tpu.vector_load %arg6[%swap3A_53, %swap3A_54] {strides = array<i32>} : memref<128x128xf32, #tpu.memory_space<vmem>>, vector<1x16xf32>,
      %swap3A_56 = vector.shape_cast %swap3A_55 : vector<1x16xf32> to vector<16xf32>
      %swap3A_57 = vector.shape_cast %broadcast_in_dim3A_3 : vector<16xf32> to vector<1x16xf32>
      tpu.vector_store %arg6[%swap3A_53, %swap3A_54], %swap3A_57 {strides = array<i32>} : memref<128x128xf32, #tpu.memory_space<vmem>>, vector<1x16xf32>,
      %swap3A_58 = arith.index_cast %scan3A_28 : i32 to index
      %swap3A_59 = arith.constant 48 : index
      %swap3A_60 = tpu.vector_load %arg5[%swap3A_58, %swap3A_59] {strides = array<i32>} : memref<128x128xf32, #tpu.memory_space<vmem>>, vector<1x16xf32>,
      %swap3A_61 = vector.shape_cast %swap3A_60 : vector<1x16xf32> to vector<16xf32>
      %swap3A_62 = vector.shape_cast %broadcast_in_dim3A_1 : vector<16xf32> to vector<1x16xf32>
      tpu.vector_store %arg5[%swap3A_58, %swap3A_59], %swap3A_62 {strides = array<i32>} : memref<128x128xf32, #tpu.memory_space<vmem>>, vector<1x16xf32>,
      %swap3A_63 = arith.index_cast %scan3A_28 : i32 to index
      %swap3A_64 = arith.constant 48 : index
      %swap3A_65 = tpu.vector_load %arg6[%swap3A_63, %swap3A_64] {strides = array<i32>} : memref<128x128xf32, #tpu.memory_space<vmem>>, vector<1x16xf32>,
      %swap3A_66 = vector.shape_cast %swap3A_65 : vector<1x16xf32> to vector<16xf32>
      %swap3A_67 = vector.shape_cast %broadcast_in_dim3A_3 : vector<16xf32> to vector<1x16xf32>
      tpu.vector_store %arg6[%swap3A_63, %swap3A_64], %swap3A_67 {strides = array<i32>} : memref<128x128xf32, #tpu.memory_space<vmem>>, vector<1x16xf32>,
      %swap3A_68 = arith.index_cast %scan3A_28 : i32 to index
      %swap3A_69 = arith.constant 64 : index
      %swap3A_70 = tpu.vector_load %arg5[%swap3A_68, %swap3A_69] {strides = array<i32>} : memref<128x128xf32, #tpu.memory_space<vmem>>, vector<1x16xf32>,
      %swap3A_71 = vector.shape_cast %swap3A_70 : vector<1x16xf32> to vector<16xf32>
      %swap3A_72 = vector.shape_cast %broadcast_in_dim3A_1 : vector<16xf32> to vector<1x16xf32>
      tpu.vector_store %arg5[%swap3A_68, %swap3A_69], %swap3A_72 {strides = array<i32>} : memref<128x128xf32, #tpu.memory_space<vmem>>, vector<1x16xf32>,
      %swap3A_73 = arith.index_cast %scan3A_28 : i32 to index
      %swap3A_74 = arith.constant 64 : index
      %swap3A_75 = tpu.vector_load %arg6[%swap3A_73, %swap3A_74] {strides = array<i32>} : memref<128x128xf32, #tpu.memory_space<vmem>>, vector<1x16xf32>,
      %swap3A_76 = vector.shape_cast %swap3A_75 : vector<1x16xf32> to vector<16xf32>
      %swap3A_77 = vector.shape_cast %broadcast_in_dim3A_3 : vector<16xf32> to vector<1x16xf32>
      tpu.vector_store %arg6[%swap3A_73, %swap3A_74], %swap3A_77 {strides = array<i32>} : memref<128x128xf32, #tpu.memory_space<vmem>>, vector<1x16xf32>,
      %swap3A_78 = arith.index_cast %scan3A_28 : i32 to index
      %swap3A_79 = arith.constant 80 : index
      %swap3A_80 = tpu.vector_load %arg5[%swap3A_78, %swap3A_79] {strides = array<i32>} : memref<128x128xf32, #tpu.memory_space<vmem>>, vector<1x16xf32>,
      %swap3A_81 = vector.shape_cast %swap3A_80 : vector<1x16xf32> to vector<16xf32>
      %swap3A_82 = vector.shape_cast %broadcast_in_dim3A_1 : vector<16xf32> to vector<1x16xf32>
      tpu.vector_store %arg5[%swap3A_78, %swap3A_79], %swap3A_82 {strides = array<i32>} : memref<128x128xf32, #tpu.memory_space<vmem>>, vector<1x16xf32>,
      %swap3A_83 = arith.index_cast %scan3A_28 : i32 to index
      %swap3A_84 = arith.constant 80 : index
      %swap3A_85 = tpu.vector_load %arg6[%swap3A_83, %swap3A_84] {strides = array<i32>} : memref<128x128xf32, #tpu.memory_space<vmem>>, vector<1x16xf32>,
      %swap3A_86 = vector.shape_cast %swap3A_85 : vector<1x16xf32> to vector<16xf32>
      %swap3A_87 = vector.shape_cast %broadcast_in_dim3A_3 : vector<16xf32> to vector<1x16xf32>
      tpu.vector_store %arg6[%swap3A_83, %swap3A_84], %swap3A_87 {strides = array<i32>} : memref<128x128xf32, #tpu.memory_space<vmem>>, vector<1x16xf32>,
      %swap3A_88 = arith.index_cast %scan3A_28 : i32 to index
      %swap3A_89 = arith.constant 96 : index
      %swap3A_90 = tpu.vector_load %arg5[%swap3A_88, %swap3A_89] {strides = array<i32>} : memref<128x128xf32, #tpu.memory_space<vmem>>, vector<1x16xf32>,
      %swap3A_91 = vector.shape_cast %swap3A_90 : vector<1x16xf32> to vector<16xf32>
      %swap3A_92 = vector.shape_cast %broadcast_in_dim3A_1 : vector<16xf32> to vector<1x16xf32>
      tpu.vector_store %arg5[%swap3A_88, %swap3A_89], %swap3A_92 {strides = array<i32>} : memref<128x128xf32, #tpu.memory_space<vmem>>, vector<1x16xf32>,
      %swap3A_93 = arith.index_cast %scan3A_28 : i32 to index
      %swap3A_94 = arith.constant 96 : index
      %swap3A_95 = tpu.vector_load %arg6[%swap3A_93, %swap3A_94] {strides = array<i32>} : memref<128x128xf32, #tpu.memory_space<vmem>>, vector<1x16xf32>,
      %swap3A_96 = vector.shape_cast %swap3A_95 : vector<1x16xf32> to vector<16xf32>
      %swap3A_97 = vector.shape_cast %broadcast_in_dim3A_3 : vector<16xf32> to vector<1x16xf32>
      tpu.vector_store %arg6[%swap3A_93, %swap3A_94], %swap3A_97 {strides = array<i32>} : memref<128x128xf32, #tpu.memory_space<vmem>>, vector<1x16xf32>,
      %swap3A_98 = arith.index_cast %scan3A_28 : i32 to index
      %swap3A_99 = arith.constant 112 : index
      %swap3A_100 = tpu.vector_load %arg5[%swap3A_98, %swap3A_99] {strides = array<i32>} : memref<128x128xf32, #tpu.memory_space<vmem>>, vector<1x16xf32>,
      %swap3A_101 = vector.shape_cast %swap3A_100 : vector<1x16xf32> to vector<16xf32>
      %swap3A_102 = vector.shape_cast %broadcast_in_dim3A_1 : vector<16xf32> to vector<1x16xf32>
      tpu.vector_store %arg5[%swap3A_98, %swap3A_99], %swap3A_102 {strides = array<i32>} : memref<128x128xf32, #tpu.memory_space<vmem>>, vector<1x16xf32>,
      %swap3A_103 = arith.index_cast %scan3A_28 : i32 to index
      %swap3A_104 = arith.constant 112 : index
      %swap3A_105 = tpu.vector_load %arg6[%swap3A_103, %swap3A_104] {strides = array<i32>} : memref<128x128xf32, #tpu.memory_space<vmem>>, vector<1x16xf32>,
      %swap3A_106 = vector.shape_cast %swap3A_105 : vector<1x16xf32> to vector<16xf32>
      %swap3A_107 = vector.shape_cast %broadcast_in_dim3A_3 : vector<16xf32> to vector<1x16xf32>
      tpu.vector_store %arg6[%swap3A_103, %swap3A_104], %swap3A_107 {strides = array<i32>} : memref<128x128xf32, #tpu.memory_space<vmem>>, vector<1x16xf32>,
    }
    %scan3A_8 = arith.constant 128 : i32
    %scan3A_9 = arith.constant 0 : i32
    %scan3A_10 = arith.constant 0 : i32
    %scan3A_11 = arith.constant 5 : i32
    %scan3A_12 = arith.addi %scan3A_10, %scan3A_11 : i32
    %scan3A_13 = arith.constant 1 : i32
    scf.for %scan3A_28 = %scan3A_10 to %scan3A_12 step %scan3A_13  : i32 {
      %mul3A_29 = arith.constant 640 : i32
      %mul3A_30 = arith.muli %arg1, %mul3A_29 : i32
      %mul3A_31 = arith.constant 128 : i32
      %mul3A_32 = arith.muli %scan3A_28, %mul3A_31 : i32
      %add3A_33 = arith.addi %mul3A_30, %mul3A_32 : i32
      "tpu.region"() ({
        %run_scoped3A = tpu.sem_alloc : memref<!tpu.dma_semaphore, #tpu.memory_space<semaphore_mem>>
        %dma_start3A = arith.constant 0 : i32
        %dma_start3A_34 = tpu.memref_slice %arg7[%add3A_33, %dma_start3A] : memref<10240x128xf32, #tpu.memory_space<vmem_shared>> -> memref<128x128xf32, #tpu.memory_space<vmem_shared>>
        %dma_start3A_35 = arith.constant 0 : i32
        %dma_start3A_36 = tpu.memref_slice %arg7[%add3A_33, %dma_start3A_35] : memref<10240x128xf32, #tpu.memory_space<vmem_shared>> -> memref<128x128xf32, #tpu.memory_space<vmem_shared>>
        tpu.enqueue_dma source(%arg5 : memref<128x128xf32, #tpu.memory_space<vmem>>) target(%dma_start3A_36 : memref<128x128xf32, #tpu.memory_space<vmem_shared>>) target_semaphore(%run_scoped3A : memref<!tpu.dma_semaphore, #tpu.memory_space<semaphore_mem>>)
        %dma_wait3A = arith.constant 0 : i32
        %dma_wait3A_37 = tpu.memref_slice %arg7[%add3A_33, %dma_wait3A] : memref<10240x128xf32, #tpu.memory_space<vmem_shared>> -> memref<128x128xf32, #tpu.memory_space<vmem_shared>>
        %dma_wait3A_38 = arith.constant 0 : i32
        %dma_wait3A_39 = tpu.memref_slice %arg7[%add3A_33, %dma_wait3A_38] : memref<10240x128xf32, #tpu.memory_space<vmem_shared>> -> memref<128x128xf32, #tpu.memory_space<vmem_shared>>
        tpu.wait_dma2 semaphore(%run_scoped3A : memref<!tpu.dma_semaphore, #tpu.memory_space<semaphore_mem>>) src(%arg5 : memref<128x128xf32, #tpu.memory_space<vmem>>) dst(%dma_wait3A_39 : memref<128x128xf32, #tpu.memory_space<vmem_shared>>)
        tpu.yield
      }) : () -> ()
    }
    %scan3A_14 = arith.constant 5 : i32
    %barrier3A = arith.constant 0 : index
    tpu.barrier barrier_id(%barrier3A)
    %mul3A_15 = arith.constant 40 : i32
    %mul3A_16 = arith.muli %add3A, %mul3A_15 : i32
    "tpu.region"() ({
      %run_scoped3A = tpu.sem_alloc : memref<!tpu.dma_semaphore, #tpu.memory_space<semaphore_mem>>
      %dma_start3A = arith.constant 0 : i32
      %dma_start3A_28 = tpu.memref_slice %arg2[%mul3A_16, %dma_start3A] : memref<1344x128xi32, #tpu.memory_space<hbm>> -> memref<40x128xi32, #tpu.memory_space<hbm>>
      %dma_start3A_29 = arith.constant 0 : i32
      %dma_start3A_30 = tpu.memref_slice %arg2[%mul3A_16, %dma_start3A_29] : memref<1344x128xi32, #tpu.memory_space<hbm>> -> memref<40x128xi32, #tpu.memory_space<hbm>>
      tpu.enqueue_dma source(%dma_start3A_30 : memref<40x128xi32, #tpu.memory_space<hbm>>) target(%arg4 : memref<40x128xi32, #tpu.memory_space<vmem>>) target_semaphore(%run_scoped3A : memref<!tpu.dma_semaphore, #tpu.memory_space<semaphore_mem>>)
      %dma_wait3A = arith.constant 0 : i32
      %dma_wait3A_31 = tpu.memref_slice %arg2[%mul3A_16, %dma_wait3A] : memref<1344x128xi32, #tpu.memory_space<hbm>> -> memref<40x128xi32, #tpu.memory_space<hbm>>
      %dma_wait3A_32 = arith.constant 0 : i32
      %dma_wait3A_33 = tpu.memref_slice %arg2[%mul3A_16, %dma_wait3A_32] : memref<1344x128xi32, #tpu.memory_space<hbm>> -> memref<40x128xi32, #tpu.memory_space<hbm>>
      tpu.wait_dma2 semaphore(%run_scoped3A : memref<!tpu.dma_semaphore, #tpu.memory_space<semaphore_mem>>) src(%dma_wait3A_33 : memref<40x128xi32, #tpu.memory_space<hbm>>) dst(%arg4 : memref<40x128xi32, #tpu.memory_space<vmem>>)
      tpu.yield
    }) : () -> ()
    %scan3A_17 = arith.constant 0 : i32
    %scan3A_18 = arith.constant 0 : i32
    %scan3A_19 = arith.constant 40 : i32
    %scan3A_20 = arith.addi %scan3A_18, %scan3A_19 : i32
    %scan3A_21 = arith.constant 1 : i32
    scf.for %scan3A_28 = %scan3A_18 to %scan3A_20 step %scan3A_21  : i32 {
      "tpu.region"() ({
        %run_scoped3A = tpu.sem_alloc : memref<!tpu.dma_semaphore, #tpu.memory_space<semaphore_mem>>
        %dma_start3A = arith.constant 0 : i32
        %dma_start3A_29 = tpu.memref_slice %arg4[%scan3A_28, %dma_start3A] : memref<40x128xi32, #tpu.memory_space<vmem>> -> memref<1x128xi32, #tpu.memory_space<vmem>>
        %dma_start3A_30 = tpu.memref_squeeze %dma_start3A_29 : memref<1x128xi32, #tpu.memory_space<vmem>> -> memref<128xi32, #tpu.memory_space<vmem>>
        %dma_start3A_31 = arith.constant 0 : i32
        %dma_start3A_32 = arith.constant 0 : i32
        %dma_start3A_33 = tpu.memref_slice %arg7[%dma_start3A_31, %dma_start3A_32] : memref<10240x128xf32, #tpu.memory_space<vmem_shared>> -> memref<10240x128xf32, #tpu.memory_space<vmem_shared>>
        tpu.enqueue_indirect_dma source(%arg6 : memref<128x128xf32, #tpu.memory_space<vmem>>) target(%dma_start3A_33 : memref<10240x128xf32, #tpu.memory_space<vmem_shared>>) offsets(%dma_start3A_30 : memref<128xi32, #tpu.memory_space<vmem>>) semaphore(%run_scoped3A : memref<!tpu.dma_semaphore, #tpu.memory_space<semaphore_mem>>) {add = true}
        %dma_wait3A = arith.constant 0 : i32
        %dma_wait3A_34 = tpu.memref_slice %arg4[%scan3A_28, %dma_wait3A] : memref<40x128xi32, #tpu.memory_space<vmem>> -> memref<1x128xi32, #tpu.memory_space<vmem>>
        %dma_wait3A_35 = tpu.memref_squeeze %dma_wait3A_34 : memref<1x128xi32, #tpu.memory_space<vmem>> -> memref<128xi32, #tpu.memory_space<vmem>>
        %dma_wait3A_36 = arith.constant 0 : i32
        %dma_wait3A_37 = arith.constant 0 : i32
        %dma_wait3A_38 = tpu.memref_slice %arg7[%dma_wait3A_36, %dma_wait3A_37] : memref<10240x128xf32, #tpu.memory_space<vmem_shared>> -> memref<10240x128xf32, #tpu.memory_space<vmem_shared>>
        tpu.wait_indirect_dma semaphore(%run_scoped3A : memref<!tpu.dma_semaphore, #tpu.memory_space<semaphore_mem>>) src(%arg6 : memref<128x128xf32, #tpu.memory_space<vmem>>) dst(%dma_wait3A_38 : memref<10240x128xf32, #tpu.memory_space<vmem_shared>>)
        tpu.yield
      }) : () -> ()
    }
    %scan3A_22 = arith.constant 40 : i32
    %barrier3A_23 = arith.constant 0 : index
    tpu.barrier barrier_id(%barrier3A_23)
    %mul3A_24 = arith.constant 640 : i32
    %mul3A_25 = arith.muli %arg1, %mul3A_24 : i32
    %mul3A_26 = arith.constant 640 : i32
    %mul3A_27 = arith.muli %arg1, %mul3A_26 : i32
    "tpu.region"() ({
      %run_scoped3A = tpu.sem_alloc : memref<!tpu.dma_semaphore, #tpu.memory_space<semaphore_mem>>
      %dma_start3A = arith.constant 0 : i32
      %dma_start3A_28 = tpu.memref_slice %arg3[%arg0, %mul3A_27, %dma_start3A] : memref<2x10240x128xf32, #tpu.memory_space<hbm>> -> memref<1x640x128xf32, #tpu.memory_space<hbm>>
      %dma_start3A_29 = tpu.memref_squeeze %dma_start3A_28 : memref<1x640x128xf32, #tpu.memory_space<hbm>> -> memref<640x128xf32, #tpu.memory_space<hbm>>
      %dma_start3A_30 = arith.constant 0 : i32
      %dma_start3A_31 = tpu.memref_slice %arg7[%mul3A_25, %dma_start3A_30] : memref<10240x128xf32, #tpu.memory_space<vmem_shared>> -> memref<640x128xf32, #tpu.memory_space<vmem_shared>>
      tpu.enqueue_dma source(%dma_start3A_31 : memref<640x128xf32, #tpu.memory_space<vmem_shared>>) target(%dma_start3A_29 : memref<640x128xf32, #tpu.memory_space<hbm>>) target_semaphore(%run_scoped3A : memref<!tpu.dma_semaphore, #tpu.memory_space<semaphore_mem>>)
      %dma_wait3A = arith.constant 0 : i32
      %dma_wait3A_32 = tpu.memref_slice %arg3[%arg0, %mul3A_27, %dma_wait3A] : memref<2x10240x128xf32, #tpu.memory_space<hbm>> -> memref<1x640x128xf32, #tpu.memory_space<hbm>>
      %dma_wait3A_33 = tpu.memref_squeeze %dma_wait3A_32 : memref<1x640x128xf32, #tpu.memory_space<hbm>> -> memref<640x128xf32, #tpu.memory_space<hbm>>
      %dma_wait3A_34 = arith.constant 0 : i32
      %dma_wait3A_35 = tpu.memref_slice %arg7[%mul3A_25, %dma_wait3A_34] : memref<10240x128xf32, #tpu.memory_space<vmem_shared>> -> memref<640x128xf32, #tpu.memory_space<vmem_shared>>
      tpu.wait_dma2 semaphore(%run_scoped3A : memref<!tpu.dma_semaphore, #tpu.memory_space<semaphore_mem>>) src(%dma_wait3A_35 : memref<640x128xf32, #tpu.memory_space<vmem_shared>>) dst(%dma_wait3A_33 : memref<640x128xf32, #tpu.memory_space<hbm>>)
      tpu.yield
    }) : () -> ()
    return
  }
}

#map = affine_map<(d0, d1) -> (0, 0, 0)>
#map1 = affine_map<(d0, d1) -> (0, 0)>
module attributes {stable_mosaic.version = 14 : i64} {
  func.func @_scatter_body(%arg0: i32, %arg1: i32, %arg2: memref<2x163840x128xf32, #tpu.memory_space<hbm>>, %arg3: memref<1344x128xi32, #tpu.memory_space<hbm>>, %arg4: memref<2x10240x128xf32, #tpu.memory_space<hbm>>, %arg5: memref<80x128xi32, #tpu.memory_space<vmem>>, %arg6: memref<128x128xf32, #tpu.memory_space<vmem>>, %arg7: memref<128x128xf32, #tpu.memory_space<vmem>>, %arg8: memref<10240x128xf32, #tpu.memory_space<vmem_shared>>, %arg9: memref<!tpu.dma_semaphore, #tpu.memory_space<semaphore_mem>>, %arg10: memref<!tpu.dma_semaphore, #tpu.memory_space<semaphore_mem>>) attributes {dimension_semantics = [#tpu.dimension_semantics<core_parallel>, #tpu.dimension_semantics<subcore_parallel>], iteration_bounds = array<i64: 2, 16>, scalar_prefetch = 0 : i64, scratch_operands = 6 : i64, tpu.core_type = #tpu.core_type<sc_vector_subcore>, window_params = [{transform_indices = #map}, {transform_indices = #map1}, {transform_indices = #map}]} {
    %broadcast_in_dim3A = arith.constant 0.000000e+00 : f32
    %broadcast_in_dim3A_0 = vector.broadcast %broadcast_in_dim3A : f32 to vector<16xf32>
    %scan3A = arith.constant 0 : i32
    %scan3A_1 = arith.constant 0 : i32
    %scan3A_2 = arith.constant 128 : i32
    %scan3A_3 = arith.addi %scan3A_1, %scan3A_2 : i32
    %scan3A_4 = arith.constant 1 : i32
    scf.for %scan3A_70 = %scan3A_1 to %scan3A_3 step %scan3A_4  : i32 {
      %swap3A = arith.index_cast %scan3A_70 : i32 to index
      %swap3A_71 = arith.constant 0 : index
      %swap3A_72 = tpu.vector_load %arg6[%swap3A, %swap3A_71] {strides = array<i32>} : memref<128x128xf32, #tpu.memory_space<vmem>>, vector<1x16xf32>,
      %swap3A_73 = vector.shape_cast %swap3A_72 : vector<1x16xf32> to vector<16xf32>
      %swap3A_74 = vector.shape_cast %broadcast_in_dim3A_0 : vector<16xf32> to vector<1x16xf32>
      tpu.vector_store %arg6[%swap3A, %swap3A_71], %swap3A_74 {strides = array<i32>} : memref<128x128xf32, #tpu.memory_space<vmem>>, vector<1x16xf32>,
      %swap3A_75 = arith.index_cast %scan3A_70 : i32 to index
      %swap3A_76 = arith.constant 16 : index
      %swap3A_77 = tpu.vector_load %arg6[%swap3A_75, %swap3A_76] {strides = array<i32>} : memref<128x128xf32, #tpu.memory_space<vmem>>, vector<1x16xf32>,
      %swap3A_78 = vector.shape_cast %swap3A_77 : vector<1x16xf32> to vector<16xf32>
      %swap3A_79 = vector.shape_cast %broadcast_in_dim3A_0 : vector<16xf32> to vector<1x16xf32>
      tpu.vector_store %arg6[%swap3A_75, %swap3A_76], %swap3A_79 {strides = array<i32>} : memref<128x128xf32, #tpu.memory_space<vmem>>, vector<1x16xf32>,
      %swap3A_80 = arith.index_cast %scan3A_70 : i32 to index
      %swap3A_81 = arith.constant 32 : index
      %swap3A_82 = tpu.vector_load %arg6[%swap3A_80, %swap3A_81] {strides = array<i32>} : memref<128x128xf32, #tpu.memory_space<vmem>>, vector<1x16xf32>,
      %swap3A_83 = vector.shape_cast %swap3A_82 : vector<1x16xf32> to vector<16xf32>
      %swap3A_84 = vector.shape_cast %broadcast_in_dim3A_0 : vector<16xf32> to vector<1x16xf32>
      tpu.vector_store %arg6[%swap3A_80, %swap3A_81], %swap3A_84 {strides = array<i32>} : memref<128x128xf32, #tpu.memory_space<vmem>>, vector<1x16xf32>,
      %swap3A_85 = arith.index_cast %scan3A_70 : i32 to index
      %swap3A_86 = arith.constant 48 : index
      %swap3A_87 = tpu.vector_load %arg6[%swap3A_85, %swap3A_86] {strides = array<i32>} : memref<128x128xf32, #tpu.memory_space<vmem>>, vector<1x16xf32>,
      %swap3A_88 = vector.shape_cast %swap3A_87 : vector<1x16xf32> to vector<16xf32>
      %swap3A_89 = vector.shape_cast %broadcast_in_dim3A_0 : vector<16xf32> to vector<1x16xf32>
      tpu.vector_store %arg6[%swap3A_85, %swap3A_86], %swap3A_89 {strides = array<i32>} : memref<128x128xf32, #tpu.memory_space<vmem>>, vector<1x16xf32>,
      %swap3A_90 = arith.index_cast %scan3A_70 : i32 to index
      %swap3A_91 = arith.constant 64 : index
      %swap3A_92 = tpu.vector_load %arg6[%swap3A_90, %swap3A_91] {strides = array<i32>} : memref<128x128xf32, #tpu.memory_space<vmem>>, vector<1x16xf32>,
      %swap3A_93 = vector.shape_cast %swap3A_92 : vector<1x16xf32> to vector<16xf32>
      %swap3A_94 = vector.shape_cast %broadcast_in_dim3A_0 : vector<16xf32> to vector<1x16xf32>
      tpu.vector_store %arg6[%swap3A_90, %swap3A_91], %swap3A_94 {strides = array<i32>} : memref<128x128xf32, #tpu.memory_space<vmem>>, vector<1x16xf32>,
      %swap3A_95 = arith.index_cast %scan3A_70 : i32 to index
      %swap3A_96 = arith.constant 80 : index
      %swap3A_97 = tpu.vector_load %arg6[%swap3A_95, %swap3A_96] {strides = array<i32>} : memref<128x128xf32, #tpu.memory_space<vmem>>, vector<1x16xf32>,
      %swap3A_98 = vector.shape_cast %swap3A_97 : vector<1x16xf32> to vector<16xf32>
      %swap3A_99 = vector.shape_cast %broadcast_in_dim3A_0 : vector<16xf32> to vector<1x16xf32>
      tpu.vector_store %arg6[%swap3A_95, %swap3A_96], %swap3A_99 {strides = array<i32>} : memref<128x128xf32, #tpu.memory_space<vmem>>, vector<1x16xf32>,
      %swap3A_100 = arith.index_cast %scan3A_70 : i32 to index
      %swap3A_101 = arith.constant 96 : index
      %swap3A_102 = tpu.vector_load %arg6[%swap3A_100, %swap3A_101] {strides = array<i32>} : memref<128x128xf32, #tpu.memory_space<vmem>>, vector<1x16xf32>,
      %swap3A_103 = vector.shape_cast %swap3A_102 : vector<1x16xf32> to vector<16xf32>
      %swap3A_104 = vector.shape_cast %broadcast_in_dim3A_0 : vector<16xf32> to vector<1x16xf32>
      tpu.vector_store %arg6[%swap3A_100, %swap3A_101], %swap3A_104 {strides = array<i32>} : memref<128x128xf32, #tpu.memory_space<vmem>>, vector<1x16xf32>,
      %swap3A_105 = arith.index_cast %scan3A_70 : i32 to index
      %swap3A_106 = arith.constant 112 : index
      %swap3A_107 = tpu.vector_load %arg6[%swap3A_105, %swap3A_106] {strides = array<i32>} : memref<128x128xf32, #tpu.memory_space<vmem>>, vector<1x16xf32>,
      %swap3A_108 = vector.shape_cast %swap3A_107 : vector<1x16xf32> to vector<16xf32>
      %swap3A_109 = vector.shape_cast %broadcast_in_dim3A_0 : vector<16xf32> to vector<1x16xf32>
      tpu.vector_store %arg6[%swap3A_105, %swap3A_106], %swap3A_109 {strides = array<i32>} : memref<128x128xf32, #tpu.memory_space<vmem>>, vector<1x16xf32>,
    }
    %scan3A_5 = arith.constant 128 : i32
    %scan3A_6 = arith.constant 0 : i32
    %scan3A_7 = arith.constant 0 : i32
    %scan3A_8 = arith.constant 5 : i32
    %scan3A_9 = arith.addi %scan3A_7, %scan3A_8 : i32
    %scan3A_10 = arith.constant 1 : i32
    scf.for %scan3A_70 = %scan3A_7 to %scan3A_9 step %scan3A_10  : i32 {
      %mul3A_71 = arith.constant 640 : i32
      %mul3A_72 = arith.muli %arg1, %mul3A_71 : i32
      %mul3A_73 = arith.constant 128 : i32
      %mul3A_74 = arith.muli %scan3A_70, %mul3A_73 : i32
      %add3A_75 = arith.addi %mul3A_72, %mul3A_74 : i32
      "tpu.region"() ({
        %run_scoped3A_76 = tpu.sem_alloc : memref<!tpu.dma_semaphore, #tpu.memory_space<semaphore_mem>>
        %dma_start3A_77 = arith.constant 0 : i32
        %dma_start3A_78 = tpu.memref_slice %arg8[%add3A_75, %dma_start3A_77] : memref<10240x128xf32, #tpu.memory_space<vmem_shared>> -> memref<128x128xf32, #tpu.memory_space<vmem_shared>>
        %dma_start3A_79 = arith.constant 0 : i32
        %dma_start3A_80 = tpu.memref_slice %arg8[%add3A_75, %dma_start3A_79] : memref<10240x128xf32, #tpu.memory_space<vmem_shared>> -> memref<128x128xf32, #tpu.memory_space<vmem_shared>>
        tpu.enqueue_dma source(%arg6 : memref<128x128xf32, #tpu.memory_space<vmem>>) target(%dma_start3A_80 : memref<128x128xf32, #tpu.memory_space<vmem_shared>>) target_semaphore(%run_scoped3A_76 : memref<!tpu.dma_semaphore, #tpu.memory_space<semaphore_mem>>)
        %dma_wait3A_81 = arith.constant 0 : i32
        %dma_wait3A_82 = tpu.memref_slice %arg8[%add3A_75, %dma_wait3A_81] : memref<10240x128xf32, #tpu.memory_space<vmem_shared>> -> memref<128x128xf32, #tpu.memory_space<vmem_shared>>
        %dma_wait3A_83 = arith.constant 0 : i32
        %dma_wait3A_84 = tpu.memref_slice %arg8[%add3A_75, %dma_wait3A_83] : memref<10240x128xf32, #tpu.memory_space<vmem_shared>> -> memref<128x128xf32, #tpu.memory_space<vmem_shared>>
        tpu.wait_dma2 semaphore(%run_scoped3A_76 : memref<!tpu.dma_semaphore, #tpu.memory_space<semaphore_mem>>) src(%arg6 : memref<128x128xf32, #tpu.memory_space<vmem>>) dst(%dma_wait3A_84 : memref<128x128xf32, #tpu.memory_space<vmem_shared>>)
        tpu.yield
      }) : () -> ()
    }
    %scan3A_11 = arith.constant 5 : i32
    %barrier3A = arith.constant 0 : index
    tpu.barrier barrier_id(%barrier3A)
    %mul3A = arith.constant 80 : i32
    %mul3A_12 = arith.muli %arg1, %mul3A : i32
    "tpu.region"() ({
      %run_scoped3A_70 = tpu.sem_alloc : memref<!tpu.dma_semaphore, #tpu.memory_space<semaphore_mem>>
      %dma_start3A_71 = arith.constant 0 : i32
      %dma_start3A_72 = tpu.memref_slice %arg3[%mul3A_12, %dma_start3A_71] : memref<1344x128xi32, #tpu.memory_space<hbm>> -> memref<80x128xi32, #tpu.memory_space<hbm>>
      %dma_start3A_73 = arith.constant 0 : i32
      %dma_start3A_74 = tpu.memref_slice %arg3[%mul3A_12, %dma_start3A_73] : memref<1344x128xi32, #tpu.memory_space<hbm>> -> memref<80x128xi32, #tpu.memory_space<hbm>>
      tpu.enqueue_dma source(%dma_start3A_74 : memref<80x128xi32, #tpu.memory_space<hbm>>) target(%arg5 : memref<80x128xi32, #tpu.memory_space<vmem>>) target_semaphore(%run_scoped3A_70 : memref<!tpu.dma_semaphore, #tpu.memory_space<semaphore_mem>>)
      %dma_wait3A_75 = arith.constant 0 : i32
      %dma_wait3A_76 = tpu.memref_slice %arg3[%mul3A_12, %dma_wait3A_75] : memref<1344x128xi32, #tpu.memory_space<hbm>> -> memref<80x128xi32, #tpu.memory_space<hbm>>
      %dma_wait3A_77 = arith.constant 0 : i32
      %dma_wait3A_78 = tpu.memref_slice %arg3[%mul3A_12, %dma_wait3A_77] : memref<1344x128xi32, #tpu.memory_space<hbm>> -> memref<80x128xi32, #tpu.memory_space<hbm>>
      tpu.wait_dma2 semaphore(%run_scoped3A_70 : memref<!tpu.dma_semaphore, #tpu.memory_space<semaphore_mem>>) src(%dma_wait3A_78 : memref<80x128xi32, #tpu.memory_space<hbm>>) dst(%arg5 : memref<80x128xi32, #tpu.memory_space<vmem>>)
      tpu.yield
    }) : () -> ()
    %mul3A_13 = arith.constant 80 : i32
    %mul3A_14 = arith.muli %arg1, %mul3A_13 : i32
    %add3A = arith.constant 0 : i32
    %add3A_15 = arith.addi %mul3A_14, %add3A : i32
    %mul3A_16 = arith.constant 128 : i32
    %mul3A_17 = arith.muli %add3A_15, %mul3A_16 : i32
    %dma_start3A = arith.constant 0 : i32
    %dma_start3A_18 = tpu.memref_slice %arg2[%arg0, %mul3A_17, %dma_start3A] : memref<2x163840x128xf32, #tpu.memory_space<hbm>> -> memref<1x128x128xf32, #tpu.memory_space<hbm>>
    %dma_start3A_19 = tpu.memref_squeeze %dma_start3A_18 : memref<1x128x128xf32, #tpu.memory_space<hbm>> -> memref<128x128xf32, #tpu.memory_space<hbm>>
    %dma_start3A_20 = arith.constant 0 : i32
    %dma_start3A_21 = tpu.memref_slice %arg2[%arg0, %mul3A_17, %dma_start3A_20] : memref<2x163840x128xf32, #tpu.memory_space<hbm>> -> memref<1x128x128xf32, #tpu.memory_space<hbm>>
    %dma_start3A_22 = tpu.memref_squeeze %dma_start3A_21 : memref<1x128x128xf32, #tpu.memory_space<hbm>> -> memref<128x128xf32, #tpu.memory_space<hbm>>
    tpu.enqueue_dma source(%dma_start3A_22 : memref<128x128xf32, #tpu.memory_space<hbm>>) target(%arg6 : memref<128x128xf32, #tpu.memory_space<vmem>>) target_semaphore(%arg9 : memref<!tpu.dma_semaphore, #tpu.memory_space<semaphore_mem>>)
    %mul3A_23 = arith.constant 80 : i32
    %mul3A_24 = arith.muli %arg1, %mul3A_23 : i32
    %add3A_25 = arith.constant 1 : i32
    %add3A_26 = arith.addi %mul3A_24, %add3A_25 : i32
    %mul3A_27 = arith.constant 128 : i32
    %mul3A_28 = arith.muli %add3A_26, %mul3A_27 : i32
    %dma_start3A_29 = arith.constant 0 : i32
    %dma_start3A_30 = tpu.memref_slice %arg2[%arg0, %mul3A_28, %dma_start3A_29] : memref<2x163840x128xf32, #tpu.memory_space<hbm>> -> memref<1x128x128xf32, #tpu.memory_space<hbm>>
    %dma_start3A_31 = tpu.memref_squeeze %dma_start3A_30 : memref<1x128x128xf32, #tpu.memory_space<hbm>> -> memref<128x128xf32, #tpu.memory_space<hbm>>
    %dma_start3A_32 = arith.constant 0 : i32
    %dma_start3A_33 = tpu.memref_slice %arg2[%arg0, %mul3A_28, %dma_start3A_32] : memref<2x163840x128xf32, #tpu.memory_space<hbm>> -> memref<1x128x128xf32, #tpu.memory_space<hbm>>
    %dma_start3A_34 = tpu.memref_squeeze %dma_start3A_33 : memref<1x128x128xf32, #tpu.memory_space<hbm>> -> memref<128x128xf32, #tpu.memory_space<hbm>>
    tpu.enqueue_dma source(%dma_start3A_34 : memref<128x128xf32, #tpu.memory_space<hbm>>) target(%arg7 : memref<128x128xf32, #tpu.memory_space<vmem>>) target_semaphore(%arg10 : memref<!tpu.dma_semaphore, #tpu.memory_space<semaphore_mem>>)
    %scan3A_35 = arith.constant 0 : i32
    %scan3A_36 = arith.constant 0 : i32
    %scan3A_37 = arith.constant 39 : i32
    %scan3A_38 = arith.addi %scan3A_36, %scan3A_37 : i32
    %scan3A_39 = arith.constant 1 : i32
    scf.for %scan3A_70 = %scan3A_36 to %scan3A_38 step %scan3A_39  : i32 {
      %mul3A_71 = arith.constant 2 : i32
      %mul3A_72 = arith.muli %mul3A_71, %scan3A_70 : i32
      %mul3A_73 = arith.constant 80 : i32
      %mul3A_74 = arith.muli %arg1, %mul3A_73 : i32
      %add3A_75 = arith.addi %mul3A_74, %mul3A_72 : i32
      %mul3A_76 = arith.constant 128 : i32
      %mul3A_77 = arith.muli %add3A_75, %mul3A_76 : i32
      %dma_wait3A_78 = arith.constant 0 : i32
      %dma_wait3A_79 = tpu.memref_slice %arg2[%arg0, %mul3A_77, %dma_wait3A_78] : memref<2x163840x128xf32, #tpu.memory_space<hbm>> -> memref<1x128x128xf32, #tpu.memory_space<hbm>>
      %dma_wait3A_80 = tpu.memref_squeeze %dma_wait3A_79 : memref<1x128x128xf32, #tpu.memory_space<hbm>> -> memref<128x128xf32, #tpu.memory_space<hbm>>
      %dma_wait3A_81 = arith.constant 0 : i32
      %dma_wait3A_82 = tpu.memref_slice %arg2[%arg0, %mul3A_77, %dma_wait3A_81] : memref<2x163840x128xf32, #tpu.memory_space<hbm>> -> memref<1x128x128xf32, #tpu.memory_space<hbm>>
      %dma_wait3A_83 = tpu.memref_squeeze %dma_wait3A_82 : memref<1x128x128xf32, #tpu.memory_space<hbm>> -> memref<128x128xf32, #tpu.memory_space<hbm>>
      tpu.wait_dma2 semaphore(%arg9 : memref<!tpu.dma_semaphore, #tpu.memory_space<semaphore_mem>>) src(%dma_wait3A_83 : memref<128x128xf32, #tpu.memory_space<hbm>>) dst(%arg6 : memref<128x128xf32, #tpu.memory_space<vmem>>)
      "tpu.region"() ({
        %run_scoped3A_123 = tpu.sem_alloc : memref<!tpu.dma_semaphore, #tpu.memory_space<semaphore_mem>>
        %dma_start3A_124 = arith.constant 0 : i32
        %dma_start3A_125 = tpu.memref_slice %arg5[%mul3A_72, %dma_start3A_124] : memref<80x128xi32, #tpu.memory_space<vmem>> -> memref<1x128xi32, #tpu.memory_space<vmem>>
        %dma_start3A_126 = tpu.memref_squeeze %dma_start3A_125 : memref<1x128xi32, #tpu.memory_space<vmem>> -> memref<128xi32, #tpu.memory_space<vmem>>
        %dma_start3A_127 = arith.constant 0 : i32
        %dma_start3A_128 = arith.constant 0 : i32
        %dma_start3A_129 = tpu.memref_slice %arg8[%dma_start3A_127, %dma_start3A_128] : memref<10240x128xf32, #tpu.memory_space<vmem_shared>> -> memref<10240x128xf32, #tpu.memory_space<vmem_shared>>
        tpu.enqueue_indirect_dma source(%arg6 : memref<128x128xf32, #tpu.memory_space<vmem>>) target(%dma_start3A_129 : memref<10240x128xf32, #tpu.memory_space<vmem_shared>>) offsets(%dma_start3A_126 : memref<128xi32, #tpu.memory_space<vmem>>) semaphore(%run_scoped3A_123 : memref<!tpu.dma_semaphore, #tpu.memory_space<semaphore_mem>>) {add = true}
        %dma_wait3A_130 = arith.constant 0 : i32
        %dma_wait3A_131 = tpu.memref_slice %arg5[%mul3A_72, %dma_wait3A_130] : memref<80x128xi32, #tpu.memory_space<vmem>> -> memref<1x128xi32, #tpu.memory_space<vmem>>
        %dma_wait3A_132 = tpu.memref_squeeze %dma_wait3A_131 : memref<1x128xi32, #tpu.memory_space<vmem>> -> memref<128xi32, #tpu.memory_space<vmem>>
        %dma_wait3A_133 = arith.constant 0 : i32
        %dma_wait3A_134 = arith.constant 0 : i32
        %dma_wait3A_135 = tpu.memref_slice %arg8[%dma_wait3A_133, %dma_wait3A_134] : memref<10240x128xf32, #tpu.memory_space<vmem_shared>> -> memref<10240x128xf32, #tpu.memory_space<vmem_shared>>
        tpu.wait_indirect_dma semaphore(%run_scoped3A_123 : memref<!tpu.dma_semaphore, #tpu.memory_space<semaphore_mem>>) src(%arg6 : memref<128x128xf32, #tpu.memory_space<vmem>>) dst(%dma_wait3A_135 : memref<10240x128xf32, #tpu.memory_space<vmem_shared>>)
        tpu.yield
      }) : () -> ()
      %add3A_84 = arith.constant 2 : i32
      %add3A_85 = arith.addi %mul3A_72, %add3A_84 : i32
      %mul3A_86 = arith.constant 80 : i32
      %mul3A_87 = arith.muli %arg1, %mul3A_86 : i32
      %add3A_88 = arith.addi %mul3A_87, %add3A_85 : i32
      %mul3A_89 = arith.constant 128 : i32
      %mul3A_90 = arith.muli %add3A_88, %mul3A_89 : i32
      %dma_start3A_91 = arith.constant 0 : i32
      %dma_start3A_92 = tpu.memref_slice %arg2[%arg0, %mul3A_90, %dma_start3A_91] : memref<2x163840x128xf32, #tpu.memory_space<hbm>> -> memref<1x128x128xf32, #tpu.memory_space<hbm>>
      %dma_start3A_93 = tpu.memref_squeeze %dma_start3A_92 : memref<1x128x128xf32, #tpu.memory_space<hbm>> -> memref<128x128xf32, #tpu.memory_space<hbm>>
      %dma_start3A_94 = arith.constant 0 : i32
      %dma_start3A_95 = tpu.memref_slice %arg2[%arg0, %mul3A_90, %dma_start3A_94] : memref<2x163840x128xf32, #tpu.memory_space<hbm>> -> memref<1x128x128xf32, #tpu.memory_space<hbm>>
      %dma_start3A_96 = tpu.memref_squeeze %dma_start3A_95 : memref<1x128x128xf32, #tpu.memory_space<hbm>> -> memref<128x128xf32, #tpu.memory_space<hbm>>
      tpu.enqueue_dma source(%dma_start3A_96 : memref<128x128xf32, #tpu.memory_space<hbm>>) target(%arg6 : memref<128x128xf32, #tpu.memory_space<vmem>>) target_semaphore(%arg9 : memref<!tpu.dma_semaphore, #tpu.memory_space<semaphore_mem>>)
      %add3A_97 = arith.constant 1 : i32
      %add3A_98 = arith.addi %mul3A_72, %add3A_97 : i32
      %mul3A_99 = arith.constant 80 : i32
      %mul3A_100 = arith.muli %arg1, %mul3A_99 : i32
      %add3A_101 = arith.addi %mul3A_100, %add3A_98 : i32
      %mul3A_102 = arith.constant 128 : i32
      %mul3A_103 = arith.muli %add3A_101, %mul3A_102 : i32
      %dma_wait3A_104 = arith.constant 0 : i32
      %dma_wait3A_105 = tpu.memref_slice %arg2[%arg0, %mul3A_103, %dma_wait3A_104] : memref<2x163840x128xf32, #tpu.memory_space<hbm>> -> memref<1x128x128xf32, #tpu.memory_space<hbm>>
      %dma_wait3A_106 = tpu.memref_squeeze %dma_wait3A_105 : memref<1x128x128xf32, #tpu.memory_space<hbm>> -> memref<128x128xf32, #tpu.memory_space<hbm>>
      %dma_wait3A_107 = arith.constant 0 : i32
      %dma_wait3A_108 = tpu.memref_slice %arg2[%arg0, %mul3A_103, %dma_wait3A_107] : memref<2x163840x128xf32, #tpu.memory_space<hbm>> -> memref<1x128x128xf32, #tpu.memory_space<hbm>>
      %dma_wait3A_109 = tpu.memref_squeeze %dma_wait3A_108 : memref<1x128x128xf32, #tpu.memory_space<hbm>> -> memref<128x128xf32, #tpu.memory_space<hbm>>
      tpu.wait_dma2 semaphore(%arg10 : memref<!tpu.dma_semaphore, #tpu.memory_space<semaphore_mem>>) src(%dma_wait3A_109 : memref<128x128xf32, #tpu.memory_space<hbm>>) dst(%arg7 : memref<128x128xf32, #tpu.memory_space<vmem>>)
      "tpu.region"() ({
        %run_scoped3A_123 = tpu.sem_alloc : memref<!tpu.dma_semaphore, #tpu.memory_space<semaphore_mem>>
        %dma_start3A_124 = arith.constant 0 : i32
        %dma_start3A_125 = tpu.memref_slice %arg5[%add3A_98, %dma_start3A_124] : memref<80x128xi32, #tpu.memory_space<vmem>> -> memref<1x128xi32, #tpu.memory_space<vmem>>
        %dma_start3A_126 = tpu.memref_squeeze %dma_start3A_125 : memref<1x128xi32, #tpu.memory_space<vmem>> -> memref<128xi32, #tpu.memory_space<vmem>>
        %dma_start3A_127 = arith.constant 0 : i32
        %dma_start3A_128 = arith.constant 0 : i32
        %dma_start3A_129 = tpu.memref_slice %arg8[%dma_start3A_127, %dma_start3A_128] : memref<10240x128xf32, #tpu.memory_space<vmem_shared>> -> memref<10240x128xf32, #tpu.memory_space<vmem_shared>>
        tpu.enqueue_indirect_dma source(%arg7 : memref<128x128xf32, #tpu.memory_space<vmem>>) target(%dma_start3A_129 : memref<10240x128xf32, #tpu.memory_space<vmem_shared>>) offsets(%dma_start3A_126 : memref<128xi32, #tpu.memory_space<vmem>>) semaphore(%run_scoped3A_123 : memref<!tpu.dma_semaphore, #tpu.memory_space<semaphore_mem>>) {add = true}
        %dma_wait3A_130 = arith.constant 0 : i32
        %dma_wait3A_131 = tpu.memref_slice %arg5[%add3A_98, %dma_wait3A_130] : memref<80x128xi32, #tpu.memory_space<vmem>> -> memref<1x128xi32, #tpu.memory_space<vmem>>
        %dma_wait3A_132 = tpu.memref_squeeze %dma_wait3A_131 : memref<1x128xi32, #tpu.memory_space<vmem>> -> memref<128xi32, #tpu.memory_space<vmem>>
        %dma_wait3A_133 = arith.constant 0 : i32
        %dma_wait3A_134 = arith.constant 0 : i32
        %dma_wait3A_135 = tpu.memref_slice %arg8[%dma_wait3A_133, %dma_wait3A_134] : memref<10240x128xf32, #tpu.memory_space<vmem_shared>> -> memref<10240x128xf32, #tpu.memory_space<vmem_shared>>
        tpu.wait_indirect_dma semaphore(%run_scoped3A_123 : memref<!tpu.dma_semaphore, #tpu.memory_space<semaphore_mem>>) src(%arg7 : memref<128x128xf32, #tpu.memory_space<vmem>>) dst(%dma_wait3A_135 : memref<10240x128xf32, #tpu.memory_space<vmem_shared>>)
        tpu.yield
      }) : () -> ()
      %add3A_110 = arith.constant 3 : i32
      %add3A_111 = arith.addi %mul3A_72, %add3A_110 : i32
      %mul3A_112 = arith.constant 80 : i32
      %mul3A_113 = arith.muli %arg1, %mul3A_112 : i32
      %add3A_114 = arith.addi %mul3A_113, %add3A_111 : i32
      %mul3A_115 = arith.constant 128 : i32
      %mul3A_116 = arith.muli %add3A_114, %mul3A_115 : i32
      %dma_start3A_117 = arith.constant 0 : i32
      %dma_start3A_118 = tpu.memref_slice %arg2[%arg0, %mul3A_116, %dma_start3A_117] : memref<2x163840x128xf32, #tpu.memory_space<hbm>> -> memref<1x128x128xf32, #tpu.memory_space<hbm>>
      %dma_start3A_119 = tpu.memref_squeeze %dma_start3A_118 : memref<1x128x128xf32, #tpu.memory_space<hbm>> -> memref<128x128xf32, #tpu.memory_space<hbm>>
      %dma_start3A_120 = arith.constant 0 : i32
      %dma_start3A_121 = tpu.memref_slice %arg2[%arg0, %mul3A_116, %dma_start3A_120] : memref<2x163840x128xf32, #tpu.memory_space<hbm>> -> memref<1x128x128xf32, #tpu.memory_space<hbm>>
      %dma_start3A_122 = tpu.memref_squeeze %dma_start3A_121 : memref<1x128x128xf32, #tpu.memory_space<hbm>> -> memref<128x128xf32, #tpu.memory_space<hbm>>
      tpu.enqueue_dma source(%dma_start3A_122 : memref<128x128xf32, #tpu.memory_space<hbm>>) target(%arg7 : memref<128x128xf32, #tpu.memory_space<vmem>>) target_semaphore(%arg10 : memref<!tpu.dma_semaphore, #tpu.memory_space<semaphore_mem>>)
    }
    %scan3A_40 = arith.constant 39 : i32
    %mul3A_41 = arith.constant 80 : i32
    %mul3A_42 = arith.muli %arg1, %mul3A_41 : i32
    %add3A_43 = arith.constant 78 : i32
    %add3A_44 = arith.addi %mul3A_42, %add3A_43 : i32
    %mul3A_45 = arith.constant 128 : i32
    %mul3A_46 = arith.muli %add3A_44, %mul3A_45 : i32
    %dma_wait3A = arith.constant 0 : i32
    %dma_wait3A_47 = tpu.memref_slice %arg2[%arg0, %mul3A_46, %dma_wait3A] : memref<2x163840x128xf32, #tpu.memory_space<hbm>> -> memref<1x128x128xf32, #tpu.memory_space<hbm>>
    %dma_wait3A_48 = tpu.memref_squeeze %dma_wait3A_47 : memref<1x128x128xf32, #tpu.memory_space<hbm>> -> memref<128x128xf32, #tpu.memory_space<hbm>>
    %dma_wait3A_49 = arith.constant 0 : i32
    %dma_wait3A_50 = tpu.memref_slice %arg2[%arg0, %mul3A_46, %dma_wait3A_49] : memref<2x163840x128xf32, #tpu.memory_space<hbm>> -> memref<1x128x128xf32, #tpu.memory_space<hbm>>
    %dma_wait3A_51 = tpu.memref_squeeze %dma_wait3A_50 : memref<1x128x128xf32, #tpu.memory_space<hbm>> -> memref<128x128xf32, #tpu.memory_space<hbm>>
    tpu.wait_dma2 semaphore(%arg9 : memref<!tpu.dma_semaphore, #tpu.memory_space<semaphore_mem>>) src(%dma_wait3A_51 : memref<128x128xf32, #tpu.memory_space<hbm>>) dst(%arg6 : memref<128x128xf32, #tpu.memory_space<vmem>>)
    %run_scoped3A = arith.constant 78 : i32
    "tpu.region"() ({
      %run_scoped3A_70 = tpu.sem_alloc : memref<!tpu.dma_semaphore, #tpu.memory_space<semaphore_mem>>
      %dma_start3A_71 = arith.constant 0 : i32
      %dma_start3A_72 = tpu.memref_slice %arg5[%run_scoped3A, %dma_start3A_71] : memref<80x128xi32, #tpu.memory_space<vmem>> -> memref<1x128xi32, #tpu.memory_space<vmem>>
      %dma_start3A_73 = tpu.memref_squeeze %dma_start3A_72 : memref<1x128xi32, #tpu.memory_space<vmem>> -> memref<128xi32, #tpu.memory_space<vmem>>
      %dma_start3A_74 = arith.constant 0 : i32
      %dma_start3A_75 = arith.constant 0 : i32
      %dma_start3A_76 = tpu.memref_slice %arg8[%dma_start3A_74, %dma_start3A_75] : memref<10240x128xf32, #tpu.memory_space<vmem_shared>> -> memref<10240x128xf32, #tpu.memory_space<vmem_shared>>
      tpu.enqueue_indirect_dma source(%arg6 : memref<128x128xf32, #tpu.memory_space<vmem>>) target(%dma_start3A_76 : memref<10240x128xf32, #tpu.memory_space<vmem_shared>>) offsets(%dma_start3A_73 : memref<128xi32, #tpu.memory_space<vmem>>) semaphore(%run_scoped3A_70 : memref<!tpu.dma_semaphore, #tpu.memory_space<semaphore_mem>>) {add = true}
      %dma_wait3A_77 = arith.constant 0 : i32
      %dma_wait3A_78 = tpu.memref_slice %arg5[%run_scoped3A, %dma_wait3A_77] : memref<80x128xi32, #tpu.memory_space<vmem>> -> memref<1x128xi32, #tpu.memory_space<vmem>>
      %dma_wait3A_79 = tpu.memref_squeeze %dma_wait3A_78 : memref<1x128xi32, #tpu.memory_space<vmem>> -> memref<128xi32, #tpu.memory_space<vmem>>
      %dma_wait3A_80 = arith.constant 0 : i32
      %dma_wait3A_81 = arith.constant 0 : i32
      %dma_wait3A_82 = tpu.memref_slice %arg8[%dma_wait3A_80, %dma_wait3A_81] : memref<10240x128xf32, #tpu.memory_space<vmem_shared>> -> memref<10240x128xf32, #tpu.memory_space<vmem_shared>>
      tpu.wait_indirect_dma semaphore(%run_scoped3A_70 : memref<!tpu.dma_semaphore, #tpu.memory_space<semaphore_mem>>) src(%arg6 : memref<128x128xf32, #tpu.memory_space<vmem>>) dst(%dma_wait3A_82 : memref<10240x128xf32, #tpu.memory_space<vmem_shared>>)
      tpu.yield
    }) : () -> ()
    %mul3A_52 = arith.constant 80 : i32
    %mul3A_53 = arith.muli %arg1, %mul3A_52 : i32
    %add3A_54 = arith.constant 79 : i32
    %add3A_55 = arith.addi %mul3A_53, %add3A_54 : i32
    %mul3A_56 = arith.constant 128 : i32
    %mul3A_57 = arith.muli %add3A_55, %mul3A_56 : i32
    %dma_wait3A_58 = arith.constant 0 : i32
    %dma_wait3A_59 = tpu.memref_slice %arg2[%arg0, %mul3A_57, %dma_wait3A_58] : memref<2x163840x128xf32, #tpu.memory_space<hbm>> -> memref<1x128x128xf32, #tpu.memory_space<hbm>>
    %dma_wait3A_60 = tpu.memref_squeeze %dma_wait3A_59 : memref<1x128x128xf32, #tpu.memory_space<hbm>> -> memref<128x128xf32, #tpu.memory_space<hbm>>
    %dma_wait3A_61 = arith.constant 0 : i32
    %dma_wait3A_62 = tpu.memref_slice %arg2[%arg0, %mul3A_57, %dma_wait3A_61] : memref<2x163840x128xf32, #tpu.memory_space<hbm>> -> memref<1x128x128xf32, #tpu.memory_space<hbm>>
    %dma_wait3A_63 = tpu.memref_squeeze %dma_wait3A_62 : memref<1x128x128xf32, #tpu.memory_space<hbm>> -> memref<128x128xf32, #tpu.memory_space<hbm>>
    tpu.wait_dma2 semaphore(%arg10 : memref<!tpu.dma_semaphore, #tpu.memory_space<semaphore_mem>>) src(%dma_wait3A_63 : memref<128x128xf32, #tpu.memory_space<hbm>>) dst(%arg7 : memref<128x128xf32, #tpu.memory_space<vmem>>)
    %run_scoped3A_64 = arith.constant 79 : i32
    "tpu.region"() ({
      %run_scoped3A_70 = tpu.sem_alloc : memref<!tpu.dma_semaphore, #tpu.memory_space<semaphore_mem>>
      %dma_start3A_71 = arith.constant 0 : i32
      %dma_start3A_72 = tpu.memref_slice %arg5[%run_scoped3A_64, %dma_start3A_71] : memref<80x128xi32, #tpu.memory_space<vmem>> -> memref<1x128xi32, #tpu.memory_space<vmem>>
      %dma_start3A_73 = tpu.memref_squeeze %dma_start3A_72 : memref<1x128xi32, #tpu.memory_space<vmem>> -> memref<128xi32, #tpu.memory_space<vmem>>
      %dma_start3A_74 = arith.constant 0 : i32
      %dma_start3A_75 = arith.constant 0 : i32
      %dma_start3A_76 = tpu.memref_slice %arg8[%dma_start3A_74, %dma_start3A_75] : memref<10240x128xf32, #tpu.memory_space<vmem_shared>> -> memref<10240x128xf32, #tpu.memory_space<vmem_shared>>
      tpu.enqueue_indirect_dma source(%arg7 : memref<128x128xf32, #tpu.memory_space<vmem>>) target(%dma_start3A_76 : memref<10240x128xf32, #tpu.memory_space<vmem_shared>>) offsets(%dma_start3A_73 : memref<128xi32, #tpu.memory_space<vmem>>) semaphore(%run_scoped3A_70 : memref<!tpu.dma_semaphore, #tpu.memory_space<semaphore_mem>>) {add = true}
      %dma_wait3A_77 = arith.constant 0 : i32
      %dma_wait3A_78 = tpu.memref_slice %arg5[%run_scoped3A_64, %dma_wait3A_77] : memref<80x128xi32, #tpu.memory_space<vmem>> -> memref<1x128xi32, #tpu.memory_space<vmem>>
      %dma_wait3A_79 = tpu.memref_squeeze %dma_wait3A_78 : memref<1x128xi32, #tpu.memory_space<vmem>> -> memref<128xi32, #tpu.memory_space<vmem>>
      %dma_wait3A_80 = arith.constant 0 : i32
      %dma_wait3A_81 = arith.constant 0 : i32
      %dma_wait3A_82 = tpu.memref_slice %arg8[%dma_wait3A_80, %dma_wait3A_81] : memref<10240x128xf32, #tpu.memory_space<vmem_shared>> -> memref<10240x128xf32, #tpu.memory_space<vmem_shared>>
      tpu.wait_indirect_dma semaphore(%run_scoped3A_70 : memref<!tpu.dma_semaphore, #tpu.memory_space<semaphore_mem>>) src(%arg7 : memref<128x128xf32, #tpu.memory_space<vmem>>) dst(%dma_wait3A_82 : memref<10240x128xf32, #tpu.memory_space<vmem_shared>>)
      tpu.yield
    }) : () -> ()
    %barrier3A_65 = arith.constant 0 : index
    tpu.barrier barrier_id(%barrier3A_65)
    %mul3A_66 = arith.constant 640 : i32
    %mul3A_67 = arith.muli %arg1, %mul3A_66 : i32
    %mul3A_68 = arith.constant 640 : i32
    %mul3A_69 = arith.muli %arg1, %mul3A_68 : i32
    "tpu.region"() ({
      %run_scoped3A_70 = tpu.sem_alloc : memref<!tpu.dma_semaphore, #tpu.memory_space<semaphore_mem>>
      %dma_start3A_71 = arith.constant 0 : i32
      %dma_start3A_72 = tpu.memref_slice %arg4[%arg0, %mul3A_69, %dma_start3A_71] : memref<2x10240x128xf32, #tpu.memory_space<hbm>> -> memref<1x640x128xf32, #tpu.memory_space<hbm>>
      %dma_start3A_73 = tpu.memref_squeeze %dma_start3A_72 : memref<1x640x128xf32, #tpu.memory_space<hbm>> -> memref<640x128xf32, #tpu.memory_space<hbm>>
      %dma_start3A_74 = arith.constant 0 : i32
      %dma_start3A_75 = tpu.memref_slice %arg8[%mul3A_67, %dma_start3A_74] : memref<10240x128xf32, #tpu.memory_space<vmem_shared>> -> memref<640x128xf32, #tpu.memory_space<vmem_shared>>
      tpu.enqueue_dma source(%dma_start3A_75 : memref<640x128xf32, #tpu.memory_space<vmem_shared>>) target(%dma_start3A_73 : memref<640x128xf32, #tpu.memory_space<hbm>>) target_semaphore(%run_scoped3A_70 : memref<!tpu.dma_semaphore, #tpu.memory_space<semaphore_mem>>)
      %dma_wait3A_76 = arith.constant 0 : i32
      %dma_wait3A_77 = tpu.memref_slice %arg4[%arg0, %mul3A_69, %dma_wait3A_76] : memref<2x10240x128xf32, #tpu.memory_space<hbm>> -> memref<1x640x128xf32, #tpu.memory_space<hbm>>
      %dma_wait3A_78 = tpu.memref_squeeze %dma_wait3A_77 : memref<1x640x128xf32, #tpu.memory_space<hbm>> -> memref<640x128xf32, #tpu.memory_space<hbm>>
      %dma_wait3A_79 = arith.constant 0 : i32
      %dma_wait3A_80 = tpu.memref_slice %arg8[%mul3A_67, %dma_wait3A_79] : memref<10240x128xf32, #tpu.memory_space<vmem_shared>> -> memref<640x128xf32, #tpu.memory_space<vmem_shared>>
      tpu.wait_dma2 semaphore(%run_scoped3A_70 : memref<!tpu.dma_semaphore, #tpu.memory_space<semaphore_mem>>) src(%dma_wait3A_80 : memref<640x128xf32, #tpu.memory_space<vmem_shared>>) dst(%dma_wait3A_78 : memref<640x128xf32, #tpu.memory_space<hbm>>)
      tpu.yield
    }) : () -> ()
    return
  }
}

#map = affine_map<(d0, d1) -> (0, 0)>
module attributes {stable_mosaic.version = 14 : i64} {
  func.func @_gather_body(%arg0: i32, %arg1: i32, %arg2: memref<10240x128xf32, #tpu.memory_space<hbm>>, %arg3: memref<1344x128xi32, #tpu.memory_space<hbm>>, %arg4: memref<1344x128xi32, #tpu.memory_space<hbm>>, %arg5: memref<163840x128xf32, #tpu.memory_space<hbm>>, %arg6: memref<163840x128xf32, #tpu.memory_space<hbm>>, %arg7: memref<72x128xi32, #tpu.memory_space<vmem>>, %arg8: memref<72x128xi32, #tpu.memory_space<vmem>>, %arg9: memref<128x128xf32, #tpu.memory_space<vmem>>, %arg10: memref<128x128xf32, #tpu.memory_space<vmem>>, %arg11: memref<128x128xf32, #tpu.memory_space<vmem>>, %arg12: memref<128x128xf32, #tpu.memory_space<vmem>>, %arg13: memref<!tpu.dma_semaphore, #tpu.memory_space<semaphore_mem>>, %arg14: memref<!tpu.dma_semaphore, #tpu.memory_space<semaphore_mem>>, %arg15: memref<!tpu.dma_semaphore, #tpu.memory_space<semaphore_mem>>, %arg16: memref<!tpu.dma_semaphore, #tpu.memory_space<semaphore_mem>>) attributes {dimension_semantics = [#tpu.dimension_semantics<core_parallel>, #tpu.dimension_semantics<subcore_parallel>], iteration_bounds = array<i64: 2, 16>, scalar_prefetch = 0 : i64, scratch_operands = 10 : i64, tpu.core_type = #tpu.core_type<sc_vector_subcore>, window_params = [{transform_indices = #map}, {transform_indices = #map}, {transform_indices = #map}, {transform_indices = #map}, {transform_indices = #map}]} {
    %eq3A = arith.constant 0 : i32
    %eq3A_0 = arith.cmpi eq, %arg0, %eq3A : i32
    %jit3A = arith.constant 72 : i32
    %jit3A_1 = arith.constant 8 : i32
    %select_n3A = arith.select %eq3A_0, %jit3A, %jit3A_1 : i32
    %eq3A_2 = arith.constant 0 : i32
    %eq3A_3 = arith.cmpi eq, %arg0, %eq3A_2 : i32
    %mul3A = arith.constant 72 : i32
    %mul3A_4 = arith.muli %arg1, %mul3A : i32
    %mul3A_5 = arith.constant 8 : i32
    %mul3A_6 = arith.muli %arg1, %mul3A_5 : i32
    %add3A = arith.constant 1152 : i32
    %add3A_7 = arith.addi %add3A, %mul3A_6 : i32
    %select_n3A_8 = arith.select %eq3A_3, %mul3A_4, %add3A_7 : i32
    "tpu.region"() ({
      %run_scoped3A = tpu.sem_alloc : memref<!tpu.dma_semaphore, #tpu.memory_space<semaphore_mem>>
      %dma_start3A_98 = arith.constant 0 : i32
      %dma_start3A_99 = tpu.memref_slice %arg3[%select_n3A_8, %dma_start3A_98] : memref<1344x128xi32, #tpu.memory_space<hbm>> -> memref<72x128xi32, #tpu.memory_space<hbm>>
      %dma_start3A_100 = arith.constant 0 : i32
      %dma_start3A_101 = tpu.memref_slice %arg3[%select_n3A_8, %dma_start3A_100] : memref<1344x128xi32, #tpu.memory_space<hbm>> -> memref<72x128xi32, #tpu.memory_space<hbm>>
      tpu.enqueue_dma source(%dma_start3A_101 : memref<72x128xi32, #tpu.memory_space<hbm>>) target(%arg7 : memref<72x128xi32, #tpu.memory_space<vmem>>) target_semaphore(%run_scoped3A : memref<!tpu.dma_semaphore, #tpu.memory_space<semaphore_mem>>)
      %dma_wait3A_102 = arith.constant 0 : i32
      %dma_wait3A_103 = tpu.memref_slice %arg3[%select_n3A_8, %dma_wait3A_102] : memref<1344x128xi32, #tpu.memory_space<hbm>> -> memref<72x128xi32, #tpu.memory_space<hbm>>
      %dma_wait3A_104 = arith.constant 0 : i32
      %dma_wait3A_105 = tpu.memref_slice %arg3[%select_n3A_8, %dma_wait3A_104] : memref<1344x128xi32, #tpu.memory_space<hbm>> -> memref<72x128xi32, #tpu.memory_space<hbm>>
      tpu.wait_dma2 semaphore(%run_scoped3A : memref<!tpu.dma_semaphore, #tpu.memory_space<semaphore_mem>>) src(%dma_wait3A_105 : memref<72x128xi32, #tpu.memory_space<hbm>>) dst(%arg7 : memref<72x128xi32, #tpu.memory_space<vmem>>)
      tpu.yield
    }) : () -> ()
    "tpu.region"() ({
      %run_scoped3A = tpu.sem_alloc : memref<!tpu.dma_semaphore, #tpu.memory_space<semaphore_mem>>
      %dma_start3A_98 = arith.constant 0 : i32
      %dma_start3A_99 = tpu.memref_slice %arg4[%select_n3A_8, %dma_start3A_98] : memref<1344x128xi32, #tpu.memory_space<hbm>> -> memref<72x128xi32, #tpu.memory_space<hbm>>
      %dma_start3A_100 = arith.constant 0 : i32
      %dma_start3A_101 = tpu.memref_slice %arg4[%select_n3A_8, %dma_start3A_100] : memref<1344x128xi32, #tpu.memory_space<hbm>> -> memref<72x128xi32, #tpu.memory_space<hbm>>
      tpu.enqueue_dma source(%dma_start3A_101 : memref<72x128xi32, #tpu.memory_space<hbm>>) target(%arg8 : memref<72x128xi32, #tpu.memory_space<vmem>>) target_semaphore(%run_scoped3A : memref<!tpu.dma_semaphore, #tpu.memory_space<semaphore_mem>>)
      %dma_wait3A_102 = arith.constant 0 : i32
      %dma_wait3A_103 = tpu.memref_slice %arg4[%select_n3A_8, %dma_wait3A_102] : memref<1344x128xi32, #tpu.memory_space<hbm>> -> memref<72x128xi32, #tpu.memory_space<hbm>>
      %dma_wait3A_104 = arith.constant 0 : i32
      %dma_wait3A_105 = tpu.memref_slice %arg4[%select_n3A_8, %dma_wait3A_104] : memref<1344x128xi32, #tpu.memory_space<hbm>> -> memref<72x128xi32, #tpu.memory_space<hbm>>
      tpu.wait_dma2 semaphore(%run_scoped3A : memref<!tpu.dma_semaphore, #tpu.memory_space<semaphore_mem>>) src(%dma_wait3A_105 : memref<72x128xi32, #tpu.memory_space<hbm>>) dst(%arg8 : memref<72x128xi32, #tpu.memory_space<vmem>>)
      tpu.yield
    }) : () -> ()
    %dma_start3A = arith.constant 0 : i32
    %dma_start3A_9 = arith.constant 0 : i32
    %dma_start3A_10 = tpu.memref_slice %arg7[%dma_start3A, %dma_start3A_9] : memref<72x128xi32, #tpu.memory_space<vmem>> -> memref<1x128xi32, #tpu.memory_space<vmem>>
    %dma_start3A_11 = tpu.memref_squeeze %dma_start3A_10 : memref<1x128xi32, #tpu.memory_space<vmem>> -> memref<128xi32, #tpu.memory_space<vmem>>
    %dma_start3A_12 = arith.constant 0 : i32
    %dma_start3A_13 = arith.constant 0 : i32
    %dma_start3A_14 = tpu.memref_slice %arg2[%dma_start3A_12, %dma_start3A_13] : memref<10240x128xf32, #tpu.memory_space<hbm>> -> memref<10240x128xf32, #tpu.memory_space<hbm>>
    tpu.enqueue_indirect_dma source(%dma_start3A_14 : memref<10240x128xf32, #tpu.memory_space<hbm>>) target(%arg9 : memref<128x128xf32, #tpu.memory_space<vmem>>) offsets(%dma_start3A_11 : memref<128xi32, #tpu.memory_space<vmem>>) semaphore(%arg13 : memref<!tpu.dma_semaphore, #tpu.memory_space<semaphore_mem>>)
    %dma_start3A_15 = arith.constant 0 : i32
    %dma_start3A_16 = arith.constant 0 : i32
    %dma_start3A_17 = tpu.memref_slice %arg8[%dma_start3A_15, %dma_start3A_16] : memref<72x128xi32, #tpu.memory_space<vmem>> -> memref<1x128xi32, #tpu.memory_space<vmem>>
    %dma_start3A_18 = tpu.memref_squeeze %dma_start3A_17 : memref<1x128xi32, #tpu.memory_space<vmem>> -> memref<128xi32, #tpu.memory_space<vmem>>
    %dma_start3A_19 = arith.constant 0 : i32
    %dma_start3A_20 = arith.constant 0 : i32
    %dma_start3A_21 = tpu.memref_slice %arg2[%dma_start3A_19, %dma_start3A_20] : memref<10240x128xf32, #tpu.memory_space<hbm>> -> memref<10240x128xf32, #tpu.memory_space<hbm>>
    tpu.enqueue_indirect_dma source(%dma_start3A_21 : memref<10240x128xf32, #tpu.memory_space<hbm>>) target(%arg10 : memref<128x128xf32, #tpu.memory_space<vmem>>) offsets(%dma_start3A_18 : memref<128xi32, #tpu.memory_space<vmem>>) semaphore(%arg14 : memref<!tpu.dma_semaphore, #tpu.memory_space<semaphore_mem>>)
    %dma_start3A_22 = arith.constant 1 : i32
    %dma_start3A_23 = arith.constant 0 : i32
    %dma_start3A_24 = tpu.memref_slice %arg7[%dma_start3A_22, %dma_start3A_23] : memref<72x128xi32, #tpu.memory_space<vmem>> -> memref<1x128xi32, #tpu.memory_space<vmem>>
    %dma_start3A_25 = tpu.memref_squeeze %dma_start3A_24 : memref<1x128xi32, #tpu.memory_space<vmem>> -> memref<128xi32, #tpu.memory_space<vmem>>
    %dma_start3A_26 = arith.constant 0 : i32
    %dma_start3A_27 = arith.constant 0 : i32
    %dma_start3A_28 = tpu.memref_slice %arg2[%dma_start3A_26, %dma_start3A_27] : memref<10240x128xf32, #tpu.memory_space<hbm>> -> memref<10240x128xf32, #tpu.memory_space<hbm>>
    tpu.enqueue_indirect_dma source(%dma_start3A_28 : memref<10240x128xf32, #tpu.memory_space<hbm>>) target(%arg11 : memref<128x128xf32, #tpu.memory_space<vmem>>) offsets(%dma_start3A_25 : memref<128xi32, #tpu.memory_space<vmem>>) semaphore(%arg15 : memref<!tpu.dma_semaphore, #tpu.memory_space<semaphore_mem>>)
    %dma_start3A_29 = arith.constant 1 : i32
    %dma_start3A_30 = arith.constant 0 : i32
    %dma_start3A_31 = tpu.memref_slice %arg8[%dma_start3A_29, %dma_start3A_30] : memref<72x128xi32, #tpu.memory_space<vmem>> -> memref<1x128xi32, #tpu.memory_space<vmem>>
    %dma_start3A_32 = tpu.memref_squeeze %dma_start3A_31 : memref<1x128xi32, #tpu.memory_space<vmem>> -> memref<128xi32, #tpu.memory_space<vmem>>
    %dma_start3A_33 = arith.constant 0 : i32
    %dma_start3A_34 = arith.constant 0 : i32
    %dma_start3A_35 = tpu.memref_slice %arg2[%dma_start3A_33, %dma_start3A_34] : memref<10240x128xf32, #tpu.memory_space<hbm>> -> memref<10240x128xf32, #tpu.memory_space<hbm>>
    tpu.enqueue_indirect_dma source(%dma_start3A_35 : memref<10240x128xf32, #tpu.memory_space<hbm>>) target(%arg12 : memref<128x128xf32, #tpu.memory_space<vmem>>) offsets(%dma_start3A_32 : memref<128xi32, #tpu.memory_space<vmem>>) semaphore(%arg16 : memref<!tpu.dma_semaphore, #tpu.memory_space<semaphore_mem>>)
    %jit3A_36 = arith.constant 2 : i32
    %div3A = arith.divsi %select_n3A, %jit3A_36 : i32
    %sign3A = arith.constant 0 : i32
    %sign3A_37 = arith.cmpi sgt, %select_n3A, %sign3A : i32
    %sign3A_38 = arith.extui %sign3A_37 : i1 to i32
    %sign3A_39 = arith.constant 0 : i32
    %sign3A_40 = arith.cmpi slt, %select_n3A, %sign3A_39 : i32
    %sign3A_41 = arith.extui %sign3A_40 : i1 to i32
    %sign3A_42 = arith.subi %sign3A_38, %sign3A_41 : i32
    %sign3A_43 = arith.constant 0 : i32
    %sign3A_44 = arith.cmpi sgt, %jit3A_36, %sign3A_43 : i32
    %sign3A_45 = arith.extui %sign3A_44 : i1 to i32
    %sign3A_46 = arith.constant 0 : i32
    %sign3A_47 = arith.cmpi slt, %jit3A_36, %sign3A_46 : i32
    %sign3A_48 = arith.extui %sign3A_47 : i1 to i32
    %sign3A_49 = arith.subi %sign3A_45, %sign3A_48 : i32
    %ne3A = arith.cmpi ne, %sign3A_42, %sign3A_49 : i32
    %rem3A = arith.remsi %select_n3A, %jit3A_36 : i32
    %ne3A_50 = arith.constant 0 : i32
    %ne3A_51 = arith.cmpi ne, %rem3A, %ne3A_50 : i32
    %and3A = arith.andi %ne3A, %ne3A_51 : i1
    %sub3A = arith.constant 1 : i32
    %sub3A_52 = arith.subi %div3A, %sub3A : i32
    %select_n3A_53 = arith.select %and3A, %sub3A_52, %div3A : i32
    %sub3A_54 = arith.constant 1 : i32
    %sub3A_55 = arith.subi %select_n3A_53, %sub3A_54 : i32
    %while3A = arith.constant 0 : i32
    %while3A_56 = arith.constant 0 : i32
    %while3A_57 = arith.subi %sub3A_55, %while3A_56 : i32
    %while3A_58 = arith.addi %while3A_56, %while3A_57 : i32
    %while3A_59 = arith.constant 1 : i32
    %while3A_60 = arith.divsi %while3A_57, %while3A_59 : i32
    %while3A_61 = arith.muli %while3A_60, %while3A_59 : i32
    %while3A_62 = arith.addi %while3A_56, %while3A_61 : i32
    %while3A_63 = arith.constant 1 : i32
    scf.for %while3A_98 = %while3A_56 to %while3A_62 step %while3A_63  : i32 {
      %mul3A_99 = arith.constant 2 : i32
      %mul3A_100 = arith.muli %mul3A_99, %while3A_98 : i32
      %dma_wait3A_101 = arith.constant 0 : i32
      %dma_wait3A_102 = tpu.memref_slice %arg7[%mul3A_100, %dma_wait3A_101] : memref<72x128xi32, #tpu.memory_space<vmem>> -> memref<1x128xi32, #tpu.memory_space<vmem>>
      %dma_wait3A_103 = tpu.memref_squeeze %dma_wait3A_102 : memref<1x128xi32, #tpu.memory_space<vmem>> -> memref<128xi32, #tpu.memory_space<vmem>>
      %dma_wait3A_104 = arith.constant 0 : i32
      %dma_wait3A_105 = arith.constant 0 : i32
      %dma_wait3A_106 = tpu.memref_slice %arg2[%dma_wait3A_104, %dma_wait3A_105] : memref<10240x128xf32, #tpu.memory_space<hbm>> -> memref<10240x128xf32, #tpu.memory_space<hbm>>
      tpu.wait_indirect_dma semaphore(%arg13 : memref<!tpu.dma_semaphore, #tpu.memory_space<semaphore_mem>>) src(%dma_wait3A_106 : memref<10240x128xf32, #tpu.memory_space<hbm>>) dst(%arg9 : memref<128x128xf32, #tpu.memory_space<vmem>>)
      %dma_wait3A_107 = arith.constant 0 : i32
      %dma_wait3A_108 = tpu.memref_slice %arg8[%mul3A_100, %dma_wait3A_107] : memref<72x128xi32, #tpu.memory_space<vmem>> -> memref<1x128xi32, #tpu.memory_space<vmem>>
      %dma_wait3A_109 = tpu.memref_squeeze %dma_wait3A_108 : memref<1x128xi32, #tpu.memory_space<vmem>> -> memref<128xi32, #tpu.memory_space<vmem>>
      %dma_wait3A_110 = arith.constant 0 : i32
      %dma_wait3A_111 = arith.constant 0 : i32
      %dma_wait3A_112 = tpu.memref_slice %arg2[%dma_wait3A_110, %dma_wait3A_111] : memref<10240x128xf32, #tpu.memory_space<hbm>> -> memref<10240x128xf32, #tpu.memory_space<hbm>>
      tpu.wait_indirect_dma semaphore(%arg14 : memref<!tpu.dma_semaphore, #tpu.memory_space<semaphore_mem>>) src(%dma_wait3A_112 : memref<10240x128xf32, #tpu.memory_space<hbm>>) dst(%arg10 : memref<128x128xf32, #tpu.memory_space<vmem>>)
      %add3A_113 = arith.addi %select_n3A_8, %mul3A_100 : i32
      %mul3A_114 = arith.constant 128 : i32
      %mul3A_115 = arith.muli %add3A_113, %mul3A_114 : i32
      "tpu.region"() ({
        %run_scoped3A = tpu.sem_alloc : memref<!tpu.dma_semaphore, #tpu.memory_space<semaphore_mem>>
        %dma_start3A_161 = arith.constant 0 : i32
        %dma_start3A_162 = tpu.memref_slice %arg5[%mul3A_115, %dma_start3A_161] : memref<163840x128xf32, #tpu.memory_space<hbm>> -> memref<128x128xf32, #tpu.memory_space<hbm>>
        %dma_start3A_163 = arith.constant 0 : i32
        %dma_start3A_164 = tpu.memref_slice %arg5[%mul3A_115, %dma_start3A_163] : memref<163840x128xf32, #tpu.memory_space<hbm>> -> memref<128x128xf32, #tpu.memory_space<hbm>>
        tpu.enqueue_dma source(%arg9 : memref<128x128xf32, #tpu.memory_space<vmem>>) target(%dma_start3A_164 : memref<128x128xf32, #tpu.memory_space<hbm>>) target_semaphore(%run_scoped3A : memref<!tpu.dma_semaphore, #tpu.memory_space<semaphore_mem>>)
        %dma_wait3A_165 = arith.constant 0 : i32
        %dma_wait3A_166 = tpu.memref_slice %arg5[%mul3A_115, %dma_wait3A_165] : memref<163840x128xf32, #tpu.memory_space<hbm>> -> memref<128x128xf32, #tpu.memory_space<hbm>>
        %dma_wait3A_167 = arith.constant 0 : i32
        %dma_wait3A_168 = tpu.memref_slice %arg5[%mul3A_115, %dma_wait3A_167] : memref<163840x128xf32, #tpu.memory_space<hbm>> -> memref<128x128xf32, #tpu.memory_space<hbm>>
        tpu.wait_dma2 semaphore(%run_scoped3A : memref<!tpu.dma_semaphore, #tpu.memory_space<semaphore_mem>>) src(%arg9 : memref<128x128xf32, #tpu.memory_space<vmem>>) dst(%dma_wait3A_168 : memref<128x128xf32, #tpu.memory_space<hbm>>)
        tpu.yield
      }) : () -> ()
      "tpu.region"() ({
        %run_scoped3A = tpu.sem_alloc : memref<!tpu.dma_semaphore, #tpu.memory_space<semaphore_mem>>
        %dma_start3A_161 = arith.constant 0 : i32
        %dma_start3A_162 = tpu.memref_slice %arg6[%mul3A_115, %dma_start3A_161] : memref<163840x128xf32, #tpu.memory_space<hbm>> -> memref<128x128xf32, #tpu.memory_space<hbm>>
        %dma_start3A_163 = arith.constant 0 : i32
        %dma_start3A_164 = tpu.memref_slice %arg6[%mul3A_115, %dma_start3A_163] : memref<163840x128xf32, #tpu.memory_space<hbm>> -> memref<128x128xf32, #tpu.memory_space<hbm>>
        tpu.enqueue_dma source(%arg10 : memref<128x128xf32, #tpu.memory_space<vmem>>) target(%dma_start3A_164 : memref<128x128xf32, #tpu.memory_space<hbm>>) target_semaphore(%run_scoped3A : memref<!tpu.dma_semaphore, #tpu.memory_space<semaphore_mem>>)
        %dma_wait3A_165 = arith.constant 0 : i32
        %dma_wait3A_166 = tpu.memref_slice %arg6[%mul3A_115, %dma_wait3A_165] : memref<163840x128xf32, #tpu.memory_space<hbm>> -> memref<128x128xf32, #tpu.memory_space<hbm>>
        %dma_wait3A_167 = arith.constant 0 : i32
        %dma_wait3A_168 = tpu.memref_slice %arg6[%mul3A_115, %dma_wait3A_167] : memref<163840x128xf32, #tpu.memory_space<hbm>> -> memref<128x128xf32, #tpu.memory_space<hbm>>
        tpu.wait_dma2 semaphore(%run_scoped3A : memref<!tpu.dma_semaphore, #tpu.memory_space<semaphore_mem>>) src(%arg10 : memref<128x128xf32, #tpu.memory_space<vmem>>) dst(%dma_wait3A_168 : memref<128x128xf32, #tpu.memory_space<hbm>>)
        tpu.yield
      }) : () -> ()
      %add3A_116 = arith.constant 2 : i32
      %add3A_117 = arith.addi %mul3A_100, %add3A_116 : i32
      %dma_start3A_118 = arith.constant 0 : i32
      %dma_start3A_119 = tpu.memref_slice %arg7[%add3A_117, %dma_start3A_118] : memref<72x128xi32, #tpu.memory_space<vmem>> -> memref<1x128xi32, #tpu.memory_space<vmem>>
      %dma_start3A_120 = tpu.memref_squeeze %dma_start3A_119 : memref<1x128xi32, #tpu.memory_space<vmem>> -> memref<128xi32, #tpu.memory_space<vmem>>
      %dma_start3A_121 = arith.constant 0 : i32
      %dma_start3A_122 = arith.constant 0 : i32
      %dma_start3A_123 = tpu.memref_slice %arg2[%dma_start3A_121, %dma_start3A_122] : memref<10240x128xf32, #tpu.memory_space<hbm>> -> memref<10240x128xf32, #tpu.memory_space<hbm>>
      tpu.enqueue_indirect_dma source(%dma_start3A_123 : memref<10240x128xf32, #tpu.memory_space<hbm>>) target(%arg9 : memref<128x128xf32, #tpu.memory_space<vmem>>) offsets(%dma_start3A_120 : memref<128xi32, #tpu.memory_space<vmem>>) semaphore(%arg13 : memref<!tpu.dma_semaphore, #tpu.memory_space<semaphore_mem>>)
      %dma_start3A_124 = arith.constant 0 : i32
      %dma_start3A_125 = tpu.memref_slice %arg8[%add3A_117, %dma_start3A_124] : memref<72x128xi32, #tpu.memory_space<vmem>> -> memref<1x128xi32, #tpu.memory_space<vmem>>
      %dma_start3A_126 = tpu.memref_squeeze %dma_start3A_125 : memref<1x128xi32, #tpu.memory_space<vmem>> -> memref<128xi32, #tpu.memory_space<vmem>>
      %dma_start3A_127 = arith.constant 0 : i32
      %dma_start3A_128 = arith.constant 0 : i32
      %dma_start3A_129 = tpu.memref_slice %arg2[%dma_start3A_127, %dma_start3A_128] : memref<10240x128xf32, #tpu.memory_space<hbm>> -> memref<10240x128xf32, #tpu.memory_space<hbm>>
      tpu.enqueue_indirect_dma source(%dma_start3A_129 : memref<10240x128xf32, #tpu.memory_space<hbm>>) target(%arg10 : memref<128x128xf32, #tpu.memory_space<vmem>>) offsets(%dma_start3A_126 : memref<128xi32, #tpu.memory_space<vmem>>) semaphore(%arg14 : memref<!tpu.dma_semaphore, #tpu.memory_space<semaphore_mem>>)
      %add3A_130 = arith.constant 1 : i32
      %add3A_131 = arith.addi %mul3A_100, %add3A_130 : i32
      %dma_wait3A_132 = arith.constant 0 : i32
      %dma_wait3A_133 = tpu.memref_slice %arg7[%add3A_131, %dma_wait3A_132] : memref<72x128xi32, #tpu.memory_space<vmem>> -> memref<1x128xi32, #tpu.memory_space<vmem>>
      %dma_wait3A_134 = tpu.memref_squeeze %dma_wait3A_133 : memref<1x128xi32, #tpu.memory_space<vmem>> -> memref<128xi32, #tpu.memory_space<vmem>>
      %dma_wait3A_135 = arith.constant 0 : i32
      %dma_wait3A_136 = arith.constant 0 : i32
      %dma_wait3A_137 = tpu.memref_slice %arg2[%dma_wait3A_135, %dma_wait3A_136] : memref<10240x128xf32, #tpu.memory_space<hbm>> -> memref<10240x128xf32, #tpu.memory_space<hbm>>
      tpu.wait_indirect_dma semaphore(%arg15 : memref<!tpu.dma_semaphore, #tpu.memory_space<semaphore_mem>>) src(%dma_wait3A_137 : memref<10240x128xf32, #tpu.memory_space<hbm>>) dst(%arg11 : memref<128x128xf32, #tpu.memory_space<vmem>>)
      %dma_wait3A_138 = arith.constant 0 : i32
      %dma_wait3A_139 = tpu.memref_slice %arg8[%add3A_131, %dma_wait3A_138] : memref<72x128xi32, #tpu.memory_space<vmem>> -> memref<1x128xi32, #tpu.memory_space<vmem>>
      %dma_wait3A_140 = tpu.memref_squeeze %dma_wait3A_139 : memref<1x128xi32, #tpu.memory_space<vmem>> -> memref<128xi32, #tpu.memory_space<vmem>>
      %dma_wait3A_141 = arith.constant 0 : i32
      %dma_wait3A_142 = arith.constant 0 : i32
      %dma_wait3A_143 = tpu.memref_slice %arg2[%dma_wait3A_141, %dma_wait3A_142] : memref<10240x128xf32, #tpu.memory_space<hbm>> -> memref<10240x128xf32, #tpu.memory_space<hbm>>
      tpu.wait_indirect_dma semaphore(%arg16 : memref<!tpu.dma_semaphore, #tpu.memory_space<semaphore_mem>>) src(%dma_wait3A_143 : memref<10240x128xf32, #tpu.memory_space<hbm>>) dst(%arg12 : memref<128x128xf32, #tpu.memory_space<vmem>>)
      %add3A_144 = arith.addi %select_n3A_8, %add3A_131 : i32
      %mul3A_145 = arith.constant 128 : i32
      %mul3A_146 = arith.muli %add3A_144, %mul3A_145 : i32
      "tpu.region"() ({
        %run_scoped3A = tpu.sem_alloc : memref<!tpu.dma_semaphore, #tpu.memory_space<semaphore_mem>>
        %dma_start3A_161 = arith.constant 0 : i32
        %dma_start3A_162 = tpu.memref_slice %arg5[%mul3A_146, %dma_start3A_161] : memref<163840x128xf32, #tpu.memory_space<hbm>> -> memref<128x128xf32, #tpu.memory_space<hbm>>
        %dma_start3A_163 = arith.constant 0 : i32
        %dma_start3A_164 = tpu.memref_slice %arg5[%mul3A_146, %dma_start3A_163] : memref<163840x128xf32, #tpu.memory_space<hbm>> -> memref<128x128xf32, #tpu.memory_space<hbm>>
        tpu.enqueue_dma source(%arg11 : memref<128x128xf32, #tpu.memory_space<vmem>>) target(%dma_start3A_164 : memref<128x128xf32, #tpu.memory_space<hbm>>) target_semaphore(%run_scoped3A : memref<!tpu.dma_semaphore, #tpu.memory_space<semaphore_mem>>)
        %dma_wait3A_165 = arith.constant 0 : i32
        %dma_wait3A_166 = tpu.memref_slice %arg5[%mul3A_146, %dma_wait3A_165] : memref<163840x128xf32, #tpu.memory_space<hbm>> -> memref<128x128xf32, #tpu.memory_space<hbm>>
        %dma_wait3A_167 = arith.constant 0 : i32
        %dma_wait3A_168 = tpu.memref_slice %arg5[%mul3A_146, %dma_wait3A_167] : memref<163840x128xf32, #tpu.memory_space<hbm>> -> memref<128x128xf32, #tpu.memory_space<hbm>>
        tpu.wait_dma2 semaphore(%run_scoped3A : memref<!tpu.dma_semaphore, #tpu.memory_space<semaphore_mem>>) src(%arg11 : memref<128x128xf32, #tpu.memory_space<vmem>>) dst(%dma_wait3A_168 : memref<128x128xf32, #tpu.memory_space<hbm>>)
        tpu.yield
      }) : () -> ()
      "tpu.region"() ({
        %run_scoped3A = tpu.sem_alloc : memref<!tpu.dma_semaphore, #tpu.memory_space<semaphore_mem>>
        %dma_start3A_161 = arith.constant 0 : i32
        %dma_start3A_162 = tpu.memref_slice %arg6[%mul3A_146, %dma_start3A_161] : memref<163840x128xf32, #tpu.memory_space<hbm>> -> memref<128x128xf32, #tpu.memory_space<hbm>>
        %dma_start3A_163 = arith.constant 0 : i32
        %dma_start3A_164 = tpu.memref_slice %arg6[%mul3A_146, %dma_start3A_163] : memref<163840x128xf32, #tpu.memory_space<hbm>> -> memref<128x128xf32, #tpu.memory_space<hbm>>
        tpu.enqueue_dma source(%arg12 : memref<128x128xf32, #tpu.memory_space<vmem>>) target(%dma_start3A_164 : memref<128x128xf32, #tpu.memory_space<hbm>>) target_semaphore(%run_scoped3A : memref<!tpu.dma_semaphore, #tpu.memory_space<semaphore_mem>>)
        %dma_wait3A_165 = arith.constant 0 : i32
        %dma_wait3A_166 = tpu.memref_slice %arg6[%mul3A_146, %dma_wait3A_165] : memref<163840x128xf32, #tpu.memory_space<hbm>> -> memref<128x128xf32, #tpu.memory_space<hbm>>
        %dma_wait3A_167 = arith.constant 0 : i32
        %dma_wait3A_168 = tpu.memref_slice %arg6[%mul3A_146, %dma_wait3A_167] : memref<163840x128xf32, #tpu.memory_space<hbm>> -> memref<128x128xf32, #tpu.memory_space<hbm>>
        tpu.wait_dma2 semaphore(%run_scoped3A : memref<!tpu.dma_semaphore, #tpu.memory_space<semaphore_mem>>) src(%arg12 : memref<128x128xf32, #tpu.memory_space<vmem>>) dst(%dma_wait3A_168 : memref<128x128xf32, #tpu.memory_space<hbm>>)
        tpu.yield
      }) : () -> ()
      %add3A_147 = arith.constant 3 : i32
      %add3A_148 = arith.addi %mul3A_100, %add3A_147 : i32
      %dma_start3A_149 = arith.constant 0 : i32
      %dma_start3A_150 = tpu.memref_slice %arg7[%add3A_148, %dma_start3A_149] : memref<72x128xi32, #tpu.memory_space<vmem>> -> memref<1x128xi32, #tpu.memory_space<vmem>>
      %dma_start3A_151 = tpu.memref_squeeze %dma_start3A_150 : memref<1x128xi32, #tpu.memory_space<vmem>> -> memref<128xi32, #tpu.memory_space<vmem>>
      %dma_start3A_152 = arith.constant 0 : i32
      %dma_start3A_153 = arith.constant 0 : i32
      %dma_start3A_154 = tpu.memref_slice %arg2[%dma_start3A_152, %dma_start3A_153] : memref<10240x128xf32, #tpu.memory_space<hbm>> -> memref<10240x128xf32, #tpu.memory_space<hbm>>
      tpu.enqueue_indirect_dma source(%dma_start3A_154 : memref<10240x128xf32, #tpu.memory_space<hbm>>) target(%arg11 : memref<128x128xf32, #tpu.memory_space<vmem>>) offsets(%dma_start3A_151 : memref<128xi32, #tpu.memory_space<vmem>>) semaphore(%arg15 : memref<!tpu.dma_semaphore, #tpu.memory_space<semaphore_mem>>)
      %dma_start3A_155 = arith.constant 0 : i32
      %dma_start3A_156 = tpu.memref_slice %arg8[%add3A_148, %dma_start3A_155] : memref<72x128xi32, #tpu.memory_space<vmem>> -> memref<1x128xi32, #tpu.memory_space<vmem>>
      %dma_start3A_157 = tpu.memref_squeeze %dma_start3A_156 : memref<1x128xi32, #tpu.memory_space<vmem>> -> memref<128xi32, #tpu.memory_space<vmem>>
      %dma_start3A_158 = arith.constant 0 : i32
      %dma_start3A_159 = arith.constant 0 : i32
      %dma_start3A_160 = tpu.memref_slice %arg2[%dma_start3A_158, %dma_start3A_159] : memref<10240x128xf32, #tpu.memory_space<hbm>> -> memref<10240x128xf32, #tpu.memory_space<hbm>>
      tpu.enqueue_indirect_dma source(%dma_start3A_160 : memref<10240x128xf32, #tpu.memory_space<hbm>>) target(%arg12 : memref<128x128xf32, #tpu.memory_space<vmem>>) offsets(%dma_start3A_157 : memref<128xi32, #tpu.memory_space<vmem>>) semaphore(%arg16 : memref<!tpu.dma_semaphore, #tpu.memory_space<semaphore_mem>>)
    }
    %while3A_64 = arith.constant 1 : i32
    scf.for %while3A_98 = %while3A_62 to %while3A_58 step %while3A_64  : i32 {
      %mul3A_99 = arith.constant 2 : i32
      %mul3A_100 = arith.muli %mul3A_99, %while3A_98 : i32
      %dma_wait3A_101 = arith.constant 0 : i32
      %dma_wait3A_102 = tpu.memref_slice %arg7[%mul3A_100, %dma_wait3A_101] : memref<72x128xi32, #tpu.memory_space<vmem>> -> memref<1x128xi32, #tpu.memory_space<vmem>>
      %dma_wait3A_103 = tpu.memref_squeeze %dma_wait3A_102 : memref<1x128xi32, #tpu.memory_space<vmem>> -> memref<128xi32, #tpu.memory_space<vmem>>
      %dma_wait3A_104 = arith.constant 0 : i32
      %dma_wait3A_105 = arith.constant 0 : i32
      %dma_wait3A_106 = tpu.memref_slice %arg2[%dma_wait3A_104, %dma_wait3A_105] : memref<10240x128xf32, #tpu.memory_space<hbm>> -> memref<10240x128xf32, #tpu.memory_space<hbm>>
      tpu.wait_indirect_dma semaphore(%arg13 : memref<!tpu.dma_semaphore, #tpu.memory_space<semaphore_mem>>) src(%dma_wait3A_106 : memref<10240x128xf32, #tpu.memory_space<hbm>>) dst(%arg9 : memref<128x128xf32, #tpu.memory_space<vmem>>)
      %dma_wait3A_107 = arith.constant 0 : i32
      %dma_wait3A_108 = tpu.memref_slice %arg8[%mul3A_100, %dma_wait3A_107] : memref<72x128xi32, #tpu.memory_space<vmem>> -> memref<1x128xi32, #tpu.memory_space<vmem>>
      %dma_wait3A_109 = tpu.memref_squeeze %dma_wait3A_108 : memref<1x128xi32, #tpu.memory_space<vmem>> -> memref<128xi32, #tpu.memory_space<vmem>>
      %dma_wait3A_110 = arith.constant 0 : i32
      %dma_wait3A_111 = arith.constant 0 : i32
      %dma_wait3A_112 = tpu.memref_slice %arg2[%dma_wait3A_110, %dma_wait3A_111] : memref<10240x128xf32, #tpu.memory_space<hbm>> -> memref<10240x128xf32, #tpu.memory_space<hbm>>
      tpu.wait_indirect_dma semaphore(%arg14 : memref<!tpu.dma_semaphore, #tpu.memory_space<semaphore_mem>>) src(%dma_wait3A_112 : memref<10240x128xf32, #tpu.memory_space<hbm>>) dst(%arg10 : memref<128x128xf32, #tpu.memory_space<vmem>>)
      %add3A_113 = arith.addi %select_n3A_8, %mul3A_100 : i32
      %mul3A_114 = arith.constant 128 : i32
      %mul3A_115 = arith.muli %add3A_113, %mul3A_114 : i32
      "tpu.region"() ({
        %run_scoped3A = tpu.sem_alloc : memref<!tpu.dma_semaphore, #tpu.memory_space<semaphore_mem>>
        %dma_start3A_161 = arith.constant 0 : i32
        %dma_start3A_162 = tpu.memref_slice %arg5[%mul3A_115, %dma_start3A_161] : memref<163840x128xf32, #tpu.memory_space<hbm>> -> memref<128x128xf32, #tpu.memory_space<hbm>>
        %dma_start3A_163 = arith.constant 0 : i32
        %dma_start3A_164 = tpu.memref_slice %arg5[%mul3A_115, %dma_start3A_163] : memref<163840x128xf32, #tpu.memory_space<hbm>> -> memref<128x128xf32, #tpu.memory_space<hbm>>
        tpu.enqueue_dma source(%arg9 : memref<128x128xf32, #tpu.memory_space<vmem>>) target(%dma_start3A_164 : memref<128x128xf32, #tpu.memory_space<hbm>>) target_semaphore(%run_scoped3A : memref<!tpu.dma_semaphore, #tpu.memory_space<semaphore_mem>>)
        %dma_wait3A_165 = arith.constant 0 : i32
        %dma_wait3A_166 = tpu.memref_slice %arg5[%mul3A_115, %dma_wait3A_165] : memref<163840x128xf32, #tpu.memory_space<hbm>> -> memref<128x128xf32, #tpu.memory_space<hbm>>
        %dma_wait3A_167 = arith.constant 0 : i32
        %dma_wait3A_168 = tpu.memref_slice %arg5[%mul3A_115, %dma_wait3A_167] : memref<163840x128xf32, #tpu.memory_space<hbm>> -> memref<128x128xf32, #tpu.memory_space<hbm>>
        tpu.wait_dma2 semaphore(%run_scoped3A : memref<!tpu.dma_semaphore, #tpu.memory_space<semaphore_mem>>) src(%arg9 : memref<128x128xf32, #tpu.memory_space<vmem>>) dst(%dma_wait3A_168 : memref<128x128xf32, #tpu.memory_space<hbm>>)
        tpu.yield
      }) : () -> ()
      "tpu.region"() ({
        %run_scoped3A = tpu.sem_alloc : memref<!tpu.dma_semaphore, #tpu.memory_space<semaphore_mem>>
        %dma_start3A_161 = arith.constant 0 : i32
        %dma_start3A_162 = tpu.memref_slice %arg6[%mul3A_115, %dma_start3A_161] : memref<163840x128xf32, #tpu.memory_space<hbm>> -> memref<128x128xf32, #tpu.memory_space<hbm>>
        %dma_start3A_163 = arith.constant 0 : i32
        %dma_start3A_164 = tpu.memref_slice %arg6[%mul3A_115, %dma_start3A_163] : memref<163840x128xf32, #tpu.memory_space<hbm>> -> memref<128x128xf32, #tpu.memory_space<hbm>>
        tpu.enqueue_dma source(%arg10 : memref<128x128xf32, #tpu.memory_space<vmem>>) target(%dma_start3A_164 : memref<128x128xf32, #tpu.memory_space<hbm>>) target_semaphore(%run_scoped3A : memref<!tpu.dma_semaphore, #tpu.memory_space<semaphore_mem>>)
        %dma_wait3A_165 = arith.constant 0 : i32
        %dma_wait3A_166 = tpu.memref_slice %arg6[%mul3A_115, %dma_wait3A_165] : memref<163840x128xf32, #tpu.memory_space<hbm>> -> memref<128x128xf32, #tpu.memory_space<hbm>>
        %dma_wait3A_167 = arith.constant 0 : i32
        %dma_wait3A_168 = tpu.memref_slice %arg6[%mul3A_115, %dma_wait3A_167] : memref<163840x128xf32, #tpu.memory_space<hbm>> -> memref<128x128xf32, #tpu.memory_space<hbm>>
        tpu.wait_dma2 semaphore(%run_scoped3A : memref<!tpu.dma_semaphore, #tpu.memory_space<semaphore_mem>>) src(%arg10 : memref<128x128xf32, #tpu.memory_space<vmem>>) dst(%dma_wait3A_168 : memref<128x128xf32, #tpu.memory_space<hbm>>)
        tpu.yield
      }) : () -> ()
      %add3A_116 = arith.constant 2 : i32
      %add3A_117 = arith.addi %mul3A_100, %add3A_116 : i32
      %dma_start3A_118 = arith.constant 0 : i32
      %dma_start3A_119 = tpu.memref_slice %arg7[%add3A_117, %dma_start3A_118] : memref<72x128xi32, #tpu.memory_space<vmem>> -> memref<1x128xi32, #tpu.memory_space<vmem>>
      %dma_start3A_120 = tpu.memref_squeeze %dma_start3A_119 : memref<1x128xi32, #tpu.memory_space<vmem>> -> memref<128xi32, #tpu.memory_space<vmem>>
      %dma_start3A_121 = arith.constant 0 : i32
      %dma_start3A_122 = arith.constant 0 : i32
      %dma_start3A_123 = tpu.memref_slice %arg2[%dma_start3A_121, %dma_start3A_122] : memref<10240x128xf32, #tpu.memory_space<hbm>> -> memref<10240x128xf32, #tpu.memory_space<hbm>>
      tpu.enqueue_indirect_dma source(%dma_start3A_123 : memref<10240x128xf32, #tpu.memory_space<hbm>>) target(%arg9 : memref<128x128xf32, #tpu.memory_space<vmem>>) offsets(%dma_start3A_120 : memref<128xi32, #tpu.memory_space<vmem>>) semaphore(%arg13 : memref<!tpu.dma_semaphore, #tpu.memory_space<semaphore_mem>>)
      %dma_start3A_124 = arith.constant 0 : i32
      %dma_start3A_125 = tpu.memref_slice %arg8[%add3A_117, %dma_start3A_124] : memref<72x128xi32, #tpu.memory_space<vmem>> -> memref<1x128xi32, #tpu.memory_space<vmem>>
      %dma_start3A_126 = tpu.memref_squeeze %dma_start3A_125 : memref<1x128xi32, #tpu.memory_space<vmem>> -> memref<128xi32, #tpu.memory_space<vmem>>
      %dma_start3A_127 = arith.constant 0 : i32
      %dma_start3A_128 = arith.constant 0 : i32
      %dma_start3A_129 = tpu.memref_slice %arg2[%dma_start3A_127, %dma_start3A_128] : memref<10240x128xf32, #tpu.memory_space<hbm>> -> memref<10240x128xf32, #tpu.memory_space<hbm>>
      tpu.enqueue_indirect_dma source(%dma_start3A_129 : memref<10240x128xf32, #tpu.memory_space<hbm>>) target(%arg10 : memref<128x128xf32, #tpu.memory_space<vmem>>) offsets(%dma_start3A_126 : memref<128xi32, #tpu.memory_space<vmem>>) semaphore(%arg14 : memref<!tpu.dma_semaphore, #tpu.memory_space<semaphore_mem>>)
      %add3A_130 = arith.constant 1 : i32
      %add3A_131 = arith.addi %mul3A_100, %add3A_130 : i32
      %dma_wait3A_132 = arith.constant 0 : i32
      %dma_wait3A_133 = tpu.memref_slice %arg7[%add3A_131, %dma_wait3A_132] : memref<72x128xi32, #tpu.memory_space<vmem>> -> memref<1x128xi32, #tpu.memory_space<vmem>>
      %dma_wait3A_134 = tpu.memref_squeeze %dma_wait3A_133 : memref<1x128xi32, #tpu.memory_space<vmem>> -> memref<128xi32, #tpu.memory_space<vmem>>
      %dma_wait3A_135 = arith.constant 0 : i32
      %dma_wait3A_136 = arith.constant 0 : i32
      %dma_wait3A_137 = tpu.memref_slice %arg2[%dma_wait3A_135, %dma_wait3A_136] : memref<10240x128xf32, #tpu.memory_space<hbm>> -> memref<10240x128xf32, #tpu.memory_space<hbm>>
      tpu.wait_indirect_dma semaphore(%arg15 : memref<!tpu.dma_semaphore, #tpu.memory_space<semaphore_mem>>) src(%dma_wait3A_137 : memref<10240x128xf32, #tpu.memory_space<hbm>>) dst(%arg11 : memref<128x128xf32, #tpu.memory_space<vmem>>)
      %dma_wait3A_138 = arith.constant 0 : i32
      %dma_wait3A_139 = tpu.memref_slice %arg8[%add3A_131, %dma_wait3A_138] : memref<72x128xi32, #tpu.memory_space<vmem>> -> memref<1x128xi32, #tpu.memory_space<vmem>>
      %dma_wait3A_140 = tpu.memref_squeeze %dma_wait3A_139 : memref<1x128xi32, #tpu.memory_space<vmem>> -> memref<128xi32, #tpu.memory_space<vmem>>
      %dma_wait3A_141 = arith.constant 0 : i32
      %dma_wait3A_142 = arith.constant 0 : i32
      %dma_wait3A_143 = tpu.memref_slice %arg2[%dma_wait3A_141, %dma_wait3A_142] : memref<10240x128xf32, #tpu.memory_space<hbm>> -> memref<10240x128xf32, #tpu.memory_space<hbm>>
      tpu.wait_indirect_dma semaphore(%arg16 : memref<!tpu.dma_semaphore, #tpu.memory_space<semaphore_mem>>) src(%dma_wait3A_143 : memref<10240x128xf32, #tpu.memory_space<hbm>>) dst(%arg12 : memref<128x128xf32, #tpu.memory_space<vmem>>)
      %add3A_144 = arith.addi %select_n3A_8, %add3A_131 : i32
      %mul3A_145 = arith.constant 128 : i32
      %mul3A_146 = arith.muli %add3A_144, %mul3A_145 : i32
      "tpu.region"() ({
        %run_scoped3A = tpu.sem_alloc : memref<!tpu.dma_semaphore, #tpu.memory_space<semaphore_mem>>
        %dma_start3A_161 = arith.constant 0 : i32
        %dma_start3A_162 = tpu.memref_slice %arg5[%mul3A_146, %dma_start3A_161] : memref<163840x128xf32, #tpu.memory_space<hbm>> -> memref<128x128xf32, #tpu.memory_space<hbm>>
        %dma_start3A_163 = arith.constant 0 : i32
        %dma_start3A_164 = tpu.memref_slice %arg5[%mul3A_146, %dma_start3A_163] : memref<163840x128xf32, #tpu.memory_space<hbm>> -> memref<128x128xf32, #tpu.memory_space<hbm>>
        tpu.enqueue_dma source(%arg11 : memref<128x128xf32, #tpu.memory_space<vmem>>) target(%dma_start3A_164 : memref<128x128xf32, #tpu.memory_space<hbm>>) target_semaphore(%run_scoped3A : memref<!tpu.dma_semaphore, #tpu.memory_space<semaphore_mem>>)
        %dma_wait3A_165 = arith.constant 0 : i32
        %dma_wait3A_166 = tpu.memref_slice %arg5[%mul3A_146, %dma_wait3A_165] : memref<163840x128xf32, #tpu.memory_space<hbm>> -> memref<128x128xf32, #tpu.memory_space<hbm>>
        %dma_wait3A_167 = arith.constant 0 : i32
        %dma_wait3A_168 = tpu.memref_slice %arg5[%mul3A_146, %dma_wait3A_167] : memref<163840x128xf32, #tpu.memory_space<hbm>> -> memref<128x128xf32, #tpu.memory_space<hbm>>
        tpu.wait_dma2 semaphore(%run_scoped3A : memref<!tpu.dma_semaphore, #tpu.memory_space<semaphore_mem>>) src(%arg11 : memref<128x128xf32, #tpu.memory_space<vmem>>) dst(%dma_wait3A_168 : memref<128x128xf32, #tpu.memory_space<hbm>>)
        tpu.yield
      }) : () -> ()
      "tpu.region"() ({
        %run_scoped3A = tpu.sem_alloc : memref<!tpu.dma_semaphore, #tpu.memory_space<semaphore_mem>>
        %dma_start3A_161 = arith.constant 0 : i32
        %dma_start3A_162 = tpu.memref_slice %arg6[%mul3A_146, %dma_start3A_161] : memref<163840x128xf32, #tpu.memory_space<hbm>> -> memref<128x128xf32, #tpu.memory_space<hbm>>
        %dma_start3A_163 = arith.constant 0 : i32
        %dma_start3A_164 = tpu.memref_slice %arg6[%mul3A_146, %dma_start3A_163] : memref<163840x128xf32, #tpu.memory_space<hbm>> -> memref<128x128xf32, #tpu.memory_space<hbm>>
        tpu.enqueue_dma source(%arg12 : memref<128x128xf32, #tpu.memory_space<vmem>>) target(%dma_start3A_164 : memref<128x128xf32, #tpu.memory_space<hbm>>) target_semaphore(%run_scoped3A : memref<!tpu.dma_semaphore, #tpu.memory_space<semaphore_mem>>)
        %dma_wait3A_165 = arith.constant 0 : i32
        %dma_wait3A_166 = tpu.memref_slice %arg6[%mul3A_146, %dma_wait3A_165] : memref<163840x128xf32, #tpu.memory_space<hbm>> -> memref<128x128xf32, #tpu.memory_space<hbm>>
        %dma_wait3A_167 = arith.constant 0 : i32
        %dma_wait3A_168 = tpu.memref_slice %arg6[%mul3A_146, %dma_wait3A_167] : memref<163840x128xf32, #tpu.memory_space<hbm>> -> memref<128x128xf32, #tpu.memory_space<hbm>>
        tpu.wait_dma2 semaphore(%run_scoped3A : memref<!tpu.dma_semaphore, #tpu.memory_space<semaphore_mem>>) src(%arg12 : memref<128x128xf32, #tpu.memory_space<vmem>>) dst(%dma_wait3A_168 : memref<128x128xf32, #tpu.memory_space<hbm>>)
        tpu.yield
      }) : () -> ()
      %add3A_147 = arith.constant 3 : i32
      %add3A_148 = arith.addi %mul3A_100, %add3A_147 : i32
      %dma_start3A_149 = arith.constant 0 : i32
      %dma_start3A_150 = tpu.memref_slice %arg7[%add3A_148, %dma_start3A_149] : memref<72x128xi32, #tpu.memory_space<vmem>> -> memref<1x128xi32, #tpu.memory_space<vmem>>
      %dma_start3A_151 = tpu.memref_squeeze %dma_start3A_150 : memref<1x128xi32, #tpu.memory_space<vmem>> -> memref<128xi32, #tpu.memory_space<vmem>>
      %dma_start3A_152 = arith.constant 0 : i32
      %dma_start3A_153 = arith.constant 0 : i32
      %dma_start3A_154 = tpu.memref_slice %arg2[%dma_start3A_152, %dma_start3A_153] : memref<10240x128xf32, #tpu.memory_space<hbm>> -> memref<10240x128xf32, #tpu.memory_space<hbm>>
      tpu.enqueue_indirect_dma source(%dma_start3A_154 : memref<10240x128xf32, #tpu.memory_space<hbm>>) target(%arg11 : memref<128x128xf32, #tpu.memory_space<vmem>>) offsets(%dma_start3A_151 : memref<128xi32, #tpu.memory_space<vmem>>) semaphore(%arg15 : memref<!tpu.dma_semaphore, #tpu.memory_space<semaphore_mem>>)
      %dma_start3A_155 = arith.constant 0 : i32
      %dma_start3A_156 = tpu.memref_slice %arg8[%add3A_148, %dma_start3A_155] : memref<72x128xi32, #tpu.memory_space<vmem>> -> memref<1x128xi32, #tpu.memory_space<vmem>>
      %dma_start3A_157 = tpu.memref_squeeze %dma_start3A_156 : memref<1x128xi32, #tpu.memory_space<vmem>> -> memref<128xi32, #tpu.memory_space<vmem>>
      %dma_start3A_158 = arith.constant 0 : i32
      %dma_start3A_159 = arith.constant 0 : i32
      %dma_start3A_160 = tpu.memref_slice %arg2[%dma_start3A_158, %dma_start3A_159] : memref<10240x128xf32, #tpu.memory_space<hbm>> -> memref<10240x128xf32, #tpu.memory_space<hbm>>
      tpu.enqueue_indirect_dma source(%dma_start3A_160 : memref<10240x128xf32, #tpu.memory_space<hbm>>) target(%arg12 : memref<128x128xf32, #tpu.memory_space<vmem>>) offsets(%dma_start3A_157 : memref<128xi32, #tpu.memory_space<vmem>>) semaphore(%arg16 : memref<!tpu.dma_semaphore, #tpu.memory_space<semaphore_mem>>)
    }
    %sub3A_65 = arith.constant 2 : i32
    %sub3A_66 = arith.subi %select_n3A, %sub3A_65 : i32
    %dma_wait3A = arith.constant 0 : i32
    %dma_wait3A_67 = tpu.memref_slice %arg7[%sub3A_66, %dma_wait3A] : memref<72x128xi32, #tpu.memory_space<vmem>> -> memref<1x128xi32, #tpu.memory_space<vmem>>
    %dma_wait3A_68 = tpu.memref_squeeze %dma_wait3A_67 : memref<1x128xi32, #tpu.memory_space<vmem>> -> memref<128xi32, #tpu.memory_space<vmem>>
    %dma_wait3A_69 = arith.constant 0 : i32
    %dma_wait3A_70 = arith.constant 0 : i32
    %dma_wait3A_71 = tpu.memref_slice %arg2[%dma_wait3A_69, %dma_wait3A_70] : memref<10240x128xf32, #tpu.memory_space<hbm>> -> memref<10240x128xf32, #tpu.memory_space<hbm>>
    tpu.wait_indirect_dma semaphore(%arg13 : memref<!tpu.dma_semaphore, #tpu.memory_space<semaphore_mem>>) src(%dma_wait3A_71 : memref<10240x128xf32, #tpu.memory_space<hbm>>) dst(%arg9 : memref<128x128xf32, #tpu.memory_space<vmem>>)
    %dma_wait3A_72 = arith.constant 0 : i32
    %dma_wait3A_73 = tpu.memref_slice %arg8[%sub3A_66, %dma_wait3A_72] : memref<72x128xi32, #tpu.memory_space<vmem>> -> memref<1x128xi32, #tpu.memory_space<vmem>>
    %dma_wait3A_74 = tpu.memref_squeeze %dma_wait3A_73 : memref<1x128xi32, #tpu.memory_space<vmem>> -> memref<128xi32, #tpu.memory_space<vmem>>
    %dma_wait3A_75 = arith.constant 0 : i32
    %dma_wait3A_76 = arith.constant 0 : i32
    %dma_wait3A_77 = tpu.memref_slice %arg2[%dma_wait3A_75, %dma_wait3A_76] : memref<10240x128xf32, #tpu.memory_space<hbm>> -> memref<10240x128xf32, #tpu.memory_space<hbm>>
    tpu.wait_indirect_dma semaphore(%arg14 : memref<!tpu.dma_semaphore, #tpu.memory_space<semaphore_mem>>) src(%dma_wait3A_77 : memref<10240x128xf32, #tpu.memory_space<hbm>>) dst(%arg10 : memref<128x128xf32, #tpu.memory_space<vmem>>)
    %add3A_78 = arith.addi %select_n3A_8, %sub3A_66 : i32
    %mul3A_79 = arith.constant 128 : i32
    %mul3A_80 = arith.muli %add3A_78, %mul3A_79 : i32
    "tpu.region"() ({
      %run_scoped3A = tpu.sem_alloc : memref<!tpu.dma_semaphore, #tpu.memory_space<semaphore_mem>>
      %dma_start3A_98 = arith.constant 0 : i32
      %dma_start3A_99 = tpu.memref_slice %arg5[%mul3A_80, %dma_start3A_98] : memref<163840x128xf32, #tpu.memory_space<hbm>> -> memref<128x128xf32, #tpu.memory_space<hbm>>
      %dma_start3A_100 = arith.constant 0 : i32
      %dma_start3A_101 = tpu.memref_slice %arg5[%mul3A_80, %dma_start3A_100] : memref<163840x128xf32, #tpu.memory_space<hbm>> -> memref<128x128xf32, #tpu.memory_space<hbm>>
      tpu.enqueue_dma source(%arg9 : memref<128x128xf32, #tpu.memory_space<vmem>>) target(%dma_start3A_101 : memref<128x128xf32, #tpu.memory_space<hbm>>) target_semaphore(%run_scoped3A : memref<!tpu.dma_semaphore, #tpu.memory_space<semaphore_mem>>)
      %dma_wait3A_102 = arith.constant 0 : i32
      %dma_wait3A_103 = tpu.memref_slice %arg5[%mul3A_80, %dma_wait3A_102] : memref<163840x128xf32, #tpu.memory_space<hbm>> -> memref<128x128xf32, #tpu.memory_space<hbm>>
      %dma_wait3A_104 = arith.constant 0 : i32
      %dma_wait3A_105 = tpu.memref_slice %arg5[%mul3A_80, %dma_wait3A_104] : memref<163840x128xf32, #tpu.memory_space<hbm>> -> memref<128x128xf32, #tpu.memory_space<hbm>>
      tpu.wait_dma2 semaphore(%run_scoped3A : memref<!tpu.dma_semaphore, #tpu.memory_space<semaphore_mem>>) src(%arg9 : memref<128x128xf32, #tpu.memory_space<vmem>>) dst(%dma_wait3A_105 : memref<128x128xf32, #tpu.memory_space<hbm>>)
      tpu.yield
    }) : () -> ()
    "tpu.region"() ({
      %run_scoped3A = tpu.sem_alloc : memref<!tpu.dma_semaphore, #tpu.memory_space<semaphore_mem>>
      %dma_start3A_98 = arith.constant 0 : i32
      %dma_start3A_99 = tpu.memref_slice %arg6[%mul3A_80, %dma_start3A_98] : memref<163840x128xf32, #tpu.memory_space<hbm>> -> memref<128x128xf32, #tpu.memory_space<hbm>>
      %dma_start3A_100 = arith.constant 0 : i32
      %dma_start3A_101 = tpu.memref_slice %arg6[%mul3A_80, %dma_start3A_100] : memref<163840x128xf32, #tpu.memory_space<hbm>> -> memref<128x128xf32, #tpu.memory_space<hbm>>
      tpu.enqueue_dma source(%arg10 : memref<128x128xf32, #tpu.memory_space<vmem>>) target(%dma_start3A_101 : memref<128x128xf32, #tpu.memory_space<hbm>>) target_semaphore(%run_scoped3A : memref<!tpu.dma_semaphore, #tpu.memory_space<semaphore_mem>>)
      %dma_wait3A_102 = arith.constant 0 : i32
      %dma_wait3A_103 = tpu.memref_slice %arg6[%mul3A_80, %dma_wait3A_102] : memref<163840x128xf32, #tpu.memory_space<hbm>> -> memref<128x128xf32, #tpu.memory_space<hbm>>
      %dma_wait3A_104 = arith.constant 0 : i32
      %dma_wait3A_105 = tpu.memref_slice %arg6[%mul3A_80, %dma_wait3A_104] : memref<163840x128xf32, #tpu.memory_space<hbm>> -> memref<128x128xf32, #tpu.memory_space<hbm>>
      tpu.wait_dma2 semaphore(%run_scoped3A : memref<!tpu.dma_semaphore, #tpu.memory_space<semaphore_mem>>) src(%arg10 : memref<128x128xf32, #tpu.memory_space<vmem>>) dst(%dma_wait3A_105 : memref<128x128xf32, #tpu.memory_space<hbm>>)
      tpu.yield
    }) : () -> ()
    %sub3A_81 = arith.constant 1 : i32
    %sub3A_82 = arith.subi %select_n3A, %sub3A_81 : i32
    %dma_wait3A_83 = arith.constant 0 : i32
    %dma_wait3A_84 = tpu.memref_slice %arg7[%sub3A_82, %dma_wait3A_83] : memref<72x128xi32, #tpu.memory_space<vmem>> -> memref<1x128xi32, #tpu.memory_space<vmem>>
    %dma_wait3A_85 = tpu.memref_squeeze %dma_wait3A_84 : memref<1x128xi32, #tpu.memory_space<vmem>> -> memref<128xi32, #tpu.memory_space<vmem>>
    %dma_wait3A_86 = arith.constant 0 : i32
    %dma_wait3A_87 = arith.constant 0 : i32
    %dma_wait3A_88 = tpu.memref_slice %arg2[%dma_wait3A_86, %dma_wait3A_87] : memref<10240x128xf32, #tpu.memory_space<hbm>> -> memref<10240x128xf32, #tpu.memory_space<hbm>>
    tpu.wait_indirect_dma semaphore(%arg15 : memref<!tpu.dma_semaphore, #tpu.memory_space<semaphore_mem>>) src(%dma_wait3A_88 : memref<10240x128xf32, #tpu.memory_space<hbm>>) dst(%arg11 : memref<128x128xf32, #tpu.memory_space<vmem>>)
    %dma_wait3A_89 = arith.constant 0 : i32
    %dma_wait3A_90 = tpu.memref_slice %arg8[%sub3A_82, %dma_wait3A_89] : memref<72x128xi32, #tpu.memory_space<vmem>> -> memref<1x128xi32, #tpu.memory_space<vmem>>
    %dma_wait3A_91 = tpu.memref_squeeze %dma_wait3A_90 : memref<1x128xi32, #tpu.memory_space<vmem>> -> memref<128xi32, #tpu.memory_space<vmem>>
    %dma_wait3A_92 = arith.constant 0 : i32
    %dma_wait3A_93 = arith.constant 0 : i32
    %dma_wait3A_94 = tpu.memref_slice %arg2[%dma_wait3A_92, %dma_wait3A_93] : memref<10240x128xf32, #tpu.memory_space<hbm>> -> memref<10240x128xf32, #tpu.memory_space<hbm>>
    tpu.wait_indirect_dma semaphore(%arg16 : memref<!tpu.dma_semaphore, #tpu.memory_space<semaphore_mem>>) src(%dma_wait3A_94 : memref<10240x128xf32, #tpu.memory_space<hbm>>) dst(%arg12 : memref<128x128xf32, #tpu.memory_space<vmem>>)
    %add3A_95 = arith.addi %select_n3A_8, %sub3A_82 : i32
    %mul3A_96 = arith.constant 128 : i32
    %mul3A_97 = arith.muli %add3A_95, %mul3A_96 : i32
    "tpu.region"() ({
      %run_scoped3A = tpu.sem_alloc : memref<!tpu.dma_semaphore, #tpu.memory_space<semaphore_mem>>
      %dma_start3A_98 = arith.constant 0 : i32
      %dma_start3A_99 = tpu.memref_slice %arg5[%mul3A_97, %dma_start3A_98] : memref<163840x128xf32, #tpu.memory_space<hbm>> -> memref<128x128xf32, #tpu.memory_space<hbm>>
      %dma_start3A_100 = arith.constant 0 : i32
      %dma_start3A_101 = tpu.memref_slice %arg5[%mul3A_97, %dma_start3A_100] : memref<163840x128xf32, #tpu.memory_space<hbm>> -> memref<128x128xf32, #tpu.memory_space<hbm>>
      tpu.enqueue_dma source(%arg11 : memref<128x128xf32, #tpu.memory_space<vmem>>) target(%dma_start3A_101 : memref<128x128xf32, #tpu.memory_space<hbm>>) target_semaphore(%run_scoped3A : memref<!tpu.dma_semaphore, #tpu.memory_space<semaphore_mem>>)
      %dma_wait3A_102 = arith.constant 0 : i32
      %dma_wait3A_103 = tpu.memref_slice %arg5[%mul3A_97, %dma_wait3A_102] : memref<163840x128xf32, #tpu.memory_space<hbm>> -> memref<128x128xf32, #tpu.memory_space<hbm>>
      %dma_wait3A_104 = arith.constant 0 : i32
      %dma_wait3A_105 = tpu.memref_slice %arg5[%mul3A_97, %dma_wait3A_104] : memref<163840x128xf32, #tpu.memory_space<hbm>> -> memref<128x128xf32, #tpu.memory_space<hbm>>
      tpu.wait_dma2 semaphore(%run_scoped3A : memref<!tpu.dma_semaphore, #tpu.memory_space<semaphore_mem>>) src(%arg11 : memref<128x128xf32, #tpu.memory_space<vmem>>) dst(%dma_wait3A_105 : memref<128x128xf32, #tpu.memory_space<hbm>>)
      tpu.yield
    }) : () -> ()
    "tpu.region"() ({
      %run_scoped3A = tpu.sem_alloc : memref<!tpu.dma_semaphore, #tpu.memory_space<semaphore_mem>>
      %dma_start3A_98 = arith.constant 0 : i32
      %dma_start3A_99 = tpu.memref_slice %arg6[%mul3A_97, %dma_start3A_98] : memref<163840x128xf32, #tpu.memory_space<hbm>> -> memref<128x128xf32, #tpu.memory_space<hbm>>
      %dma_start3A_100 = arith.constant 0 : i32
      %dma_start3A_101 = tpu.memref_slice %arg6[%mul3A_97, %dma_start3A_100] : memref<163840x128xf32, #tpu.memory_space<hbm>> -> memref<128x128xf32, #tpu.memory_space<hbm>>
      tpu.enqueue_dma source(%arg12 : memref<128x128xf32, #tpu.memory_space<vmem>>) target(%dma_start3A_101 : memref<128x128xf32, #tpu.memory_space<hbm>>) target_semaphore(%run_scoped3A : memref<!tpu.dma_semaphore, #tpu.memory_space<semaphore_mem>>)
      %dma_wait3A_102 = arith.constant 0 : i32
      %dma_wait3A_103 = tpu.memref_slice %arg6[%mul3A_97, %dma_wait3A_102] : memref<163840x128xf32, #tpu.memory_space<hbm>> -> memref<128x128xf32, #tpu.memory_space<hbm>>
      %dma_wait3A_104 = arith.constant 0 : i32
      %dma_wait3A_105 = tpu.memref_slice %arg6[%mul3A_97, %dma_wait3A_104] : memref<163840x128xf32, #tpu.memory_space<hbm>> -> memref<128x128xf32, #tpu.memory_space<hbm>>
      tpu.wait_dma2 semaphore(%run_scoped3A : memref<!tpu.dma_semaphore, #tpu.memory_space<semaphore_mem>>) src(%arg12 : memref<128x128xf32, #tpu.memory_space<vmem>>) dst(%dma_wait3A_105 : memref<128x128xf32, #tpu.memory_space<hbm>>)
      tpu.yield
    }) : () -> ()
    return
  }
}

#map = affine_map<(d0, d1) -> (0, 0, 0)>
#map1 = affine_map<(d0, d1) -> (0, 0)>
module attributes {stable_mosaic.version = 14 : i64} {
  func.func @_scatter_body(%arg0: i32, %arg1: i32, %arg2: memref<2x163840x128xf32, #tpu.memory_space<hbm>>, %arg3: memref<1344x128xi32, #tpu.memory_space<hbm>>, %arg4: memref<2x10240x128xf32, #tpu.memory_space<hbm>>, %arg5: memref<80x128xi32, #tpu.memory_space<vmem>>, %arg6: memref<128x128xf32, #tpu.memory_space<vmem>>, %arg7: memref<128x128xf32, #tpu.memory_space<vmem>>, %arg8: memref<10240x128xf32, #tpu.memory_space<vmem_shared>>, %arg9: memref<!tpu.dma_semaphore, #tpu.memory_space<semaphore_mem>>, %arg10: memref<!tpu.dma_semaphore, #tpu.memory_space<semaphore_mem>>) attributes {dimension_semantics = [#tpu.dimension_semantics<core_parallel>, #tpu.dimension_semantics<subcore_parallel>], iteration_bounds = array<i64: 2, 16>, scalar_prefetch = 0 : i64, scratch_operands = 6 : i64, tpu.core_type = #tpu.core_type<sc_vector_subcore>, window_params = [{transform_indices = #map}, {transform_indices = #map1}, {transform_indices = #map}]} {
    %broadcast_in_dim3A = arith.constant 0.000000e+00 : f32
    %broadcast_in_dim3A_0 = vector.broadcast %broadcast_in_dim3A : f32 to vector<16xf32>
    %scan3A = arith.constant 0 : i32
    %scan3A_1 = arith.constant 0 : i32
    %scan3A_2 = arith.constant 128 : i32
    %scan3A_3 = arith.addi %scan3A_1, %scan3A_2 : i32
    %scan3A_4 = arith.constant 1 : i32
    scf.for %scan3A_70 = %scan3A_1 to %scan3A_3 step %scan3A_4  : i32 {
      %swap3A = arith.index_cast %scan3A_70 : i32 to index
      %swap3A_71 = arith.constant 0 : index
      %swap3A_72 = tpu.vector_load %arg6[%swap3A, %swap3A_71] {strides = array<i32>} : memref<128x128xf32, #tpu.memory_space<vmem>>, vector<1x16xf32>,
      %swap3A_73 = vector.shape_cast %swap3A_72 : vector<1x16xf32> to vector<16xf32>
      %swap3A_74 = vector.shape_cast %broadcast_in_dim3A_0 : vector<16xf32> to vector<1x16xf32>
      tpu.vector_store %arg6[%swap3A, %swap3A_71], %swap3A_74 {strides = array<i32>} : memref<128x128xf32, #tpu.memory_space<vmem>>, vector<1x16xf32>,
      %swap3A_75 = arith.index_cast %scan3A_70 : i32 to index
      %swap3A_76 = arith.constant 16 : index
      %swap3A_77 = tpu.vector_load %arg6[%swap3A_75, %swap3A_76] {strides = array<i32>} : memref<128x128xf32, #tpu.memory_space<vmem>>, vector<1x16xf32>,
      %swap3A_78 = vector.shape_cast %swap3A_77 : vector<1x16xf32> to vector<16xf32>
      %swap3A_79 = vector.shape_cast %broadcast_in_dim3A_0 : vector<16xf32> to vector<1x16xf32>
      tpu.vector_store %arg6[%swap3A_75, %swap3A_76], %swap3A_79 {strides = array<i32>} : memref<128x128xf32, #tpu.memory_space<vmem>>, vector<1x16xf32>,
      %swap3A_80 = arith.index_cast %scan3A_70 : i32 to index
      %swap3A_81 = arith.constant 32 : index
      %swap3A_82 = tpu.vector_load %arg6[%swap3A_80, %swap3A_81] {strides = array<i32>} : memref<128x128xf32, #tpu.memory_space<vmem>>, vector<1x16xf32>,
      %swap3A_83 = vector.shape_cast %swap3A_82 : vector<1x16xf32> to vector<16xf32>
      %swap3A_84 = vector.shape_cast %broadcast_in_dim3A_0 : vector<16xf32> to vector<1x16xf32>
      tpu.vector_store %arg6[%swap3A_80, %swap3A_81], %swap3A_84 {strides = array<i32>} : memref<128x128xf32, #tpu.memory_space<vmem>>, vector<1x16xf32>,
      %swap3A_85 = arith.index_cast %scan3A_70 : i32 to index
      %swap3A_86 = arith.constant 48 : index
      %swap3A_87 = tpu.vector_load %arg6[%swap3A_85, %swap3A_86] {strides = array<i32>} : memref<128x128xf32, #tpu.memory_space<vmem>>, vector<1x16xf32>,
      %swap3A_88 = vector.shape_cast %swap3A_87 : vector<1x16xf32> to vector<16xf32>
      %swap3A_89 = vector.shape_cast %broadcast_in_dim3A_0 : vector<16xf32> to vector<1x16xf32>
      tpu.vector_store %arg6[%swap3A_85, %swap3A_86], %swap3A_89 {strides = array<i32>} : memref<128x128xf32, #tpu.memory_space<vmem>>, vector<1x16xf32>,
      %swap3A_90 = arith.index_cast %scan3A_70 : i32 to index
      %swap3A_91 = arith.constant 64 : index
      %swap3A_92 = tpu.vector_load %arg6[%swap3A_90, %swap3A_91] {strides = array<i32>} : memref<128x128xf32, #tpu.memory_space<vmem>>, vector<1x16xf32>,
      %swap3A_93 = vector.shape_cast %swap3A_92 : vector<1x16xf32> to vector<16xf32>
      %swap3A_94 = vector.shape_cast %broadcast_in_dim3A_0 : vector<16xf32> to vector<1x16xf32>
      tpu.vector_store %arg6[%swap3A_90, %swap3A_91], %swap3A_94 {strides = array<i32>} : memref<128x128xf32, #tpu.memory_space<vmem>>, vector<1x16xf32>,
      %swap3A_95 = arith.index_cast %scan3A_70 : i32 to index
      %swap3A_96 = arith.constant 80 : index
      %swap3A_97 = tpu.vector_load %arg6[%swap3A_95, %swap3A_96] {strides = array<i32>} : memref<128x128xf32, #tpu.memory_space<vmem>>, vector<1x16xf32>,
      %swap3A_98 = vector.shape_cast %swap3A_97 : vector<1x16xf32> to vector<16xf32>
      %swap3A_99 = vector.shape_cast %broadcast_in_dim3A_0 : vector<16xf32> to vector<1x16xf32>
      tpu.vector_store %arg6[%swap3A_95, %swap3A_96], %swap3A_99 {strides = array<i32>} : memref<128x128xf32, #tpu.memory_space<vmem>>, vector<1x16xf32>,
      %swap3A_100 = arith.index_cast %scan3A_70 : i32 to index
      %swap3A_101 = arith.constant 96 : index
      %swap3A_102 = tpu.vector_load %arg6[%swap3A_100, %swap3A_101] {strides = array<i32>} : memref<128x128xf32, #tpu.memory_space<vmem>>, vector<1x16xf32>,
      %swap3A_103 = vector.shape_cast %swap3A_102 : vector<1x16xf32> to vector<16xf32>
      %swap3A_104 = vector.shape_cast %broadcast_in_dim3A_0 : vector<16xf32> to vector<1x16xf32>
      tpu.vector_store %arg6[%swap3A_100, %swap3A_101], %swap3A_104 {strides = array<i32>} : memref<128x128xf32, #tpu.memory_space<vmem>>, vector<1x16xf32>,
      %swap3A_105 = arith.index_cast %scan3A_70 : i32 to index
      %swap3A_106 = arith.constant 112 : index
      %swap3A_107 = tpu.vector_load %arg6[%swap3A_105, %swap3A_106] {strides = array<i32>} : memref<128x128xf32, #tpu.memory_space<vmem>>, vector<1x16xf32>,
      %swap3A_108 = vector.shape_cast %swap3A_107 : vector<1x16xf32> to vector<16xf32>
      %swap3A_109 = vector.shape_cast %broadcast_in_dim3A_0 : vector<16xf32> to vector<1x16xf32>
      tpu.vector_store %arg6[%swap3A_105, %swap3A_106], %swap3A_109 {strides = array<i32>} : memref<128x128xf32, #tpu.memory_space<vmem>>, vector<1x16xf32>,
    }
    %scan3A_5 = arith.constant 128 : i32
    %scan3A_6 = arith.constant 0 : i32
    %scan3A_7 = arith.constant 0 : i32
    %scan3A_8 = arith.constant 5 : i32
    %scan3A_9 = arith.addi %scan3A_7, %scan3A_8 : i32
    %scan3A_10 = arith.constant 1 : i32
    scf.for %scan3A_70 = %scan3A_7 to %scan3A_9 step %scan3A_10  : i32 {
      %mul3A_71 = arith.constant 640 : i32
      %mul3A_72 = arith.muli %arg1, %mul3A_71 : i32
      %mul3A_73 = arith.constant 128 : i32
      %mul3A_74 = arith.muli %scan3A_70, %mul3A_73 : i32
      %add3A_75 = arith.addi %mul3A_72, %mul3A_74 : i32
      "tpu.region"() ({
        %run_scoped3A_76 = tpu.sem_alloc : memref<!tpu.dma_semaphore, #tpu.memory_space<semaphore_mem>>
        %dma_start3A_77 = arith.constant 0 : i32
        %dma_start3A_78 = tpu.memref_slice %arg8[%add3A_75, %dma_start3A_77] : memref<10240x128xf32, #tpu.memory_space<vmem_shared>> -> memref<128x128xf32, #tpu.memory_space<vmem_shared>>
        %dma_start3A_79 = arith.constant 0 : i32
        %dma_start3A_80 = tpu.memref_slice %arg8[%add3A_75, %dma_start3A_79] : memref<10240x128xf32, #tpu.memory_space<vmem_shared>> -> memref<128x128xf32, #tpu.memory_space<vmem_shared>>
        tpu.enqueue_dma source(%arg6 : memref<128x128xf32, #tpu.memory_space<vmem>>) target(%dma_start3A_80 : memref<128x128xf32, #tpu.memory_space<vmem_shared>>) target_semaphore(%run_scoped3A_76 : memref<!tpu.dma_semaphore, #tpu.memory_space<semaphore_mem>>)
        %dma_wait3A_81 = arith.constant 0 : i32
        %dma_wait3A_82 = tpu.memref_slice %arg8[%add3A_75, %dma_wait3A_81] : memref<10240x128xf32, #tpu.memory_space<vmem_shared>> -> memref<128x128xf32, #tpu.memory_space<vmem_shared>>
        %dma_wait3A_83 = arith.constant 0 : i32
        %dma_wait3A_84 = tpu.memref_slice %arg8[%add3A_75, %dma_wait3A_83] : memref<10240x128xf32, #tpu.memory_space<vmem_shared>> -> memref<128x128xf32, #tpu.memory_space<vmem_shared>>
        tpu.wait_dma2 semaphore(%run_scoped3A_76 : memref<!tpu.dma_semaphore, #tpu.memory_space<semaphore_mem>>) src(%arg6 : memref<128x128xf32, #tpu.memory_space<vmem>>) dst(%dma_wait3A_84 : memref<128x128xf32, #tpu.memory_space<vmem_shared>>)
        tpu.yield
      }) : () -> ()
    }
    %scan3A_11 = arith.constant 5 : i32
    %barrier3A = arith.constant 0 : index
    tpu.barrier barrier_id(%barrier3A)
    %mul3A = arith.constant 80 : i32
    %mul3A_12 = arith.muli %arg1, %mul3A : i32
    "tpu.region"() ({
      %run_scoped3A_70 = tpu.sem_alloc : memref<!tpu.dma_semaphore, #tpu.memory_space<semaphore_mem>>
      %dma_start3A_71 = arith.constant 0 : i32
      %dma_start3A_72 = tpu.memref_slice %arg3[%mul3A_12, %dma_start3A_71] : memref<1344x128xi32, #tpu.memory_space<hbm>> -> memref<80x128xi32, #tpu.memory_space<hbm>>
      %dma_start3A_73 = arith.constant 0 : i32
      %dma_start3A_74 = tpu.memref_slice %arg3[%mul3A_12, %dma_start3A_73] : memref<1344x128xi32, #tpu.memory_space<hbm>> -> memref<80x128xi32, #tpu.memory_space<hbm>>
      tpu.enqueue_dma source(%dma_start3A_74 : memref<80x128xi32, #tpu.memory_space<hbm>>) target(%arg5 : memref<80x128xi32, #tpu.memory_space<vmem>>) target_semaphore(%run_scoped3A_70 : memref<!tpu.dma_semaphore, #tpu.memory_space<semaphore_mem>>)
      %dma_wait3A_75 = arith.constant 0 : i32
      %dma_wait3A_76 = tpu.memref_slice %arg3[%mul3A_12, %dma_wait3A_75] : memref<1344x128xi32, #tpu.memory_space<hbm>> -> memref<80x128xi32, #tpu.memory_space<hbm>>
      %dma_wait3A_77 = arith.constant 0 : i32
      %dma_wait3A_78 = tpu.memref_slice %arg3[%mul3A_12, %dma_wait3A_77] : memref<1344x128xi32, #tpu.memory_space<hbm>> -> memref<80x128xi32, #tpu.memory_space<hbm>>
      tpu.wait_dma2 semaphore(%run_scoped3A_70 : memref<!tpu.dma_semaphore, #tpu.memory_space<semaphore_mem>>) src(%dma_wait3A_78 : memref<80x128xi32, #tpu.memory_space<hbm>>) dst(%arg5 : memref<80x128xi32, #tpu.memory_space<vmem>>)
      tpu.yield
    }) : () -> ()
    %mul3A_13 = arith.constant 80 : i32
    %mul3A_14 = arith.muli %arg1, %mul3A_13 : i32
    %add3A = arith.constant 0 : i32
    %add3A_15 = arith.addi %mul3A_14, %add3A : i32
    %mul3A_16 = arith.constant 128 : i32
    %mul3A_17 = arith.muli %add3A_15, %mul3A_16 : i32
    %dma_start3A = arith.constant 0 : i32
    %dma_start3A_18 = tpu.memref_slice %arg2[%arg0, %mul3A_17, %dma_start3A] : memref<2x163840x128xf32, #tpu.memory_space<hbm>> -> memref<1x128x128xf32, #tpu.memory_space<hbm>>
    %dma_start3A_19 = tpu.memref_squeeze %dma_start3A_18 : memref<1x128x128xf32, #tpu.memory_space<hbm>> -> memref<128x128xf32, #tpu.memory_space<hbm>>
    %dma_start3A_20 = arith.constant 0 : i32
    %dma_start3A_21 = tpu.memref_slice %arg2[%arg0, %mul3A_17, %dma_start3A_20] : memref<2x163840x128xf32, #tpu.memory_space<hbm>> -> memref<1x128x128xf32, #tpu.memory_space<hbm>>
    %dma_start3A_22 = tpu.memref_squeeze %dma_start3A_21 : memref<1x128x128xf32, #tpu.memory_space<hbm>> -> memref<128x128xf32, #tpu.memory_space<hbm>>
    tpu.enqueue_dma source(%dma_start3A_22 : memref<128x128xf32, #tpu.memory_space<hbm>>) target(%arg6 : memref<128x128xf32, #tpu.memory_space<vmem>>) target_semaphore(%arg9 : memref<!tpu.dma_semaphore, #tpu.memory_space<semaphore_mem>>)
    %mul3A_23 = arith.constant 80 : i32
    %mul3A_24 = arith.muli %arg1, %mul3A_23 : i32
    %add3A_25 = arith.constant 1 : i32
    %add3A_26 = arith.addi %mul3A_24, %add3A_25 : i32
    %mul3A_27 = arith.constant 128 : i32
    %mul3A_28 = arith.muli %add3A_26, %mul3A_27 : i32
    %dma_start3A_29 = arith.constant 0 : i32
    %dma_start3A_30 = tpu.memref_slice %arg2[%arg0, %mul3A_28, %dma_start3A_29] : memref<2x163840x128xf32, #tpu.memory_space<hbm>> -> memref<1x128x128xf32, #tpu.memory_space<hbm>>
    %dma_start3A_31 = tpu.memref_squeeze %dma_start3A_30 : memref<1x128x128xf32, #tpu.memory_space<hbm>> -> memref<128x128xf32, #tpu.memory_space<hbm>>
    %dma_start3A_32 = arith.constant 0 : i32
    %dma_start3A_33 = tpu.memref_slice %arg2[%arg0, %mul3A_28, %dma_start3A_32] : memref<2x163840x128xf32, #tpu.memory_space<hbm>> -> memref<1x128x128xf32, #tpu.memory_space<hbm>>
    %dma_start3A_34 = tpu.memref_squeeze %dma_start3A_33 : memref<1x128x128xf32, #tpu.memory_space<hbm>> -> memref<128x128xf32, #tpu.memory_space<hbm>>
    tpu.enqueue_dma source(%dma_start3A_34 : memref<128x128xf32, #tpu.memory_space<hbm>>) target(%arg7 : memref<128x128xf32, #tpu.memory_space<vmem>>) target_semaphore(%arg10 : memref<!tpu.dma_semaphore, #tpu.memory_space<semaphore_mem>>)
    %scan3A_35 = arith.constant 0 : i32
    %scan3A_36 = arith.constant 0 : i32
    %scan3A_37 = arith.constant 39 : i32
    %scan3A_38 = arith.addi %scan3A_36, %scan3A_37 : i32
    %scan3A_39 = arith.constant 1 : i32
    scf.for %scan3A_70 = %scan3A_36 to %scan3A_38 step %scan3A_39  : i32 {
      %mul3A_71 = arith.constant 2 : i32
      %mul3A_72 = arith.muli %mul3A_71, %scan3A_70 : i32
      %mul3A_73 = arith.constant 80 : i32
      %mul3A_74 = arith.muli %arg1, %mul3A_73 : i32
      %add3A_75 = arith.addi %mul3A_74, %mul3A_72 : i32
      %mul3A_76 = arith.constant 128 : i32
      %mul3A_77 = arith.muli %add3A_75, %mul3A_76 : i32
      %dma_wait3A_78 = arith.constant 0 : i32
      %dma_wait3A_79 = tpu.memref_slice %arg2[%arg0, %mul3A_77, %dma_wait3A_78] : memref<2x163840x128xf32, #tpu.memory_space<hbm>> -> memref<1x128x128xf32, #tpu.memory_space<hbm>>
      %dma_wait3A_80 = tpu.memref_squeeze %dma_wait3A_79 : memref<1x128x128xf32, #tpu.memory_space<hbm>> -> memref<128x128xf32, #tpu.memory_space<hbm>>
      %dma_wait3A_81 = arith.constant 0 : i32
      %dma_wait3A_82 = tpu.memref_slice %arg2[%arg0, %mul3A_77, %dma_wait3A_81] : memref<2x163840x128xf32, #tpu.memory_space<hbm>> -> memref<1x128x128xf32, #tpu.memory_space<hbm>>
      %dma_wait3A_83 = tpu.memref_squeeze %dma_wait3A_82 : memref<1x128x128xf32, #tpu.memory_space<hbm>> -> memref<128x128xf32, #tpu.memory_space<hbm>>
      tpu.wait_dma2 semaphore(%arg9 : memref<!tpu.dma_semaphore, #tpu.memory_space<semaphore_mem>>) src(%dma_wait3A_83 : memref<128x128xf32, #tpu.memory_space<hbm>>) dst(%arg6 : memref<128x128xf32, #tpu.memory_space<vmem>>)
      "tpu.region"() ({
        %run_scoped3A_123 = tpu.sem_alloc : memref<!tpu.dma_semaphore, #tpu.memory_space<semaphore_mem>>
        %dma_start3A_124 = arith.constant 0 : i32
        %dma_start3A_125 = tpu.memref_slice %arg5[%mul3A_72, %dma_start3A_124] : memref<80x128xi32, #tpu.memory_space<vmem>> -> memref<1x128xi32, #tpu.memory_space<vmem>>
        %dma_start3A_126 = tpu.memref_squeeze %dma_start3A_125 : memref<1x128xi32, #tpu.memory_space<vmem>> -> memref<128xi32, #tpu.memory_space<vmem>>
        %dma_start3A_127 = arith.constant 0 : i32
        %dma_start3A_128 = arith.constant 0 : i32
        %dma_start3A_129 = tpu.memref_slice %arg8[%dma_start3A_127, %dma_start3A_128] : memref<10240x128xf32, #tpu.memory_space<vmem_shared>> -> memref<10240x128xf32, #tpu.memory_space<vmem_shared>>
        tpu.enqueue_indirect_dma source(%arg6 : memref<128x128xf32, #tpu.memory_space<vmem>>) target(%dma_start3A_129 : memref<10240x128xf32, #tpu.memory_space<vmem_shared>>) offsets(%dma_start3A_126 : memref<128xi32, #tpu.memory_space<vmem>>) semaphore(%run_scoped3A_123 : memref<!tpu.dma_semaphore, #tpu.memory_space<semaphore_mem>>) {add = true}
        %dma_wait3A_130 = arith.constant 0 : i32
        %dma_wait3A_131 = tpu.memref_slice %arg5[%mul3A_72, %dma_wait3A_130] : memref<80x128xi32, #tpu.memory_space<vmem>> -> memref<1x128xi32, #tpu.memory_space<vmem>>
        %dma_wait3A_132 = tpu.memref_squeeze %dma_wait3A_131 : memref<1x128xi32, #tpu.memory_space<vmem>> -> memref<128xi32, #tpu.memory_space<vmem>>
        %dma_wait3A_133 = arith.constant 0 : i32
        %dma_wait3A_134 = arith.constant 0 : i32
        %dma_wait3A_135 = tpu.memref_slice %arg8[%dma_wait3A_133, %dma_wait3A_134] : memref<10240x128xf32, #tpu.memory_space<vmem_shared>> -> memref<10240x128xf32, #tpu.memory_space<vmem_shared>>
        tpu.wait_indirect_dma semaphore(%run_scoped3A_123 : memref<!tpu.dma_semaphore, #tpu.memory_space<semaphore_mem>>) src(%arg6 : memref<128x128xf32, #tpu.memory_space<vmem>>) dst(%dma_wait3A_135 : memref<10240x128xf32, #tpu.memory_space<vmem_shared>>)
        tpu.yield
      }) : () -> ()
      %add3A_84 = arith.constant 2 : i32
      %add3A_85 = arith.addi %mul3A_72, %add3A_84 : i32
      %mul3A_86 = arith.constant 80 : i32
      %mul3A_87 = arith.muli %arg1, %mul3A_86 : i32
      %add3A_88 = arith.addi %mul3A_87, %add3A_85 : i32
      %mul3A_89 = arith.constant 128 : i32
      %mul3A_90 = arith.muli %add3A_88, %mul3A_89 : i32
      %dma_start3A_91 = arith.constant 0 : i32
      %dma_start3A_92 = tpu.memref_slice %arg2[%arg0, %mul3A_90, %dma_start3A_91] : memref<2x163840x128xf32, #tpu.memory_space<hbm>> -> memref<1x128x128xf32, #tpu.memory_space<hbm>>
      %dma_start3A_93 = tpu.memref_squeeze %dma_start3A_92 : memref<1x128x128xf32, #tpu.memory_space<hbm>> -> memref<128x128xf32, #tpu.memory_space<hbm>>
      %dma_start3A_94 = arith.constant 0 : i32
      %dma_start3A_95 = tpu.memref_slice %arg2[%arg0, %mul3A_90, %dma_start3A_94] : memref<2x163840x128xf32, #tpu.memory_space<hbm>> -> memref<1x128x128xf32, #tpu.memory_space<hbm>>
      %dma_start3A_96 = tpu.memref_squeeze %dma_start3A_95 : memref<1x128x128xf32, #tpu.memory_space<hbm>> -> memref<128x128xf32, #tpu.memory_space<hbm>>
      tpu.enqueue_dma source(%dma_start3A_96 : memref<128x128xf32, #tpu.memory_space<hbm>>) target(%arg6 : memref<128x128xf32, #tpu.memory_space<vmem>>) target_semaphore(%arg9 : memref<!tpu.dma_semaphore, #tpu.memory_space<semaphore_mem>>)
      %add3A_97 = arith.constant 1 : i32
      %add3A_98 = arith.addi %mul3A_72, %add3A_97 : i32
      %mul3A_99 = arith.constant 80 : i32
      %mul3A_100 = arith.muli %arg1, %mul3A_99 : i32
      %add3A_101 = arith.addi %mul3A_100, %add3A_98 : i32
      %mul3A_102 = arith.constant 128 : i32
      %mul3A_103 = arith.muli %add3A_101, %mul3A_102 : i32
      %dma_wait3A_104 = arith.constant 0 : i32
      %dma_wait3A_105 = tpu.memref_slice %arg2[%arg0, %mul3A_103, %dma_wait3A_104] : memref<2x163840x128xf32, #tpu.memory_space<hbm>> -> memref<1x128x128xf32, #tpu.memory_space<hbm>>
      %dma_wait3A_106 = tpu.memref_squeeze %dma_wait3A_105 : memref<1x128x128xf32, #tpu.memory_space<hbm>> -> memref<128x128xf32, #tpu.memory_space<hbm>>
      %dma_wait3A_107 = arith.constant 0 : i32
      %dma_wait3A_108 = tpu.memref_slice %arg2[%arg0, %mul3A_103, %dma_wait3A_107] : memref<2x163840x128xf32, #tpu.memory_space<hbm>> -> memref<1x128x128xf32, #tpu.memory_space<hbm>>
      %dma_wait3A_109 = tpu.memref_squeeze %dma_wait3A_108 : memref<1x128x128xf32, #tpu.memory_space<hbm>> -> memref<128x128xf32, #tpu.memory_space<hbm>>
      tpu.wait_dma2 semaphore(%arg10 : memref<!tpu.dma_semaphore, #tpu.memory_space<semaphore_mem>>) src(%dma_wait3A_109 : memref<128x128xf32, #tpu.memory_space<hbm>>) dst(%arg7 : memref<128x128xf32, #tpu.memory_space<vmem>>)
      "tpu.region"() ({
        %run_scoped3A_123 = tpu.sem_alloc : memref<!tpu.dma_semaphore, #tpu.memory_space<semaphore_mem>>
        %dma_start3A_124 = arith.constant 0 : i32
        %dma_start3A_125 = tpu.memref_slice %arg5[%add3A_98, %dma_start3A_124] : memref<80x128xi32, #tpu.memory_space<vmem>> -> memref<1x128xi32, #tpu.memory_space<vmem>>
        %dma_start3A_126 = tpu.memref_squeeze %dma_start3A_125 : memref<1x128xi32, #tpu.memory_space<vmem>> -> memref<128xi32, #tpu.memory_space<vmem>>
        %dma_start3A_127 = arith.constant 0 : i32
        %dma_start3A_128 = arith.constant 0 : i32
        %dma_start3A_129 = tpu.memref_slice %arg8[%dma_start3A_127, %dma_start3A_128] : memref<10240x128xf32, #tpu.memory_space<vmem_shared>> -> memref<10240x128xf32, #tpu.memory_space<vmem_shared>>
        tpu.enqueue_indirect_dma source(%arg7 : memref<128x128xf32, #tpu.memory_space<vmem>>) target(%dma_start3A_129 : memref<10240x128xf32, #tpu.memory_space<vmem_shared>>) offsets(%dma_start3A_126 : memref<128xi32, #tpu.memory_space<vmem>>) semaphore(%run_scoped3A_123 : memref<!tpu.dma_semaphore, #tpu.memory_space<semaphore_mem>>) {add = true}
        %dma_wait3A_130 = arith.constant 0 : i32
        %dma_wait3A_131 = tpu.memref_slice %arg5[%add3A_98, %dma_wait3A_130] : memref<80x128xi32, #tpu.memory_space<vmem>> -> memref<1x128xi32, #tpu.memory_space<vmem>>
        %dma_wait3A_132 = tpu.memref_squeeze %dma_wait3A_131 : memref<1x128xi32, #tpu.memory_space<vmem>> -> memref<128xi32, #tpu.memory_space<vmem>>
        %dma_wait3A_133 = arith.constant 0 : i32
        %dma_wait3A_134 = arith.constant 0 : i32
        %dma_wait3A_135 = tpu.memref_slice %arg8[%dma_wait3A_133, %dma_wait3A_134] : memref<10240x128xf32, #tpu.memory_space<vmem_shared>> -> memref<10240x128xf32, #tpu.memory_space<vmem_shared>>
        tpu.wait_indirect_dma semaphore(%run_scoped3A_123 : memref<!tpu.dma_semaphore, #tpu.memory_space<semaphore_mem>>) src(%arg7 : memref<128x128xf32, #tpu.memory_space<vmem>>) dst(%dma_wait3A_135 : memref<10240x128xf32, #tpu.memory_space<vmem_shared>>)
        tpu.yield
      }) : () -> ()
      %add3A_110 = arith.constant 3 : i32
      %add3A_111 = arith.addi %mul3A_72, %add3A_110 : i32
      %mul3A_112 = arith.constant 80 : i32
      %mul3A_113 = arith.muli %arg1, %mul3A_112 : i32
      %add3A_114 = arith.addi %mul3A_113, %add3A_111 : i32
      %mul3A_115 = arith.constant 128 : i32
      %mul3A_116 = arith.muli %add3A_114, %mul3A_115 : i32
      %dma_start3A_117 = arith.constant 0 : i32
      %dma_start3A_118 = tpu.memref_slice %arg2[%arg0, %mul3A_116, %dma_start3A_117] : memref<2x163840x128xf32, #tpu.memory_space<hbm>> -> memref<1x128x128xf32, #tpu.memory_space<hbm>>
      %dma_start3A_119 = tpu.memref_squeeze %dma_start3A_118 : memref<1x128x128xf32, #tpu.memory_space<hbm>> -> memref<128x128xf32, #tpu.memory_space<hbm>>
      %dma_start3A_120 = arith.constant 0 : i32
      %dma_start3A_121 = tpu.memref_slice %arg2[%arg0, %mul3A_116, %dma_start3A_120] : memref<2x163840x128xf32, #tpu.memory_space<hbm>> -> memref<1x128x128xf32, #tpu.memory_space<hbm>>
      %dma_start3A_122 = tpu.memref_squeeze %dma_start3A_121 : memref<1x128x128xf32, #tpu.memory_space<hbm>> -> memref<128x128xf32, #tpu.memory_space<hbm>>
      tpu.enqueue_dma source(%dma_start3A_122 : memref<128x128xf32, #tpu.memory_space<hbm>>) target(%arg7 : memref<128x128xf32, #tpu.memory_space<vmem>>) target_semaphore(%arg10 : memref<!tpu.dma_semaphore, #tpu.memory_space<semaphore_mem>>)
    }
    %scan3A_40 = arith.constant 39 : i32
    %mul3A_41 = arith.constant 80 : i32
    %mul3A_42 = arith.muli %arg1, %mul3A_41 : i32
    %add3A_43 = arith.constant 78 : i32
    %add3A_44 = arith.addi %mul3A_42, %add3A_43 : i32
    %mul3A_45 = arith.constant 128 : i32
    %mul3A_46 = arith.muli %add3A_44, %mul3A_45 : i32
    %dma_wait3A = arith.constant 0 : i32
    %dma_wait3A_47 = tpu.memref_slice %arg2[%arg0, %mul3A_46, %dma_wait3A] : memref<2x163840x128xf32, #tpu.memory_space<hbm>> -> memref<1x128x128xf32, #tpu.memory_space<hbm>>
    %dma_wait3A_48 = tpu.memref_squeeze %dma_wait3A_47 : memref<1x128x128xf32, #tpu.memory_space<hbm>> -> memref<128x128xf32, #tpu.memory_space<hbm>>
    %dma_wait3A_49 = arith.constant 0 : i32
    %dma_wait3A_50 = tpu.memref_slice %arg2[%arg0, %mul3A_46, %dma_wait3A_49] : memref<2x163840x128xf32, #tpu.memory_space<hbm>> -> memref<1x128x128xf32, #tpu.memory_space<hbm>>
    %dma_wait3A_51 = tpu.memref_squeeze %dma_wait3A_50 : memref<1x128x128xf32, #tpu.memory_space<hbm>> -> memref<128x128xf32, #tpu.memory_space<hbm>>
    tpu.wait_dma2 semaphore(%arg9 : memref<!tpu.dma_semaphore, #tpu.memory_space<semaphore_mem>>) src(%dma_wait3A_51 : memref<128x128xf32, #tpu.memory_space<hbm>>) dst(%arg6 : memref<128x128xf32, #tpu.memory_space<vmem>>)
    %run_scoped3A = arith.constant 78 : i32
    "tpu.region"() ({
      %run_scoped3A_70 = tpu.sem_alloc : memref<!tpu.dma_semaphore, #tpu.memory_space<semaphore_mem>>
      %dma_start3A_71 = arith.constant 0 : i32
      %dma_start3A_72 = tpu.memref_slice %arg5[%run_scoped3A, %dma_start3A_71] : memref<80x128xi32, #tpu.memory_space<vmem>> -> memref<1x128xi32, #tpu.memory_space<vmem>>
      %dma_start3A_73 = tpu.memref_squeeze %dma_start3A_72 : memref<1x128xi32, #tpu.memory_space<vmem>> -> memref<128xi32, #tpu.memory_space<vmem>>
      %dma_start3A_74 = arith.constant 0 : i32
      %dma_start3A_75 = arith.constant 0 : i32
      %dma_start3A_76 = tpu.memref_slice %arg8[%dma_start3A_74, %dma_start3A_75] : memref<10240x128xf32, #tpu.memory_space<vmem_shared>> -> memref<10240x128xf32, #tpu.memory_space<vmem_shared>>
      tpu.enqueue_indirect_dma source(%arg6 : memref<128x128xf32, #tpu.memory_space<vmem>>) target(%dma_start3A_76 : memref<10240x128xf32, #tpu.memory_space<vmem_shared>>) offsets(%dma_start3A_73 : memref<128xi32, #tpu.memory_space<vmem>>) semaphore(%run_scoped3A_70 : memref<!tpu.dma_semaphore, #tpu.memory_space<semaphore_mem>>) {add = true}
      %dma_wait3A_77 = arith.constant 0 : i32
      %dma_wait3A_78 = tpu.memref_slice %arg5[%run_scoped3A, %dma_wait3A_77] : memref<80x128xi32, #tpu.memory_space<vmem>> -> memref<1x128xi32, #tpu.memory_space<vmem>>
      %dma_wait3A_79 = tpu.memref_squeeze %dma_wait3A_78 : memref<1x128xi32, #tpu.memory_space<vmem>> -> memref<128xi32, #tpu.memory_space<vmem>>
      %dma_wait3A_80 = arith.constant 0 : i32
      %dma_wait3A_81 = arith.constant 0 : i32
      %dma_wait3A_82 = tpu.memref_slice %arg8[%dma_wait3A_80, %dma_wait3A_81] : memref<10240x128xf32, #tpu.memory_space<vmem_shared>> -> memref<10240x128xf32, #tpu.memory_space<vmem_shared>>
      tpu.wait_indirect_dma semaphore(%run_scoped3A_70 : memref<!tpu.dma_semaphore, #tpu.memory_space<semaphore_mem>>) src(%arg6 : memref<128x128xf32, #tpu.memory_space<vmem>>) dst(%dma_wait3A_82 : memref<10240x128xf32, #tpu.memory_space<vmem_shared>>)
      tpu.yield
    }) : () -> ()
    %mul3A_52 = arith.constant 80 : i32
    %mul3A_53 = arith.muli %arg1, %mul3A_52 : i32
    %add3A_54 = arith.constant 79 : i32
    %add3A_55 = arith.addi %mul3A_53, %add3A_54 : i32
    %mul3A_56 = arith.constant 128 : i32
    %mul3A_57 = arith.muli %add3A_55, %mul3A_56 : i32
    %dma_wait3A_58 = arith.constant 0 : i32
    %dma_wait3A_59 = tpu.memref_slice %arg2[%arg0, %mul3A_57, %dma_wait3A_58] : memref<2x163840x128xf32, #tpu.memory_space<hbm>> -> memref<1x128x128xf32, #tpu.memory_space<hbm>>
    %dma_wait3A_60 = tpu.memref_squeeze %dma_wait3A_59 : memref<1x128x128xf32, #tpu.memory_space<hbm>> -> memref<128x128xf32, #tpu.memory_space<hbm>>
    %dma_wait3A_61 = arith.constant 0 : i32
    %dma_wait3A_62 = tpu.memref_slice %arg2[%arg0, %mul3A_57, %dma_wait3A_61] : memref<2x163840x128xf32, #tpu.memory_space<hbm>> -> memref<1x128x128xf32, #tpu.memory_space<hbm>>
    %dma_wait3A_63 = tpu.memref_squeeze %dma_wait3A_62 : memref<1x128x128xf32, #tpu.memory_space<hbm>> -> memref<128x128xf32, #tpu.memory_space<hbm>>
    tpu.wait_dma2 semaphore(%arg10 : memref<!tpu.dma_semaphore, #tpu.memory_space<semaphore_mem>>) src(%dma_wait3A_63 : memref<128x128xf32, #tpu.memory_space<hbm>>) dst(%arg7 : memref<128x128xf32, #tpu.memory_space<vmem>>)
    %run_scoped3A_64 = arith.constant 79 : i32
    "tpu.region"() ({
      %run_scoped3A_70 = tpu.sem_alloc : memref<!tpu.dma_semaphore, #tpu.memory_space<semaphore_mem>>
      %dma_start3A_71 = arith.constant 0 : i32
      %dma_start3A_72 = tpu.memref_slice %arg5[%run_scoped3A_64, %dma_start3A_71] : memref<80x128xi32, #tpu.memory_space<vmem>> -> memref<1x128xi32, #tpu.memory_space<vmem>>
      %dma_start3A_73 = tpu.memref_squeeze %dma_start3A_72 : memref<1x128xi32, #tpu.memory_space<vmem>> -> memref<128xi32, #tpu.memory_space<vmem>>
      %dma_start3A_74 = arith.constant 0 : i32
      %dma_start3A_75 = arith.constant 0 : i32
      %dma_start3A_76 = tpu.memref_slice %arg8[%dma_start3A_74, %dma_start3A_75] : memref<10240x128xf32, #tpu.memory_space<vmem_shared>> -> memref<10240x128xf32, #tpu.memory_space<vmem_shared>>
      tpu.enqueue_indirect_dma source(%arg7 : memref<128x128xf32, #tpu.memory_space<vmem>>) target(%dma_start3A_76 : memref<10240x128xf32, #tpu.memory_space<vmem_shared>>) offsets(%dma_start3A_73 : memref<128xi32, #tpu.memory_space<vmem>>) semaphore(%run_scoped3A_70 : memref<!tpu.dma_semaphore, #tpu.memory_space<semaphore_mem>>) {add = true}
      %dma_wait3A_77 = arith.constant 0 : i32
      %dma_wait3A_78 = tpu.memref_slice %arg5[%run_scoped3A_64, %dma_wait3A_77] : memref<80x128xi32, #tpu.memory_space<vmem>> -> memref<1x128xi32, #tpu.memory_space<vmem>>
      %dma_wait3A_79 = tpu.memref_squeeze %dma_wait3A_78 : memref<1x128xi32, #tpu.memory_space<vmem>> -> memref<128xi32, #tpu.memory_space<vmem>>
      %dma_wait3A_80 = arith.constant 0 : i32
      %dma_wait3A_81 = arith.constant 0 : i32
      %dma_wait3A_82 = tpu.memref_slice %arg8[%dma_wait3A_80, %dma_wait3A_81] : memref<10240x128xf32, #tpu.memory_space<vmem_shared>> -> memref<10240x128xf32, #tpu.memory_space<vmem_shared>>
      tpu.wait_indirect_dma semaphore(%run_scoped3A_70 : memref<!tpu.dma_semaphore, #tpu.memory_space<semaphore_mem>>) src(%arg7 : memref<128x128xf32, #tpu.memory_space<vmem>>) dst(%dma_wait3A_82 : memref<10240x128xf32, #tpu.memory_space<vmem_shared>>)
      tpu.yield
    }) : () -> ()
    %barrier3A_65 = arith.constant 0 : index
    tpu.barrier barrier_id(%barrier3A_65)
    %mul3A_66 = arith.constant 640 : i32
    %mul3A_67 = arith.muli %arg1, %mul3A_66 : i32
    %mul3A_68 = arith.constant 640 : i32
    %mul3A_69 = arith.muli %arg1, %mul3A_68 : i32
    "tpu.region"() ({
      %run_scoped3A_70 = tpu.sem_alloc : memref<!tpu.dma_semaphore, #tpu.memory_space<semaphore_mem>>
      %dma_start3A_71 = arith.constant 0 : i32
      %dma_start3A_72 = tpu.memref_slice %arg4[%arg0, %mul3A_69, %dma_start3A_71] : memref<2x10240x128xf32, #tpu.memory_space<hbm>> -> memref<1x640x128xf32, #tpu.memory_space<hbm>>
      %dma_start3A_73 = tpu.memref_squeeze %dma_start3A_72 : memref<1x640x128xf32, #tpu.memory_space<hbm>> -> memref<640x128xf32, #tpu.memory_space<hbm>>
      %dma_start3A_74 = arith.constant 0 : i32
      %dma_start3A_75 = tpu.memref_slice %arg8[%mul3A_67, %dma_start3A_74] : memref<10240x128xf32, #tpu.memory_space<vmem_shared>> -> memref<640x128xf32, #tpu.memory_space<vmem_shared>>
      tpu.enqueue_dma source(%dma_start3A_75 : memref<640x128xf32, #tpu.memory_space<vmem_shared>>) target(%dma_start3A_73 : memref<640x128xf32, #tpu.memory_space<hbm>>) target_semaphore(%run_scoped3A_70 : memref<!tpu.dma_semaphore, #tpu.memory_space<semaphore_mem>>)
      %dma_wait3A_76 = arith.constant 0 : i32
      %dma_wait3A_77 = tpu.memref_slice %arg4[%arg0, %mul3A_69, %dma_wait3A_76] : memref<2x10240x128xf32, #tpu.memory_space<hbm>> -> memref<1x640x128xf32, #tpu.memory_space<hbm>>
      %dma_wait3A_78 = tpu.memref_squeeze %dma_wait3A_77 : memref<1x640x128xf32, #tpu.memory_space<hbm>> -> memref<640x128xf32, #tpu.memory_space<hbm>>
      %dma_wait3A_79 = arith.constant 0 : i32
      %dma_wait3A_80 = tpu.memref_slice %arg8[%mul3A_67, %dma_wait3A_79] : memref<10240x128xf32, #tpu.memory_space<vmem_shared>> -> memref<640x128xf32, #tpu.memory_space<vmem_shared>>
      tpu.wait_dma2 semaphore(%run_scoped3A_70 : memref<!tpu.dma_semaphore, #tpu.memory_space<semaphore_mem>>) src(%dma_wait3A_80 : memref<640x128xf32, #tpu.memory_space<vmem_shared>>) dst(%dma_wait3A_78 : memref<640x128xf32, #tpu.memory_space<hbm>>)
      tpu.yield
    }) : () -> ()
    return
  }
}

#map = affine_map<(d0, d1) -> (0, 0)>
module attributes {stable_mosaic.version = 14 : i64} {
  func.func @_gather_body(%arg0: i32, %arg1: i32, %arg2: memref<10240x128xf32, #tpu.memory_space<hbm>>, %arg3: memref<1344x128xi32, #tpu.memory_space<hbm>>, %arg4: memref<1344x128xi32, #tpu.memory_space<hbm>>, %arg5: memref<163840x128xf32, #tpu.memory_space<hbm>>, %arg6: memref<163840x128xf32, #tpu.memory_space<hbm>>, %arg7: memref<72x128xi32, #tpu.memory_space<vmem>>, %arg8: memref<72x128xi32, #tpu.memory_space<vmem>>, %arg9: memref<128x128xf32, #tpu.memory_space<vmem>>, %arg10: memref<128x128xf32, #tpu.memory_space<vmem>>, %arg11: memref<128x128xf32, #tpu.memory_space<vmem>>, %arg12: memref<128x128xf32, #tpu.memory_space<vmem>>, %arg13: memref<!tpu.dma_semaphore, #tpu.memory_space<semaphore_mem>>, %arg14: memref<!tpu.dma_semaphore, #tpu.memory_space<semaphore_mem>>, %arg15: memref<!tpu.dma_semaphore, #tpu.memory_space<semaphore_mem>>, %arg16: memref<!tpu.dma_semaphore, #tpu.memory_space<semaphore_mem>>) attributes {dimension_semantics = [#tpu.dimension_semantics<core_parallel>, #tpu.dimension_semantics<subcore_parallel>], iteration_bounds = array<i64: 2, 16>, scalar_prefetch = 0 : i64, scratch_operands = 10 : i64, tpu.core_type = #tpu.core_type<sc_vector_subcore>, window_params = [{transform_indices = #map}, {transform_indices = #map}, {transform_indices = #map}, {transform_indices = #map}, {transform_indices = #map}]} {
    %eq3A = arith.constant 0 : i32
    %eq3A_0 = arith.cmpi eq, %arg0, %eq3A : i32
    %jit3A = arith.constant 72 : i32
    %jit3A_1 = arith.constant 8 : i32
    %select_n3A = arith.select %eq3A_0, %jit3A, %jit3A_1 : i32
    %eq3A_2 = arith.constant 0 : i32
    %eq3A_3 = arith.cmpi eq, %arg0, %eq3A_2 : i32
    %mul3A = arith.constant 72 : i32
    %mul3A_4 = arith.muli %arg1, %mul3A : i32
    %mul3A_5 = arith.constant 8 : i32
    %mul3A_6 = arith.muli %arg1, %mul3A_5 : i32
    %add3A = arith.constant 1152 : i32
    %add3A_7 = arith.addi %add3A, %mul3A_6 : i32
    %select_n3A_8 = arith.select %eq3A_3, %mul3A_4, %add3A_7 : i32
    "tpu.region"() ({
      %run_scoped3A = tpu.sem_alloc : memref<!tpu.dma_semaphore, #tpu.memory_space<semaphore_mem>>
      %dma_start3A_98 = arith.constant 0 : i32
      %dma_start3A_99 = tpu.memref_slice %arg3[%select_n3A_8, %dma_start3A_98] : memref<1344x128xi32, #tpu.memory_space<hbm>> -> memref<72x128xi32, #tpu.memory_space<hbm>>
      %dma_start3A_100 = arith.constant 0 : i32
      %dma_start3A_101 = tpu.memref_slice %arg3[%select_n3A_8, %dma_start3A_100] : memref<1344x128xi32, #tpu.memory_space<hbm>> -> memref<72x128xi32, #tpu.memory_space<hbm>>
      tpu.enqueue_dma source(%dma_start3A_101 : memref<72x128xi32, #tpu.memory_space<hbm>>) target(%arg7 : memref<72x128xi32, #tpu.memory_space<vmem>>) target_semaphore(%run_scoped3A : memref<!tpu.dma_semaphore, #tpu.memory_space<semaphore_mem>>)
      %dma_wait3A_102 = arith.constant 0 : i32
      %dma_wait3A_103 = tpu.memref_slice %arg3[%select_n3A_8, %dma_wait3A_102] : memref<1344x128xi32, #tpu.memory_space<hbm>> -> memref<72x128xi32, #tpu.memory_space<hbm>>
      %dma_wait3A_104 = arith.constant 0 : i32
      %dma_wait3A_105 = tpu.memref_slice %arg3[%select_n3A_8, %dma_wait3A_104] : memref<1344x128xi32, #tpu.memory_space<hbm>> -> memref<72x128xi32, #tpu.memory_space<hbm>>
      tpu.wait_dma2 semaphore(%run_scoped3A : memref<!tpu.dma_semaphore, #tpu.memory_space<semaphore_mem>>) src(%dma_wait3A_105 : memref<72x128xi32, #tpu.memory_space<hbm>>) dst(%arg7 : memref<72x128xi32, #tpu.memory_space<vmem>>)
      tpu.yield
    }) : () -> ()
    "tpu.region"() ({
      %run_scoped3A = tpu.sem_alloc : memref<!tpu.dma_semaphore, #tpu.memory_space<semaphore_mem>>
      %dma_start3A_98 = arith.constant 0 : i32
      %dma_start3A_99 = tpu.memref_slice %arg4[%select_n3A_8, %dma_start3A_98] : memref<1344x128xi32, #tpu.memory_space<hbm>> -> memref<72x128xi32, #tpu.memory_space<hbm>>
      %dma_start3A_100 = arith.constant 0 : i32
      %dma_start3A_101 = tpu.memref_slice %arg4[%select_n3A_8, %dma_start3A_100] : memref<1344x128xi32, #tpu.memory_space<hbm>> -> memref<72x128xi32, #tpu.memory_space<hbm>>
      tpu.enqueue_dma source(%dma_start3A_101 : memref<72x128xi32, #tpu.memory_space<hbm>>) target(%arg8 : memref<72x128xi32, #tpu.memory_space<vmem>>) target_semaphore(%run_scoped3A : memref<!tpu.dma_semaphore, #tpu.memory_space<semaphore_mem>>)
      %dma_wait3A_102 = arith.constant 0 : i32
      %dma_wait3A_103 = tpu.memref_slice %arg4[%select_n3A_8, %dma_wait3A_102] : memref<1344x128xi32, #tpu.memory_space<hbm>> -> memref<72x128xi32, #tpu.memory_space<hbm>>
      %dma_wait3A_104 = arith.constant 0 : i32
      %dma_wait3A_105 = tpu.memref_slice %arg4[%select_n3A_8, %dma_wait3A_104] : memref<1344x128xi32, #tpu.memory_space<hbm>> -> memref<72x128xi32, #tpu.memory_space<hbm>>
      tpu.wait_dma2 semaphore(%run_scoped3A : memref<!tpu.dma_semaphore, #tpu.memory_space<semaphore_mem>>) src(%dma_wait3A_105 : memref<72x128xi32, #tpu.memory_space<hbm>>) dst(%arg8 : memref<72x128xi32, #tpu.memory_space<vmem>>)
      tpu.yield
    }) : () -> ()
    %dma_start3A = arith.constant 0 : i32
    %dma_start3A_9 = arith.constant 0 : i32
    %dma_start3A_10 = tpu.memref_slice %arg7[%dma_start3A, %dma_start3A_9] : memref<72x128xi32, #tpu.memory_space<vmem>> -> memref<1x128xi32, #tpu.memory_space<vmem>>
    %dma_start3A_11 = tpu.memref_squeeze %dma_start3A_10 : memref<1x128xi32, #tpu.memory_space<vmem>> -> memref<128xi32, #tpu.memory_space<vmem>>
    %dma_start3A_12 = arith.constant 0 : i32
    %dma_start3A_13 = arith.constant 0 : i32
    %dma_start3A_14 = tpu.memref_slice %arg2[%dma_start3A_12, %dma_start3A_13] : memref<10240x128xf32, #tpu.memory_space<hbm>> -> memref<10240x128xf32, #tpu.memory_space<hbm>>
    tpu.enqueue_indirect_dma source(%dma_start3A_14 : memref<10240x128xf32, #tpu.memory_space<hbm>>) target(%arg9 : memref<128x128xf32, #tpu.memory_space<vmem>>) offsets(%dma_start3A_11 : memref<128xi32, #tpu.memory_space<vmem>>) semaphore(%arg13 : memref<!tpu.dma_semaphore, #tpu.memory_space<semaphore_mem>>)
    %dma_start3A_15 = arith.constant 0 : i32
    %dma_start3A_16 = arith.constant 0 : i32
    %dma_start3A_17 = tpu.memref_slice %arg8[%dma_start3A_15, %dma_start3A_16] : memref<72x128xi32, #tpu.memory_space<vmem>> -> memref<1x128xi32, #tpu.memory_space<vmem>>
    %dma_start3A_18 = tpu.memref_squeeze %dma_start3A_17 : memref<1x128xi32, #tpu.memory_space<vmem>> -> memref<128xi32, #tpu.memory_space<vmem>>
    %dma_start3A_19 = arith.constant 0 : i32
    %dma_start3A_20 = arith.constant 0 : i32
    %dma_start3A_21 = tpu.memref_slice %arg2[%dma_start3A_19, %dma_start3A_20] : memref<10240x128xf32, #tpu.memory_space<hbm>> -> memref<10240x128xf32, #tpu.memory_space<hbm>>
    tpu.enqueue_indirect_dma source(%dma_start3A_21 : memref<10240x128xf32, #tpu.memory_space<hbm>>) target(%arg10 : memref<128x128xf32, #tpu.memory_space<vmem>>) offsets(%dma_start3A_18 : memref<128xi32, #tpu.memory_space<vmem>>) semaphore(%arg14 : memref<!tpu.dma_semaphore, #tpu.memory_space<semaphore_mem>>)
    %dma_start3A_22 = arith.constant 1 : i32
    %dma_start3A_23 = arith.constant 0 : i32
    %dma_start3A_24 = tpu.memref_slice %arg7[%dma_start3A_22, %dma_start3A_23] : memref<72x128xi32, #tpu.memory_space<vmem>> -> memref<1x128xi32, #tpu.memory_space<vmem>>
    %dma_start3A_25 = tpu.memref_squeeze %dma_start3A_24 : memref<1x128xi32, #tpu.memory_space<vmem>> -> memref<128xi32, #tpu.memory_space<vmem>>
    %dma_start3A_26 = arith.constant 0 : i32
    %dma_start3A_27 = arith.constant 0 : i32
    %dma_start3A_28 = tpu.memref_slice %arg2[%dma_start3A_26, %dma_start3A_27] : memref<10240x128xf32, #tpu.memory_space<hbm>> -> memref<10240x128xf32, #tpu.memory_space<hbm>>
    tpu.enqueue_indirect_dma source(%dma_start3A_28 : memref<10240x128xf32, #tpu.memory_space<hbm>>) target(%arg11 : memref<128x128xf32, #tpu.memory_space<vmem>>) offsets(%dma_start3A_25 : memref<128xi32, #tpu.memory_space<vmem>>) semaphore(%arg15 : memref<!tpu.dma_semaphore, #tpu.memory_space<semaphore_mem>>)
    %dma_start3A_29 = arith.constant 1 : i32
    %dma_start3A_30 = arith.constant 0 : i32
    %dma_start3A_31 = tpu.memref_slice %arg8[%dma_start3A_29, %dma_start3A_30] : memref<72x128xi32, #tpu.memory_space<vmem>> -> memref<1x128xi32, #tpu.memory_space<vmem>>
    %dma_start3A_32 = tpu.memref_squeeze %dma_start3A_31 : memref<1x128xi32, #tpu.memory_space<vmem>> -> memref<128xi32, #tpu.memory_space<vmem>>
    %dma_start3A_33 = arith.constant 0 : i32
    %dma_start3A_34 = arith.constant 0 : i32
    %dma_start3A_35 = tpu.memref_slice %arg2[%dma_start3A_33, %dma_start3A_34] : memref<10240x128xf32, #tpu.memory_space<hbm>> -> memref<10240x128xf32, #tpu.memory_space<hbm>>
    tpu.enqueue_indirect_dma source(%dma_start3A_35 : memref<10240x128xf32, #tpu.memory_space<hbm>>) target(%arg12 : memref<128x128xf32, #tpu.memory_space<vmem>>) offsets(%dma_start3A_32 : memref<128xi32, #tpu.memory_space<vmem>>) semaphore(%arg16 : memref<!tpu.dma_semaphore, #tpu.memory_space<semaphore_mem>>)
    %jit3A_36 = arith.constant 2 : i32
    %div3A = arith.divsi %select_n3A, %jit3A_36 : i32
    %sign3A = arith.constant 0 : i32
    %sign3A_37 = arith.cmpi sgt, %select_n3A, %sign3A : i32
    %sign3A_38 = arith.extui %sign3A_37 : i1 to i32
    %sign3A_39 = arith.constant 0 : i32
    %sign3A_40 = arith.cmpi slt, %select_n3A, %sign3A_39 : i32
    %sign3A_41 = arith.extui %sign3A_40 : i1 to i32
    %sign3A_42 = arith.subi %sign3A_38, %sign3A_41 : i32
    %sign3A_43 = arith.constant 0 : i32
    %sign3A_44 = arith.cmpi sgt, %jit3A_36, %sign3A_43 : i32
    %sign3A_45 = arith.extui %sign3A_44 : i1 to i32
    %sign3A_46 = arith.constant 0 : i32
    %sign3A_47 = arith.cmpi slt, %jit3A_36, %sign3A_46 : i32
    %sign3A_48 = arith.extui %sign3A_47 : i1 to i32
    %sign3A_49 = arith.subi %sign3A_45, %sign3A_48 : i32
    %ne3A = arith.cmpi ne, %sign3A_42, %sign3A_49 : i32
    %rem3A = arith.remsi %select_n3A, %jit3A_36 : i32
    %ne3A_50 = arith.constant 0 : i32
    %ne3A_51 = arith.cmpi ne, %rem3A, %ne3A_50 : i32
    %and3A = arith.andi %ne3A, %ne3A_51 : i1
    %sub3A = arith.constant 1 : i32
    %sub3A_52 = arith.subi %div3A, %sub3A : i32
    %select_n3A_53 = arith.select %and3A, %sub3A_52, %div3A : i32
    %sub3A_54 = arith.constant 1 : i32
    %sub3A_55 = arith.subi %select_n3A_53, %sub3A_54 : i32
    %while3A = arith.constant 0 : i32
    %while3A_56 = arith.constant 0 : i32
    %while3A_57 = arith.subi %sub3A_55, %while3A_56 : i32
    %while3A_58 = arith.addi %while3A_56, %while3A_57 : i32
    %while3A_59 = arith.constant 1 : i32
    %while3A_60 = arith.divsi %while3A_57, %while3A_59 : i32
    %while3A_61 = arith.muli %while3A_60, %while3A_59 : i32
    %while3A_62 = arith.addi %while3A_56, %while3A_61 : i32
    %while3A_63 = arith.constant 1 : i32
    scf.for %while3A_98 = %while3A_56 to %while3A_62 step %while3A_63  : i32 {
      %mul3A_99 = arith.constant 2 : i32
      %mul3A_100 = arith.muli %mul3A_99, %while3A_98 : i32
      %dma_wait3A_101 = arith.constant 0 : i32
      %dma_wait3A_102 = tpu.memref_slice %arg7[%mul3A_100, %dma_wait3A_101] : memref<72x128xi32, #tpu.memory_space<vmem>> -> memref<1x128xi32, #tpu.memory_space<vmem>>
      %dma_wait3A_103 = tpu.memref_squeeze %dma_wait3A_102 : memref<1x128xi32, #tpu.memory_space<vmem>> -> memref<128xi32, #tpu.memory_space<vmem>>
      %dma_wait3A_104 = arith.constant 0 : i32
      %dma_wait3A_105 = arith.constant 0 : i32
      %dma_wait3A_106 = tpu.memref_slice %arg2[%dma_wait3A_104, %dma_wait3A_105] : memref<10240x128xf32, #tpu.memory_space<hbm>> -> memref<10240x128xf32, #tpu.memory_space<hbm>>
      tpu.wait_indirect_dma semaphore(%arg13 : memref<!tpu.dma_semaphore, #tpu.memory_space<semaphore_mem>>) src(%dma_wait3A_106 : memref<10240x128xf32, #tpu.memory_space<hbm>>) dst(%arg9 : memref<128x128xf32, #tpu.memory_space<vmem>>)
      %dma_wait3A_107 = arith.constant 0 : i32
      %dma_wait3A_108 = tpu.memref_slice %arg8[%mul3A_100, %dma_wait3A_107] : memref<72x128xi32, #tpu.memory_space<vmem>> -> memref<1x128xi32, #tpu.memory_space<vmem>>
      %dma_wait3A_109 = tpu.memref_squeeze %dma_wait3A_108 : memref<1x128xi32, #tpu.memory_space<vmem>> -> memref<128xi32, #tpu.memory_space<vmem>>
      %dma_wait3A_110 = arith.constant 0 : i32
      %dma_wait3A_111 = arith.constant 0 : i32
      %dma_wait3A_112 = tpu.memref_slice %arg2[%dma_wait3A_110, %dma_wait3A_111] : memref<10240x128xf32, #tpu.memory_space<hbm>> -> memref<10240x128xf32, #tpu.memory_space<hbm>>
      tpu.wait_indirect_dma semaphore(%arg14 : memref<!tpu.dma_semaphore, #tpu.memory_space<semaphore_mem>>) src(%dma_wait3A_112 : memref<10240x128xf32, #tpu.memory_space<hbm>>) dst(%arg10 : memref<128x128xf32, #tpu.memory_space<vmem>>)
      %add3A_113 = arith.addi %select_n3A_8, %mul3A_100 : i32
      %mul3A_114 = arith.constant 128 : i32
      %mul3A_115 = arith.muli %add3A_113, %mul3A_114 : i32
      "tpu.region"() ({
        %run_scoped3A = tpu.sem_alloc : memref<!tpu.dma_semaphore, #tpu.memory_space<semaphore_mem>>
        %dma_start3A_161 = arith.constant 0 : i32
        %dma_start3A_162 = tpu.memref_slice %arg5[%mul3A_115, %dma_start3A_161] : memref<163840x128xf32, #tpu.memory_space<hbm>> -> memref<128x128xf32, #tpu.memory_space<hbm>>
        %dma_start3A_163 = arith.constant 0 : i32
        %dma_start3A_164 = tpu.memref_slice %arg5[%mul3A_115, %dma_start3A_163] : memref<163840x128xf32, #tpu.memory_space<hbm>> -> memref<128x128xf32, #tpu.memory_space<hbm>>
        tpu.enqueue_dma source(%arg9 : memref<128x128xf32, #tpu.memory_space<vmem>>) target(%dma_start3A_164 : memref<128x128xf32, #tpu.memory_space<hbm>>) target_semaphore(%run_scoped3A : memref<!tpu.dma_semaphore, #tpu.memory_space<semaphore_mem>>)
        %dma_wait3A_165 = arith.constant 0 : i32
        %dma_wait3A_166 = tpu.memref_slice %arg5[%mul3A_115, %dma_wait3A_165] : memref<163840x128xf32, #tpu.memory_space<hbm>> -> memref<128x128xf32, #tpu.memory_space<hbm>>
        %dma_wait3A_167 = arith.constant 0 : i32
        %dma_wait3A_168 = tpu.memref_slice %arg5[%mul3A_115, %dma_wait3A_167] : memref<163840x128xf32, #tpu.memory_space<hbm>> -> memref<128x128xf32, #tpu.memory_space<hbm>>
        tpu.wait_dma2 semaphore(%run_scoped3A : memref<!tpu.dma_semaphore, #tpu.memory_space<semaphore_mem>>) src(%arg9 : memref<128x128xf32, #tpu.memory_space<vmem>>) dst(%dma_wait3A_168 : memref<128x128xf32, #tpu.memory_space<hbm>>)
        tpu.yield
      }) : () -> ()
      "tpu.region"() ({
        %run_scoped3A = tpu.sem_alloc : memref<!tpu.dma_semaphore, #tpu.memory_space<semaphore_mem>>
        %dma_start3A_161 = arith.constant 0 : i32
        %dma_start3A_162 = tpu.memref_slice %arg6[%mul3A_115, %dma_start3A_161] : memref<163840x128xf32, #tpu.memory_space<hbm>> -> memref<128x128xf32, #tpu.memory_space<hbm>>
        %dma_start3A_163 = arith.constant 0 : i32
        %dma_start3A_164 = tpu.memref_slice %arg6[%mul3A_115, %dma_start3A_163] : memref<163840x128xf32, #tpu.memory_space<hbm>> -> memref<128x128xf32, #tpu.memory_space<hbm>>
        tpu.enqueue_dma source(%arg10 : memref<128x128xf32, #tpu.memory_space<vmem>>) target(%dma_start3A_164 : memref<128x128xf32, #tpu.memory_space<hbm>>) target_semaphore(%run_scoped3A : memref<!tpu.dma_semaphore, #tpu.memory_space<semaphore_mem>>)
        %dma_wait3A_165 = arith.constant 0 : i32
        %dma_wait3A_166 = tpu.memref_slice %arg6[%mul3A_115, %dma_wait3A_165] : memref<163840x128xf32, #tpu.memory_space<hbm>> -> memref<128x128xf32, #tpu.memory_space<hbm>>
        %dma_wait3A_167 = arith.constant 0 : i32
        %dma_wait3A_168 = tpu.memref_slice %arg6[%mul3A_115, %dma_wait3A_167] : memref<163840x128xf32, #tpu.memory_space<hbm>> -> memref<128x128xf32, #tpu.memory_space<hbm>>
        tpu.wait_dma2 semaphore(%run_scoped3A : memref<!tpu.dma_semaphore, #tpu.memory_space<semaphore_mem>>) src(%arg10 : memref<128x128xf32, #tpu.memory_space<vmem>>) dst(%dma_wait3A_168 : memref<128x128xf32, #tpu.memory_space<hbm>>)
        tpu.yield
      }) : () -> ()
      %add3A_116 = arith.constant 2 : i32
      %add3A_117 = arith.addi %mul3A_100, %add3A_116 : i32
      %dma_start3A_118 = arith.constant 0 : i32
      %dma_start3A_119 = tpu.memref_slice %arg7[%add3A_117, %dma_start3A_118] : memref<72x128xi32, #tpu.memory_space<vmem>> -> memref<1x128xi32, #tpu.memory_space<vmem>>
      %dma_start3A_120 = tpu.memref_squeeze %dma_start3A_119 : memref<1x128xi32, #tpu.memory_space<vmem>> -> memref<128xi32, #tpu.memory_space<vmem>>
      %dma_start3A_121 = arith.constant 0 : i32
      %dma_start3A_122 = arith.constant 0 : i32
      %dma_start3A_123 = tpu.memref_slice %arg2[%dma_start3A_121, %dma_start3A_122] : memref<10240x128xf32, #tpu.memory_space<hbm>> -> memref<10240x128xf32, #tpu.memory_space<hbm>>
      tpu.enqueue_indirect_dma source(%dma_start3A_123 : memref<10240x128xf32, #tpu.memory_space<hbm>>) target(%arg9 : memref<128x128xf32, #tpu.memory_space<vmem>>) offsets(%dma_start3A_120 : memref<128xi32, #tpu.memory_space<vmem>>) semaphore(%arg13 : memref<!tpu.dma_semaphore, #tpu.memory_space<semaphore_mem>>)
      %dma_start3A_124 = arith.constant 0 : i32
      %dma_start3A_125 = tpu.memref_slice %arg8[%add3A_117, %dma_start3A_124] : memref<72x128xi32, #tpu.memory_space<vmem>> -> memref<1x128xi32, #tpu.memory_space<vmem>>
      %dma_start3A_126 = tpu.memref_squeeze %dma_start3A_125 : memref<1x128xi32, #tpu.memory_space<vmem>> -> memref<128xi32, #tpu.memory_space<vmem>>
      %dma_start3A_127 = arith.constant 0 : i32
      %dma_start3A_128 = arith.constant 0 : i32
      %dma_start3A_129 = tpu.memref_slice %arg2[%dma_start3A_127, %dma_start3A_128] : memref<10240x128xf32, #tpu.memory_space<hbm>> -> memref<10240x128xf32, #tpu.memory_space<hbm>>
      tpu.enqueue_indirect_dma source(%dma_start3A_129 : memref<10240x128xf32, #tpu.memory_space<hbm>>) target(%arg10 : memref<128x128xf32, #tpu.memory_space<vmem>>) offsets(%dma_start3A_126 : memref<128xi32, #tpu.memory_space<vmem>>) semaphore(%arg14 : memref<!tpu.dma_semaphore, #tpu.memory_space<semaphore_mem>>)
      %add3A_130 = arith.constant 1 : i32
      %add3A_131 = arith.addi %mul3A_100, %add3A_130 : i32
      %dma_wait3A_132 = arith.constant 0 : i32
      %dma_wait3A_133 = tpu.memref_slice %arg7[%add3A_131, %dma_wait3A_132] : memref<72x128xi32, #tpu.memory_space<vmem>> -> memref<1x128xi32, #tpu.memory_space<vmem>>
      %dma_wait3A_134 = tpu.memref_squeeze %dma_wait3A_133 : memref<1x128xi32, #tpu.memory_space<vmem>> -> memref<128xi32, #tpu.memory_space<vmem>>
      %dma_wait3A_135 = arith.constant 0 : i32
      %dma_wait3A_136 = arith.constant 0 : i32
      %dma_wait3A_137 = tpu.memref_slice %arg2[%dma_wait3A_135, %dma_wait3A_136] : memref<10240x128xf32, #tpu.memory_space<hbm>> -> memref<10240x128xf32, #tpu.memory_space<hbm>>
      tpu.wait_indirect_dma semaphore(%arg15 : memref<!tpu.dma_semaphore, #tpu.memory_space<semaphore_mem>>) src(%dma_wait3A_137 : memref<10240x128xf32, #tpu.memory_space<hbm>>) dst(%arg11 : memref<128x128xf32, #tpu.memory_space<vmem>>)
      %dma_wait3A_138 = arith.constant 0 : i32
      %dma_wait3A_139 = tpu.memref_slice %arg8[%add3A_131, %dma_wait3A_138] : memref<72x128xi32, #tpu.memory_space<vmem>> -> memref<1x128xi32, #tpu.memory_space<vmem>>
      %dma_wait3A_140 = tpu.memref_squeeze %dma_wait3A_139 : memref<1x128xi32, #tpu.memory_space<vmem>> -> memref<128xi32, #tpu.memory_space<vmem>>
      %dma_wait3A_141 = arith.constant 0 : i32
      %dma_wait3A_142 = arith.constant 0 : i32
      %dma_wait3A_143 = tpu.memref_slice %arg2[%dma_wait3A_141, %dma_wait3A_142] : memref<10240x128xf32, #tpu.memory_space<hbm>> -> memref<10240x128xf32, #tpu.memory_space<hbm>>
      tpu.wait_indirect_dma semaphore(%arg16 : memref<!tpu.dma_semaphore, #tpu.memory_space<semaphore_mem>>) src(%dma_wait3A_143 : memref<10240x128xf32, #tpu.memory_space<hbm>>) dst(%arg12 : memref<128x128xf32, #tpu.memory_space<vmem>>)
      %add3A_144 = arith.addi %select_n3A_8, %add3A_131 : i32
      %mul3A_145 = arith.constant 128 : i32
      %mul3A_146 = arith.muli %add3A_144, %mul3A_145 : i32
      "tpu.region"() ({
        %run_scoped3A = tpu.sem_alloc : memref<!tpu.dma_semaphore, #tpu.memory_space<semaphore_mem>>
        %dma_start3A_161 = arith.constant 0 : i32
        %dma_start3A_162 = tpu.memref_slice %arg5[%mul3A_146, %dma_start3A_161] : memref<163840x128xf32, #tpu.memory_space<hbm>> -> memref<128x128xf32, #tpu.memory_space<hbm>>
        %dma_start3A_163 = arith.constant 0 : i32
        %dma_start3A_164 = tpu.memref_slice %arg5[%mul3A_146, %dma_start3A_163] : memref<163840x128xf32, #tpu.memory_space<hbm>> -> memref<128x128xf32, #tpu.memory_space<hbm>>
        tpu.enqueue_dma source(%arg11 : memref<128x128xf32, #tpu.memory_space<vmem>>) target(%dma_start3A_164 : memref<128x128xf32, #tpu.memory_space<hbm>>) target_semaphore(%run_scoped3A : memref<!tpu.dma_semaphore, #tpu.memory_space<semaphore_mem>>)
        %dma_wait3A_165 = arith.constant 0 : i32
        %dma_wait3A_166 = tpu.memref_slice %arg5[%mul3A_146, %dma_wait3A_165] : memref<163840x128xf32, #tpu.memory_space<hbm>> -> memref<128x128xf32, #tpu.memory_space<hbm>>
        %dma_wait3A_167 = arith.constant 0 : i32
        %dma_wait3A_168 = tpu.memref_slice %arg5[%mul3A_146, %dma_wait3A_167] : memref<163840x128xf32, #tpu.memory_space<hbm>> -> memref<128x128xf32, #tpu.memory_space<hbm>>
        tpu.wait_dma2 semaphore(%run_scoped3A : memref<!tpu.dma_semaphore, #tpu.memory_space<semaphore_mem>>) src(%arg11 : memref<128x128xf32, #tpu.memory_space<vmem>>) dst(%dma_wait3A_168 : memref<128x128xf32, #tpu.memory_space<hbm>>)
        tpu.yield
      }) : () -> ()
      "tpu.region"() ({
        %run_scoped3A = tpu.sem_alloc : memref<!tpu.dma_semaphore, #tpu.memory_space<semaphore_mem>>
        %dma_start3A_161 = arith.constant 0 : i32
        %dma_start3A_162 = tpu.memref_slice %arg6[%mul3A_146, %dma_start3A_161] : memref<163840x128xf32, #tpu.memory_space<hbm>> -> memref<128x128xf32, #tpu.memory_space<hbm>>
        %dma_start3A_163 = arith.constant 0 : i32
        %dma_start3A_164 = tpu.memref_slice %arg6[%mul3A_146, %dma_start3A_163] : memref<163840x128xf32, #tpu.memory_space<hbm>> -> memref<128x128xf32, #tpu.memory_space<hbm>>
        tpu.enqueue_dma source(%arg12 : memref<128x128xf32, #tpu.memory_space<vmem>>) target(%dma_start3A_164 : memref<128x128xf32, #tpu.memory_space<hbm>>) target_semaphore(%run_scoped3A : memref<!tpu.dma_semaphore, #tpu.memory_space<semaphore_mem>>)
        %dma_wait3A_165 = arith.constant 0 : i32
        %dma_wait3A_166 = tpu.memref_slice %arg6[%mul3A_146, %dma_wait3A_165] : memref<163840x128xf32, #tpu.memory_space<hbm>> -> memref<128x128xf32, #tpu.memory_space<hbm>>
        %dma_wait3A_167 = arith.constant 0 : i32
        %dma_wait3A_168 = tpu.memref_slice %arg6[%mul3A_146, %dma_wait3A_167] : memref<163840x128xf32, #tpu.memory_space<hbm>> -> memref<128x128xf32, #tpu.memory_space<hbm>>
        tpu.wait_dma2 semaphore(%run_scoped3A : memref<!tpu.dma_semaphore, #tpu.memory_space<semaphore_mem>>) src(%arg12 : memref<128x128xf32, #tpu.memory_space<vmem>>) dst(%dma_wait3A_168 : memref<128x128xf32, #tpu.memory_space<hbm>>)
        tpu.yield
      }) : () -> ()
      %add3A_147 = arith.constant 3 : i32
      %add3A_148 = arith.addi %mul3A_100, %add3A_147 : i32
      %dma_start3A_149 = arith.constant 0 : i32
      %dma_start3A_150 = tpu.memref_slice %arg7[%add3A_148, %dma_start3A_149] : memref<72x128xi32, #tpu.memory_space<vmem>> -> memref<1x128xi32, #tpu.memory_space<vmem>>
      %dma_start3A_151 = tpu.memref_squeeze %dma_start3A_150 : memref<1x128xi32, #tpu.memory_space<vmem>> -> memref<128xi32, #tpu.memory_space<vmem>>
      %dma_start3A_152 = arith.constant 0 : i32
      %dma_start3A_153 = arith.constant 0 : i32
      %dma_start3A_154 = tpu.memref_slice %arg2[%dma_start3A_152, %dma_start3A_153] : memref<10240x128xf32, #tpu.memory_space<hbm>> -> memref<10240x128xf32, #tpu.memory_space<hbm>>
      tpu.enqueue_indirect_dma source(%dma_start3A_154 : memref<10240x128xf32, #tpu.memory_space<hbm>>) target(%arg11 : memref<128x128xf32, #tpu.memory_space<vmem>>) offsets(%dma_start3A_151 : memref<128xi32, #tpu.memory_space<vmem>>) semaphore(%arg15 : memref<!tpu.dma_semaphore, #tpu.memory_space<semaphore_mem>>)
      %dma_start3A_155 = arith.constant 0 : i32
      %dma_start3A_156 = tpu.memref_slice %arg8[%add3A_148, %dma_start3A_155] : memref<72x128xi32, #tpu.memory_space<vmem>> -> memref<1x128xi32, #tpu.memory_space<vmem>>
      %dma_start3A_157 = tpu.memref_squeeze %dma_start3A_156 : memref<1x128xi32, #tpu.memory_space<vmem>> -> memref<128xi32, #tpu.memory_space<vmem>>
      %dma_start3A_158 = arith.constant 0 : i32
      %dma_start3A_159 = arith.constant 0 : i32
      %dma_start3A_160 = tpu.memref_slice %arg2[%dma_start3A_158, %dma_start3A_159] : memref<10240x128xf32, #tpu.memory_space<hbm>> -> memref<10240x128xf32, #tpu.memory_space<hbm>>
      tpu.enqueue_indirect_dma source(%dma_start3A_160 : memref<10240x128xf32, #tpu.memory_space<hbm>>) target(%arg12 : memref<128x128xf32, #tpu.memory_space<vmem>>) offsets(%dma_start3A_157 : memref<128xi32, #tpu.memory_space<vmem>>) semaphore(%arg16 : memref<!tpu.dma_semaphore, #tpu.memory_space<semaphore_mem>>)
    }
    %while3A_64 = arith.constant 1 : i32
    scf.for %while3A_98 = %while3A_62 to %while3A_58 step %while3A_64  : i32 {
      %mul3A_99 = arith.constant 2 : i32
      %mul3A_100 = arith.muli %mul3A_99, %while3A_98 : i32
      %dma_wait3A_101 = arith.constant 0 : i32
      %dma_wait3A_102 = tpu.memref_slice %arg7[%mul3A_100, %dma_wait3A_101] : memref<72x128xi32, #tpu.memory_space<vmem>> -> memref<1x128xi32, #tpu.memory_space<vmem>>
      %dma_wait3A_103 = tpu.memref_squeeze %dma_wait3A_102 : memref<1x128xi32, #tpu.memory_space<vmem>> -> memref<128xi32, #tpu.memory_space<vmem>>
      %dma_wait3A_104 = arith.constant 0 : i32
      %dma_wait3A_105 = arith.constant 0 : i32
      %dma_wait3A_106 = tpu.memref_slice %arg2[%dma_wait3A_104, %dma_wait3A_105] : memref<10240x128xf32, #tpu.memory_space<hbm>> -> memref<10240x128xf32, #tpu.memory_space<hbm>>
      tpu.wait_indirect_dma semaphore(%arg13 : memref<!tpu.dma_semaphore, #tpu.memory_space<semaphore_mem>>) src(%dma_wait3A_106 : memref<10240x128xf32, #tpu.memory_space<hbm>>) dst(%arg9 : memref<128x128xf32, #tpu.memory_space<vmem>>)
      %dma_wait3A_107 = arith.constant 0 : i32
      %dma_wait3A_108 = tpu.memref_slice %arg8[%mul3A_100, %dma_wait3A_107] : memref<72x128xi32, #tpu.memory_space<vmem>> -> memref<1x128xi32, #tpu.memory_space<vmem>>
      %dma_wait3A_109 = tpu.memref_squeeze %dma_wait3A_108 : memref<1x128xi32, #tpu.memory_space<vmem>> -> memref<128xi32, #tpu.memory_space<vmem>>
      %dma_wait3A_110 = arith.constant 0 : i32
      %dma_wait3A_111 = arith.constant 0 : i32
      %dma_wait3A_112 = tpu.memref_slice %arg2[%dma_wait3A_110, %dma_wait3A_111] : memref<10240x128xf32, #tpu.memory_space<hbm>> -> memref<10240x128xf32, #tpu.memory_space<hbm>>
      tpu.wait_indirect_dma semaphore(%arg14 : memref<!tpu.dma_semaphore, #tpu.memory_space<semaphore_mem>>) src(%dma_wait3A_112 : memref<10240x128xf32, #tpu.memory_space<hbm>>) dst(%arg10 : memref<128x128xf32, #tpu.memory_space<vmem>>)
      %add3A_113 = arith.addi %select_n3A_8, %mul3A_100 : i32
      %mul3A_114 = arith.constant 128 : i32
      %mul3A_115 = arith.muli %add3A_113, %mul3A_114 : i32
      "tpu.region"() ({
        %run_scoped3A = tpu.sem_alloc : memref<!tpu.dma_semaphore, #tpu.memory_space<semaphore_mem>>
        %dma_start3A_161 = arith.constant 0 : i32
        %dma_start3A_162 = tpu.memref_slice %arg5[%mul3A_115, %dma_start3A_161] : memref<163840x128xf32, #tpu.memory_space<hbm>> -> memref<128x128xf32, #tpu.memory_space<hbm>>
        %dma_start3A_163 = arith.constant 0 : i32
        %dma_start3A_164 = tpu.memref_slice %arg5[%mul3A_115, %dma_start3A_163] : memref<163840x128xf32, #tpu.memory_space<hbm>> -> memref<128x128xf32, #tpu.memory_space<hbm>>
        tpu.enqueue_dma source(%arg9 : memref<128x128xf32, #tpu.memory_space<vmem>>) target(%dma_start3A_164 : memref<128x128xf32, #tpu.memory_space<hbm>>) target_semaphore(%run_scoped3A : memref<!tpu.dma_semaphore, #tpu.memory_space<semaphore_mem>>)
        %dma_wait3A_165 = arith.constant 0 : i32
        %dma_wait3A_166 = tpu.memref_slice %arg5[%mul3A_115, %dma_wait3A_165] : memref<163840x128xf32, #tpu.memory_space<hbm>> -> memref<128x128xf32, #tpu.memory_space<hbm>>
        %dma_wait3A_167 = arith.constant 0 : i32
        %dma_wait3A_168 = tpu.memref_slice %arg5[%mul3A_115, %dma_wait3A_167] : memref<163840x128xf32, #tpu.memory_space<hbm>> -> memref<128x128xf32, #tpu.memory_space<hbm>>
        tpu.wait_dma2 semaphore(%run_scoped3A : memref<!tpu.dma_semaphore, #tpu.memory_space<semaphore_mem>>) src(%arg9 : memref<128x128xf32, #tpu.memory_space<vmem>>) dst(%dma_wait3A_168 : memref<128x128xf32, #tpu.memory_space<hbm>>)
        tpu.yield
      }) : () -> ()
      "tpu.region"() ({
        %run_scoped3A = tpu.sem_alloc : memref<!tpu.dma_semaphore, #tpu.memory_space<semaphore_mem>>
        %dma_start3A_161 = arith.constant 0 : i32
        %dma_start3A_162 = tpu.memref_slice %arg6[%mul3A_115, %dma_start3A_161] : memref<163840x128xf32, #tpu.memory_space<hbm>> -> memref<128x128xf32, #tpu.memory_space<hbm>>
        %dma_start3A_163 = arith.constant 0 : i32
        %dma_start3A_164 = tpu.memref_slice %arg6[%mul3A_115, %dma_start3A_163] : memref<163840x128xf32, #tpu.memory_space<hbm>> -> memref<128x128xf32, #tpu.memory_space<hbm>>
        tpu.enqueue_dma source(%arg10 : memref<128x128xf32, #tpu.memory_space<vmem>>) target(%dma_start3A_164 : memref<128x128xf32, #tpu.memory_space<hbm>>) target_semaphore(%run_scoped3A : memref<!tpu.dma_semaphore, #tpu.memory_space<semaphore_mem>>)
        %dma_wait3A_165 = arith.constant 0 : i32
        %dma_wait3A_166 = tpu.memref_slice %arg6[%mul3A_115, %dma_wait3A_165] : memref<163840x128xf32, #tpu.memory_space<hbm>> -> memref<128x128xf32, #tpu.memory_space<hbm>>
        %dma_wait3A_167 = arith.constant 0 : i32
        %dma_wait3A_168 = tpu.memref_slice %arg6[%mul3A_115, %dma_wait3A_167] : memref<163840x128xf32, #tpu.memory_space<hbm>> -> memref<128x128xf32, #tpu.memory_space<hbm>>
        tpu.wait_dma2 semaphore(%run_scoped3A : memref<!tpu.dma_semaphore, #tpu.memory_space<semaphore_mem>>) src(%arg10 : memref<128x128xf32, #tpu.memory_space<vmem>>) dst(%dma_wait3A_168 : memref<128x128xf32, #tpu.memory_space<hbm>>)
        tpu.yield
      }) : () -> ()
      %add3A_116 = arith.constant 2 : i32
      %add3A_117 = arith.addi %mul3A_100, %add3A_116 : i32
      %dma_start3A_118 = arith.constant 0 : i32
      %dma_start3A_119 = tpu.memref_slice %arg7[%add3A_117, %dma_start3A_118] : memref<72x128xi32, #tpu.memory_space<vmem>> -> memref<1x128xi32, #tpu.memory_space<vmem>>
      %dma_start3A_120 = tpu.memref_squeeze %dma_start3A_119 : memref<1x128xi32, #tpu.memory_space<vmem>> -> memref<128xi32, #tpu.memory_space<vmem>>
      %dma_start3A_121 = arith.constant 0 : i32
      %dma_start3A_122 = arith.constant 0 : i32
      %dma_start3A_123 = tpu.memref_slice %arg2[%dma_start3A_121, %dma_start3A_122] : memref<10240x128xf32, #tpu.memory_space<hbm>> -> memref<10240x128xf32, #tpu.memory_space<hbm>>
      tpu.enqueue_indirect_dma source(%dma_start3A_123 : memref<10240x128xf32, #tpu.memory_space<hbm>>) target(%arg9 : memref<128x128xf32, #tpu.memory_space<vmem>>) offsets(%dma_start3A_120 : memref<128xi32, #tpu.memory_space<vmem>>) semaphore(%arg13 : memref<!tpu.dma_semaphore, #tpu.memory_space<semaphore_mem>>)
      %dma_start3A_124 = arith.constant 0 : i32
      %dma_start3A_125 = tpu.memref_slice %arg8[%add3A_117, %dma_start3A_124] : memref<72x128xi32, #tpu.memory_space<vmem>> -> memref<1x128xi32, #tpu.memory_space<vmem>>
      %dma_start3A_126 = tpu.memref_squeeze %dma_start3A_125 : memref<1x128xi32, #tpu.memory_space<vmem>> -> memref<128xi32, #tpu.memory_space<vmem>>
      %dma_start3A_127 = arith.constant 0 : i32
      %dma_start3A_128 = arith.constant 0 : i32
      %dma_start3A_129 = tpu.memref_slice %arg2[%dma_start3A_127, %dma_start3A_128] : memref<10240x128xf32, #tpu.memory_space<hbm>> -> memref<10240x128xf32, #tpu.memory_space<hbm>>
      tpu.enqueue_indirect_dma source(%dma_start3A_129 : memref<10240x128xf32, #tpu.memory_space<hbm>>) target(%arg10 : memref<128x128xf32, #tpu.memory_space<vmem>>) offsets(%dma_start3A_126 : memref<128xi32, #tpu.memory_space<vmem>>) semaphore(%arg14 : memref<!tpu.dma_semaphore, #tpu.memory_space<semaphore_mem>>)
      %add3A_130 = arith.constant 1 : i32
      %add3A_131 = arith.addi %mul3A_100, %add3A_130 : i32
      %dma_wait3A_132 = arith.constant 0 : i32
      %dma_wait3A_133 = tpu.memref_slice %arg7[%add3A_131, %dma_wait3A_132] : memref<72x128xi32, #tpu.memory_space<vmem>> -> memref<1x128xi32, #tpu.memory_space<vmem>>
      %dma_wait3A_134 = tpu.memref_squeeze %dma_wait3A_133 : memref<1x128xi32, #tpu.memory_space<vmem>> -> memref<128xi32, #tpu.memory_space<vmem>>
      %dma_wait3A_135 = arith.constant 0 : i32
      %dma_wait3A_136 = arith.constant 0 : i32
      %dma_wait3A_137 = tpu.memref_slice %arg2[%dma_wait3A_135, %dma_wait3A_136] : memref<10240x128xf32, #tpu.memory_space<hbm>> -> memref<10240x128xf32, #tpu.memory_space<hbm>>
      tpu.wait_indirect_dma semaphore(%arg15 : memref<!tpu.dma_semaphore, #tpu.memory_space<semaphore_mem>>) src(%dma_wait3A_137 : memref<10240x128xf32, #tpu.memory_space<hbm>>) dst(%arg11 : memref<128x128xf32, #tpu.memory_space<vmem>>)
      %dma_wait3A_138 = arith.constant 0 : i32
      %dma_wait3A_139 = tpu.memref_slice %arg8[%add3A_131, %dma_wait3A_138] : memref<72x128xi32, #tpu.memory_space<vmem>> -> memref<1x128xi32, #tpu.memory_space<vmem>>
      %dma_wait3A_140 = tpu.memref_squeeze %dma_wait3A_139 : memref<1x128xi32, #tpu.memory_space<vmem>> -> memref<128xi32, #tpu.memory_space<vmem>>
      %dma_wait3A_141 = arith.constant 0 : i32
      %dma_wait3A_142 = arith.constant 0 : i32
      %dma_wait3A_143 = tpu.memref_slice %arg2[%dma_wait3A_141, %dma_wait3A_142] : memref<10240x128xf32, #tpu.memory_space<hbm>> -> memref<10240x128xf32, #tpu.memory_space<hbm>>
      tpu.wait_indirect_dma semaphore(%arg16 : memref<!tpu.dma_semaphore, #tpu.memory_space<semaphore_mem>>) src(%dma_wait3A_143 : memref<10240x128xf32, #tpu.memory_space<hbm>>) dst(%arg12 : memref<128x128xf32, #tpu.memory_space<vmem>>)
      %add3A_144 = arith.addi %select_n3A_8, %add3A_131 : i32
      %mul3A_145 = arith.constant 128 : i32
      %mul3A_146 = arith.muli %add3A_144, %mul3A_145 : i32
      "tpu.region"() ({
        %run_scoped3A = tpu.sem_alloc : memref<!tpu.dma_semaphore, #tpu.memory_space<semaphore_mem>>
        %dma_start3A_161 = arith.constant 0 : i32
        %dma_start3A_162 = tpu.memref_slice %arg5[%mul3A_146, %dma_start3A_161] : memref<163840x128xf32, #tpu.memory_space<hbm>> -> memref<128x128xf32, #tpu.memory_space<hbm>>
        %dma_start3A_163 = arith.constant 0 : i32
        %dma_start3A_164 = tpu.memref_slice %arg5[%mul3A_146, %dma_start3A_163] : memref<163840x128xf32, #tpu.memory_space<hbm>> -> memref<128x128xf32, #tpu.memory_space<hbm>>
        tpu.enqueue_dma source(%arg11 : memref<128x128xf32, #tpu.memory_space<vmem>>) target(%dma_start3A_164 : memref<128x128xf32, #tpu.memory_space<hbm>>) target_semaphore(%run_scoped3A : memref<!tpu.dma_semaphore, #tpu.memory_space<semaphore_mem>>)
        %dma_wait3A_165 = arith.constant 0 : i32
        %dma_wait3A_166 = tpu.memref_slice %arg5[%mul3A_146, %dma_wait3A_165] : memref<163840x128xf32, #tpu.memory_space<hbm>> -> memref<128x128xf32, #tpu.memory_space<hbm>>
        %dma_wait3A_167 = arith.constant 0 : i32
        %dma_wait3A_168 = tpu.memref_slice %arg5[%mul3A_146, %dma_wait3A_167] : memref<163840x128xf32, #tpu.memory_space<hbm>> -> memref<128x128xf32, #tpu.memory_space<hbm>>
        tpu.wait_dma2 semaphore(%run_scoped3A : memref<!tpu.dma_semaphore, #tpu.memory_space<semaphore_mem>>) src(%arg11 : memref<128x128xf32, #tpu.memory_space<vmem>>) dst(%dma_wait3A_168 : memref<128x128xf32, #tpu.memory_space<hbm>>)
        tpu.yield
      }) : () -> ()
      "tpu.region"() ({
        %run_scoped3A = tpu.sem_alloc : memref<!tpu.dma_semaphore, #tpu.memory_space<semaphore_mem>>
        %dma_start3A_161 = arith.constant 0 : i32
        %dma_start3A_162 = tpu.memref_slice %arg6[%mul3A_146, %dma_start3A_161] : memref<163840x128xf32, #tpu.memory_space<hbm>> -> memref<128x128xf32, #tpu.memory_space<hbm>>
        %dma_start3A_163 = arith.constant 0 : i32
        %dma_start3A_164 = tpu.memref_slice %arg6[%mul3A_146, %dma_start3A_163] : memref<163840x128xf32, #tpu.memory_space<hbm>> -> memref<128x128xf32, #tpu.memory_space<hbm>>
        tpu.enqueue_dma source(%arg12 : memref<128x128xf32, #tpu.memory_space<vmem>>) target(%dma_start3A_164 : memref<128x128xf32, #tpu.memory_space<hbm>>) target_semaphore(%run_scoped3A : memref<!tpu.dma_semaphore, #tpu.memory_space<semaphore_mem>>)
        %dma_wait3A_165 = arith.constant 0 : i32
        %dma_wait3A_166 = tpu.memref_slice %arg6[%mul3A_146, %dma_wait3A_165] : memref<163840x128xf32, #tpu.memory_space<hbm>> -> memref<128x128xf32, #tpu.memory_space<hbm>>
        %dma_wait3A_167 = arith.constant 0 : i32
        %dma_wait3A_168 = tpu.memref_slice %arg6[%mul3A_146, %dma_wait3A_167] : memref<163840x128xf32, #tpu.memory_space<hbm>> -> memref<128x128xf32, #tpu.memory_space<hbm>>
        tpu.wait_dma2 semaphore(%run_scoped3A : memref<!tpu.dma_semaphore, #tpu.memory_space<semaphore_mem>>) src(%arg12 : memref<128x128xf32, #tpu.memory_space<vmem>>) dst(%dma_wait3A_168 : memref<128x128xf32, #tpu.memory_space<hbm>>)
        tpu.yield
      }) : () -> ()
      %add3A_147 = arith.constant 3 : i32
      %add3A_148 = arith.addi %mul3A_100, %add3A_147 : i32
      %dma_start3A_149 = arith.constant 0 : i32
      %dma_start3A_150 = tpu.memref_slice %arg7[%add3A_148, %dma_start3A_149] : memref<72x128xi32, #tpu.memory_space<vmem>> -> memref<1x128xi32, #tpu.memory_space<vmem>>
      %dma_start3A_151 = tpu.memref_squeeze %dma_start3A_150 : memref<1x128xi32, #tpu.memory_space<vmem>> -> memref<128xi32, #tpu.memory_space<vmem>>
      %dma_start3A_152 = arith.constant 0 : i32
      %dma_start3A_153 = arith.constant 0 : i32
      %dma_start3A_154 = tpu.memref_slice %arg2[%dma_start3A_152, %dma_start3A_153] : memref<10240x128xf32, #tpu.memory_space<hbm>> -> memref<10240x128xf32, #tpu.memory_space<hbm>>
      tpu.enqueue_indirect_dma source(%dma_start3A_154 : memref<10240x128xf32, #tpu.memory_space<hbm>>) target(%arg11 : memref<128x128xf32, #tpu.memory_space<vmem>>) offsets(%dma_start3A_151 : memref<128xi32, #tpu.memory_space<vmem>>) semaphore(%arg15 : memref<!tpu.dma_semaphore, #tpu.memory_space<semaphore_mem>>)
      %dma_start3A_155 = arith.constant 0 : i32
      %dma_start3A_156 = tpu.memref_slice %arg8[%add3A_148, %dma_start3A_155] : memref<72x128xi32, #tpu.memory_space<vmem>> -> memref<1x128xi32, #tpu.memory_space<vmem>>
      %dma_start3A_157 = tpu.memref_squeeze %dma_start3A_156 : memref<1x128xi32, #tpu.memory_space<vmem>> -> memref<128xi32, #tpu.memory_space<vmem>>
      %dma_start3A_158 = arith.constant 0 : i32
      %dma_start3A_159 = arith.constant 0 : i32
      %dma_start3A_160 = tpu.memref_slice %arg2[%dma_start3A_158, %dma_start3A_159] : memref<10240x128xf32, #tpu.memory_space<hbm>> -> memref<10240x128xf32, #tpu.memory_space<hbm>>
      tpu.enqueue_indirect_dma source(%dma_start3A_160 : memref<10240x128xf32, #tpu.memory_space<hbm>>) target(%arg12 : memref<128x128xf32, #tpu.memory_space<vmem>>) offsets(%dma_start3A_157 : memref<128xi32, #tpu.memory_space<vmem>>) semaphore(%arg16 : memref<!tpu.dma_semaphore, #tpu.memory_space<semaphore_mem>>)
    }
    %sub3A_65 = arith.constant 2 : i32
    %sub3A_66 = arith.subi %select_n3A, %sub3A_65 : i32
    %dma_wait3A = arith.constant 0 : i32
    %dma_wait3A_67 = tpu.memref_slice %arg7[%sub3A_66, %dma_wait3A] : memref<72x128xi32, #tpu.memory_space<vmem>> -> memref<1x128xi32, #tpu.memory_space<vmem>>
    %dma_wait3A_68 = tpu.memref_squeeze %dma_wait3A_67 : memref<1x128xi32, #tpu.memory_space<vmem>> -> memref<128xi32, #tpu.memory_space<vmem>>
    %dma_wait3A_69 = arith.constant 0 : i32
    %dma_wait3A_70 = arith.constant 0 : i32
    %dma_wait3A_71 = tpu.memref_slice %arg2[%dma_wait3A_69, %dma_wait3A_70] : memref<10240x128xf32, #tpu.memory_space<hbm>> -> memref<10240x128xf32, #tpu.memory_space<hbm>>
    tpu.wait_indirect_dma semaphore(%arg13 : memref<!tpu.dma_semaphore, #tpu.memory_space<semaphore_mem>>) src(%dma_wait3A_71 : memref<10240x128xf32, #tpu.memory_space<hbm>>) dst(%arg9 : memref<128x128xf32, #tpu.memory_space<vmem>>)
    %dma_wait3A_72 = arith.constant 0 : i32
    %dma_wait3A_73 = tpu.memref_slice %arg8[%sub3A_66, %dma_wait3A_72] : memref<72x128xi32, #tpu.memory_space<vmem>> -> memref<1x128xi32, #tpu.memory_space<vmem>>
    %dma_wait3A_74 = tpu.memref_squeeze %dma_wait3A_73 : memref<1x128xi32, #tpu.memory_space<vmem>> -> memref<128xi32, #tpu.memory_space<vmem>>
    %dma_wait3A_75 = arith.constant 0 : i32
    %dma_wait3A_76 = arith.constant 0 : i32
    %dma_wait3A_77 = tpu.memref_slice %arg2[%dma_wait3A_75, %dma_wait3A_76] : memref<10240x128xf32, #tpu.memory_space<hbm>> -> memref<10240x128xf32, #tpu.memory_space<hbm>>
    tpu.wait_indirect_dma semaphore(%arg14 : memref<!tpu.dma_semaphore, #tpu.memory_space<semaphore_mem>>) src(%dma_wait3A_77 : memref<10240x128xf32, #tpu.memory_space<hbm>>) dst(%arg10 : memref<128x128xf32, #tpu.memory_space<vmem>>)
    %add3A_78 = arith.addi %select_n3A_8, %sub3A_66 : i32
    %mul3A_79 = arith.constant 128 : i32
    %mul3A_80 = arith.muli %add3A_78, %mul3A_79 : i32
    "tpu.region"() ({
      %run_scoped3A = tpu.sem_alloc : memref<!tpu.dma_semaphore, #tpu.memory_space<semaphore_mem>>
      %dma_start3A_98 = arith.constant 0 : i32
      %dma_start3A_99 = tpu.memref_slice %arg5[%mul3A_80, %dma_start3A_98] : memref<163840x128xf32, #tpu.memory_space<hbm>> -> memref<128x128xf32, #tpu.memory_space<hbm>>
      %dma_start3A_100 = arith.constant 0 : i32
      %dma_start3A_101 = tpu.memref_slice %arg5[%mul3A_80, %dma_start3A_100] : memref<163840x128xf32, #tpu.memory_space<hbm>> -> memref<128x128xf32, #tpu.memory_space<hbm>>
      tpu.enqueue_dma source(%arg9 : memref<128x128xf32, #tpu.memory_space<vmem>>) target(%dma_start3A_101 : memref<128x128xf32, #tpu.memory_space<hbm>>) target_semaphore(%run_scoped3A : memref<!tpu.dma_semaphore, #tpu.memory_space<semaphore_mem>>)
      %dma_wait3A_102 = arith.constant 0 : i32
      %dma_wait3A_103 = tpu.memref_slice %arg5[%mul3A_80, %dma_wait3A_102] : memref<163840x128xf32, #tpu.memory_space<hbm>> -> memref<128x128xf32, #tpu.memory_space<hbm>>
      %dma_wait3A_104 = arith.constant 0 : i32
      %dma_wait3A_105 = tpu.memref_slice %arg5[%mul3A_80, %dma_wait3A_104] : memref<163840x128xf32, #tpu.memory_space<hbm>> -> memref<128x128xf32, #tpu.memory_space<hbm>>
      tpu.wait_dma2 semaphore(%run_scoped3A : memref<!tpu.dma_semaphore, #tpu.memory_space<semaphore_mem>>) src(%arg9 : memref<128x128xf32, #tpu.memory_space<vmem>>) dst(%dma_wait3A_105 : memref<128x128xf32, #tpu.memory_space<hbm>>)
      tpu.yield
    }) : () -> ()
    "tpu.region"() ({
      %run_scoped3A = tpu.sem_alloc : memref<!tpu.dma_semaphore, #tpu.memory_space<semaphore_mem>>
      %dma_start3A_98 = arith.constant 0 : i32
      %dma_start3A_99 = tpu.memref_slice %arg6[%mul3A_80, %dma_start3A_98] : memref<163840x128xf32, #tpu.memory_space<hbm>> -> memref<128x128xf32, #tpu.memory_space<hbm>>
      %dma_start3A_100 = arith.constant 0 : i32
      %dma_start3A_101 = tpu.memref_slice %arg6[%mul3A_80, %dma_start3A_100] : memref<163840x128xf32, #tpu.memory_space<hbm>> -> memref<128x128xf32, #tpu.memory_space<hbm>>
      tpu.enqueue_dma source(%arg10 : memref<128x128xf32, #tpu.memory_space<vmem>>) target(%dma_start3A_101 : memref<128x128xf32, #tpu.memory_space<hbm>>) target_semaphore(%run_scoped3A : memref<!tpu.dma_semaphore, #tpu.memory_space<semaphore_mem>>)
      %dma_wait3A_102 = arith.constant 0 : i32
      %dma_wait3A_103 = tpu.memref_slice %arg6[%mul3A_80, %dma_wait3A_102] : memref<163840x128xf32, #tpu.memory_space<hbm>> -> memref<128x128xf32, #tpu.memory_space<hbm>>
      %dma_wait3A_104 = arith.constant 0 : i32
      %dma_wait3A_105 = tpu.memref_slice %arg6[%mul3A_80, %dma_wait3A_104] : memref<163840x128xf32, #tpu.memory_space<hbm>> -> memref<128x128xf32, #tpu.memory_space<hbm>>
      tpu.wait_dma2 semaphore(%run_scoped3A : memref<!tpu.dma_semaphore, #tpu.memory_space<semaphore_mem>>) src(%arg10 : memref<128x128xf32, #tpu.memory_space<vmem>>) dst(%dma_wait3A_105 : memref<128x128xf32, #tpu.memory_space<hbm>>)
      tpu.yield
    }) : () -> ()
    %sub3A_81 = arith.constant 1 : i32
    %sub3A_82 = arith.subi %select_n3A, %sub3A_81 : i32
    %dma_wait3A_83 = arith.constant 0 : i32
    %dma_wait3A_84 = tpu.memref_slice %arg7[%sub3A_82, %dma_wait3A_83] : memref<72x128xi32, #tpu.memory_space<vmem>> -> memref<1x128xi32, #tpu.memory_space<vmem>>
    %dma_wait3A_85 = tpu.memref_squeeze %dma_wait3A_84 : memref<1x128xi32, #tpu.memory_space<vmem>> -> memref<128xi32, #tpu.memory_space<vmem>>
    %dma_wait3A_86 = arith.constant 0 : i32
    %dma_wait3A_87 = arith.constant 0 : i32
    %dma_wait3A_88 = tpu.memref_slice %arg2[%dma_wait3A_86, %dma_wait3A_87] : memref<10240x128xf32, #tpu.memory_space<hbm>> -> memref<10240x128xf32, #tpu.memory_space<hbm>>
    tpu.wait_indirect_dma semaphore(%arg15 : memref<!tpu.dma_semaphore, #tpu.memory_space<semaphore_mem>>) src(%dma_wait3A_88 : memref<10240x128xf32, #tpu.memory_space<hbm>>) dst(%arg11 : memref<128x128xf32, #tpu.memory_space<vmem>>)
    %dma_wait3A_89 = arith.constant 0 : i32
    %dma_wait3A_90 = tpu.memref_slice %arg8[%sub3A_82, %dma_wait3A_89] : memref<72x128xi32, #tpu.memory_space<vmem>> -> memref<1x128xi32, #tpu.memory_space<vmem>>
    %dma_wait3A_91 = tpu.memref_squeeze %dma_wait3A_90 : memref<1x128xi32, #tpu.memory_space<vmem>> -> memref<128xi32, #tpu.memory_space<vmem>>
    %dma_wait3A_92 = arith.constant 0 : i32
    %dma_wait3A_93 = arith.constant 0 : i32
    %dma_wait3A_94 = tpu.memref_slice %arg2[%dma_wait3A_92, %dma_wait3A_93] : memref<10240x128xf32, #tpu.memory_space<hbm>> -> memref<10240x128xf32, #tpu.memory_space<hbm>>
    tpu.wait_indirect_dma semaphore(%arg16 : memref<!tpu.dma_semaphore, #tpu.memory_space<semaphore_mem>>) src(%dma_wait3A_94 : memref<10240x128xf32, #tpu.memory_space<hbm>>) dst(%arg12 : memref<128x128xf32, #tpu.memory_space<vmem>>)
    %add3A_95 = arith.addi %select_n3A_8, %sub3A_82 : i32
    %mul3A_96 = arith.constant 128 : i32
    %mul3A_97 = arith.muli %add3A_95, %mul3A_96 : i32
    "tpu.region"() ({
      %run_scoped3A = tpu.sem_alloc : memref<!tpu.dma_semaphore, #tpu.memory_space<semaphore_mem>>
      %dma_start3A_98 = arith.constant 0 : i32
      %dma_start3A_99 = tpu.memref_slice %arg5[%mul3A_97, %dma_start3A_98] : memref<163840x128xf32, #tpu.memory_space<hbm>> -> memref<128x128xf32, #tpu.memory_space<hbm>>
      %dma_start3A_100 = arith.constant 0 : i32
      %dma_start3A_101 = tpu.memref_slice %arg5[%mul3A_97, %dma_start3A_100] : memref<163840x128xf32, #tpu.memory_space<hbm>> -> memref<128x128xf32, #tpu.memory_space<hbm>>
      tpu.enqueue_dma source(%arg11 : memref<128x128xf32, #tpu.memory_space<vmem>>) target(%dma_start3A_101 : memref<128x128xf32, #tpu.memory_space<hbm>>) target_semaphore(%run_scoped3A : memref<!tpu.dma_semaphore, #tpu.memory_space<semaphore_mem>>)
      %dma_wait3A_102 = arith.constant 0 : i32
      %dma_wait3A_103 = tpu.memref_slice %arg5[%mul3A_97, %dma_wait3A_102] : memref<163840x128xf32, #tpu.memory_space<hbm>> -> memref<128x128xf32, #tpu.memory_space<hbm>>
      %dma_wait3A_104 = arith.constant 0 : i32
      %dma_wait3A_105 = tpu.memref_slice %arg5[%mul3A_97, %dma_wait3A_104] : memref<163840x128xf32, #tpu.memory_space<hbm>> -> memref<128x128xf32, #tpu.memory_space<hbm>>
      tpu.wait_dma2 semaphore(%run_scoped3A : memref<!tpu.dma_semaphore, #tpu.memory_space<semaphore_mem>>) src(%arg11 : memref<128x128xf32, #tpu.memory_space<vmem>>) dst(%dma_wait3A_105 : memref<128x128xf32, #tpu.memory_space<hbm>>)
      tpu.yield
    }) : () -> ()
    "tpu.region"() ({
      %run_scoped3A = tpu.sem_alloc : memref<!tpu.dma_semaphore, #tpu.memory_space<semaphore_mem>>
      %dma_start3A_98 = arith.constant 0 : i32
      %dma_start3A_99 = tpu.memref_slice %arg6[%mul3A_97, %dma_start3A_98] : memref<163840x128xf32, #tpu.memory_space<hbm>> -> memref<128x128xf32, #tpu.memory_space<hbm>>
      %dma_start3A_100 = arith.constant 0 : i32
      %dma_start3A_101 = tpu.memref_slice %arg6[%mul3A_97, %dma_start3A_100] : memref<163840x128xf32, #tpu.memory_space<hbm>> -> memref<128x128xf32, #tpu.memory_space<hbm>>
      tpu.enqueue_dma source(%arg12 : memref<128x128xf32, #tpu.memory_space<vmem>>) target(%dma_start3A_101 : memref<128x128xf32, #tpu.memory_space<hbm>>) target_semaphore(%run_scoped3A : memref<!tpu.dma_semaphore, #tpu.memory_space<semaphore_mem>>)
      %dma_wait3A_102 = arith.constant 0 : i32
      %dma_wait3A_103 = tpu.memref_slice %arg6[%mul3A_97, %dma_wait3A_102] : memref<163840x128xf32, #tpu.memory_space<hbm>> -> memref<128x128xf32, #tpu.memory_space<hbm>>
      %dma_wait3A_104 = arith.constant 0 : i32
      %dma_wait3A_105 = tpu.memref_slice %arg6[%mul3A_97, %dma_wait3A_104] : memref<163840x128xf32, #tpu.memory_space<hbm>> -> memref<128x128xf32, #tpu.memory_space<hbm>>
      tpu.wait_dma2 semaphore(%run_scoped3A : memref<!tpu.dma_semaphore, #tpu.memory_space<semaphore_mem>>) src(%arg12 : memref<128x128xf32, #tpu.memory_space<vmem>>) dst(%dma_wait3A_105 : memref<128x128xf32, #tpu.memory_space<hbm>>)
      tpu.yield
    }) : () -> ()
    return
  }
}

#map = affine_map<(d0, d1) -> (0, 0, 0)>
#map1 = affine_map<(d0, d1) -> (0, 0)>
module attributes {stable_mosaic.version = 14 : i64} {
  func.func @_scatter_body(%arg0: i32, %arg1: i32, %arg2: memref<2x163840x128xf32, #tpu.memory_space<hbm>>, %arg3: memref<1344x128xi32, #tpu.memory_space<hbm>>, %arg4: memref<2x10240x128xf32, #tpu.memory_space<hbm>>, %arg5: memref<80x128xi32, #tpu.memory_space<vmem>>, %arg6: memref<128x128xf32, #tpu.memory_space<vmem>>, %arg7: memref<128x128xf32, #tpu.memory_space<vmem>>, %arg8: memref<10240x128xf32, #tpu.memory_space<vmem_shared>>, %arg9: memref<!tpu.dma_semaphore, #tpu.memory_space<semaphore_mem>>, %arg10: memref<!tpu.dma_semaphore, #tpu.memory_space<semaphore_mem>>) attributes {dimension_semantics = [#tpu.dimension_semantics<core_parallel>, #tpu.dimension_semantics<subcore_parallel>], iteration_bounds = array<i64: 2, 16>, scalar_prefetch = 0 : i64, scratch_operands = 6 : i64, tpu.core_type = #tpu.core_type<sc_vector_subcore>, window_params = [{transform_indices = #map}, {transform_indices = #map1}, {transform_indices = #map}]} {
    %broadcast_in_dim3A = arith.constant 0.000000e+00 : f32
    %broadcast_in_dim3A_0 = vector.broadcast %broadcast_in_dim3A : f32 to vector<16xf32>
    %scan3A = arith.constant 0 : i32
    %scan3A_1 = arith.constant 0 : i32
    %scan3A_2 = arith.constant 128 : i32
    %scan3A_3 = arith.addi %scan3A_1, %scan3A_2 : i32
    %scan3A_4 = arith.constant 1 : i32
    scf.for %scan3A_70 = %scan3A_1 to %scan3A_3 step %scan3A_4  : i32 {
      %swap3A = arith.index_cast %scan3A_70 : i32 to index
      %swap3A_71 = arith.constant 0 : index
      %swap3A_72 = tpu.vector_load %arg6[%swap3A, %swap3A_71] {strides = array<i32>} : memref<128x128xf32, #tpu.memory_space<vmem>>, vector<1x16xf32>,
      %swap3A_73 = vector.shape_cast %swap3A_72 : vector<1x16xf32> to vector<16xf32>
      %swap3A_74 = vector.shape_cast %broadcast_in_dim3A_0 : vector<16xf32> to vector<1x16xf32>
      tpu.vector_store %arg6[%swap3A, %swap3A_71], %swap3A_74 {strides = array<i32>} : memref<128x128xf32, #tpu.memory_space<vmem>>, vector<1x16xf32>,
      %swap3A_75 = arith.index_cast %scan3A_70 : i32 to index
      %swap3A_76 = arith.constant 16 : index
      %swap3A_77 = tpu.vector_load %arg6[%swap3A_75, %swap3A_76] {strides = array<i32>} : memref<128x128xf32, #tpu.memory_space<vmem>>, vector<1x16xf32>,
      %swap3A_78 = vector.shape_cast %swap3A_77 : vector<1x16xf32> to vector<16xf32>
      %swap3A_79 = vector.shape_cast %broadcast_in_dim3A_0 : vector<16xf32> to vector<1x16xf32>
      tpu.vector_store %arg6[%swap3A_75, %swap3A_76], %swap3A_79 {strides = array<i32>} : memref<128x128xf32, #tpu.memory_space<vmem>>, vector<1x16xf32>,
      %swap3A_80 = arith.index_cast %scan3A_70 : i32 to index
      %swap3A_81 = arith.constant 32 : index
      %swap3A_82 = tpu.vector_load %arg6[%swap3A_80, %swap3A_81] {strides = array<i32>} : memref<128x128xf32, #tpu.memory_space<vmem>>, vector<1x16xf32>,
      %swap3A_83 = vector.shape_cast %swap3A_82 : vector<1x16xf32> to vector<16xf32>
      %swap3A_84 = vector.shape_cast %broadcast_in_dim3A_0 : vector<16xf32> to vector<1x16xf32>
      tpu.vector_store %arg6[%swap3A_80, %swap3A_81], %swap3A_84 {strides = array<i32>} : memref<128x128xf32, #tpu.memory_space<vmem>>, vector<1x16xf32>,
      %swap3A_85 = arith.index_cast %scan3A_70 : i32 to index
      %swap3A_86 = arith.constant 48 : index
      %swap3A_87 = tpu.vector_load %arg6[%swap3A_85, %swap3A_86] {strides = array<i32>} : memref<128x128xf32, #tpu.memory_space<vmem>>, vector<1x16xf32>,
      %swap3A_88 = vector.shape_cast %swap3A_87 : vector<1x16xf32> to vector<16xf32>
      %swap3A_89 = vector.shape_cast %broadcast_in_dim3A_0 : vector<16xf32> to vector<1x16xf32>
      tpu.vector_store %arg6[%swap3A_85, %swap3A_86], %swap3A_89 {strides = array<i32>} : memref<128x128xf32, #tpu.memory_space<vmem>>, vector<1x16xf32>,
      %swap3A_90 = arith.index_cast %scan3A_70 : i32 to index
      %swap3A_91 = arith.constant 64 : index
      %swap3A_92 = tpu.vector_load %arg6[%swap3A_90, %swap3A_91] {strides = array<i32>} : memref<128x128xf32, #tpu.memory_space<vmem>>, vector<1x16xf32>,
      %swap3A_93 = vector.shape_cast %swap3A_92 : vector<1x16xf32> to vector<16xf32>
      %swap3A_94 = vector.shape_cast %broadcast_in_dim3A_0 : vector<16xf32> to vector<1x16xf32>
      tpu.vector_store %arg6[%swap3A_90, %swap3A_91], %swap3A_94 {strides = array<i32>} : memref<128x128xf32, #tpu.memory_space<vmem>>, vector<1x16xf32>,
      %swap3A_95 = arith.index_cast %scan3A_70 : i32 to index
      %swap3A_96 = arith.constant 80 : index
      %swap3A_97 = tpu.vector_load %arg6[%swap3A_95, %swap3A_96] {strides = array<i32>} : memref<128x128xf32, #tpu.memory_space<vmem>>, vector<1x16xf32>,
      %swap3A_98 = vector.shape_cast %swap3A_97 : vector<1x16xf32> to vector<16xf32>
      %swap3A_99 = vector.shape_cast %broadcast_in_dim3A_0 : vector<16xf32> to vector<1x16xf32>
      tpu.vector_store %arg6[%swap3A_95, %swap3A_96], %swap3A_99 {strides = array<i32>} : memref<128x128xf32, #tpu.memory_space<vmem>>, vector<1x16xf32>,
      %swap3A_100 = arith.index_cast %scan3A_70 : i32 to index
      %swap3A_101 = arith.constant 96 : index
      %swap3A_102 = tpu.vector_load %arg6[%swap3A_100, %swap3A_101] {strides = array<i32>} : memref<128x128xf32, #tpu.memory_space<vmem>>, vector<1x16xf32>,
      %swap3A_103 = vector.shape_cast %swap3A_102 : vector<1x16xf32> to vector<16xf32>
      %swap3A_104 = vector.shape_cast %broadcast_in_dim3A_0 : vector<16xf32> to vector<1x16xf32>
      tpu.vector_store %arg6[%swap3A_100, %swap3A_101], %swap3A_104 {strides = array<i32>} : memref<128x128xf32, #tpu.memory_space<vmem>>, vector<1x16xf32>,
      %swap3A_105 = arith.index_cast %scan3A_70 : i32 to index
      %swap3A_106 = arith.constant 112 : index
      %swap3A_107 = tpu.vector_load %arg6[%swap3A_105, %swap3A_106] {strides = array<i32>} : memref<128x128xf32, #tpu.memory_space<vmem>>, vector<1x16xf32>,
      %swap3A_108 = vector.shape_cast %swap3A_107 : vector<1x16xf32> to vector<16xf32>
      %swap3A_109 = vector.shape_cast %broadcast_in_dim3A_0 : vector<16xf32> to vector<1x16xf32>
      tpu.vector_store %arg6[%swap3A_105, %swap3A_106], %swap3A_109 {strides = array<i32>} : memref<128x128xf32, #tpu.memory_space<vmem>>, vector<1x16xf32>,
    }
    %scan3A_5 = arith.constant 128 : i32
    %scan3A_6 = arith.constant 0 : i32
    %scan3A_7 = arith.constant 0 : i32
    %scan3A_8 = arith.constant 5 : i32
    %scan3A_9 = arith.addi %scan3A_7, %scan3A_8 : i32
    %scan3A_10 = arith.constant 1 : i32
    scf.for %scan3A_70 = %scan3A_7 to %scan3A_9 step %scan3A_10  : i32 {
      %mul3A_71 = arith.constant 640 : i32
      %mul3A_72 = arith.muli %arg1, %mul3A_71 : i32
      %mul3A_73 = arith.constant 128 : i32
      %mul3A_74 = arith.muli %scan3A_70, %mul3A_73 : i32
      %add3A_75 = arith.addi %mul3A_72, %mul3A_74 : i32
      "tpu.region"() ({
        %run_scoped3A_76 = tpu.sem_alloc : memref<!tpu.dma_semaphore, #tpu.memory_space<semaphore_mem>>
        %dma_start3A_77 = arith.constant 0 : i32
        %dma_start3A_78 = tpu.memref_slice %arg8[%add3A_75, %dma_start3A_77] : memref<10240x128xf32, #tpu.memory_space<vmem_shared>> -> memref<128x128xf32, #tpu.memory_space<vmem_shared>>
        %dma_start3A_79 = arith.constant 0 : i32
        %dma_start3A_80 = tpu.memref_slice %arg8[%add3A_75, %dma_start3A_79] : memref<10240x128xf32, #tpu.memory_space<vmem_shared>> -> memref<128x128xf32, #tpu.memory_space<vmem_shared>>
        tpu.enqueue_dma source(%arg6 : memref<128x128xf32, #tpu.memory_space<vmem>>) target(%dma_start3A_80 : memref<128x128xf32, #tpu.memory_space<vmem_shared>>) target_semaphore(%run_scoped3A_76 : memref<!tpu.dma_semaphore, #tpu.memory_space<semaphore_mem>>)
        %dma_wait3A_81 = arith.constant 0 : i32
        %dma_wait3A_82 = tpu.memref_slice %arg8[%add3A_75, %dma_wait3A_81] : memref<10240x128xf32, #tpu.memory_space<vmem_shared>> -> memref<128x128xf32, #tpu.memory_space<vmem_shared>>
        %dma_wait3A_83 = arith.constant 0 : i32
        %dma_wait3A_84 = tpu.memref_slice %arg8[%add3A_75, %dma_wait3A_83] : memref<10240x128xf32, #tpu.memory_space<vmem_shared>> -> memref<128x128xf32, #tpu.memory_space<vmem_shared>>
        tpu.wait_dma2 semaphore(%run_scoped3A_76 : memref<!tpu.dma_semaphore, #tpu.memory_space<semaphore_mem>>) src(%arg6 : memref<128x128xf32, #tpu.memory_space<vmem>>) dst(%dma_wait3A_84 : memref<128x128xf32, #tpu.memory_space<vmem_shared>>)
        tpu.yield
      }) : () -> ()
    }
    %scan3A_11 = arith.constant 5 : i32
    %barrier3A = arith.constant 0 : index
    tpu.barrier barrier_id(%barrier3A)
    %mul3A = arith.constant 80 : i32
    %mul3A_12 = arith.muli %arg1, %mul3A : i32
    "tpu.region"() ({
      %run_scoped3A_70 = tpu.sem_alloc : memref<!tpu.dma_semaphore, #tpu.memory_space<semaphore_mem>>
      %dma_start3A_71 = arith.constant 0 : i32
      %dma_start3A_72 = tpu.memref_slice %arg3[%mul3A_12, %dma_start3A_71] : memref<1344x128xi32, #tpu.memory_space<hbm>> -> memref<80x128xi32, #tpu.memory_space<hbm>>
      %dma_start3A_73 = arith.constant 0 : i32
      %dma_start3A_74 = tpu.memref_slice %arg3[%mul3A_12, %dma_start3A_73] : memref<1344x128xi32, #tpu.memory_space<hbm>> -> memref<80x128xi32, #tpu.memory_space<hbm>>
      tpu.enqueue_dma source(%dma_start3A_74 : memref<80x128xi32, #tpu.memory_space<hbm>>) target(%arg5 : memref<80x128xi32, #tpu.memory_space<vmem>>) target_semaphore(%run_scoped3A_70 : memref<!tpu.dma_semaphore, #tpu.memory_space<semaphore_mem>>)
      %dma_wait3A_75 = arith.constant 0 : i32
      %dma_wait3A_76 = tpu.memref_slice %arg3[%mul3A_12, %dma_wait3A_75] : memref<1344x128xi32, #tpu.memory_space<hbm>> -> memref<80x128xi32, #tpu.memory_space<hbm>>
      %dma_wait3A_77 = arith.constant 0 : i32
      %dma_wait3A_78 = tpu.memref_slice %arg3[%mul3A_12, %dma_wait3A_77] : memref<1344x128xi32, #tpu.memory_space<hbm>> -> memref<80x128xi32, #tpu.memory_space<hbm>>
      tpu.wait_dma2 semaphore(%run_scoped3A_70 : memref<!tpu.dma_semaphore, #tpu.memory_space<semaphore_mem>>) src(%dma_wait3A_78 : memref<80x128xi32, #tpu.memory_space<hbm>>) dst(%arg5 : memref<80x128xi32, #tpu.memory_space<vmem>>)
      tpu.yield
    }) : () -> ()
    %mul3A_13 = arith.constant 80 : i32
    %mul3A_14 = arith.muli %arg1, %mul3A_13 : i32
    %add3A = arith.constant 0 : i32
    %add3A_15 = arith.addi %mul3A_14, %add3A : i32
    %mul3A_16 = arith.constant 128 : i32
    %mul3A_17 = arith.muli %add3A_15, %mul3A_16 : i32
    %dma_start3A = arith.constant 0 : i32
    %dma_start3A_18 = tpu.memref_slice %arg2[%arg0, %mul3A_17, %dma_start3A] : memref<2x163840x128xf32, #tpu.memory_space<hbm>> -> memref<1x128x128xf32, #tpu.memory_space<hbm>>
    %dma_start3A_19 = tpu.memref_squeeze %dma_start3A_18 : memref<1x128x128xf32, #tpu.memory_space<hbm>> -> memref<128x128xf32, #tpu.memory_space<hbm>>
    %dma_start3A_20 = arith.constant 0 : i32
    %dma_start3A_21 = tpu.memref_slice %arg2[%arg0, %mul3A_17, %dma_start3A_20] : memref<2x163840x128xf32, #tpu.memory_space<hbm>> -> memref<1x128x128xf32, #tpu.memory_space<hbm>>
    %dma_start3A_22 = tpu.memref_squeeze %dma_start3A_21 : memref<1x128x128xf32, #tpu.memory_space<hbm>> -> memref<128x128xf32, #tpu.memory_space<hbm>>
    tpu.enqueue_dma source(%dma_start3A_22 : memref<128x128xf32, #tpu.memory_space<hbm>>) target(%arg6 : memref<128x128xf32, #tpu.memory_space<vmem>>) target_semaphore(%arg9 : memref<!tpu.dma_semaphore, #tpu.memory_space<semaphore_mem>>)
    %mul3A_23 = arith.constant 80 : i32
    %mul3A_24 = arith.muli %arg1, %mul3A_23 : i32
    %add3A_25 = arith.constant 1 : i32
    %add3A_26 = arith.addi %mul3A_24, %add3A_25 : i32
    %mul3A_27 = arith.constant 128 : i32
    %mul3A_28 = arith.muli %add3A_26, %mul3A_27 : i32
    %dma_start3A_29 = arith.constant 0 : i32
    %dma_start3A_30 = tpu.memref_slice %arg2[%arg0, %mul3A_28, %dma_start3A_29] : memref<2x163840x128xf32, #tpu.memory_space<hbm>> -> memref<1x128x128xf32, #tpu.memory_space<hbm>>
    %dma_start3A_31 = tpu.memref_squeeze %dma_start3A_30 : memref<1x128x128xf32, #tpu.memory_space<hbm>> -> memref<128x128xf32, #tpu.memory_space<hbm>>
    %dma_start3A_32 = arith.constant 0 : i32
    %dma_start3A_33 = tpu.memref_slice %arg2[%arg0, %mul3A_28, %dma_start3A_32] : memref<2x163840x128xf32, #tpu.memory_space<hbm>> -> memref<1x128x128xf32, #tpu.memory_space<hbm>>
    %dma_start3A_34 = tpu.memref_squeeze %dma_start3A_33 : memref<1x128x128xf32, #tpu.memory_space<hbm>> -> memref<128x128xf32, #tpu.memory_space<hbm>>
    tpu.enqueue_dma source(%dma_start3A_34 : memref<128x128xf32, #tpu.memory_space<hbm>>) target(%arg7 : memref<128x128xf32, #tpu.memory_space<vmem>>) target_semaphore(%arg10 : memref<!tpu.dma_semaphore, #tpu.memory_space<semaphore_mem>>)
    %scan3A_35 = arith.constant 0 : i32
    %scan3A_36 = arith.constant 0 : i32
    %scan3A_37 = arith.constant 39 : i32
    %scan3A_38 = arith.addi %scan3A_36, %scan3A_37 : i32
    %scan3A_39 = arith.constant 1 : i32
    scf.for %scan3A_70 = %scan3A_36 to %scan3A_38 step %scan3A_39  : i32 {
      %mul3A_71 = arith.constant 2 : i32
      %mul3A_72 = arith.muli %mul3A_71, %scan3A_70 : i32
      %mul3A_73 = arith.constant 80 : i32
      %mul3A_74 = arith.muli %arg1, %mul3A_73 : i32
      %add3A_75 = arith.addi %mul3A_74, %mul3A_72 : i32
      %mul3A_76 = arith.constant 128 : i32
      %mul3A_77 = arith.muli %add3A_75, %mul3A_76 : i32
      %dma_wait3A_78 = arith.constant 0 : i32
      %dma_wait3A_79 = tpu.memref_slice %arg2[%arg0, %mul3A_77, %dma_wait3A_78] : memref<2x163840x128xf32, #tpu.memory_space<hbm>> -> memref<1x128x128xf32, #tpu.memory_space<hbm>>
      %dma_wait3A_80 = tpu.memref_squeeze %dma_wait3A_79 : memref<1x128x128xf32, #tpu.memory_space<hbm>> -> memref<128x128xf32, #tpu.memory_space<hbm>>
      %dma_wait3A_81 = arith.constant 0 : i32
      %dma_wait3A_82 = tpu.memref_slice %arg2[%arg0, %mul3A_77, %dma_wait3A_81] : memref<2x163840x128xf32, #tpu.memory_space<hbm>> -> memref<1x128x128xf32, #tpu.memory_space<hbm>>
      %dma_wait3A_83 = tpu.memref_squeeze %dma_wait3A_82 : memref<1x128x128xf32, #tpu.memory_space<hbm>> -> memref<128x128xf32, #tpu.memory_space<hbm>>
      tpu.wait_dma2 semaphore(%arg9 : memref<!tpu.dma_semaphore, #tpu.memory_space<semaphore_mem>>) src(%dma_wait3A_83 : memref<128x128xf32, #tpu.memory_space<hbm>>) dst(%arg6 : memref<128x128xf32, #tpu.memory_space<vmem>>)
      "tpu.region"() ({
        %run_scoped3A_123 = tpu.sem_alloc : memref<!tpu.dma_semaphore, #tpu.memory_space<semaphore_mem>>
        %dma_start3A_124 = arith.constant 0 : i32
        %dma_start3A_125 = tpu.memref_slice %arg5[%mul3A_72, %dma_start3A_124] : memref<80x128xi32, #tpu.memory_space<vmem>> -> memref<1x128xi32, #tpu.memory_space<vmem>>
        %dma_start3A_126 = tpu.memref_squeeze %dma_start3A_125 : memref<1x128xi32, #tpu.memory_space<vmem>> -> memref<128xi32, #tpu.memory_space<vmem>>
        %dma_start3A_127 = arith.constant 0 : i32
        %dma_start3A_128 = arith.constant 0 : i32
        %dma_start3A_129 = tpu.memref_slice %arg8[%dma_start3A_127, %dma_start3A_128] : memref<10240x128xf32, #tpu.memory_space<vmem_shared>> -> memref<10240x128xf32, #tpu.memory_space<vmem_shared>>
        tpu.enqueue_indirect_dma source(%arg6 : memref<128x128xf32, #tpu.memory_space<vmem>>) target(%dma_start3A_129 : memref<10240x128xf32, #tpu.memory_space<vmem_shared>>) offsets(%dma_start3A_126 : memref<128xi32, #tpu.memory_space<vmem>>) semaphore(%run_scoped3A_123 : memref<!tpu.dma_semaphore, #tpu.memory_space<semaphore_mem>>) {add = true}
        %dma_wait3A_130 = arith.constant 0 : i32
        %dma_wait3A_131 = tpu.memref_slice %arg5[%mul3A_72, %dma_wait3A_130] : memref<80x128xi32, #tpu.memory_space<vmem>> -> memref<1x128xi32, #tpu.memory_space<vmem>>
        %dma_wait3A_132 = tpu.memref_squeeze %dma_wait3A_131 : memref<1x128xi32, #tpu.memory_space<vmem>> -> memref<128xi32, #tpu.memory_space<vmem>>
        %dma_wait3A_133 = arith.constant 0 : i32
        %dma_wait3A_134 = arith.constant 0 : i32
        %dma_wait3A_135 = tpu.memref_slice %arg8[%dma_wait3A_133, %dma_wait3A_134] : memref<10240x128xf32, #tpu.memory_space<vmem_shared>> -> memref<10240x128xf32, #tpu.memory_space<vmem_shared>>
        tpu.wait_indirect_dma semaphore(%run_scoped3A_123 : memref<!tpu.dma_semaphore, #tpu.memory_space<semaphore_mem>>) src(%arg6 : memref<128x128xf32, #tpu.memory_space<vmem>>) dst(%dma_wait3A_135 : memref<10240x128xf32, #tpu.memory_space<vmem_shared>>)
        tpu.yield
      }) : () -> ()
      %add3A_84 = arith.constant 2 : i32
      %add3A_85 = arith.addi %mul3A_72, %add3A_84 : i32
      %mul3A_86 = arith.constant 80 : i32
      %mul3A_87 = arith.muli %arg1, %mul3A_86 : i32
      %add3A_88 = arith.addi %mul3A_87, %add3A_85 : i32
      %mul3A_89 = arith.constant 128 : i32
      %mul3A_90 = arith.muli %add3A_88, %mul3A_89 : i32
      %dma_start3A_91 = arith.constant 0 : i32
      %dma_start3A_92 = tpu.memref_slice %arg2[%arg0, %mul3A_90, %dma_start3A_91] : memref<2x163840x128xf32, #tpu.memory_space<hbm>> -> memref<1x128x128xf32, #tpu.memory_space<hbm>>
      %dma_start3A_93 = tpu.memref_squeeze %dma_start3A_92 : memref<1x128x128xf32, #tpu.memory_space<hbm>> -> memref<128x128xf32, #tpu.memory_space<hbm>>
      %dma_start3A_94 = arith.constant 0 : i32
      %dma_start3A_95 = tpu.memref_slice %arg2[%arg0, %mul3A_90, %dma_start3A_94] : memref<2x163840x128xf32, #tpu.memory_space<hbm>> -> memref<1x128x128xf32, #tpu.memory_space<hbm>>
      %dma_start3A_96 = tpu.memref_squeeze %dma_start3A_95 : memref<1x128x128xf32, #tpu.memory_space<hbm>> -> memref<128x128xf32, #tpu.memory_space<hbm>>
      tpu.enqueue_dma source(%dma_start3A_96 : memref<128x128xf32, #tpu.memory_space<hbm>>) target(%arg6 : memref<128x128xf32, #tpu.memory_space<vmem>>) target_semaphore(%arg9 : memref<!tpu.dma_semaphore, #tpu.memory_space<semaphore_mem>>)
      %add3A_97 = arith.constant 1 : i32
      %add3A_98 = arith.addi %mul3A_72, %add3A_97 : i32
      %mul3A_99 = arith.constant 80 : i32
      %mul3A_100 = arith.muli %arg1, %mul3A_99 : i32
      %add3A_101 = arith.addi %mul3A_100, %add3A_98 : i32
      %mul3A_102 = arith.constant 128 : i32
      %mul3A_103 = arith.muli %add3A_101, %mul3A_102 : i32
      %dma_wait3A_104 = arith.constant 0 : i32
      %dma_wait3A_105 = tpu.memref_slice %arg2[%arg0, %mul3A_103, %dma_wait3A_104] : memref<2x163840x128xf32, #tpu.memory_space<hbm>> -> memref<1x128x128xf32, #tpu.memory_space<hbm>>
      %dma_wait3A_106 = tpu.memref_squeeze %dma_wait3A_105 : memref<1x128x128xf32, #tpu.memory_space<hbm>> -> memref<128x128xf32, #tpu.memory_space<hbm>>
      %dma_wait3A_107 = arith.constant 0 : i32
      %dma_wait3A_108 = tpu.memref_slice %arg2[%arg0, %mul3A_103, %dma_wait3A_107] : memref<2x163840x128xf32, #tpu.memory_space<hbm>> -> memref<1x128x128xf32, #tpu.memory_space<hbm>>
      %dma_wait3A_109 = tpu.memref_squeeze %dma_wait3A_108 : memref<1x128x128xf32, #tpu.memory_space<hbm>> -> memref<128x128xf32, #tpu.memory_space<hbm>>
      tpu.wait_dma2 semaphore(%arg10 : memref<!tpu.dma_semaphore, #tpu.memory_space<semaphore_mem>>) src(%dma_wait3A_109 : memref<128x128xf32, #tpu.memory_space<hbm>>) dst(%arg7 : memref<128x128xf32, #tpu.memory_space<vmem>>)
      "tpu.region"() ({
        %run_scoped3A_123 = tpu.sem_alloc : memref<!tpu.dma_semaphore, #tpu.memory_space<semaphore_mem>>
        %dma_start3A_124 = arith.constant 0 : i32
        %dma_start3A_125 = tpu.memref_slice %arg5[%add3A_98, %dma_start3A_124] : memref<80x128xi32, #tpu.memory_space<vmem>> -> memref<1x128xi32, #tpu.memory_space<vmem>>
        %dma_start3A_126 = tpu.memref_squeeze %dma_start3A_125 : memref<1x128xi32, #tpu.memory_space<vmem>> -> memref<128xi32, #tpu.memory_space<vmem>>
        %dma_start3A_127 = arith.constant 0 : i32
        %dma_start3A_128 = arith.constant 0 : i32
        %dma_start3A_129 = tpu.memref_slice %arg8[%dma_start3A_127, %dma_start3A_128] : memref<10240x128xf32, #tpu.memory_space<vmem_shared>> -> memref<10240x128xf32, #tpu.memory_space<vmem_shared>>
        tpu.enqueue_indirect_dma source(%arg7 : memref<128x128xf32, #tpu.memory_space<vmem>>) target(%dma_start3A_129 : memref<10240x128xf32, #tpu.memory_space<vmem_shared>>) offsets(%dma_start3A_126 : memref<128xi32, #tpu.memory_space<vmem>>) semaphore(%run_scoped3A_123 : memref<!tpu.dma_semaphore, #tpu.memory_space<semaphore_mem>>) {add = true}
        %dma_wait3A_130 = arith.constant 0 : i32
        %dma_wait3A_131 = tpu.memref_slice %arg5[%add3A_98, %dma_wait3A_130] : memref<80x128xi32, #tpu.memory_space<vmem>> -> memref<1x128xi32, #tpu.memory_space<vmem>>
        %dma_wait3A_132 = tpu.memref_squeeze %dma_wait3A_131 : memref<1x128xi32, #tpu.memory_space<vmem>> -> memref<128xi32, #tpu.memory_space<vmem>>
        %dma_wait3A_133 = arith.constant 0 : i32
        %dma_wait3A_134 = arith.constant 0 : i32
        %dma_wait3A_135 = tpu.memref_slice %arg8[%dma_wait3A_133, %dma_wait3A_134] : memref<10240x128xf32, #tpu.memory_space<vmem_shared>> -> memref<10240x128xf32, #tpu.memory_space<vmem_shared>>
        tpu.wait_indirect_dma semaphore(%run_scoped3A_123 : memref<!tpu.dma_semaphore, #tpu.memory_space<semaphore_mem>>) src(%arg7 : memref<128x128xf32, #tpu.memory_space<vmem>>) dst(%dma_wait3A_135 : memref<10240x128xf32, #tpu.memory_space<vmem_shared>>)
        tpu.yield
      }) : () -> ()
      %add3A_110 = arith.constant 3 : i32
      %add3A_111 = arith.addi %mul3A_72, %add3A_110 : i32
      %mul3A_112 = arith.constant 80 : i32
      %mul3A_113 = arith.muli %arg1, %mul3A_112 : i32
      %add3A_114 = arith.addi %mul3A_113, %add3A_111 : i32
      %mul3A_115 = arith.constant 128 : i32
      %mul3A_116 = arith.muli %add3A_114, %mul3A_115 : i32
      %dma_start3A_117 = arith.constant 0 : i32
      %dma_start3A_118 = tpu.memref_slice %arg2[%arg0, %mul3A_116, %dma_start3A_117] : memref<2x163840x128xf32, #tpu.memory_space<hbm>> -> memref<1x128x128xf32, #tpu.memory_space<hbm>>
      %dma_start3A_119 = tpu.memref_squeeze %dma_start3A_118 : memref<1x128x128xf32, #tpu.memory_space<hbm>> -> memref<128x128xf32, #tpu.memory_space<hbm>>
      %dma_start3A_120 = arith.constant 0 : i32
      %dma_start3A_121 = tpu.memref_slice %arg2[%arg0, %mul3A_116, %dma_start3A_120] : memref<2x163840x128xf32, #tpu.memory_space<hbm>> -> memref<1x128x128xf32, #tpu.memory_space<hbm>>
      %dma_start3A_122 = tpu.memref_squeeze %dma_start3A_121 : memref<1x128x128xf32, #tpu.memory_space<hbm>> -> memref<128x128xf32, #tpu.memory_space<hbm>>
      tpu.enqueue_dma source(%dma_start3A_122 : memref<128x128xf32, #tpu.memory_space<hbm>>) target(%arg7 : memref<128x128xf32, #tpu.memory_space<vmem>>) target_semaphore(%arg10 : memref<!tpu.dma_semaphore, #tpu.memory_space<semaphore_mem>>)
    }
    %scan3A_40 = arith.constant 39 : i32
    %mul3A_41 = arith.constant 80 : i32
    %mul3A_42 = arith.muli %arg1, %mul3A_41 : i32
    %add3A_43 = arith.constant 78 : i32
    %add3A_44 = arith.addi %mul3A_42, %add3A_43 : i32
    %mul3A_45 = arith.constant 128 : i32
    %mul3A_46 = arith.muli %add3A_44, %mul3A_45 : i32
    %dma_wait3A = arith.constant 0 : i32
    %dma_wait3A_47 = tpu.memref_slice %arg2[%arg0, %mul3A_46, %dma_wait3A] : memref<2x163840x128xf32, #tpu.memory_space<hbm>> -> memref<1x128x128xf32, #tpu.memory_space<hbm>>
    %dma_wait3A_48 = tpu.memref_squeeze %dma_wait3A_47 : memref<1x128x128xf32, #tpu.memory_space<hbm>> -> memref<128x128xf32, #tpu.memory_space<hbm>>
    %dma_wait3A_49 = arith.constant 0 : i32
    %dma_wait3A_50 = tpu.memref_slice %arg2[%arg0, %mul3A_46, %dma_wait3A_49] : memref<2x163840x128xf32, #tpu.memory_space<hbm>> -> memref<1x128x128xf32, #tpu.memory_space<hbm>>
    %dma_wait3A_51 = tpu.memref_squeeze %dma_wait3A_50 : memref<1x128x128xf32, #tpu.memory_space<hbm>> -> memref<128x128xf32, #tpu.memory_space<hbm>>
    tpu.wait_dma2 semaphore(%arg9 : memref<!tpu.dma_semaphore, #tpu.memory_space<semaphore_mem>>) src(%dma_wait3A_51 : memref<128x128xf32, #tpu.memory_space<hbm>>) dst(%arg6 : memref<128x128xf32, #tpu.memory_space<vmem>>)
    %run_scoped3A = arith.constant 78 : i32
    "tpu.region"() ({
      %run_scoped3A_70 = tpu.sem_alloc : memref<!tpu.dma_semaphore, #tpu.memory_space<semaphore_mem>>
      %dma_start3A_71 = arith.constant 0 : i32
      %dma_start3A_72 = tpu.memref_slice %arg5[%run_scoped3A, %dma_start3A_71] : memref<80x128xi32, #tpu.memory_space<vmem>> -> memref<1x128xi32, #tpu.memory_space<vmem>>
      %dma_start3A_73 = tpu.memref_squeeze %dma_start3A_72 : memref<1x128xi32, #tpu.memory_space<vmem>> -> memref<128xi32, #tpu.memory_space<vmem>>
      %dma_start3A_74 = arith.constant 0 : i32
      %dma_start3A_75 = arith.constant 0 : i32
      %dma_start3A_76 = tpu.memref_slice %arg8[%dma_start3A_74, %dma_start3A_75] : memref<10240x128xf32, #tpu.memory_space<vmem_shared>> -> memref<10240x128xf32, #tpu.memory_space<vmem_shared>>
      tpu.enqueue_indirect_dma source(%arg6 : memref<128x128xf32, #tpu.memory_space<vmem>>) target(%dma_start3A_76 : memref<10240x128xf32, #tpu.memory_space<vmem_shared>>) offsets(%dma_start3A_73 : memref<128xi32, #tpu.memory_space<vmem>>) semaphore(%run_scoped3A_70 : memref<!tpu.dma_semaphore, #tpu.memory_space<semaphore_mem>>) {add = true}
      %dma_wait3A_77 = arith.constant 0 : i32
      %dma_wait3A_78 = tpu.memref_slice %arg5[%run_scoped3A, %dma_wait3A_77] : memref<80x128xi32, #tpu.memory_space<vmem>> -> memref<1x128xi32, #tpu.memory_space<vmem>>
      %dma_wait3A_79 = tpu.memref_squeeze %dma_wait3A_78 : memref<1x128xi32, #tpu.memory_space<vmem>> -> memref<128xi32, #tpu.memory_space<vmem>>
      %dma_wait3A_80 = arith.constant 0 : i32
      %dma_wait3A_81 = arith.constant 0 : i32
      %dma_wait3A_82 = tpu.memref_slice %arg8[%dma_wait3A_80, %dma_wait3A_81] : memref<10240x128xf32, #tpu.memory_space<vmem_shared>> -> memref<10240x128xf32, #tpu.memory_space<vmem_shared>>
      tpu.wait_indirect_dma semaphore(%run_scoped3A_70 : memref<!tpu.dma_semaphore, #tpu.memory_space<semaphore_mem>>) src(%arg6 : memref<128x128xf32, #tpu.memory_space<vmem>>) dst(%dma_wait3A_82 : memref<10240x128xf32, #tpu.memory_space<vmem_shared>>)
      tpu.yield
    }) : () -> ()
    %mul3A_52 = arith.constant 80 : i32
    %mul3A_53 = arith.muli %arg1, %mul3A_52 : i32
    %add3A_54 = arith.constant 79 : i32
    %add3A_55 = arith.addi %mul3A_53, %add3A_54 : i32
    %mul3A_56 = arith.constant 128 : i32
    %mul3A_57 = arith.muli %add3A_55, %mul3A_56 : i32
    %dma_wait3A_58 = arith.constant 0 : i32
    %dma_wait3A_59 = tpu.memref_slice %arg2[%arg0, %mul3A_57, %dma_wait3A_58] : memref<2x163840x128xf32, #tpu.memory_space<hbm>> -> memref<1x128x128xf32, #tpu.memory_space<hbm>>
    %dma_wait3A_60 = tpu.memref_squeeze %dma_wait3A_59 : memref<1x128x128xf32, #tpu.memory_space<hbm>> -> memref<128x128xf32, #tpu.memory_space<hbm>>
    %dma_wait3A_61 = arith.constant 0 : i32
    %dma_wait3A_62 = tpu.memref_slice %arg2[%arg0, %mul3A_57, %dma_wait3A_61] : memref<2x163840x128xf32, #tpu.memory_space<hbm>> -> memref<1x128x128xf32, #tpu.memory_space<hbm>>
    %dma_wait3A_63 = tpu.memref_squeeze %dma_wait3A_62 : memref<1x128x128xf32, #tpu.memory_space<hbm>> -> memref<128x128xf32, #tpu.memory_space<hbm>>
    tpu.wait_dma2 semaphore(%arg10 : memref<!tpu.dma_semaphore, #tpu.memory_space<semaphore_mem>>) src(%dma_wait3A_63 : memref<128x128xf32, #tpu.memory_space<hbm>>) dst(%arg7 : memref<128x128xf32, #tpu.memory_space<vmem>>)
    %run_scoped3A_64 = arith.constant 79 : i32
    "tpu.region"() ({
      %run_scoped3A_70 = tpu.sem_alloc : memref<!tpu.dma_semaphore, #tpu.memory_space<semaphore_mem>>
      %dma_start3A_71 = arith.constant 0 : i32
      %dma_start3A_72 = tpu.memref_slice %arg5[%run_scoped3A_64, %dma_start3A_71] : memref<80x128xi32, #tpu.memory_space<vmem>> -> memref<1x128xi32, #tpu.memory_space<vmem>>
      %dma_start3A_73 = tpu.memref_squeeze %dma_start3A_72 : memref<1x128xi32, #tpu.memory_space<vmem>> -> memref<128xi32, #tpu.memory_space<vmem>>
      %dma_start3A_74 = arith.constant 0 : i32
      %dma_start3A_75 = arith.constant 0 : i32
      %dma_start3A_76 = tpu.memref_slice %arg8[%dma_start3A_74, %dma_start3A_75] : memref<10240x128xf32, #tpu.memory_space<vmem_shared>> -> memref<10240x128xf32, #tpu.memory_space<vmem_shared>>
      tpu.enqueue_indirect_dma source(%arg7 : memref<128x128xf32, #tpu.memory_space<vmem>>) target(%dma_start3A_76 : memref<10240x128xf32, #tpu.memory_space<vmem_shared>>) offsets(%dma_start3A_73 : memref<128xi32, #tpu.memory_space<vmem>>) semaphore(%run_scoped3A_70 : memref<!tpu.dma_semaphore, #tpu.memory_space<semaphore_mem>>) {add = true}
      %dma_wait3A_77 = arith.constant 0 : i32
      %dma_wait3A_78 = tpu.memref_slice %arg5[%run_scoped3A_64, %dma_wait3A_77] : memref<80x128xi32, #tpu.memory_space<vmem>> -> memref<1x128xi32, #tpu.memory_space<vmem>>
      %dma_wait3A_79 = tpu.memref_squeeze %dma_wait3A_78 : memref<1x128xi32, #tpu.memory_space<vmem>> -> memref<128xi32, #tpu.memory_space<vmem>>
      %dma_wait3A_80 = arith.constant 0 : i32
      %dma_wait3A_81 = arith.constant 0 : i32
      %dma_wait3A_82 = tpu.memref_slice %arg8[%dma_wait3A_80, %dma_wait3A_81] : memref<10240x128xf32, #tpu.memory_space<vmem_shared>> -> memref<10240x128xf32, #tpu.memory_space<vmem_shared>>
      tpu.wait_indirect_dma semaphore(%run_scoped3A_70 : memref<!tpu.dma_semaphore, #tpu.memory_space<semaphore_mem>>) src(%arg7 : memref<128x128xf32, #tpu.memory_space<vmem>>) dst(%dma_wait3A_82 : memref<10240x128xf32, #tpu.memory_space<vmem_shared>>)
      tpu.yield
    }) : () -> ()
    %barrier3A_65 = arith.constant 0 : index
    tpu.barrier barrier_id(%barrier3A_65)
    %mul3A_66 = arith.constant 640 : i32
    %mul3A_67 = arith.muli %arg1, %mul3A_66 : i32
    %mul3A_68 = arith.constant 640 : i32
    %mul3A_69 = arith.muli %arg1, %mul3A_68 : i32
    "tpu.region"() ({
      %run_scoped3A_70 = tpu.sem_alloc : memref<!tpu.dma_semaphore, #tpu.memory_space<semaphore_mem>>
      %dma_start3A_71 = arith.constant 0 : i32
      %dma_start3A_72 = tpu.memref_slice %arg4[%arg0, %mul3A_69, %dma_start3A_71] : memref<2x10240x128xf32, #tpu.memory_space<hbm>> -> memref<1x640x128xf32, #tpu.memory_space<hbm>>
      %dma_start3A_73 = tpu.memref_squeeze %dma_start3A_72 : memref<1x640x128xf32, #tpu.memory_space<hbm>> -> memref<640x128xf32, #tpu.memory_space<hbm>>
      %dma_start3A_74 = arith.constant 0 : i32
      %dma_start3A_75 = tpu.memref_slice %arg8[%mul3A_67, %dma_start3A_74] : memref<10240x128xf32, #tpu.memory_space<vmem_shared>> -> memref<640x128xf32, #tpu.memory_space<vmem_shared>>
      tpu.enqueue_dma source(%dma_start3A_75 : memref<640x128xf32, #tpu.memory_space<vmem_shared>>) target(%dma_start3A_73 : memref<640x128xf32, #tpu.memory_space<hbm>>) target_semaphore(%run_scoped3A_70 : memref<!tpu.dma_semaphore, #tpu.memory_space<semaphore_mem>>)
      %dma_wait3A_76 = arith.constant 0 : i32
      %dma_wait3A_77 = tpu.memref_slice %arg4[%arg0, %mul3A_69, %dma_wait3A_76] : memref<2x10240x128xf32, #tpu.memory_space<hbm>> -> memref<1x640x128xf32, #tpu.memory_space<hbm>>
      %dma_wait3A_78 = tpu.memref_squeeze %dma_wait3A_77 : memref<1x640x128xf32, #tpu.memory_space<hbm>> -> memref<640x128xf32, #tpu.memory_space<hbm>>
      %dma_wait3A_79 = arith.constant 0 : i32
      %dma_wait3A_80 = tpu.memref_slice %arg8[%mul3A_67, %dma_wait3A_79] : memref<10240x128xf32, #tpu.memory_space<vmem_shared>> -> memref<640x128xf32, #tpu.memory_space<vmem_shared>>
      tpu.wait_dma2 semaphore(%run_scoped3A_70 : memref<!tpu.dma_semaphore, #tpu.memory_space<semaphore_mem>>) src(%dma_wait3A_80 : memref<640x128xf32, #tpu.memory_space<vmem_shared>>) dst(%dma_wait3A_78 : memref<640x128xf32, #tpu.memory_space<hbm>>)
      tpu.yield
    }) : () -> ()
    return
  }
}

module attributes {stable_mosaic.version = 14 : i64} {
  func.func @_compact_body(%arg0: i32, %arg1: memref<2048x128xi32, #tpu.memory_space<vmem>>, %arg2: memref<2048x1xi32, #tpu.memory_space<vmem>>) attributes {dimension_semantics = [#tpu.dimension_semantics<arbitrary>], iteration_bounds = array<i64: 80>, scalar_prefetch = 0 : i64, scratch_operands = 0 : i64, tpu.core_type = #tpu.core_type<tc>, window_params = [{transform_indices = @transform_0, window_bounds = array<i64: 2048, 128>}, {transform_indices = @transform_1, window_bounds = array<i64: 2048, 1>}]} {
    %get3A = arith.constant 0 : index
    %get3A_0 = arith.constant 0 : index
    %get3A_1 = vector.load %arg1[%get3A, %get3A_0] : memref<2048x128xi32, #tpu.memory_space<vmem>>, vector<2048x128xi32>
    %slice3A = vector.extract_strided_slice %get3A_1 {offsets = [0, 0], sizes = [2048, 1], strides = [1, 1]} : vector<2048x128xi32> to vector<2048x1xi32>
    %swap3A = arith.constant 0 : index
    %swap3A_2 = arith.constant 0 : index
    %swap3A_3 = vector.load %arg2[%swap3A, %swap3A_2] : memref<2048x1xi32, #tpu.memory_space<vmem>>, vector<2048x1xi32>
    tpu.vector_store %arg2[%swap3A, %swap3A_2], %slice3A {strides = array<i32>} : memref<2048x1xi32, #tpu.memory_space<vmem>>, vector<2048x1xi32>,
    return
  }
  func.func @transform_0(%arg0: i32) -> (i32, i32) {
    %c0_i32 = arith.constant 0 : i32
    %c0_i32_0 = arith.constant 0 : i32
    return %arg0, %c0_i32 : i32, i32
  }
  func.func @transform_1(%arg0: i32) -> (i32, i32) {
    %c0_i32 = arith.constant 0 : i32
    %c0_i32_0 = arith.constant 0 : i32
    return %arg0, %c0_i32 : i32, i32
  }
}

module attributes {stable_mosaic.version = 14 : i64} {
  func.func @_prep_body(%arg0: i32, %arg1: memref<1024x1xi32, #tpu.memory_space<vmem>>, %arg2: memref<2x1024x128xf32, #tpu.memory_space<vmem>>, %arg3: memref<64x16xf32, #tpu.memory_space<vmem>>, %arg4: memref<16x256xf32, #tpu.memory_space<vmem>>, %arg5: memref<1x256xf32, #tpu.memory_space<vmem>>, %arg6: memref<1024x64xf32, #tpu.memory_space<vmem>>, %arg7: memref<64x256xf32, #tpu.memory_space<vmem>>, %arg8: memref<1024x1xf32, #tpu.memory_space<vmem>>, %arg9: memref<64x1xf32, #tpu.memory_space<vmem>>) attributes {dimension_semantics = [#tpu.dimension_semantics<arbitrary>], iteration_bounds = array<i64: 10>, scalar_prefetch = 0 : i64, scratch_operands = 0 : i64, tpu.core_type = #tpu.core_type<tc>, window_params = [{transform_indices = @transform_0, window_bounds = array<i64: 1024, 1>}, {transform_indices = @transform_1, window_bounds = array<i64: 2, 1024, 128>}, {pipeline_mode = #tpu.pipeline_mode<synchronous>, transform_indices = @transform_2, window_bounds = array<i64: 64, 16>}, {pipeline_mode = #tpu.pipeline_mode<synchronous>, transform_indices = @transform_3, window_bounds = array<i64: 16, 256>}, {pipeline_mode = #tpu.pipeline_mode<synchronous>, transform_indices = @transform_4, window_bounds = array<i64: 1, 256>}, {transform_indices = @transform_5, window_bounds = array<i64: 1024, 64>}, {pipeline_mode = #tpu.pipeline_mode<synchronous>, transform_indices = @transform_6, window_bounds = array<i64: 64, 256>}, {transform_indices = @transform_7, window_bounds = array<i64: 1024, 1>}, {pipeline_mode = #tpu.pipeline_mode<synchronous>, transform_indices = @transform_8, window_bounds = array<i64: 64, 1>}]} {
    %get3A = arith.constant 0 : index
    %get3A_0 = arith.constant 0 : index
    %get3A_1 = vector.load %arg1[%get3A, %get3A_0] : memref<1024x1xi32, #tpu.memory_space<vmem>>, vector<1024x1xi32>
    %iota3A = tpu.iota {dimensions = array<i32: 1>} : vector<1x64xi32>
    %eq3A = vector.broadcast %get3A_1 : vector<1024x1xi32> to vector<1024x64xi32>
    %eq3A_2 = vector.broadcast %iota3A : vector<1x64xi32> to vector<1024x64xi32>
    %eq3A_3 = arith.cmpi eq, %eq3A, %eq3A_2 : vector<1024x64xi32>
    %convert_element_type3A = arith.extui %eq3A_3 : vector<1024x64xi1> to vector<1024x64xi32>
    %convert_element_type3A_4 = arith.sitofp %convert_element_type3A : vector<1024x64xi32> to vector<1024x64xf32>
    %swap3A = arith.constant 0 : index
    %swap3A_5 = arith.constant 0 : index
    %swap3A_6 = vector.load %arg6[%swap3A, %swap3A_5] : memref<1024x64xf32, #tpu.memory_space<vmem>>, vector<1024x64xf32>
    tpu.vector_store %arg6[%swap3A, %swap3A_5], %convert_element_type3A_4 {strides = array<i32>} : memref<1024x64xf32, #tpu.memory_space<vmem>>, vector<1024x64xf32>,
    %get3A_7 = arith.constant 0 : index
    %get3A_8 = arith.constant 0 : index
    %get3A_9 = vector.load %arg3[%get3A_7, %get3A_8] : memref<64x16xf32, #tpu.memory_space<vmem>>, vector<64x16xf32>
    %get3A_10 = arith.constant 0 : index
    %get3A_11 = arith.constant 0 : index
    %get3A_12 = vector.load %arg4[%get3A_10, %get3A_11] : memref<16x256xf32, #tpu.memory_space<vmem>>, vector<16x256xf32>
    %dot_general3A = arith.constant dense<0.000000e+00> : vector<64x256xf32>
    %dot_general3A_13 = tpu.matmul %get3A_9, %get3A_12, %dot_general3A {dimension_numbers = #tpu.dot_dimension_numbers<[1], [0], [0], [1], [0, 0, 1, 1], [], []>, transpose_lhs_hint = false} : vector<64x16xf32>, vector<16x256xf32>, vector<64x256xf32> -> vector<64x256xf32>
    %get3A_14 = arith.constant 0 : index
    %get3A_15 = arith.constant 0 : index
    %get3A_16 = vector.load %arg5[%get3A_14, %get3A_15] : memref<1x256xf32, #tpu.memory_space<vmem>>, vector<1x256xf32>
    %add3A = vector.broadcast %get3A_16 : vector<1x256xf32> to vector<64x256xf32>
    %add3A_17 = arith.addf %dot_general3A_13, %add3A : vector<64x256xf32>
    %swap3A_18 = arith.constant 0 : index
    %swap3A_19 = arith.constant 0 : index
    %swap3A_20 = vector.load %arg7[%swap3A_18, %swap3A_19] : memref<64x256xf32, #tpu.memory_space<vmem>>, vector<64x256xf32>
    tpu.vector_store %arg7[%swap3A_18, %swap3A_19], %add3A_17 {strides = array<i32>} : memref<64x256xf32, #tpu.memory_space<vmem>>, vector<64x256xf32>,
    %get3A_21 = arith.constant 0 : index
    %get3A_22 = arith.constant 0 : index
    %get3A_23 = arith.constant 0 : index
    %get3A_24 = vector.load %arg2[%get3A_21, %get3A_22, %get3A_23] : memref<2x1024x128xf32, #tpu.memory_space<vmem>>, vector<1x1024x128xf32>
    %get3A_25 = vector.shape_cast %get3A_24 : vector<1x1024x128xf32> to vector<1024x128xf32>
    %slice3A = vector.extract_strided_slice %get3A_25 {offsets = [0, 0], sizes = [1024, 1], strides = [1, 1]} : vector<1024x128xf32> to vector<1024x1xf32>
    %get3A_26 = arith.constant 1 : index
    %get3A_27 = arith.constant 0 : index
    %get3A_28 = arith.constant 0 : index
    %get3A_29 = vector.load %arg2[%get3A_26, %get3A_27, %get3A_28] : memref<2x1024x128xf32, #tpu.memory_space<vmem>>, vector<1x1024x128xf32>
    %get3A_30 = vector.shape_cast %get3A_29 : vector<1x1024x128xf32> to vector<1024x128xf32>
    %slice3A_31 = vector.extract_strided_slice %get3A_30 {offsets = [0, 0], sizes = [1024, 1], strides = [1, 1]} : vector<1024x128xf32> to vector<1024x1xf32>
    %add3A_32 = arith.addf %slice3A, %slice3A_31 : vector<1024x1xf32>
    %swap3A_33 = arith.constant 0 : index
    %swap3A_34 = arith.constant 0 : index
    %swap3A_35 = vector.load %arg8[%swap3A_33, %swap3A_34] : memref<1024x1xf32, #tpu.memory_space<vmem>>, vector<1024x1xf32>
    tpu.vector_store %arg8[%swap3A_33, %swap3A_34], %add3A_32 {strides = array<i32>} : memref<1024x1xf32, #tpu.memory_space<vmem>>, vector<1024x1xf32>,
    %eq3A_36 = arith.constant 0 : i32
    %eq3A_37 = arith.cmpi eq, %arg0, %eq3A_36 : i32
    %convert_element_type3A_38 = arith.extui %eq3A_37 : i1 to i32
    %cond3A = arith.constant 0 : i32
    %cond3A_39 = arith.cmpi ne, %convert_element_type3A_38, %cond3A : i32
    scf.if %cond3A_39 {
      %broadcast_in_dim3A_50 = arith.constant 0.000000e+00 : f32
      %broadcast_in_dim3A_51 = vector.broadcast %broadcast_in_dim3A_50 : f32 to vector<64x1xf32>
      %swap3A_52 = arith.constant 0 : index
      %swap3A_53 = arith.constant 0 : index
      %swap3A_54 = vector.load %arg9[%swap3A_52, %swap3A_53] : memref<64x1xf32, #tpu.memory_space<vmem>>, vector<64x1xf32>
      tpu.vector_store %arg9[%swap3A_52, %swap3A_53], %broadcast_in_dim3A_51 {strides = array<i32>} : memref<64x1xf32, #tpu.memory_space<vmem>>, vector<64x1xf32>,
    } else {
    }
    %get3A_40 = arith.constant 0 : index
    %get3A_41 = arith.constant 0 : index
    %get3A_42 = vector.load %arg9[%get3A_40, %get3A_41] : memref<64x1xf32, #tpu.memory_space<vmem>>, vector<64x1xf32>
    %broadcast_in_dim3A = arith.constant 1.000000e+00 : f32
    %broadcast_in_dim3A_43 = vector.broadcast %broadcast_in_dim3A : f32 to vector<1024x1xf32>
    %dot_general3A_44 = arith.constant dense<0.000000e+00> : vector<64x1xf32>
    %dot_general3A_45 = tpu.matmul %convert_element_type3A_4, %broadcast_in_dim3A_43, %dot_general3A_44 {dimension_numbers = #tpu.dot_dimension_numbers<[0], [0], [1], [1], [0, 1, 1, 1], [], []>, transpose_lhs_hint = false} : vector<1024x64xf32>, vector<1024x1xf32>, vector<64x1xf32> -> vector<64x1xf32>
    %add3A_46 = arith.addf %get3A_42, %dot_general3A_45 : vector<64x1xf32>
    %swap3A_47 = arith.constant 0 : index
    %swap3A_48 = arith.constant 0 : index
    %swap3A_49 = vector.load %arg9[%swap3A_47, %swap3A_48] : memref<64x1xf32, #tpu.memory_space<vmem>>, vector<64x1xf32>
    tpu.vector_store %arg9[%swap3A_47, %swap3A_48], %add3A_46 {strides = array<i32>} : memref<64x1xf32, #tpu.memory_space<vmem>>, vector<64x1xf32>,
    return
  }
  func.func @transform_0(%arg0: i32) -> (i32, i32) {
    %c0_i32 = arith.constant 0 : i32
    %c0_i32_0 = arith.constant 0 : i32
    return %arg0, %c0_i32 : i32, i32
  }
  func.func @transform_1(%arg0: i32) -> (i32, i32, i32) {
    %c0_i32 = arith.constant 0 : i32
    %c0_i32_0 = arith.constant 0 : i32
    %c0_i32_1 = arith.constant 0 : i32
    return %c0_i32, %arg0, %c0_i32_0 : i32, i32, i32
  }
  func.func @transform_2(%arg0: i32) -> (i32, i32) {
    %c0_i32 = arith.constant 0 : i32
    %c0_i32_0 = arith.constant 0 : i32
    %c0_i32_1 = arith.constant 0 : i32
    return %c0_i32, %c0_i32_0 : i32, i32
  }
  func.func @transform_3(%arg0: i32) -> (i32, i32) {
    %c0_i32 = arith.constant 0 : i32
    %c0_i32_0 = arith.constant 0 : i32
    %c0_i32_1 = arith.constant 0 : i32
    return %c0_i32, %c0_i32_0 : i32, i32
  }
  func.func @transform_4(%arg0: i32) -> (i32, i32) {
    %c0_i32 = arith.constant 0 : i32
    %c0_i32_0 = arith.constant 0 : i32
    %c0_i32_1 = arith.constant 0 : i32
    return %c0_i32, %c0_i32_0 : i32, i32
  }
  func.func @transform_5(%arg0: i32) -> (i32, i32) {
    %c0_i32 = arith.constant 0 : i32
    %c0_i32_0 = arith.constant 0 : i32
    return %arg0, %c0_i32 : i32, i32
  }
  func.func @transform_6(%arg0: i32) -> (i32, i32) {
    %c0_i32 = arith.constant 0 : i32
    %c0_i32_0 = arith.constant 0 : i32
    %c0_i32_1 = arith.constant 0 : i32
    return %c0_i32, %c0_i32_0 : i32, i32
  }
  func.func @transform_7(%arg0: i32) -> (i32, i32) {
    %c0_i32 = arith.constant 0 : i32
    %c0_i32_0 = arith.constant 0 : i32
    return %arg0, %c0_i32 : i32, i32
  }
  func.func @transform_8(%arg0: i32) -> (i32, i32) {
    %c0_i32 = arith.constant 0 : i32
    %c0_i32_0 = arith.constant 0 : i32
    %c0_i32_1 = arith.constant 0 : i32
    return %c0_i32, %c0_i32_0 : i32, i32
  }
}

module attributes {stable_mosaic.version = 14 : i64} {
  func.func @_edge_body(%arg0: i32, %arg1: memref<2048x128xf32, #tpu.memory_space<vmem>>, %arg2: memref<2048x128xf32, #tpu.memory_space<vmem>>, %arg3: memref<2048x1xi32, #tpu.memory_space<vmem>>, %arg4: memref<2048x16xf32, #tpu.memory_space<vmem>>, %arg5: memref<256x256xf32, #tpu.memory_space<vmem>>, %arg6: memref<16x256xf32, #tpu.memory_space<vmem>>, %arg7: memref<64x256xf32, #tpu.memory_space<vmem>>, %arg8: memref<256x16xf32, #tpu.memory_space<vmem>>, %arg9: memref<1x16xf32, #tpu.memory_space<vmem>>, %arg10: memref<128x256xf32, #tpu.memory_space<vmem>>, %arg11: memref<16x256xf32, #tpu.memory_space<vmem>>, %arg12: memref<1x256xf32, #tpu.memory_space<vmem>>, %arg13: memref<2048x16xf32, #tpu.memory_space<vmem>>, %arg14: memref<2x2048x128xf32, #tpu.memory_space<vmem>>) attributes {dimension_semantics = [#tpu.dimension_semantics<arbitrary>], iteration_bounds = array<i64: 80>, scalar_prefetch = 0 : i64, scratch_operands = 0 : i64, tpu.core_type = #tpu.core_type<tc>, window_params = [{transform_indices = @transform_0, window_bounds = array<i64: 2048, 128>}, {transform_indices = @transform_1, window_bounds = array<i64: 2048, 128>}, {transform_indices = @transform_2, window_bounds = array<i64: 2048, 1>}, {transform_indices = @transform_3, window_bounds = array<i64: 2048, 16>}, {pipeline_mode = #tpu.pipeline_mode<synchronous>, transform_indices = @transform_4, window_bounds = array<i64: 256, 256>}, {pipeline_mode = #tpu.pipeline_mode<synchronous>, transform_indices = @transform_5, window_bounds = array<i64: 16, 256>}, {pipeline_mode = #tpu.pipeline_mode<synchronous>, transform_indices = @transform_6, window_bounds = array<i64: 64, 256>}, {pipeline_mode = #tpu.pipeline_mode<synchronous>, transform_indices = @transform_7, window_bounds = array<i64: 256, 16>}, {pipeline_mode = #tpu.pipeline_mode<synchronous>, transform_indices = @transform_8, window_bounds = array<i64: 1, 16>}, {pipeline_mode = #tpu.pipeline_mode<synchronous>, transform_indices = @transform_9, window_bounds = array<i64: 128, 256>}, {pipeline_mode = #tpu.pipeline_mode<synchronous>, transform_indices = @transform_10, window_bounds = array<i64: 16, 256>}, {pipeline_mode = #tpu.pipeline_mode<synchronous>, transform_indices = @transform_11, window_bounds = array<i64: 1, 256>}, {transform_indices = @transform_12, window_bounds = array<i64: 2048, 16>}, {transform_indices = @transform_13, window_bounds = array<i64: 2, 2048, 128>}]} {
    %get3A = arith.constant 0 : index
    %get3A_0 = arith.constant 0 : index
    %get3A_1 = vector.load %arg1[%get3A, %get3A_0] : memref<2048x128xf32, #tpu.memory_space<vmem>>, vector<2048x128xf32>
    %get3A_2 = arith.constant 0 : index
    %get3A_3 = arith.constant 0 : index
    %get3A_4 = vector.load %arg2[%get3A_2, %get3A_3] : memref<2048x128xf32, #tpu.memory_space<vmem>>, vector<2048x128xf32>
    %concatenate3A = tpu.concatenate %get3A_1, %get3A_4 in 1 : vector<2048x128xf32>, vector<2048x128xf32> -> vector<2048x256xf32>
    %get3A_5 = arith.constant 0 : index
    %get3A_6 = arith.constant 0 : index
    %get3A_7 = vector.load %arg3[%get3A_5, %get3A_6] : memref<2048x1xi32, #tpu.memory_space<vmem>>, vector<2048x1xi32>
    %iota3A = tpu.iota {dimensions = array<i32: 1>} : vector<1x64xi32>
    %eq3A = vector.broadcast %get3A_7 : vector<2048x1xi32> to vector<2048x64xi32>
    %eq3A_8 = vector.broadcast %iota3A : vector<1x64xi32> to vector<2048x64xi32>
    %eq3A_9 = arith.cmpi eq, %eq3A, %eq3A_8 : vector<2048x64xi32>
    %convert_element_type3A = arith.extui %eq3A_9 : vector<2048x64xi1> to vector<2048x64xi32>
    %convert_element_type3A_10 = arith.sitofp %convert_element_type3A : vector<2048x64xi32> to vector<2048x64xf32>
    %get3A_11 = arith.constant 0 : index
    %get3A_12 = arith.constant 0 : index
    %get3A_13 = vector.load %arg5[%get3A_11, %get3A_12] : memref<256x256xf32, #tpu.memory_space<vmem>>, vector<256x256xf32>
    %dot_general3A = arith.constant dense<0.000000e+00> : vector<2048x256xf32>
    %dot_general3A_14 = tpu.matmul %concatenate3A, %get3A_13, %dot_general3A {dimension_numbers = #tpu.dot_dimension_numbers<[1], [0], [0], [1], [0, 0, 1, 1], [], []>, transpose_lhs_hint = false} : vector<2048x256xf32>, vector<256x256xf32>, vector<2048x256xf32> -> vector<2048x256xf32>
    %get3A_15 = arith.constant 0 : index
    %get3A_16 = arith.constant 0 : index
    %get3A_17 = vector.load %arg4[%get3A_15, %get3A_16] : memref<2048x16xf32, #tpu.memory_space<vmem>>, vector<2048x16xf32>
    %get3A_18 = arith.constant 0 : index
    %get3A_19 = arith.constant 0 : index
    %get3A_20 = vector.load %arg6[%get3A_18, %get3A_19] : memref<16x256xf32, #tpu.memory_space<vmem>>, vector<16x256xf32>
    %dot_general3A_21 = arith.constant dense<0.000000e+00> : vector<2048x256xf32>
    %dot_general3A_22 = tpu.matmul %get3A_17, %get3A_20, %dot_general3A_21 {dimension_numbers = #tpu.dot_dimension_numbers<[1], [0], [0], [1], [0, 0, 1, 1], [], []>, transpose_lhs_hint = false} : vector<2048x16xf32>, vector<16x256xf32>, vector<2048x256xf32> -> vector<2048x256xf32>
    %add3A = arith.addf %dot_general3A_14, %dot_general3A_22 : vector<2048x256xf32>
    %get3A_23 = arith.constant 0 : index
    %get3A_24 = arith.constant 0 : index
    %get3A_25 = vector.load %arg7[%get3A_23, %get3A_24] : memref<64x256xf32, #tpu.memory_space<vmem>>, vector<64x256xf32>
    %dot_general3A_26 = arith.constant dense<0.000000e+00> : vector<2048x256xf32>
    %dot_general3A_27 = tpu.matmul %convert_element_type3A_10, %get3A_25, %dot_general3A_26 {dimension_numbers = #tpu.dot_dimension_numbers<[1], [0], [0], [1], [0, 0, 1, 1], [], []>, transpose_lhs_hint = false} : vector<2048x64xf32>, vector<64x256xf32>, vector<2048x256xf32> -> vector<2048x256xf32>
    %add3A_28 = arith.addf %add3A, %dot_general3A_27 : vector<2048x256xf32>
    %max3A = arith.constant 0.000000e+00 : f32
    %max3A_29 = vector.broadcast %max3A : f32 to vector<2048x256xf32>
    %max3A_30 = arith.maximumf %add3A_28, %max3A_29 : vector<2048x256xf32>
    %get3A_31 = arith.constant 0 : index
    %get3A_32 = arith.constant 0 : index
    %get3A_33 = vector.load %arg8[%get3A_31, %get3A_32] : memref<256x16xf32, #tpu.memory_space<vmem>>, vector<256x16xf32>
    %dot_general3A_34 = arith.constant dense<0.000000e+00> : vector<2048x16xf32>
    %dot_general3A_35 = tpu.matmul %max3A_30, %get3A_33, %dot_general3A_34 {dimension_numbers = #tpu.dot_dimension_numbers<[1], [0], [0], [1], [0, 0, 1, 1], [], []>, transpose_lhs_hint = false} : vector<2048x256xf32>, vector<256x16xf32>, vector<2048x16xf32> -> vector<2048x16xf32>
    %get3A_36 = arith.constant 0 : index
    %get3A_37 = arith.constant 0 : index
    %get3A_38 = vector.load %arg9[%get3A_36, %get3A_37] : memref<1x16xf32, #tpu.memory_space<vmem>>, vector<1x16xf32>
    %add3A_39 = vector.broadcast %get3A_38 : vector<1x16xf32> to vector<2048x16xf32>
    %add3A_40 = arith.addf %dot_general3A_35, %add3A_39 : vector<2048x16xf32>
    %get3A_41 = arith.constant 0 : index
    %get3A_42 = arith.constant 0 : index
    %get3A_43 = vector.load %arg1[%get3A_41, %get3A_42] : memref<2048x128xf32, #tpu.memory_space<vmem>>, vector<2048x128xf32>
    %get3A_44 = arith.constant 0 : index
    %get3A_45 = arith.constant 0 : index
    %get3A_46 = vector.load %arg10[%get3A_44, %get3A_45] : memref<128x256xf32, #tpu.memory_space<vmem>>, vector<128x256xf32>
    %dot_general3A_47 = arith.constant dense<0.000000e+00> : vector<2048x256xf32>
    %dot_general3A_48 = tpu.matmul %get3A_43, %get3A_46, %dot_general3A_47 {dimension_numbers = #tpu.dot_dimension_numbers<[1], [0], [0], [1], [0, 0, 1, 1], [], []>, transpose_lhs_hint = false} : vector<2048x128xf32>, vector<128x256xf32>, vector<2048x256xf32> -> vector<2048x256xf32>
    %get3A_49 = arith.constant 0 : index
    %get3A_50 = arith.constant 0 : index
    %get3A_51 = vector.load %arg11[%get3A_49, %get3A_50] : memref<16x256xf32, #tpu.memory_space<vmem>>, vector<16x256xf32>
    %dot_general3A_52 = arith.constant dense<0.000000e+00> : vector<2048x256xf32>
    %dot_general3A_53 = tpu.matmul %add3A_40, %get3A_51, %dot_general3A_52 {dimension_numbers = #tpu.dot_dimension_numbers<[1], [0], [0], [1], [0, 0, 1, 1], [], []>, transpose_lhs_hint = false} : vector<2048x16xf32>, vector<16x256xf32>, vector<2048x256xf32> -> vector<2048x256xf32>
    %get3A_54 = arith.constant 0 : index
    %get3A_55 = arith.constant 0 : index
    %get3A_56 = vector.load %arg12[%get3A_54, %get3A_55] : memref<1x256xf32, #tpu.memory_space<vmem>>, vector<1x256xf32>
    %add3A_57 = vector.broadcast %get3A_56 : vector<1x256xf32> to vector<2048x256xf32>
    %add3A_58 = arith.addf %dot_general3A_53, %add3A_57 : vector<2048x256xf32>
    %add3A_59 = arith.addf %dot_general3A_48, %add3A_58 : vector<2048x256xf32>
    %max3A_60 = arith.constant 0.000000e+00 : f32
    %max3A_61 = vector.broadcast %max3A_60 : f32 to vector<2048x256xf32>
    %max3A_62 = arith.maximumf %add3A_59, %max3A_61 : vector<2048x256xf32>
    %swap3A = arith.constant 0 : index
    %swap3A_63 = arith.constant 0 : index
    %swap3A_64 = vector.load %arg13[%swap3A, %swap3A_63] : memref<2048x16xf32, #tpu.memory_space<vmem>>, vector<2048x16xf32>
    tpu.vector_store %arg13[%swap3A, %swap3A_63], %add3A_40 {strides = array<i32>} : memref<2048x16xf32, #tpu.memory_space<vmem>>, vector<2048x16xf32>,
    %slice3A = vector.extract_strided_slice %max3A_62 {offsets = [0, 0], sizes = [2048, 128], strides = [1, 1]} : vector<2048x256xf32> to vector<2048x128xf32>
    %swap3A_65 = arith.constant 0 : index
    %swap3A_66 = arith.constant 0 : index
    %swap3A_67 = arith.constant 0 : index
    %swap3A_68 = vector.load %arg14[%swap3A_65, %swap3A_66, %swap3A_67] : memref<2x2048x128xf32, #tpu.memory_space<vmem>>, vector<1x2048x128xf32>
    %swap3A_69 = vector.shape_cast %swap3A_68 : vector<1x2048x128xf32> to vector<2048x128xf32>
    %swap3A_70 = vector.shape_cast %slice3A : vector<2048x128xf32> to vector<1x2048x128xf32>
    tpu.vector_store %arg14[%swap3A_65, %swap3A_66, %swap3A_67], %swap3A_70 {strides = array<i32>} : memref<2x2048x128xf32, #tpu.memory_space<vmem>>, vector<1x2048x128xf32>,
    %slice3A_71 = vector.extract_strided_slice %max3A_62 {offsets = [0, 128], sizes = [2048, 128], strides = [1, 1]} : vector<2048x256xf32> to vector<2048x128xf32>
    %swap3A_72 = arith.constant 1 : index
    %swap3A_73 = arith.constant 0 : index
    %swap3A_74 = arith.constant 0 : index
    %swap3A_75 = vector.load %arg14[%swap3A_72, %swap3A_73, %swap3A_74] : memref<2x2048x128xf32, #tpu.memory_space<vmem>>, vector<1x2048x128xf32>
    %swap3A_76 = vector.shape_cast %swap3A_75 : vector<1x2048x128xf32> to vector<2048x128xf32>
    %swap3A_77 = vector.shape_cast %slice3A_71 : vector<2048x128xf32> to vector<1x2048x128xf32>
    tpu.vector_store %arg14[%swap3A_72, %swap3A_73, %swap3A_74], %swap3A_77 {strides = array<i32>} : memref<2x2048x128xf32, #tpu.memory_space<vmem>>, vector<1x2048x128xf32>,
    return
  }
  func.func @transform_0(%arg0: i32) -> (i32, i32) {
    %c0_i32 = arith.constant 0 : i32
    %c0_i32_0 = arith.constant 0 : i32
    return %arg0, %c0_i32 : i32, i32
  }
  func.func @transform_1(%arg0: i32) -> (i32, i32) {
    %c0_i32 = arith.constant 0 : i32
    %c0_i32_0 = arith.constant 0 : i32
    return %arg0, %c0_i32 : i32, i32
  }
  func.func @transform_2(%arg0: i32) -> (i32, i32) {
    %c0_i32 = arith.constant 0 : i32
    %c0_i32_0 = arith.constant 0 : i32
    return %arg0, %c0_i32 : i32, i32
  }
  func.func @transform_3(%arg0: i32) -> (i32, i32) {
    %c0_i32 = arith.constant 0 : i32
    %c0_i32_0 = arith.constant 0 : i32
    return %arg0, %c0_i32 : i32, i32
  }
  func.func @transform_4(%arg0: i32) -> (i32, i32) {
    %c0_i32 = arith.constant 0 : i32
    %c0_i32_0 = arith.constant 0 : i32
    %c0_i32_1 = arith.constant 0 : i32
    return %c0_i32, %c0_i32_0 : i32, i32
  }
  func.func @transform_5(%arg0: i32) -> (i32, i32) {
    %c0_i32 = arith.constant 0 : i32
    %c0_i32_0 = arith.constant 0 : i32
    %c0_i32_1 = arith.constant 0 : i32
    return %c0_i32, %c0_i32_0 : i32, i32
  }
  func.func @transform_6(%arg0: i32) -> (i32, i32) {
    %c0_i32 = arith.constant 0 : i32
    %c0_i32_0 = arith.constant 0 : i32
    %c0_i32_1 = arith.constant 0 : i32
    return %c0_i32, %c0_i32_0 : i32, i32
  }
  func.func @transform_7(%arg0: i32) -> (i32, i32) {
    %c0_i32 = arith.constant 0 : i32
    %c0_i32_0 = arith.constant 0 : i32
    %c0_i32_1 = arith.constant 0 : i32
    return %c0_i32, %c0_i32_0 : i32, i32
  }
  func.func @transform_8(%arg0: i32) -> (i32, i32) {
    %c0_i32 = arith.constant 0 : i32
    %c0_i32_0 = arith.constant 0 : i32
    %c0_i32_1 = arith.constant 0 : i32
    return %c0_i32, %c0_i32_0 : i32, i32
  }
  func.func @transform_9(%arg0: i32) -> (i32, i32) {
    %c0_i32 = arith.constant 0 : i32
    %c0_i32_0 = arith.constant 0 : i32
    %c0_i32_1 = arith.constant 0 : i32
    return %c0_i32, %c0_i32_0 : i32, i32
  }
  func.func @transform_10(%arg0: i32) -> (i32, i32) {
    %c0_i32 = arith.constant 0 : i32
    %c0_i32_0 = arith.constant 0 : i32
    %c0_i32_1 = arith.constant 0 : i32
    return %c0_i32, %c0_i32_0 : i32, i32
  }
  func.func @transform_11(%arg0: i32) -> (i32, i32) {
    %c0_i32 = arith.constant 0 : i32
    %c0_i32_0 = arith.constant 0 : i32
    %c0_i32_1 = arith.constant 0 : i32
    return %c0_i32, %c0_i32_0 : i32, i32
  }
  func.func @transform_12(%arg0: i32) -> (i32, i32) {
    %c0_i32 = arith.constant 0 : i32
    %c0_i32_0 = arith.constant 0 : i32
    return %arg0, %c0_i32 : i32, i32
  }
  func.func @transform_13(%arg0: i32) -> (i32, i32, i32) {
    %c0_i32 = arith.constant 0 : i32
    %c0_i32_0 = arith.constant 0 : i32
    %c0_i32_1 = arith.constant 0 : i32
    return %c0_i32, %arg0, %c0_i32_0 : i32, i32, i32
  }
}

module attributes {stable_mosaic.version = 14 : i64} {
  func.func @_node_body(%arg0: i32, %arg1: memref<2x1024x128xf32, #tpu.memory_space<vmem>>, %arg2: memref<1024x128xf32, #tpu.memory_space<vmem>>, %arg3: memref<1024x64xf32, #tpu.memory_space<vmem>>, %arg4: memref<1024x1xf32, #tpu.memory_space<vmem>>, %arg5: memref<64x16xf32, #tpu.memory_space<vmem>>, %arg6: memref<128x256xf32, #tpu.memory_space<vmem>>, %arg7: memref<128x256xf32, #tpu.memory_space<vmem>>, %arg8: memref<1x256xf32, #tpu.memory_space<vmem>>, %arg9: memref<128x256xf32, #tpu.memory_space<vmem>>, %arg10: memref<256x256xf32, #tpu.memory_space<vmem>>, %arg11: memref<16x256xf32, #tpu.memory_space<vmem>>, %arg12: memref<1x256xf32, #tpu.memory_space<vmem>>, %arg13: memref<256x128xf32, #tpu.memory_space<vmem>>, %arg14: memref<1x128xf32, #tpu.memory_space<vmem>>, %arg15: memref<1024x128xf32, #tpu.memory_space<vmem>>, %arg16: memref<64x128xf32, #tpu.memory_space<vmem>>) attributes {dimension_semantics = [#tpu.dimension_semantics<arbitrary>], iteration_bounds = array<i64: 10>, scalar_prefetch = 0 : i64, scratch_operands = 0 : i64, tpu.core_type = #tpu.core_type<tc>, window_params = [{transform_indices = @transform_0, window_bounds = array<i64: 2, 1024, 128>}, {transform_indices = @transform_1, window_bounds = array<i64: 1024, 128>}, {transform_indices = @transform_2, window_bounds = array<i64: 1024, 64>}, {transform_indices = @transform_3, window_bounds = array<i64: 1024, 1>}, {pipeline_mode = #tpu.pipeline_mode<synchronous>, transform_indices = @transform_4, window_bounds = array<i64: 64, 16>}, {pipeline_mode = #tpu.pipeline_mode<synchronous>, transform_indices = @transform_5, window_bounds = array<i64: 128, 256>}, {pipeline_mode = #tpu.pipeline_mode<synchronous>, transform_indices = @transform_6, window_bounds = array<i64: 128, 256>}, {pipeline_mode = #tpu.pipeline_mode<synchronous>, transform_indices = @transform_7, window_bounds = array<i64: 1, 256>}, {pipeline_mode = #tpu.pipeline_mode<synchronous>, transform_indices = @transform_8, window_bounds = array<i64: 128, 256>}, {pipeline_mode = #tpu.pipeline_mode<synchronous>, transform_indices = @transform_9, window_bounds = array<i64: 256, 256>}, {pipeline_mode = #tpu.pipeline_mode<synchronous>, transform_indices = @transform_10, window_bounds = array<i64: 16, 256>}, {pipeline_mode = #tpu.pipeline_mode<synchronous>, transform_indices = @transform_11, window_bounds = array<i64: 1, 256>}, {pipeline_mode = #tpu.pipeline_mode<synchronous>, transform_indices = @transform_12, window_bounds = array<i64: 256, 128>}, {pipeline_mode = #tpu.pipeline_mode<synchronous>, transform_indices = @transform_13, window_bounds = array<i64: 1, 128>}, {transform_indices = @transform_14, window_bounds = array<i64: 1024, 128>}, {pipeline_mode = #tpu.pipeline_mode<synchronous>, transform_indices = @transform_15, window_bounds = array<i64: 64, 128>}]} {
    %get3A = arith.constant 0 : index
    %get3A_0 = arith.constant 0 : index
    %get3A_1 = vector.load %arg4[%get3A, %get3A_0] : memref<1024x1xf32, #tpu.memory_space<vmem>>, vector<1024x1xf32>
    %get3A_2 = arith.constant 0 : index
    %get3A_3 = arith.constant 0 : index
    %get3A_4 = arith.constant 0 : index
    %get3A_5 = vector.load %arg1[%get3A_2, %get3A_3, %get3A_4] : memref<2x1024x128xf32, #tpu.memory_space<vmem>>, vector<1x1024x128xf32>
    %get3A_6 = vector.shape_cast %get3A_5 : vector<1x1024x128xf32> to vector<1024x128xf32>
    %get3A_7 = arith.constant 0 : index
    %get3A_8 = arith.constant 0 : index
    %get3A_9 = vector.load %arg6[%get3A_7, %get3A_8] : memref<128x256xf32, #tpu.memory_space<vmem>>, vector<128x256xf32>
    %dot_general3A = arith.constant dense<0.000000e+00> : vector<1024x256xf32>
    %dot_general3A_10 = tpu.matmul %get3A_6, %get3A_9, %dot_general3A {dimension_numbers = #tpu.dot_dimension_numbers<[1], [0], [0], [1], [0, 0, 1, 1], [], []>, transpose_lhs_hint = false} : vector<1024x128xf32>, vector<128x256xf32>, vector<1024x256xf32> -> vector<1024x256xf32>
    %get3A_11 = arith.constant 1 : index
    %get3A_12 = arith.constant 0 : index
    %get3A_13 = arith.constant 0 : index
    %get3A_14 = vector.load %arg1[%get3A_11, %get3A_12, %get3A_13] : memref<2x1024x128xf32, #tpu.memory_space<vmem>>, vector<1x1024x128xf32>
    %get3A_15 = vector.shape_cast %get3A_14 : vector<1x1024x128xf32> to vector<1024x128xf32>
    %get3A_16 = arith.constant 0 : index
    %get3A_17 = arith.constant 0 : index
    %get3A_18 = vector.load %arg7[%get3A_16, %get3A_17] : memref<128x256xf32, #tpu.memory_space<vmem>>, vector<128x256xf32>
    %dot_general3A_19 = arith.constant dense<0.000000e+00> : vector<1024x256xf32>
    %dot_general3A_20 = tpu.matmul %get3A_15, %get3A_18, %dot_general3A_19 {dimension_numbers = #tpu.dot_dimension_numbers<[1], [0], [0], [1], [0, 0, 1, 1], [], []>, transpose_lhs_hint = false} : vector<1024x128xf32>, vector<128x256xf32>, vector<1024x256xf32> -> vector<1024x256xf32>
    %add3A = arith.addf %dot_general3A_10, %dot_general3A_20 : vector<1024x256xf32>
    %get3A_21 = arith.constant 0 : index
    %get3A_22 = arith.constant 0 : index
    %get3A_23 = vector.load %arg8[%get3A_21, %get3A_22] : memref<1x256xf32, #tpu.memory_space<vmem>>, vector<1x256xf32>
    %mul3A = vector.broadcast %get3A_1 : vector<1024x1xf32> to vector<1024x256xf32>
    %mul3A_24 = vector.broadcast %get3A_23 : vector<1x256xf32> to vector<1024x256xf32>
    %mul3A_25 = arith.mulf %mul3A, %mul3A_24 : vector<1024x256xf32>
    %add3A_26 = arith.addf %add3A, %mul3A_25 : vector<1024x256xf32>
    %max3A = arith.constant 1.000000e+00 : f32
    %max3A_27 = vector.broadcast %max3A : f32 to vector<1024x1xf32>
    %max3A_28 = arith.maximumf %get3A_1, %max3A_27 : vector<1024x1xf32>
    %div3A = vector.broadcast %max3A_28 : vector<1024x1xf32> to vector<1024x256xf32>
    %div3A_29 = arith.divf %add3A_26, %div3A : vector<1024x256xf32>
    %get3A_30 = arith.constant 0 : index
    %get3A_31 = arith.constant 0 : index
    %get3A_32 = vector.load %arg3[%get3A_30, %get3A_31] : memref<1024x64xf32, #tpu.memory_space<vmem>>, vector<1024x64xf32>
    %get3A_33 = arith.constant 0 : index
    %get3A_34 = arith.constant 0 : index
    %get3A_35 = vector.load %arg5[%get3A_33, %get3A_34] : memref<64x16xf32, #tpu.memory_space<vmem>>, vector<64x16xf32>
    %dot_general3A_36 = arith.constant dense<0.000000e+00> : vector<1024x16xf32>
    %dot_general3A_37 = tpu.matmul %get3A_32, %get3A_35, %dot_general3A_36 {dimension_numbers = #tpu.dot_dimension_numbers<[1], [0], [0], [1], [0, 0, 1, 1], [], []>, transpose_lhs_hint = false} : vector<1024x64xf32>, vector<64x16xf32>, vector<1024x16xf32> -> vector<1024x16xf32>
    %get3A_38 = arith.constant 0 : index
    %get3A_39 = arith.constant 0 : index
    %get3A_40 = vector.load %arg2[%get3A_38, %get3A_39] : memref<1024x128xf32, #tpu.memory_space<vmem>>, vector<1024x128xf32>
    %get3A_41 = arith.constant 0 : index
    %get3A_42 = arith.constant 0 : index
    %get3A_43 = vector.load %arg9[%get3A_41, %get3A_42] : memref<128x256xf32, #tpu.memory_space<vmem>>, vector<128x256xf32>
    %dot_general3A_44 = arith.constant dense<0.000000e+00> : vector<1024x256xf32>
    %dot_general3A_45 = tpu.matmul %get3A_40, %get3A_43, %dot_general3A_44 {dimension_numbers = #tpu.dot_dimension_numbers<[1], [0], [0], [1], [0, 0, 1, 1], [], []>, transpose_lhs_hint = false} : vector<1024x128xf32>, vector<128x256xf32>, vector<1024x256xf32> -> vector<1024x256xf32>
    %get3A_46 = arith.constant 0 : index
    %get3A_47 = arith.constant 0 : index
    %get3A_48 = vector.load %arg10[%get3A_46, %get3A_47] : memref<256x256xf32, #tpu.memory_space<vmem>>, vector<256x256xf32>
    %dot_general3A_49 = arith.constant dense<0.000000e+00> : vector<1024x256xf32>
    %dot_general3A_50 = tpu.matmul %div3A_29, %get3A_48, %dot_general3A_49 {dimension_numbers = #tpu.dot_dimension_numbers<[1], [0], [0], [1], [0, 0, 1, 1], [], []>, transpose_lhs_hint = false} : vector<1024x256xf32>, vector<256x256xf32>, vector<1024x256xf32> -> vector<1024x256xf32>
    %add3A_51 = arith.addf %dot_general3A_45, %dot_general3A_50 : vector<1024x256xf32>
    %get3A_52 = arith.constant 0 : index
    %get3A_53 = arith.constant 0 : index
    %get3A_54 = vector.load %arg11[%get3A_52, %get3A_53] : memref<16x256xf32, #tpu.memory_space<vmem>>, vector<16x256xf32>
    %dot_general3A_55 = arith.constant dense<0.000000e+00> : vector<1024x256xf32>
    %dot_general3A_56 = tpu.matmul %dot_general3A_37, %get3A_54, %dot_general3A_55 {dimension_numbers = #tpu.dot_dimension_numbers<[1], [0], [0], [1], [0, 0, 1, 1], [], []>, transpose_lhs_hint = false} : vector<1024x16xf32>, vector<16x256xf32>, vector<1024x256xf32> -> vector<1024x256xf32>
    %get3A_57 = arith.constant 0 : index
    %get3A_58 = arith.constant 0 : index
    %get3A_59 = vector.load %arg12[%get3A_57, %get3A_58] : memref<1x256xf32, #tpu.memory_space<vmem>>, vector<1x256xf32>
    %add3A_60 = vector.broadcast %get3A_59 : vector<1x256xf32> to vector<1024x256xf32>
    %add3A_61 = arith.addf %dot_general3A_56, %add3A_60 : vector<1024x256xf32>
    %add3A_62 = arith.addf %add3A_51, %add3A_61 : vector<1024x256xf32>
    %max3A_63 = arith.constant 0.000000e+00 : f32
    %max3A_64 = vector.broadcast %max3A_63 : f32 to vector<1024x256xf32>
    %max3A_65 = arith.maximumf %add3A_62, %max3A_64 : vector<1024x256xf32>
    %get3A_66 = arith.constant 0 : index
    %get3A_67 = arith.constant 0 : index
    %get3A_68 = vector.load %arg13[%get3A_66, %get3A_67] : memref<256x128xf32, #tpu.memory_space<vmem>>, vector<256x128xf32>
    %dot_general3A_69 = arith.constant dense<0.000000e+00> : vector<1024x128xf32>
    %dot_general3A_70 = tpu.matmul %max3A_65, %get3A_68, %dot_general3A_69 {dimension_numbers = #tpu.dot_dimension_numbers<[1], [0], [0], [1], [0, 0, 1, 1], [], []>, transpose_lhs_hint = false} : vector<1024x256xf32>, vector<256x128xf32>, vector<1024x128xf32> -> vector<1024x128xf32>
    %get3A_71 = arith.constant 0 : index
    %get3A_72 = arith.constant 0 : index
    %get3A_73 = vector.load %arg14[%get3A_71, %get3A_72] : memref<1x128xf32, #tpu.memory_space<vmem>>, vector<1x128xf32>
    %add3A_74 = vector.broadcast %get3A_73 : vector<1x128xf32> to vector<1024x128xf32>
    %add3A_75 = arith.addf %dot_general3A_70, %add3A_74 : vector<1024x128xf32>
    %swap3A = arith.constant 0 : index
    %swap3A_76 = arith.constant 0 : index
    %swap3A_77 = vector.load %arg15[%swap3A, %swap3A_76] : memref<1024x128xf32, #tpu.memory_space<vmem>>, vector<1024x128xf32>
    tpu.vector_store %arg15[%swap3A, %swap3A_76], %add3A_75 {strides = array<i32>} : memref<1024x128xf32, #tpu.memory_space<vmem>>, vector<1024x128xf32>,
    %eq3A = arith.constant 0 : i32
    %eq3A_78 = arith.cmpi eq, %arg0, %eq3A : i32
    %convert_element_type3A = arith.extui %eq3A_78 : i1 to i32
    %cond3A = arith.constant 0 : i32
    %cond3A_79 = arith.cmpi ne, %convert_element_type3A, %cond3A : i32
    scf.if %cond3A_79 {
      %broadcast_in_dim3A = arith.constant 0.000000e+00 : f32
      %broadcast_in_dim3A_92 = vector.broadcast %broadcast_in_dim3A : f32 to vector<64x128xf32>
      %swap3A_93 = arith.constant 0 : index
      %swap3A_94 = arith.constant 0 : index
      %swap3A_95 = vector.load %arg16[%swap3A_93, %swap3A_94] : memref<64x128xf32, #tpu.memory_space<vmem>>, vector<64x128xf32>
      tpu.vector_store %arg16[%swap3A_93, %swap3A_94], %broadcast_in_dim3A_92 {strides = array<i32>} : memref<64x128xf32, #tpu.memory_space<vmem>>, vector<64x128xf32>,
    } else {
    }
    %get3A_80 = arith.constant 0 : index
    %get3A_81 = arith.constant 0 : index
    %get3A_82 = vector.load %arg16[%get3A_80, %get3A_81] : memref<64x128xf32, #tpu.memory_space<vmem>>, vector<64x128xf32>
    %get3A_83 = arith.constant 0 : index
    %get3A_84 = arith.constant 0 : index
    %get3A_85 = vector.load %arg3[%get3A_83, %get3A_84] : memref<1024x64xf32, #tpu.memory_space<vmem>>, vector<1024x64xf32>
    %dot_general3A_86 = arith.constant dense<0.000000e+00> : vector<64x128xf32>
    %dot_general3A_87 = tpu.matmul %get3A_85, %add3A_75, %dot_general3A_86 {dimension_numbers = #tpu.dot_dimension_numbers<[0], [0], [1], [1], [0, 1, 1, 1], [], []>, transpose_lhs_hint = false} : vector<1024x64xf32>, vector<1024x128xf32>, vector<64x128xf32> -> vector<64x128xf32>
    %add3A_88 = arith.addf %get3A_82, %dot_general3A_87 : vector<64x128xf32>
    %swap3A_89 = arith.constant 0 : index
    %swap3A_90 = arith.constant 0 : index
    %swap3A_91 = vector.load %arg16[%swap3A_89, %swap3A_90] : memref<64x128xf32, #tpu.memory_space<vmem>>, vector<64x128xf32>
    tpu.vector_store %arg16[%swap3A_89, %swap3A_90], %add3A_88 {strides = array<i32>} : memref<64x128xf32, #tpu.memory_space<vmem>>, vector<64x128xf32>,
    return
  }
  func.func @transform_0(%arg0: i32) -> (i32, i32, i32) {
    %c0_i32 = arith.constant 0 : i32
    %c0_i32_0 = arith.constant 0 : i32
    %c0_i32_1 = arith.constant 0 : i32
    return %c0_i32, %arg0, %c0_i32_0 : i32, i32, i32
  }
  func.func @transform_1(%arg0: i32) -> (i32, i32) {
    %c0_i32 = arith.constant 0 : i32
    %c0_i32_0 = arith.constant 0 : i32
    return %arg0, %c0_i32 : i32, i32
  }
  func.func @transform_2(%arg0: i32) -> (i32, i32) {
    %c0_i32 = arith.constant 0 : i32
    %c0_i32_0 = arith.constant 0 : i32
    return %arg0, %c0_i32 : i32, i32
  }
  func.func @transform_3(%arg0: i32) -> (i32, i32) {
    %c0_i32 = arith.constant 0 : i32
    %c0_i32_0 = arith.constant 0 : i32
    return %arg0, %c0_i32 : i32, i32
  }
  func.func @transform_4(%arg0: i32) -> (i32, i32) {
    %c0_i32 = arith.constant 0 : i32
    %c0_i32_0 = arith.constant 0 : i32
    %c0_i32_1 = arith.constant 0 : i32
    return %c0_i32, %c0_i32_0 : i32, i32
  }
  func.func @transform_5(%arg0: i32) -> (i32, i32) {
    %c0_i32 = arith.constant 0 : i32
    %c0_i32_0 = arith.constant 0 : i32
    %c0_i32_1 = arith.constant 0 : i32
    return %c0_i32, %c0_i32_0 : i32, i32
  }
  func.func @transform_6(%arg0: i32) -> (i32, i32) {
    %c0_i32 = arith.constant 0 : i32
    %c0_i32_0 = arith.constant 0 : i32
    %c0_i32_1 = arith.constant 0 : i32
    return %c0_i32, %c0_i32_0 : i32, i32
  }
  func.func @transform_7(%arg0: i32) -> (i32, i32) {
    %c0_i32 = arith.constant 0 : i32
    %c0_i32_0 = arith.constant 0 : i32
    %c0_i32_1 = arith.constant 0 : i32
    return %c0_i32, %c0_i32_0 : i32, i32
  }
  func.func @transform_8(%arg0: i32) -> (i32, i32) {
    %c0_i32 = arith.constant 0 : i32
    %c0_i32_0 = arith.constant 0 : i32
    %c0_i32_1 = arith.constant 0 : i32
    return %c0_i32, %c0_i32_0 : i32, i32
  }
  func.func @transform_9(%arg0: i32) -> (i32, i32) {
    %c0_i32 = arith.constant 0 : i32
    %c0_i32_0 = arith.constant 0 : i32
    %c0_i32_1 = arith.constant 0 : i32
    return %c0_i32, %c0_i32_0 : i32, i32
  }
  func.func @transform_10(%arg0: i32) -> (i32, i32) {
    %c0_i32 = arith.constant 0 : i32
    %c0_i32_0 = arith.constant 0 : i32
    %c0_i32_1 = arith.constant 0 : i32
    return %c0_i32, %c0_i32_0 : i32, i32
  }
  func.func @transform_11(%arg0: i32) -> (i32, i32) {
    %c0_i32 = arith.constant 0 : i32
    %c0_i32_0 = arith.constant 0 : i32
    %c0_i32_1 = arith.constant 0 : i32
    return %c0_i32, %c0_i32_0 : i32, i32
  }
  func.func @transform_12(%arg0: i32) -> (i32, i32) {
    %c0_i32 = arith.constant 0 : i32
    %c0_i32_0 = arith.constant 0 : i32
    %c0_i32_1 = arith.constant 0 : i32
    return %c0_i32, %c0_i32_0 : i32, i32
  }
  func.func @transform_13(%arg0: i32) -> (i32, i32) {
    %c0_i32 = arith.constant 0 : i32
    %c0_i32_0 = arith.constant 0 : i32
    %c0_i32_1 = arith.constant 0 : i32
    return %c0_i32, %c0_i32_0 : i32, i32
  }
  func.func @transform_14(%arg0: i32) -> (i32, i32) {
    %c0_i32 = arith.constant 0 : i32
    %c0_i32_0 = arith.constant 0 : i32
    return %arg0, %c0_i32 : i32, i32
  }
  func.func @transform_15(%arg0: i32) -> (i32, i32) {
    %c0_i32 = arith.constant 0 : i32
    %c0_i32_0 = arith.constant 0 : i32
    %c0_i32_1 = arith.constant 0 : i32
    return %c0_i32, %c0_i32_0 : i32, i32
  }
}

module attributes {stable_mosaic.version = 14 : i64} {
  func.func @_glob_body(%arg0: i32, %arg1: memref<64x16xf32, #tpu.memory_space<vmem>>, %arg2: memref<64x128xf32, #tpu.memory_space<vmem>>, %arg3: memref<64x1xf32, #tpu.memory_space<vmem>>, %arg4: memref<16x256xf32, #tpu.memory_space<vmem>>, %arg5: memref<128x256xf32, #tpu.memory_space<vmem>>, %arg6: memref<1x256xf32, #tpu.memory_space<vmem>>, %arg7: memref<256x16xf32, #tpu.memory_space<vmem>>, %arg8: memref<1x16xf32, #tpu.memory_space<vmem>>, %arg9: memref<16x256xf32, #tpu.memory_space<vmem>>, %arg10: memref<1x256xf32, #tpu.memory_space<vmem>>, %arg11: memref<64x16xf32, #tpu.memory_space<vmem>>, %arg12: memref<64x256xf32, #tpu.memory_space<vmem>>) attributes {dimension_semantics = [#tpu.dimension_semantics<arbitrary>], iteration_bounds = array<i64: 1>, scalar_prefetch = 0 : i64, scratch_operands = 0 : i64, tpu.core_type = #tpu.core_type<tc>, window_params = [{pipeline_mode = #tpu.pipeline_mode<synchronous>, transform_indices = @transform_0, window_bounds = array<i64: 64, 16>}, {pipeline_mode = #tpu.pipeline_mode<synchronous>, transform_indices = @transform_1, window_bounds = array<i64: 64, 128>}, {pipeline_mode = #tpu.pipeline_mode<synchronous>, transform_indices = @transform_2, window_bounds = array<i64: 64, 1>}, {pipeline_mode = #tpu.pipeline_mode<synchronous>, transform_indices = @transform_3, window_bounds = array<i64: 16, 256>}, {pipeline_mode = #tpu.pipeline_mode<synchronous>, transform_indices = @transform_4, window_bounds = array<i64: 128, 256>}, {pipeline_mode = #tpu.pipeline_mode<synchronous>, transform_indices = @transform_5, window_bounds = array<i64: 1, 256>}, {pipeline_mode = #tpu.pipeline_mode<synchronous>, transform_indices = @transform_6, window_bounds = array<i64: 256, 16>}, {pipeline_mode = #tpu.pipeline_mode<synchronous>, transform_indices = @transform_7, window_bounds = array<i64: 1, 16>}, {pipeline_mode = #tpu.pipeline_mode<synchronous>, transform_indices = @transform_8, window_bounds = array<i64: 16, 256>}, {pipeline_mode = #tpu.pipeline_mode<synchronous>, transform_indices = @transform_9, window_bounds = array<i64: 1, 256>}, {pipeline_mode = #tpu.pipeline_mode<synchronous>, transform_indices = @transform_10, window_bounds = array<i64: 64, 16>}, {pipeline_mode = #tpu.pipeline_mode<synchronous>, transform_indices = @transform_11, window_bounds = array<i64: 64, 256>}]} {
    %get3A = arith.constant 0 : index
    %get3A_0 = arith.constant 0 : index
    %get3A_1 = vector.load %arg2[%get3A, %get3A_0] : memref<64x128xf32, #tpu.memory_space<vmem>>, vector<64x128xf32>
    %get3A_2 = arith.constant 0 : index
    %get3A_3 = arith.constant 0 : index
    %get3A_4 = vector.load %arg3[%get3A_2, %get3A_3] : memref<64x1xf32, #tpu.memory_space<vmem>>, vector<64x1xf32>
    %max3A = arith.constant 1.000000e+00 : f32
    %max3A_5 = vector.broadcast %max3A : f32 to vector<64x1xf32>
    %max3A_6 = arith.maximumf %get3A_4, %max3A_5 : vector<64x1xf32>
    %div3A = vector.broadcast %max3A_6 : vector<64x1xf32> to vector<64x128xf32>
    %div3A_7 = arith.divf %get3A_1, %div3A : vector<64x128xf32>
    %get3A_8 = arith.constant 0 : index
    %get3A_9 = arith.constant 0 : index
    %get3A_10 = vector.load %arg1[%get3A_8, %get3A_9] : memref<64x16xf32, #tpu.memory_space<vmem>>, vector<64x16xf32>
    %get3A_11 = arith.constant 0 : index
    %get3A_12 = arith.constant 0 : index
    %get3A_13 = vector.load %arg4[%get3A_11, %get3A_12] : memref<16x256xf32, #tpu.memory_space<vmem>>, vector<16x256xf32>
    %dot_general3A = arith.constant dense<0.000000e+00> : vector<64x256xf32>
    %dot_general3A_14 = tpu.matmul %get3A_10, %get3A_13, %dot_general3A {dimension_numbers = #tpu.dot_dimension_numbers<[1], [0], [0], [1], [0, 0, 1, 1], [], []>, transpose_lhs_hint = false} : vector<64x16xf32>, vector<16x256xf32>, vector<64x256xf32> -> vector<64x256xf32>
    %get3A_15 = arith.constant 0 : index
    %get3A_16 = arith.constant 0 : index
    %get3A_17 = vector.load %arg5[%get3A_15, %get3A_16] : memref<128x256xf32, #tpu.memory_space<vmem>>, vector<128x256xf32>
    %dot_general3A_18 = arith.constant dense<0.000000e+00> : vector<64x256xf32>
    %dot_general3A_19 = tpu.matmul %div3A_7, %get3A_17, %dot_general3A_18 {dimension_numbers = #tpu.dot_dimension_numbers<[1], [0], [0], [1], [0, 0, 1, 1], [], []>, transpose_lhs_hint = false} : vector<64x128xf32>, vector<128x256xf32>, vector<64x256xf32> -> vector<64x256xf32>
    %get3A_20 = arith.constant 0 : index
    %get3A_21 = arith.constant 0 : index
    %get3A_22 = vector.load %arg6[%get3A_20, %get3A_21] : memref<1x256xf32, #tpu.memory_space<vmem>>, vector<1x256xf32>
    %add3A = vector.broadcast %get3A_22 : vector<1x256xf32> to vector<64x256xf32>
    %add3A_23 = arith.addf %dot_general3A_19, %add3A : vector<64x256xf32>
    %add3A_24 = arith.addf %dot_general3A_14, %add3A_23 : vector<64x256xf32>
    %max3A_25 = arith.constant 0.000000e+00 : f32
    %max3A_26 = vector.broadcast %max3A_25 : f32 to vector<64x256xf32>
    %max3A_27 = arith.maximumf %add3A_24, %max3A_26 : vector<64x256xf32>
    %get3A_28 = arith.constant 0 : index
    %get3A_29 = arith.constant 0 : index
    %get3A_30 = vector.load %arg7[%get3A_28, %get3A_29] : memref<256x16xf32, #tpu.memory_space<vmem>>, vector<256x16xf32>
    %dot_general3A_31 = arith.constant dense<0.000000e+00> : vector<64x16xf32>
    %dot_general3A_32 = tpu.matmul %max3A_27, %get3A_30, %dot_general3A_31 {dimension_numbers = #tpu.dot_dimension_numbers<[1], [0], [0], [1], [0, 0, 1, 1], [], []>, transpose_lhs_hint = false} : vector<64x256xf32>, vector<256x16xf32>, vector<64x16xf32> -> vector<64x16xf32>
    %get3A_33 = arith.constant 0 : index
    %get3A_34 = arith.constant 0 : index
    %get3A_35 = vector.load %arg8[%get3A_33, %get3A_34] : memref<1x16xf32, #tpu.memory_space<vmem>>, vector<1x16xf32>
    %add3A_36 = vector.broadcast %get3A_35 : vector<1x16xf32> to vector<64x16xf32>
    %add3A_37 = arith.addf %dot_general3A_32, %add3A_36 : vector<64x16xf32>
    %swap3A = arith.constant 0 : index
    %swap3A_38 = arith.constant 0 : index
    %swap3A_39 = vector.load %arg11[%swap3A, %swap3A_38] : memref<64x16xf32, #tpu.memory_space<vmem>>, vector<64x16xf32>
    tpu.vector_store %arg11[%swap3A, %swap3A_38], %add3A_37 {strides = array<i32>} : memref<64x16xf32, #tpu.memory_space<vmem>>, vector<64x16xf32>,
    %get3A_40 = arith.constant 0 : index
    %get3A_41 = arith.constant 0 : index
    %get3A_42 = vector.load %arg9[%get3A_40, %get3A_41] : memref<16x256xf32, #tpu.memory_space<vmem>>, vector<16x256xf32>
    %dot_general3A_43 = arith.constant dense<0.000000e+00> : vector<64x256xf32>
    %dot_general3A_44 = tpu.matmul %add3A_37, %get3A_42, %dot_general3A_43 {dimension_numbers = #tpu.dot_dimension_numbers<[1], [0], [0], [1], [0, 0, 1, 1], [], []>, transpose_lhs_hint = false} : vector<64x16xf32>, vector<16x256xf32>, vector<64x256xf32> -> vector<64x256xf32>
    %get3A_45 = arith.constant 0 : index
    %get3A_46 = arith.constant 0 : index
    %get3A_47 = vector.load %arg10[%get3A_45, %get3A_46] : memref<1x256xf32, #tpu.memory_space<vmem>>, vector<1x256xf32>
    %add3A_48 = vector.broadcast %get3A_47 : vector<1x256xf32> to vector<64x256xf32>
    %add3A_49 = arith.addf %dot_general3A_44, %add3A_48 : vector<64x256xf32>
    %swap3A_50 = arith.constant 0 : index
    %swap3A_51 = arith.constant 0 : index
    %swap3A_52 = vector.load %arg12[%swap3A_50, %swap3A_51] : memref<64x256xf32, #tpu.memory_space<vmem>>, vector<64x256xf32>
    tpu.vector_store %arg12[%swap3A_50, %swap3A_51], %add3A_49 {strides = array<i32>} : memref<64x256xf32, #tpu.memory_space<vmem>>, vector<64x256xf32>,
    return
  }
  func.func @transform_0(%arg0: i32) -> (i32, i32) {
    %c0_i32 = arith.constant 0 : i32
    %c0_i32_0 = arith.constant 0 : i32
    %c0_i32_1 = arith.constant 0 : i32
    return %c0_i32, %c0_i32_0 : i32, i32
  }
  func.func @transform_1(%arg0: i32) -> (i32, i32) {
    %c0_i32 = arith.constant 0 : i32
    %c0_i32_0 = arith.constant 0 : i32
    %c0_i32_1 = arith.constant 0 : i32
    return %c0_i32, %c0_i32_0 : i32, i32
  }
  func.func @transform_2(%arg0: i32) -> (i32, i32) {
    %c0_i32 = arith.constant 0 : i32
    %c0_i32_0 = arith.constant 0 : i32
    %c0_i32_1 = arith.constant 0 : i32
    return %c0_i32, %c0_i32_0 : i32, i32
  }
  func.func @transform_3(%arg0: i32) -> (i32, i32) {
    %c0_i32 = arith.constant 0 : i32
    %c0_i32_0 = arith.constant 0 : i32
    %c0_i32_1 = arith.constant 0 : i32
    return %c0_i32, %c0_i32_0 : i32, i32
  }
  func.func @transform_4(%arg0: i32) -> (i32, i32) {
    %c0_i32 = arith.constant 0 : i32
    %c0_i32_0 = arith.constant 0 : i32
    %c0_i32_1 = arith.constant 0 : i32
    return %c0_i32, %c0_i32_0 : i32, i32
  }
  func.func @transform_5(%arg0: i32) -> (i32, i32) {
    %c0_i32 = arith.constant 0 : i32
    %c0_i32_0 = arith.constant 0 : i32
    %c0_i32_1 = arith.constant 0 : i32
    return %c0_i32, %c0_i32_0 : i32, i32
  }
  func.func @transform_6(%arg0: i32) -> (i32, i32) {
    %c0_i32 = arith.constant 0 : i32
    %c0_i32_0 = arith.constant 0 : i32
    %c0_i32_1 = arith.constant 0 : i32
    return %c0_i32, %c0_i32_0 : i32, i32
  }
  func.func @transform_7(%arg0: i32) -> (i32, i32) {
    %c0_i32 = arith.constant 0 : i32
    %c0_i32_0 = arith.constant 0 : i32
    %c0_i32_1 = arith.constant 0 : i32
    return %c0_i32, %c0_i32_0 : i32, i32
  }
  func.func @transform_8(%arg0: i32) -> (i32, i32) {
    %c0_i32 = arith.constant 0 : i32
    %c0_i32_0 = arith.constant 0 : i32
    %c0_i32_1 = arith.constant 0 : i32
    return %c0_i32, %c0_i32_0 : i32, i32
  }
  func.func @transform_9(%arg0: i32) -> (i32, i32) {
    %c0_i32 = arith.constant 0 : i32
    %c0_i32_0 = arith.constant 0 : i32
    %c0_i32_1 = arith.constant 0 : i32
    return %c0_i32, %c0_i32_0 : i32, i32
  }
  func.func @transform_10(%arg0: i32) -> (i32, i32) {
    %c0_i32 = arith.constant 0 : i32
    %c0_i32_0 = arith.constant 0 : i32
    %c0_i32_1 = arith.constant 0 : i32
    return %c0_i32, %c0_i32_0 : i32, i32
  }
  func.func @transform_11(%arg0: i32) -> (i32, i32) {
    %c0_i32 = arith.constant 0 : i32
    %c0_i32_0 = arith.constant 0 : i32
    %c0_i32_1 = arith.constant 0 : i32
    return %c0_i32, %c0_i32_0 : i32, i32
  }
}

module attributes {stable_mosaic.version = 14 : i64} {
  func.func @_glob_body(%arg0: i32, %arg1: memref<64x16xf32, #tpu.memory_space<vmem>>, %arg2: memref<64x128xf32, #tpu.memory_space<vmem>>, %arg3: memref<64x1xf32, #tpu.memory_space<vmem>>, %arg4: memref<16x256xf32, #tpu.memory_space<vmem>>, %arg5: memref<128x256xf32, #tpu.memory_space<vmem>>, %arg6: memref<1x256xf32, #tpu.memory_space<vmem>>, %arg7: memref<256x16xf32, #tpu.memory_space<vmem>>, %arg8: memref<1x16xf32, #tpu.memory_space<vmem>>, %arg9: memref<16x256xf32, #tpu.memory_space<vmem>>, %arg10: memref<1x256xf32, #tpu.memory_space<vmem>>, %arg11: memref<64x16xf32, #tpu.memory_space<vmem>>, %arg12: memref<64x256xf32, #tpu.memory_space<vmem>>) attributes {dimension_semantics = [#tpu.dimension_semantics<arbitrary>], iteration_bounds = array<i64: 1>, scalar_prefetch = 0 : i64, scratch_operands = 0 : i64, tpu.core_type = #tpu.core_type<tc>, window_params = [{pipeline_mode = #tpu.pipeline_mode<synchronous>, transform_indices = @transform_0, window_bounds = array<i64: 64, 16>}, {pipeline_mode = #tpu.pipeline_mode<synchronous>, transform_indices = @transform_1, window_bounds = array<i64: 64, 128>}, {pipeline_mode = #tpu.pipeline_mode<synchronous>, transform_indices = @transform_2, window_bounds = array<i64: 64, 1>}, {pipeline_mode = #tpu.pipeline_mode<synchronous>, transform_indices = @transform_3, window_bounds = array<i64: 16, 256>}, {pipeline_mode = #tpu.pipeline_mode<synchronous>, transform_indices = @transform_4, window_bounds = array<i64: 128, 256>}, {pipeline_mode = #tpu.pipeline_mode<synchronous>, transform_indices = @transform_5, window_bounds = array<i64: 1, 256>}, {pipeline_mode = #tpu.pipeline_mode<synchronous>, transform_indices = @transform_6, window_bounds = array<i64: 256, 16>}, {pipeline_mode = #tpu.pipeline_mode<synchronous>, transform_indices = @transform_7, window_bounds = array<i64: 1, 16>}, {pipeline_mode = #tpu.pipeline_mode<synchronous>, transform_indices = @transform_8, window_bounds = array<i64: 16, 256>}, {pipeline_mode = #tpu.pipeline_mode<synchronous>, transform_indices = @transform_9, window_bounds = array<i64: 1, 256>}, {pipeline_mode = #tpu.pipeline_mode<synchronous>, transform_indices = @transform_10, window_bounds = array<i64: 64, 16>}, {pipeline_mode = #tpu.pipeline_mode<synchronous>, transform_indices = @transform_11, window_bounds = array<i64: 64, 256>}]} {
    %get3A = arith.constant 0 : index
    %get3A_0 = arith.constant 0 : index
    %get3A_1 = vector.load %arg2[%get3A, %get3A_0] : memref<64x128xf32, #tpu.memory_space<vmem>>, vector<64x128xf32>
    %get3A_2 = arith.constant 0 : index
    %get3A_3 = arith.constant 0 : index
    %get3A_4 = vector.load %arg3[%get3A_2, %get3A_3] : memref<64x1xf32, #tpu.memory_space<vmem>>, vector<64x1xf32>
    %max3A = arith.constant 1.000000e+00 : f32
    %max3A_5 = vector.broadcast %max3A : f32 to vector<64x1xf32>
    %max3A_6 = arith.maximumf %get3A_4, %max3A_5 : vector<64x1xf32>
    %div3A = vector.broadcast %max3A_6 : vector<64x1xf32> to vector<64x128xf32>
    %div3A_7 = arith.divf %get3A_1, %div3A : vector<64x128xf32>
    %get3A_8 = arith.constant 0 : index
    %get3A_9 = arith.constant 0 : index
    %get3A_10 = vector.load %arg1[%get3A_8, %get3A_9] : memref<64x16xf32, #tpu.memory_space<vmem>>, vector<64x16xf32>
    %get3A_11 = arith.constant 0 : index
    %get3A_12 = arith.constant 0 : index
    %get3A_13 = vector.load %arg4[%get3A_11, %get3A_12] : memref<16x256xf32, #tpu.memory_space<vmem>>, vector<16x256xf32>
    %dot_general3A = arith.constant dense<0.000000e+00> : vector<64x256xf32>
    %dot_general3A_14 = tpu.matmul %get3A_10, %get3A_13, %dot_general3A {dimension_numbers = #tpu.dot_dimension_numbers<[1], [0], [0], [1], [0, 0, 1, 1], [], []>, transpose_lhs_hint = false} : vector<64x16xf32>, vector<16x256xf32>, vector<64x256xf32> -> vector<64x256xf32>
    %get3A_15 = arith.constant 0 : index
    %get3A_16 = arith.constant 0 : index
    %get3A_17 = vector.load %arg5[%get3A_15, %get3A_16] : memref<128x256xf32, #tpu.memory_space<vmem>>, vector<128x256xf32>
    %dot_general3A_18 = arith.constant dense<0.000000e+00> : vector<64x256xf32>
    %dot_general3A_19 = tpu.matmul %div3A_7, %get3A_17, %dot_general3A_18 {dimension_numbers = #tpu.dot_dimension_numbers<[1], [0], [0], [1], [0, 0, 1, 1], [], []>, transpose_lhs_hint = false} : vector<64x128xf32>, vector<128x256xf32>, vector<64x256xf32> -> vector<64x256xf32>
    %get3A_20 = arith.constant 0 : index
    %get3A_21 = arith.constant 0 : index
    %get3A_22 = vector.load %arg6[%get3A_20, %get3A_21] : memref<1x256xf32, #tpu.memory_space<vmem>>, vector<1x256xf32>
    %add3A = vector.broadcast %get3A_22 : vector<1x256xf32> to vector<64x256xf32>
    %add3A_23 = arith.addf %dot_general3A_19, %add3A : vector<64x256xf32>
    %add3A_24 = arith.addf %dot_general3A_14, %add3A_23 : vector<64x256xf32>
    %max3A_25 = arith.constant 0.000000e+00 : f32
    %max3A_26 = vector.broadcast %max3A_25 : f32 to vector<64x256xf32>
    %max3A_27 = arith.maximumf %add3A_24, %max3A_26 : vector<64x256xf32>
    %get3A_28 = arith.constant 0 : index
    %get3A_29 = arith.constant 0 : index
    %get3A_30 = vector.load %arg7[%get3A_28, %get3A_29] : memref<256x16xf32, #tpu.memory_space<vmem>>, vector<256x16xf32>
    %dot_general3A_31 = arith.constant dense<0.000000e+00> : vector<64x16xf32>
    %dot_general3A_32 = tpu.matmul %max3A_27, %get3A_30, %dot_general3A_31 {dimension_numbers = #tpu.dot_dimension_numbers<[1], [0], [0], [1], [0, 0, 1, 1], [], []>, transpose_lhs_hint = false} : vector<64x256xf32>, vector<256x16xf32>, vector<64x16xf32> -> vector<64x16xf32>
    %get3A_33 = arith.constant 0 : index
    %get3A_34 = arith.constant 0 : index
    %get3A_35 = vector.load %arg8[%get3A_33, %get3A_34] : memref<1x16xf32, #tpu.memory_space<vmem>>, vector<1x16xf32>
    %add3A_36 = vector.broadcast %get3A_35 : vector<1x16xf32> to vector<64x16xf32>
    %add3A_37 = arith.addf %dot_general3A_32, %add3A_36 : vector<64x16xf32>
    %swap3A = arith.constant 0 : index
    %swap3A_38 = arith.constant 0 : index
    %swap3A_39 = vector.load %arg11[%swap3A, %swap3A_38] : memref<64x16xf32, #tpu.memory_space<vmem>>, vector<64x16xf32>
    tpu.vector_store %arg11[%swap3A, %swap3A_38], %add3A_37 {strides = array<i32>} : memref<64x16xf32, #tpu.memory_space<vmem>>, vector<64x16xf32>,
    %get3A_40 = arith.constant 0 : index
    %get3A_41 = arith.constant 0 : index
    %get3A_42 = vector.load %arg9[%get3A_40, %get3A_41] : memref<16x256xf32, #tpu.memory_space<vmem>>, vector<16x256xf32>
    %dot_general3A_43 = arith.constant dense<0.000000e+00> : vector<64x256xf32>
    %dot_general3A_44 = tpu.matmul %add3A_37, %get3A_42, %dot_general3A_43 {dimension_numbers = #tpu.dot_dimension_numbers<[1], [0], [0], [1], [0, 0, 1, 1], [], []>, transpose_lhs_hint = false} : vector<64x16xf32>, vector<16x256xf32>, vector<64x256xf32> -> vector<64x256xf32>
    %get3A_45 = arith.constant 0 : index
    %get3A_46 = arith.constant 0 : index
    %get3A_47 = vector.load %arg10[%get3A_45, %get3A_46] : memref<1x256xf32, #tpu.memory_space<vmem>>, vector<1x256xf32>
    %add3A_48 = vector.broadcast %get3A_47 : vector<1x256xf32> to vector<64x256xf32>
    %add3A_49 = arith.addf %dot_general3A_44, %add3A_48 : vector<64x256xf32>
    %swap3A_50 = arith.constant 0 : index
    %swap3A_51 = arith.constant 0 : index
    %swap3A_52 = vector.load %arg12[%swap3A_50, %swap3A_51] : memref<64x256xf32, #tpu.memory_space<vmem>>, vector<64x256xf32>
    tpu.vector_store %arg12[%swap3A_50, %swap3A_51], %add3A_49 {strides = array<i32>} : memref<64x256xf32, #tpu.memory_space<vmem>>, vector<64x256xf32>,
    return
  }
  func.func @transform_0(%arg0: i32) -> (i32, i32) {
    %c0_i32 = arith.constant 0 : i32
    %c0_i32_0 = arith.constant 0 : i32
    %c0_i32_1 = arith.constant 0 : i32
    return %c0_i32, %c0_i32_0 : i32, i32
  }
  func.func @transform_1(%arg0: i32) -> (i32, i32) {
    %c0_i32 = arith.constant 0 : i32
    %c0_i32_0 = arith.constant 0 : i32
    %c0_i32_1 = arith.constant 0 : i32
    return %c0_i32, %c0_i32_0 : i32, i32
  }
  func.func @transform_2(%arg0: i32) -> (i32, i32) {
    %c0_i32 = arith.constant 0 : i32
    %c0_i32_0 = arith.constant 0 : i32
    %c0_i32_1 = arith.constant 0 : i32
    return %c0_i32, %c0_i32_0 : i32, i32
  }
  func.func @transform_3(%arg0: i32) -> (i32, i32) {
    %c0_i32 = arith.constant 0 : i32
    %c0_i32_0 = arith.constant 0 : i32
    %c0_i32_1 = arith.constant 0 : i32
    return %c0_i32, %c0_i32_0 : i32, i32
  }
  func.func @transform_4(%arg0: i32) -> (i32, i32) {
    %c0_i32 = arith.constant 0 : i32
    %c0_i32_0 = arith.constant 0 : i32
    %c0_i32_1 = arith.constant 0 : i32
    return %c0_i32, %c0_i32_0 : i32, i32
  }
  func.func @transform_5(%arg0: i32) -> (i32, i32) {
    %c0_i32 = arith.constant 0 : i32
    %c0_i32_0 = arith.constant 0 : i32
    %c0_i32_1 = arith.constant 0 : i32
    return %c0_i32, %c0_i32_0 : i32, i32
  }
  func.func @transform_6(%arg0: i32) -> (i32, i32) {
    %c0_i32 = arith.constant 0 : i32
    %c0_i32_0 = arith.constant 0 : i32
    %c0_i32_1 = arith.constant 0 : i32
    return %c0_i32, %c0_i32_0 : i32, i32
  }
  func.func @transform_7(%arg0: i32) -> (i32, i32) {
    %c0_i32 = arith.constant 0 : i32
    %c0_i32_0 = arith.constant 0 : i32
    %c0_i32_1 = arith.constant 0 : i32
    return %c0_i32, %c0_i32_0 : i32, i32
  }
  func.func @transform_8(%arg0: i32) -> (i32, i32) {
    %c0_i32 = arith.constant 0 : i32
    %c0_i32_0 = arith.constant 0 : i32
    %c0_i32_1 = arith.constant 0 : i32
    return %c0_i32, %c0_i32_0 : i32, i32
  }
  func.func @transform_9(%arg0: i32) -> (i32, i32) {
    %c0_i32 = arith.constant 0 : i32
    %c0_i32_0 = arith.constant 0 : i32
    %c0_i32_1 = arith.constant 0 : i32
    return %c0_i32, %c0_i32_0 : i32, i32
  }
  func.func @transform_10(%arg0: i32) -> (i32, i32) {
    %c0_i32 = arith.constant 0 : i32
    %c0_i32_0 = arith.constant 0 : i32
    %c0_i32_1 = arith.constant 0 : i32
    return %c0_i32, %c0_i32_0 : i32, i32
  }
  func.func @transform_11(%arg0: i32) -> (i32, i32) {
    %c0_i32 = arith.constant 0 : i32
    %c0_i32_0 = arith.constant 0 : i32
    %c0_i32_1 = arith.constant 0 : i32
    return %c0_i32, %c0_i32_0 : i32, i32
  }
}

</mosaic_0001>

<sc_bundles>
// kernel: kernel.21.cloned.1.call-start
scs
__scs_entry_jumppad:
0x0: {  	(pc) =	sbr.rel $0x88, $3  }
0x1: {  	(tag) =	ssettag $0x0;
	lr =	simm.s32 $0x1  }
0x2: {  	[smem:$0x3F8C] =	sst lr;
	_ =	strace $0xD0000000  }
0x3: {  	_ = 	snop  }
0x4: {  	_ = 	snop  }
0x5: {  	_ = 	snop  }
0x6: {  	_ = 	snop  }
0x7: {  	_ = 	snop  }
__scs_overlays_trampoline_lowered:
0x8: {  	[smem:$0x3F9B] =	sst s0  }
0x9: {  	[smem:$0x3F9C] =	sst s1  }
0xa: {  	[smem:$0x3F9D] =	sst s2  }
0xb: {  	[smem:$0x3F9E] =	sst s3  }
0xc: {  	[smem:$0x3F9F] =	sst s4  }
0xd: {  	[smem:$0x3FA0] =	sst s5  }
0xe: {  	[smem:$0x3FA1] =	sst s6  }
0xf: {  	[smem:$0x3FA2] =	sst s7  }
0x10: {  	[smem:$0x3FA3] =	sst s8  }
0x11: {  	[smem:$0x3FA4] =	sst s9;
	s0 =	simm.s32 @!p0 $0x0  }
0x12: {  	s1 =	sld [smem:$0x3F8A];
	s0 =	simm.s32 @p0 $0x1  }
0x13: {  	[smem:$0x3FA5] =	sst s0;
	s0 =	simm.s32 @!p1 $0x0  }
0x14: {  	s2 =	sld [smem:$0x3F89];
	s0 =	simm.s32 @p1 $0x1  }
0x15: {  	[smem:$0x3FA6] =	sst s0;
	s0 =	simm.s32 @!p2 $0x0  }
0x16: {  	s3 =	sld [smem:$0x3FDB];
	s0 =	simm.s32 @p2 $0x1  }
0x17: {  	s4 =	simm.s32 $0x1BF5;
	[smem:$0x3FA8] =	sst s0  }
0x18: {  	s0 =	sld [smem:$0x3F8B];
	_ =	swait.ge [sflag:s4], $0x0  }
0x19: {  	s7 =	sld [smem:$0x3F8C]  }
0x1a: {  	s8 =	sadd.s32 $0xFFFFE003, lr  }
0x1b: {  	s9 =	sadd.s32 $0xFFFFFEF7, lr;
	s5 =	simm.s32 $0xFFFFFFFF;
	p2 =	slt.u32 s8, $0xFFFFF086  }
0x1c: {  	p1 =	slt.u32 s9, $0xF7A;
	s5 =	simm.s32 @!p2 $0x0  }
0x1d: {  	s5 =	simm.s32 @p1 $0x1;
	p0 =	seq.s32 s7, s2  }
0x1e: {  	s7 =	smul.u32 @!p0 $0xF7A, s2;
	p2 =	seq.s32 @!p0 s5, $0x0  }
0x1f: {  	s9 =	smul.u32 $0xF7A, s1;
	s8 =	simm.s32 @!p0 $0x1BF5;
	p2 =	por !p2, p0  }
0x20: {  	[sflag:s8] =	ssyncset.s32 @!p0 $0xFFFFF086;
	s6 =	sadd.s32 @!p0 s3, s7;
	s7 =	simm.s32 @!p0 $0x108  }
0x21: {  	s3 =	sadd.s32 s3, s9;
	s6 =	sadd.s32 @!p0 $0x88, s6;
	s7 =	simm.s32 @p2 $0x1082  }
0x22: {  	[simem:s7], [sflag:s8] =	dma.local @!p0 [hbm:s6], $0xF7A  }
0x23: {  	s9 =	sor.u32 $0xD0000000, s2;
	s6 =	simm.s32 $0x108;
	_ =	swait.ge @!p0 [sflag:s8], $0x0  }
0x24: {  	s3 =	sadd.s32 $0x88, s3;
	s6 =	simm.s32 @!p1 $0x1082;
	[sflag:s4] =	ssyncset.s32 $0xFFFFF086  }
0x25: {  	[simem:s6], [sflag:s4] =	dma.local [hbm:s3], $0xF7A  }
0x26: {  	[smem:$0x3F8C] =	sst s1;
	(tag) =	ssettag s2;
	_ =	strace s9  }
0x27: {  	s1 =	sld [smem:$0x3F9C]  }
0x28: {  	s2 =	sld [smem:$0x3F9D]  }
0x29: {  	s4 =	sld [smem:$0x3F9F]  }
0x2a: {  	p0 =	seq.s32 s5, $0x0;
	s5 =	sld [smem:$0x3FA0]  }
0x2b: {  	s6 =	sld [smem:$0x3FA1]  }
0x2c: {  	s7 =	sld [smem:$0x3FA2]  }
0x2d: {  	s3 =	simm.s32 $0x108;
	s8 =	sld [smem:$0x3FA3]  }
0x2e: {  	s3 =	simm.s32 @!p0 $0x1082;
	s9 =	sld [smem:$0x3FA4]  }
0x2f: {  	lr =	sadd.s32 s0, s3;
	s0 =	sld [smem:$0x3F9B]  }
0x30: {  	s3 =	sld [smem:$0x3F9E]  }
0x31: {  	[smem:$0x3FA7] =	sst s10  }
0x32: {  	s10 =	sld [smem:$0x3FA5];
	_ =	sdelay $0x3  }
0x33: {  	p0 =	seq.s32 s10, $0x1;
	s10 =	sld [smem:$0x3FA7];
	_ =	sdelay $0x3  }
0x34: {  	[smem:$0x3FA7] =	sst s10  }
0x35: {  	s10 =	sld [smem:$0x3FA6];
	_ =	sdelay $0x3  }
0x36: {  	p1 =	seq.s32 s10, $0x1;
	s10 =	sld [smem:$0x3FA7];
	_ =	sdelay $0x3  }
0x37: {  	[smem:$0x3FA7] =	sst s10  }
0x38: {  	s10 =	sld [smem:$0x3FA8]  }
0x39: {  	_ = 	snop;
	(pc) =	sbr.ind lr, $3  }
0x3a: {  	_ = 	snop  }
0x3b: {  	_ = 	snop  }
0x3c: {  	p2 =	seq.s32 s10, $0x1;
	s10 =	sld [smem:$0x3FA7]  }
0x3d: {  	_ =	shalt  }
0x3e: {  	_ =	shalt  }
0x3f: {  	_ =	shalt  }
0x40: {  	_ =	shalt  }
0x41: {  	_ =	shalt  }
0x42: {  	_ =	shalt  }
0x43: {  	_ =	shalt  }
0x44: {  	_ =	shalt  }
0x45: {  	_ =	shalt  }
0x46: {  	_ =	shalt  }
0x47: {  	_ =	shalt  }
0x48: {  	_ =	shalt  }
0x49: {  	_ =	shalt  }
0x4a: {  	_ =	shalt  }
0x4b: {  	_ =	shalt  }
0x4c: {  	_ =	shalt  }
0x4d: {  	_ =	shalt  }
0x4e: {  	_ =	shalt  }
0x4f: {  	_ =	shalt  }
0x50: {  	_ =	shalt  }
0x51: {  	_ =	shalt  }
0x52: {  	_ =	shalt  }
0x53: {  	_ =	shalt  }
0x54: {  	_ =	shalt  }
0x55: {  	_ =	shalt  }
0x56: {  	_ =	shalt  }
0x57: {  	_ =	shalt  }
0x58: {  	_ =	shalt  }
0x59: {  	_ =	shalt  }
0x5a: {  	_ =	shalt  }
0x5b: {  	_ =	shalt  }
0x5c: {  	_ =	shalt  }
0x5d: {  	_ =	shalt  }
0x5e: {  	_ =	shalt  }
0x5f: {  	_ =	shalt  }
0x60: {  	_ =	shalt  }
0x61: {  	_ =	shalt  }
0x62: {  	_ =	shalt  }
0x63: {  	_ =	shalt  }
0x64: {  	_ =	shalt  }
0x65: {  	_ =	shalt  }
0x66: {  	_ =	shalt  }
0x67: {  	_ =	shalt  }
0x68: {  	_ =	shalt  }
0x69: {  	_ =	shalt  }
0x6a: {  	_ =	shalt  }
0x6b: {  	_ =	shalt  }
0x6c: {  	_ =	shalt  }
0x6d: {  	_ =	shalt  }
0x6e: {  	_ =	shalt  }
0x6f: {  	_ =	shalt  }
0x70: {  	_ =	shalt  }
0x71: {  	_ =	shalt  }
0x72: {  	_ =	shalt  }
0x73: {  	_ =	shalt  }
0x74: {  	_ =	shalt  }
0x75: {  	_ =	shalt  }
0x76: {  	_ =	shalt  }
0x77: {  	_ =	shalt  }
0x78: {  	_ =	shalt  }
0x79: {  	_ =	shalt  }
0x7a: {  	_ =	shalt  }
0x7b: {  	_ =	shalt  }
0x7c: {  	_ =	shalt  }
0x7d: {  	_ =	shalt  }
0x7e: {  	_ =	shalt  }
0x7f: {  	_ =	shalt  }
0x80: {  	_ =	shalt  }
0x81: {  	_ =	shalt  }
0x82: {  	_ =	shalt  }
0x83: {  	_ =	shalt  }
0x84: {  	_ =	shalt  }
0x85: {  	_ =	shalt  }
0x86: {  	_ =	shalt  }
0x87: {  	_ =	shalt  }
.Lfunc_end0:
.L_simem_size_0:
called_computation_lowered:
.L_overlay_start_0:
0x88: {  	s2 =	sld [smem:$0x3FD9]  }
0x89: {  	s3 =	sld [smem:$0x3FFE];
	_ =	sdelay $0x1  }
0x8a: {  	s1 =	srdreg.scid  }
0x8b: {  	s0 =	sand.u32 $0x1, s1  }
0x8c: {  	s15 =	sshll.u32 s0, $0xA;
	s2 =	sadd.s32 s3, s2  }
0x8d: {  	s2 =	sadd.s32 s2, s15  }
0x8e: {  	[smem:$0x3FB3] =	sst s2  }
0x8f: {  	_ = 	snop  }
0x90: {  	s2 =	sld [smem:$0x3FD0];
	_ =	sdelay $0x2  }
0x91: {  	s16 =	simm.s32 $0xC;
	s4 =	simm.s32 $0x10  }
0x92: {  	[smem:s4], [sflag:s16] =	dma.local [hbm:s2], $0x1  }
0x93: {  	_ =	swait.eq [sflag:s16], $0x1  }
0x94: {  	[sflag:s16] =	ssyncset.done $0x0  }
0x95: {  	[sflag:s16] =	ssyncadd.s32 $0xFFFFFFFF  }
0x96: {  	s17 =	sld [smem:$0x10];
	(tm) =	ssettm $0x1  }
0x97: {  	s18 =	sld [smem:$0x3FFB];
	_ =	sdelay $0x3  }
0x98: {  	_ =	strace s18  }
0x99: {  	s2 =	sld [smem:$0x3FFC];
	_ =	sdelay $0x3  }
0x9a: {  	_ =	strace s2  }
0x9b: {  	s2 =	sld [smem:$0x3FFD];
	_ =	sdelay $0x3  }
0x9c: {  	_ =	strace s2  }
0x9d: {  	_ =	strace $0x8FFFFFFF  }
0x9e: {  	s19 =	sld [smem:$0x3FDB];
	_ =	sdelay $0x1  }
0x9f: {  	s20 =	simm.s32 $_scs_section_size  }
0xa0: {  	s5 =	simm.s32 $_size__tile_overlayer_lowered;
	s6 =	simm.s32 $_tile_overlayer_lowered  }
0xa1: {  	s7 =	simm.s32 $0x1BFF;
	s21 =	sshll.u32 s6, $0x1;
	s4 =	sadd.s32 s20, s19  }
0xa2: {  	s22 =	simm.s32 $0x0;
	s5 =	sshll.u32 s5, $0x1;
	s6 =	sadd.s32 s21, s4  }
0xa3: {  	[timem:s22], [sflag:s7] =	dma.local [hbm:s6], s5  }
0xa4: {  	_ =	swait.ge [sflag:s7], s5  }
0xa5: {  	s5 =	ssub.s32 $0x0, s5;
	[sflag:s7] =	ssyncset.done $0x0  }
0xa6: {  	[sflag:s7] =	ssyncadd.s32 s5;
	_ =	sdelay $0x1  }
0xa7: {  	s23 =	simm.s32 $0x1B8B  }
0xa8: {  	_ =	swait.ge [sflag:s23], $0x1  }
0xa9: {  	[sflag:s23] =	ssyncset.done $0x0  }
0xaa: {  	[sflag:s23] =	ssyncadd.s32 $0xFFFFFFFF  }
0xab: {  	s5 =	sld [smem:$0x0]  }
0xac: {  	s6 =	sand.u32 $0xFFFFFFFE, s1  }
0xad: {  	p0 =	sne.s32 s1, s6  }
0xae: {  	s6 =	sshll.u32 @p0 s6, $0xE  }
0xaf: {  	s6 =	sadd.s32 @p0 $0x11B8D, s6;
	s7 =	sshll.u32 @p0 s5, $0x11  }
0xb0: {  	s6 =	sor.u32 @p0 s7, s6  }
0xb1: {  	[sflag:s6] =	ssyncadd.remote.s32 @p0 $0x1;
	_ =	sdelay $0x1  }
0xb2: {  	s6 =	simm.s32 @p0 $0x1B8D  }
0xb3: {  	_ =	swait.eq @p0 [sflag:s6], $0x1  }
0xb4: {  	[sflag:s6] =	ssyncadd.s32 @p0 $0xFFFFFFFF  }
0xb5: {  	s7 =	sshll.u32 @!p0 s1, $0xE  }
0xb6: {  	s7 =	sor.u32 @!p0 $0x4000, s7;
	s6 =	simm.s32 @!p0 $0x1B8D  }
0xb7: {  	s5 =	sshll.u32 @!p0 s5, $0x11;
	s7 =	sadd.s32 @!p0 $0x11B8D, s7;
	_ =	swait.eq @!p0 [sflag:s6], $0x1  }
0xb8: {  	s5 =	sor.u32 @!p0 s5, s7;
	[sflag:s6] =	ssyncadd.s32 @!p0 $0xFFFFFFFF  }
0xb9: {  	s25 =	simm.s32 $0x1B8E;
	s24 =	sld [smem:$0x3FFE];
	[sflag:s5] =	ssyncadd.remote.s32 @!p0 $0x1  }
0xba: {  	s26 =	simm.s32 $execute0_lowered;
	[smem:$0x3FD2] =	sst s25  }
0xbb: {  	s6 =	sshll.u32 s26, $0x1;
	_ =	strace $0x80000049;
	[dreg:$0x1] =	wrdreg $0xFFFFFFFF  }
0xbc: {  	s28 =	simm.s32 $_size_execute0_lowered;
	s4 =	sadd.s32 s4, s6;
	[dreg:$0x0] =	wrdreg $0x0  }
0xbd: {  	s6 =	sshll.u32 s28, $0x1;
	[dreg:$0x2] =	wrdreg s4  }
0xbe: {  	[dreg:$0x3] =	wrdreg s6  }
0xbf: {  	[dreg:$0x4] =	wrdreg $0xC0  }
0xc0: {  	_ =	task [dreg:s22], $0x5FFFF  }
0xc1: {  	[dreg:$0x1] =	wrdreg $0xFFFFFFFF  }
0xc2: {  	[dreg:$0x0] =	wrdreg $0x60  }
0xc3: {  	[dreg:$0x2] =	wrdreg s17  }
0xc4: {  	[dreg:$0x3] =	wrdreg s24  }
0xc5: {  	[dreg:$0x4] =	wrdreg $0x94000  }
0xc6: {  	[dreg:$0x5] =	wrdreg $0x9  }
0xc7: {  	_ =	task.clear_ibuf [dreg:s22], $0x6FFFF;
	_ =	strace $0x90000049  }
0xc8: {  	s29 =	simm.s32 $0x9;
	_ =	strace $0x8000004B  }
0xc9: {  	_ =	swait.ge [sflag:s29], $0x1  }
0xca: {  	[sflag:s29] =	ssyncadd.s32 $0xFFFFFFFF  }
0xcb: {  	_ =	strace $0x9000004B  }
0xcc: {  	_ =	sfence  }
0xcd: {  	s30 =	sld [smem:$0x0];
	_ =	sdelay $0x2  }
0xce: {  	s31 =	sshll.u32 s1, $0xD;
	s1 =	sshrl.u32 s1, $0x2  }
0xcf: {  	s4 =	sand.u32 $0x4000, s31;
	s1 =	sadd.s32 s1, s30  }
0xd0: {  	s0 =	sor.u32 s4, s0;
	s1 =	sshll.u32 s1, $0x11  }
0xd1: {  	s0 =	sor.u32 s1, s0  }
0xd2: {  	s0 =	sadd.s32 $0x8F2B, s0  }
0xd3: {  	[sflag:s0] =	ssyncadd.remote.s32 $0x1  }
0xd4: {  	_ =	sfence.sel $0xFFFF  }
0xd5: {  	[dreg:$0x0] =	wrdreg $0xFFFFFFFF;
	(pc) =	sbr.abs _section_cstart, $3  }
0xd6: {  	[dreg:$0x1] =	wrdreg $0xFFFFFFFF  }
0xd7: {  	_ =	task.clear_ibuf [dreg:s22], $0x2FFFF;
	_ =	strace $0x9FFFFFFF  }
0xd8: {  	(tm) =	ssettm $0x7FFFFFFF  }
0xd9: {  	_ =	shalt  }
tec
execute0_lowered:
.L_overlay_start_1:
0x0: {  	(tag) =	ssettag $0x1  }
0x1: {  	s5 =	rddreg [dreg:$0x0]  }
0x2: {  	s4 =	rddreg [dreg:$0x1];
	s0 =	srdreg.scid  }
0x3: {  	s2 =	rddreg [dreg:$0x2];
	s1 =	stileid.u32  }
0x4: {  	s3 =	simm.s32 $0x0;
	s12 =	simm.s32 $0x1400;
	s13 =	simm.s32 $0x1  }
0x5: {  	s14 =	simm.s32 $0x80;
	s15 =	simm.s32 $0x5400;
	s8 =	smul.u32 $0x14000, s1  }
0x6: {  	s6 =	sand.u32 $0x1, s0;
	s0 =	rddreg [dreg:$0x3];
	s30 =	smul.u32 $0x50000, s1  }
0x7: {  	[smem:$0x7FF] =	sst s3;
	s29 =	sshll.u32 s1, $0x1;
	s7 =	smul.u32 $0x140000, s6  }
0x8: {  	s16 =	sshll.u32 s1, $0x6;
	_ =	strace $0x8000004A;
	s9 =	ssub.s32 $0x2, s6  }
0x9: {  	s6 =	sor.u32 s6, s29;
	s16 =	sor.u32 $0x1C01, s16;
	s7 =	sadd.s32 s8, s7  }
0xa: {  	s10 =	sshrl.u32 s9, $0x1;
	s6 =	smul.u32 $0x280, s6;
	s7 =	sshrl.u32 s7, $0x3  }
0xb: {  	s31 =	sshrl.u32 s30, $0x2;
	s9 =	ssub.s32 s9, s10;
	s7 =	sadd.s32 s7, s4  }
0xc: {  	s5 =	sadd.s32 s5, s6;
	s4 =	sadd.s32 s31, s2;
	s6 =	sadd.s32 $0x2BF400, s7  }
0xd: {  	s7 =	smax.u32 s9, $0x1;
	s8 =	sadd.s32 $0x4000, s4;
	s9 =	sadd.s32 $0x8000, s4  }
0xe: {  	v0 =	vimm.f32 $0.0e+00;
	v1 =	vimm.f32 $1.000000000e+00;
	s10 =	sadd.s32 $0xC000, s4;
	s11 =	sadd.s32 $0x10000, s4;
	s17 =	sshrl.u32 s4, $0x3  }
.LBB2_1:
0xf: {  	s18 =	simm.s32 $0x0;
	s19 =	simm.s32 $0x200  }
.LBB2_2:
0x10: {  	p0 =	sne.s32 s19, $0xFE00;
	[tilespmem:s18+$0x5470] =	vst v1  }
0x11: {  	[tilespmem:s18+$0x1400] =	vst v0  }
0x12: {  	[tilespmem:s18+$0x5400] =	vst v1  }
0x13: {  	[tilespmem:s18+$0x1410] =	vst v0  }
0x14: {  	[tilespmem:s18+$0x5410] =	vst v1  }
0x15: {  	[tilespmem:s18+$0x1420] =	vst v0  }
0x16: {  	[tilespmem:s18+$0x5420] =	vst v1  }
0x17: {  	[tilespmem:s18+$0x1430] =	vst v0  }
0x18: {  	[tilespmem:s18+$0x5430] =	vst v1  }
0x19: {  	[tilespmem:s18+$0x1440] =	vst v0  }
0x1a: {  	[tilespmem:s18+$0x5440] =	vst v1  }
.Ltmp0:
0x1b: {  	[tilespmem:s18+$0x1450] =	vst v0;
	(pc) =	sbr.rel @p0 .LBB2_2-.Ltmp0, $4  }
0x1c: {  	[tilespmem:s18+$0x5450] =	vst v1  }
0x1d: {  	[tilespmem:s18+$0x1460] =	vst v0  }
0x1e: {  	[tilespmem:s18+$0x5460] =	vst v1  }
0x1f: {  	[tilespmem:s18+$0x1470] =	vst v0;
	s18 =	sshra.s32 s19, $0x2;
	s19 =	sadd.s32 $0x200, s19  }
0x20: {  	[tilespmem:s18+$0x5470] =	vst v1  }
0x21: {  	[tilespmem:s18+$0x1400] =	vst v0  }
0x22: {  	[tilespmem:s18+$0x5400] =	vst v1  }
0x23: {  	[tilespmem:s18+$0x1410] =	vst v0  }
0x24: {  	[tilespmem:s18+$0x5410] =	vst v1  }
0x25: {  	[tilespmem:s18+$0x1420] =	vst v0  }
0x26: {  	[tilespmem:s18+$0x5420] =	vst v1  }
0x27: {  	[tilespmem:s18+$0x1430] =	vst v0  }
0x28: {  	[tilespmem:s18+$0x5430] =	vst v1  }
0x29: {  	[tilespmem:s18+$0x1440] =	vst v0  }
0x2a: {  	[tilespmem:s18+$0x5440] =	vst v1  }
0x2b: {  	[tilespmem:s18+$0x1450] =	vst v0  }
0x2c: {  	[tilespmem:s18+$0x5450] =	vst v1  }
0x2d: {  	[tilespmem:s18+$0x1460] =	vst v0  }
0x2e: {  	[tilespmem:s18+$0x5460] =	vst v1  }
0x2f: {  	[tilespmem:s18+$0x1470] =	vst v0  }
0x30: {  	[spmem:s4] =	stream.linear.scatter [tilespmem:s12], [sflag:$0x1], $0x4000, $0x38;
	[tilespmem:$0x1D400] =	vst v63  }
0x31: {  	_ =	swait.ge [sflag:s13], $0x4000  }
0x32: {  	[sflag:s13] =	ssyncset.done $0x0  }
0x33: {  	[sflag:s13] =	ssyncadd.s32 $0xFFFFC000  }
0x34: {  	[spmem:s8] =	stream.linear.scatter [tilespmem:s12], [sflag:$0x1], $0x4000, $0x38;
	[tilespmem:$0x1D400] =	vst v63  }
0x35: {  	_ =	swait.ge [sflag:s13], $0x4000  }
0x36: {  	[sflag:s13] =	ssyncset.done $0x0  }
0x37: {  	[sflag:s13] =	ssyncadd.s32 $0xFFFFC000  }
0x38: {  	[spmem:s9] =	stream.linear.scatter [tilespmem:s12], [sflag:$0x1], $0x4000, $0x38;
	[tilespmem:$0x1D400] =	vst v63  }
0x39: {  	_ =	swait.ge [sflag:s13], $0x4000  }
0x3a: {  	[sflag:s13] =	ssyncset.done $0x0  }
0x3b: {  	[sflag:s13] =	ssyncadd.s32 $0xFFFFC000  }
0x3c: {  	[spmem:s10] =	stream.linear.scatter [tilespmem:s12], [sflag:$0x1], $0x4000, $0x38;
	[tilespmem:$0x1D400] =	vst v63  }
0x3d: {  	_ =	swait.ge [sflag:s13], $0x4000  }
0x3e: {  	[sflag:s13] =	ssyncset.done $0x0  }
0x3f: {  	[sflag:s13] =	ssyncadd.s32 $0xFFFFC000  }
0x40: {  	[spmem:s11] =	stream.linear.scatter [tilespmem:s12], [sflag:$0x1], $0x4000, $0x38;
	[tilespmem:$0x1D400] =	vst v63  }
0x41: {  	_ =	swait.ge [sflag:s13], $0x4000  }
0x42: {  	[sflag:s13] =	ssyncset.done $0x0  }
0x43: {  	[sflag:s13] =	ssyncadd.s32 $0xFFFFC000  }
0x44: {  	s30 =	simm.s32 $0x0;
	[bflag:$0x0] =	sbarrier.arrive $0xFFFF  }
0x45: {  	[tilespmem:s30], [sflag:$0x1] =	stream.linear.gather [hbm4b:s5+s30], $0x1400, $0x38;
	[tilespmem:$0x1D400] =	vst v63  }
0x46: {  	_ =	swait.ge [sflag:s13], $0x1400  }
0x47: {  	[sflag:s13] =	ssyncset.done $0x0  }
0x48: {  	s31 =	simm.s32 $0x0;
	[sflag:s13] =	ssyncadd.s32 $0xFFFFEC00  }
0x49: {  	[spmem:s2] =	stream.indirect.scatter.add.f32 [tilespmem:s15], [sflag:$0x1], $0x80, s31, s14, $0xb8;
	[tilespmem:$0x1D400] =	vst v63  }
0x4a: {  	_ =	swait.ge [sflag:s13], $0x4000  }
0x4b: {  	s18 =	simm.s32 $0x200;
	[sflag:s13] =	ssyncset.done $0x0  }
.LBB2_4:
0x4c: {  	s19 =	sshra.s32 s18, $0x2;
	[sflag:s13] =	ssyncadd.s32 $0xFFFFC000;
	p0 =	sne.s32 s18, $0x4E00  }
0x4d: {  	[spmem:s2] =	stream.indirect.scatter.add.f32 [tilespmem:s15], [sflag:$0x1], $0x80, s19, s14, $0xb8;
	[tilespmem:$0x1D400] =	vst v63  }
.Ltmp1:
0x4e: {  	_ = 	snop;
	(pc) =	sbr.rel @p0 .LBB2_4-.Ltmp1, $4  }
0x4f: {  	_ = 	snop  }
0x50: {  	s18 =	sadd.s32 $0x200, s18  }
0x51: {  	_ =	swait.ge [sflag:s13], $0x4000  }
0x52: {  	[sflag:s13] =	ssyncset.done $0x0  }
0x53: {  	s3 =	sadd.s32 $0x1, s3  }
0x54: {  	[sflag:s13] =	ssyncadd.s32 $0xFFFFC000;
	p0 =	sne.s32 s3, s7  }
.Ltmp2:
0x55: {  	[bflag:$0x0] =	sbarrier.arrive $0xFFFF;
	(pc) =	sbr.rel @p0 .LBB2_1-.Ltmp2, $4  }
0x56: {  	[hbm:s6], [sflag:s16] =	dma.local [spmem:s17], $0x2800  }
0x57: {  	_ =	swait.ge [sflag:s13], $0x2800  }
0x58: {  	[sflag:s13] =	ssyncset.done $0x0  }
0x59: {  	[sflag:s13] =	ssyncadd.s32 $0xFFFFD800  }
0x5a: {  	_ =	sfence.sel $0x180000  }
0x5b: {  	[bflag:$0x0] =	sbarrier.arrive $0xFFFF  }
0x5c: {  	p0 =	sne.s32 s1, $0x0;
	_ =	strace $0x9000004A  }
0x5d: {  	s0 =	sadd.s32 @!p0 $0x100000, s0;
	[bflag:$0x2] =	sbarrier.arrive $0xFFFF  }
0x5e: {  	[sflag:s0] =	ssyncadd.tile.s32 @!p0 $0x1;
	_ =	shalt  }
.Lfunc_end2:
_tile_overlayer_lowered:
.L_overlay_start_2:
0x5f: {  	(tag) =	ssettag $0x2  }
0x60: {  	s0 =	rddreg [dreg:$0x0];
	s2 =	stileid.u32  }
0x61: {  	s1 =	rddreg [dreg:$0x1];
	p0 =	sne.s32 s2, $0x0  }
0x62: {  	s3 =	rddreg [dreg:$0x2];
	[bflag:$0x3] =	sbarrier.arrive $0xFFFF;
	s2 =	simm.s32 @!p0 $0x1C01  }
0x63: {  	[timem:s3], [sflag:s2] =	dma.local @!p0 [hbm:s0], s1  }
0x64: {  	s0 =	simm.s32 @!p0 $0x1  }
0x65: {  	_ =	swait.ge @!p0 [sflag:s0], s1  }
0x66: {  	s1 =	ssub.s32 @!p0 $0x0, s1;
	[sflag:s0] =	ssyncset.done @!p0 $0x0  }
0x67: {  	[sflag:s0] =	ssyncadd.s32 @!p0 s1  }
0x68: {  	[bflag:$0x3] =	sbarrier.arrive $0xFFFF  }
0x69: {  	_ =	shalt  }

// kernel: kernel.24.cloned.1.call-start
scs
__scs_entry_jumppad:
0x0: {  	(pc) =	sbr.rel $0x88, $3  }
0x1: {  	(tag) =	ssettag $0x0;
	lr =	simm.s32 $0x1  }
0x2: {  	[smem:$0x3F8C] =	sst lr;
	_ =	strace $0xD0000000  }
0x3: {  	_ = 	snop  }
0x4: {  	_ = 	snop  }
0x5: {  	_ = 	snop  }
0x6: {  	_ = 	snop  }
0x7: {  	_ = 	snop  }
__scs_overlays_trampoline_lowered:
0x8: {  	[smem:$0x3F9B] =	sst s0  }
0x9: {  	[smem:$0x3F9C] =	sst s1  }
0xa: {  	[smem:$0x3F9D] =	sst s2  }
0xb: {  	[smem:$0x3F9E] =	sst s3  }
0xc: {  	[smem:$0x3F9F] =	sst s4  }
0xd: {  	[smem:$0x3FA0] =	sst s5  }
0xe: {  	[smem:$0x3FA1] =	sst s6  }
0xf: {  	[smem:$0x3FA2] =	sst s7  }
0x10: {  	[smem:$0x3FA3] =	sst s8  }
0x11: {  	[smem:$0x3FA4] =	sst s9;
	s0 =	simm.s32 @!p0 $0x0  }
0x12: {  	s1 =	sld [smem:$0x3F8A];
	s0 =	simm.s32 @p0 $0x1  }
0x13: {  	[smem:$0x3FA5] =	sst s0;
	s0 =	simm.s32 @!p1 $0x0  }
0x14: {  	s2 =	sld [smem:$0x3F89];
	s0 =	simm.s32 @p1 $0x1  }
0x15: {  	[smem:$0x3FA6] =	sst s0;
	s0 =	simm.s32 @!p2 $0x0  }
0x16: {  	s3 =	sld [smem:$0x3FDB];
	s0 =	simm.s32 @p2 $0x1  }
0x17: {  	s4 =	simm.s32 $0x1BF5;
	[smem:$0x3FA8] =	sst s0  }
0x18: {  	s0 =	sld [smem:$0x3F8B];
	_ =	swait.ge [sflag:s4], $0x0  }
0x19: {  	s7 =	sld [smem:$0x3F8C]  }
0x1a: {  	s8 =	sadd.s32 $0xFFFFE003, lr  }
0x1b: {  	s9 =	sadd.s32 $0xFFFFFEF7, lr;
	s5 =	simm.s32 $0xFFFFFFFF;
	p2 =	slt.u32 s8, $0xFFFFF086  }
0x1c: {  	p1 =	slt.u32 s9, $0xF7A;
	s5 =	simm.s32 @!p2 $0x0  }
0x1d: {  	s5 =	simm.s32 @p1 $0x1;
	p0 =	seq.s32 s7, s2  }
0x1e: {  	s7 =	smul.u32 @!p0 $0xF7A, s2;
	p2 =	seq.s32 @!p0 s5, $0x0  }
0x1f: {  	s9 =	smul.u32 $0xF7A, s1;
	s8 =	simm.s32 @!p0 $0x1BF5;
	p2 =	por !p2, p0  }
0x20: {  	[sflag:s8] =	ssyncset.s32 @!p0 $0xFFFFF086;
	s6 =	sadd.s32 @!p0 s3, s7;
	s7 =	simm.s32 @!p0 $0x108  }
0x21: {  	s3 =	sadd.s32 s3, s9;
	s6 =	sadd.s32 @!p0 $0x88, s6;
	s7 =	simm.s32 @p2 $0x1082  }
0x22: {  	[simem:s7], [sflag:s8] =	dma.local @!p0 [hbm:s6], $0xF7A  }
0x23: {  	s9 =	sor.u32 $0xD0000000, s2;
	s6 =	simm.s32 $0x108;
	_ =	swait.ge @!p0 [sflag:s8], $0x0  }
0x24: {  	s3 =	sadd.s32 $0x88, s3;
	s6 =	simm.s32 @!p1 $0x1082;
	[sflag:s4] =	ssyncset.s32 $0xFFFFF086  }
0x25: {  	[simem:s6], [sflag:s4] =	dma.local [hbm:s3], $0xF7A  }
0x26: {  	[smem:$0x3F8C] =	sst s1;
	(tag) =	ssettag s2;
	_ =	strace s9  }
0x27: {  	s1 =	sld [smem:$0x3F9C]  }
0x28: {  	s2 =	sld [smem:$0x3F9D]  }
0x29: {  	s4 =	sld [smem:$0x3F9F]  }
0x2a: {  	p0 =	seq.s32 s5, $0x0;
	s5 =	sld [smem:$0x3FA0]  }
0x2b: {  	s6 =	sld [smem:$0x3FA1]  }
0x2c: {  	s7 =	sld [smem:$0x3FA2]  }
0x2d: {  	s3 =	simm.s32 $0x108;
	s8 =	sld [smem:$0x3FA3]  }
0x2e: {  	s3 =	simm.s32 @!p0 $0x1082;
	s9 =	sld [smem:$0x3FA4]  }
0x2f: {  	lr =	sadd.s32 s0, s3;
	s0 =	sld [smem:$0x3F9B]  }
0x30: {  	s3 =	sld [smem:$0x3F9E]  }
0x31: {  	[smem:$0x3FA7] =	sst s10  }
0x32: {  	s10 =	sld [smem:$0x3FA5];
	_ =	sdelay $0x3  }
0x33: {  	p0 =	seq.s32 s10, $0x1;
	s10 =	sld [smem:$0x3FA7];
	_ =	sdelay $0x3  }
0x34: {  	[smem:$0x3FA7] =	sst s10  }
0x35: {  	s10 =	sld [smem:$0x3FA6];
	_ =	sdelay $0x3  }
0x36: {  	p1 =	seq.s32 s10, $0x1;
	s10 =	sld [smem:$0x3FA7];
	_ =	sdelay $0x3  }
0x37: {  	[smem:$0x3FA7] =	sst s10  }
0x38: {  	s10 =	sld [smem:$0x3FA8]  }
0x39: {  	_ = 	snop;
	(pc) =	sbr.ind lr, $3  }
0x3a: {  	_ = 	snop  }
0x3b: {  	_ = 	snop  }
0x3c: {  	p2 =	seq.s32 s10, $0x1;
	s10 =	sld [smem:$0x3FA7]  }
0x3d: {  	_ =	shalt  }
0x3e: {  	_ =	shalt  }
0x3f: {  	_ =	shalt  }
0x40: {  	_ =	shalt  }
0x41: {  	_ =	shalt  }
0x42: {  	_ =	shalt  }
0x43: {  	_ =	shalt  }
0x44: {  	_ =	shalt  }
0x45: {  	_ =	shalt  }
0x46: {  	_ =	shalt  }
0x47: {  	_ =	shalt  }
0x48: {  	_ =	shalt  }
0x49: {  	_ =	shalt  }
0x4a: {  	_ =	shalt  }
0x4b: {  	_ =	shalt  }
0x4c: {  	_ =	shalt  }
0x4d: {  	_ =	shalt  }
0x4e: {  	_ =	shalt  }
0x4f: {  	_ =	shalt  }
0x50: {  	_ =	shalt  }
0x51: {  	_ =	shalt  }
0x52: {  	_ =	shalt  }
0x53: {  	_ =	shalt  }
0x54: {  	_ =	shalt  }
0x55: {  	_ =	shalt  }
0x56: {  	_ =	shalt  }
0x57: {  	_ =	shalt  }
0x58: {  	_ =	shalt  }
0x59: {  	_ =	shalt  }
0x5a: {  	_ =	shalt  }
0x5b: {  	_ =	shalt  }
0x5c: {  	_ =	shalt  }
0x5d: {  	_ =	shalt  }
0x5e: {  	_ =	shalt  }
0x5f: {  	_ =	shalt  }
0x60: {  	_ =	shalt  }
0x61: {  	_ =	shalt  }
0x62: {  	_ =	shalt  }
0x63: {  	_ =	shalt  }
0x64: {  	_ =	shalt  }
0x65: {  	_ =	shalt  }
0x66: {  	_ =	shalt  }
0x67: {  	_ =	shalt  }
0x68: {  	_ =	shalt  }
0x69: {  	_ =	shalt  }
0x6a: {  	_ =	shalt  }
0x6b: {  	_ =	shalt  }
0x6c: {  	_ =	shalt  }
0x6d: {  	_ =	shalt  }
0x6e: {  	_ =	shalt  }
0x6f: {  	_ =	shalt  }
0x70: {  	_ =	shalt  }
0x71: {  	_ =	shalt  }
0x72: {  	_ =	shalt  }
0x73: {  	_ =	shalt  }
0x74: {  	_ =	shalt  }
0x75: {  	_ =	shalt  }
0x76: {  	_ =	shalt  }
0x77: {  	_ =	shalt  }
0x78: {  	_ =	shalt  }
0x79: {  	_ =	shalt  }
0x7a: {  	_ =	shalt  }
0x7b: {  	_ =	shalt  }
0x7c: {  	_ =	shalt  }
0x7d: {  	_ =	shalt  }
0x7e: {  	_ =	shalt  }
0x7f: {  	_ =	shalt  }
0x80: {  	_ =	shalt  }
0x81: {  	_ =	shalt  }
0x82: {  	_ =	shalt  }
0x83: {  	_ =	shalt  }
0x84: {  	_ =	shalt  }
0x85: {  	_ =	shalt  }
0x86: {  	_ =	shalt  }
0x87: {  	_ =	shalt  }
.Lfunc_end0:
.L_simem_size_0:
called_computation.1_lowered:
.L_overlay_start_0:
0x88: {  	s2 =	sld [smem:$0x3FD9]  }
0x89: {  	s3 =	sld [smem:$0x3FFE];
	_ =	sdelay $0x1  }
0x8a: {  	s1 =	srdreg.scid  }
0x8b: {  	s0 =	sand.u32 $0x1, s1  }
0x8c: {  	s16 =	sshll.u32 s0, $0xA;
	s2 =	sadd.s32 s3, s2  }
0x8d: {  	s2 =	sadd.s32 s2, s16  }
0x8e: {  	[smem:$0x3FB3] =	sst s2  }
0x8f: {  	_ = 	snop  }
0x90: {  	(tm) =	ssettm $0x1  }
0x91: {  	s17 =	sld [smem:$0x3FFB];
	_ =	sdelay $0x3  }
0x92: {  	_ =	strace s17  }
0x93: {  	s2 =	sld [smem:$0x3FFC];
	_ =	sdelay $0x3  }
0x94: {  	_ =	strace s2  }
0x95: {  	s2 =	sld [smem:$0x3FFD];
	_ =	sdelay $0x3  }
0x96: {  	_ =	strace s2  }
0x97: {  	_ =	strace $0x8FFFFFFF  }
0x98: {  	s18 =	sld [smem:$0x3FDB];
	_ =	sdelay $0x1  }
0x99: {  	s19 =	simm.s32 $_scs_section_size  }
0x9a: {  	s4 =	simm.s32 $_size__tile_overlayer_lowered;
	s5 =	simm.s32 $_tile_overlayer_lowered  }
0x9b: {  	s22 =	simm.s32 $0x1BFF;
	s21 =	sshll.u32 s5, $0x1;
	s2 =	sadd.s32 s19, s18  }
0x9c: {  	s6 =	simm.s32 $0x0;
	s20 =	sshll.u32 s4, $0x1;
	s4 =	sadd.s32 s21, s2  }
0x9d: {  	[timem:s6], [sflag:s22] =	dma.local [hbm:s4], s20  }
0x9e: {  	_ =	swait.ge [sflag:s22], s20  }
0x9f: {  	s3 =	ssub.s32 $0x0, s20;
	[sflag:s22] =	ssyncset.done $0x0  }
0xa0: {  	[sflag:s22] =	ssyncadd.s32 s3;
	_ =	sdelay $0x1  }
0xa1: {  	s23 =	simm.s32 $0x1B8B  }
0xa2: {  	_ =	swait.ge [sflag:s23], $0x1  }
0xa3: {  	[sflag:s23] =	ssyncset.done $0x0  }
0xa4: {  	s25 =	simm.s32 $0x1B8E;
	s24 =	sld [smem:$0x3FFE];
	[sflag:s23] =	ssyncadd.s32 $0xFFFFFFFF  }
0xa5: {  	s26 =	simm.s32 $execute0_lowered;
	[smem:$0x3FD2] =	sst s25  }
0xa6: {  	s4 =	sshll.u32 s26, $0x1;
	_ =	strace $0x80000046;
	[dreg:$0x1] =	wrdreg $0xFFFFFFFF  }
0xa7: {  	s28 =	simm.s32 $_size_execute0_lowered;
	s2 =	sadd.s32 s2, s4;
	[dreg:$0x0] =	wrdreg $0x0  }
0xa8: {  	s4 =	sshll.u32 s28, $0x1;
	[dreg:$0x2] =	wrdreg s2  }
0xa9: {  	[dreg:$0x3] =	wrdreg s4  }
0xaa: {  	[dreg:$0x4] =	wrdreg $0xC0  }
0xab: {  	_ =	task [dreg:s6], $0x5FFFF  }
0xac: {  	[dreg:$0x1] =	wrdreg $0xFFFFFFFF  }
0xad: {  	[dreg:$0x0] =	wrdreg $0x60  }
0xae: {  	[dreg:$0x2] =	wrdreg s24  }
0xaf: {  	[dreg:$0x3] =	wrdreg $0xA  }
0xb0: {  	_ =	task.clear_ibuf [dreg:s6], $0x4FFFF;
	_ =	strace $0x90000046  }
0xb1: {  	s29 =	simm.s32 $0xA;
	_ =	strace $0x80000048  }
0xb2: {  	_ =	swait.ge [sflag:s29], $0x1  }
0xb3: {  	[sflag:s29] =	ssyncadd.s32 $0xFFFFFFFF  }
0xb4: {  	_ =	strace $0x90000048  }
0xb5: {  	_ =	sfence  }
0xb6: {  	s30 =	sld [smem:$0x0];
	_ =	sdelay $0x2  }
0xb7: {  	s31 =	sshll.u32 s1, $0xD;
	s1 =	sshrl.u32 s1, $0x2  }
0xb8: {  	s3 =	sand.u32 $0x4000, s31;
	s1 =	sadd.s32 s1, s30  }
0xb9: {  	s0 =	sor.u32 s3, s0;
	s1 =	sshll.u32 s1, $0x11  }
0xba: {  	s0 =	sor.u32 s1, s0  }
0xbb: {  	s0 =	sadd.s32 $0x8F2B, s0  }
0xbc: {  	[sflag:s0] =	ssyncadd.remote.s32 $0x1  }
0xbd: {  	_ =	sfence.sel $0xFFFF  }
0xbe: {  	[dreg:$0x0] =	wrdreg $0xFFFFFFFF;
	(pc) =	sbr.abs _section_cstart, $3  }
0xbf: {  	[dreg:$0x1] =	wrdreg $0xFFFFFFFF  }
0xc0: {  	_ =	task.clear_ibuf [dreg:s6], $0x2FFFF;
	_ =	strace $0x9FFFFFFF  }
0xc1: {  	(tm) =	ssettm $0x7FFFFFFF  }
tec
execute0_lowered:
.L_overlay_start_1:
0x0: {  	(tag) =	ssettag $0x1  }
0x1: {  	s1 =	srdreg.scid;
	s0 =	stileid.u32  }
0x2: {  	s4 =	rddreg [dreg:$0x0];
	s2 =	simm.s32 $0x0;
	s13 =	simm.s32 $0x5400  }
0x3: {  	s14 =	simm.s32 $0x1;
	s15 =	simm.s32 $0x2;
	s9 =	smul.u32 $0x50, s0  }
0x4: {  	s16 =	simm.s32 $0x0;
	s7 =	sand.u32 $0x1, s1;
	s30 =	smul.u32 $0x28000, s0  }
0x5: {  	s3 =	sshll.u32 s0, $0x1;
	s1 =	rddreg [dreg:$0x1];
	s11 =	smul.u32 $0x28, s7  }
0x6: {  	[smem:$0x7FF] =	sst s2;
	s5 =	sor.u32 s7, s3;
	s12 =	smul.u32 $0x14000, s7  }
0x7: {  	s8 =	sadd.s32 $0x3F400, s4;
	s28 =	ssub.s32 $0x2, s7;
	s3 =	smul.u32 $0x280, s5  }
0x8: {  	_ =	strace $0x80000047;
	s5 =	smul.u32 $0xA0000, s5;
	s10 =	sshrl.u32 s28, $0x1  }
0x9: {  	s31 =	sadd.s32 s30, s8;
	s10 =	ssub.s32 s28, s10;
	s9 =	sadd.s32 s11, s9  }
0xa: {  	s11 =	simm.s32 $0x80;
	s6 =	sadd.s32 s3, s4;
	s3 =	sadd.s32 $0x17400, s4  }
0xb: {  	s5 =	sshrl.u32 s5, $0x3;
	s9 =	sshll.u32 s9, $0xB;
	s7 =	smax.u32 s10, $0x1  }
0xc: {  	s10 =	simm.s32 $0x3;
	s4 =	sadd.s32 $0x12000, s6;
	s29 =	sadd.s32 s8, s5  }
0xd: {  	s9 =	sadd.s32 s9, s8;
	s5 =	sadd.s32 $0x13000, s29;
	s6 =	sadd.s32 $0x13800, s29  }
0xe: {  	s8 =	sadd.s32 $0x800, s9;
	s9 =	sadd.s32 s12, s31;
	s12 =	simm.s32 $0x1400  }
.LBB2_1:
0xf: {  	[tilespmem:s2], [sflag:$0x3] =	stream.linear.gather [hbm4b:s4+s2], $0x1400, $0x38;
	[tilespmem:$0x9400] =	vst v63  }
0x10: {  	_ =	swait.ge [sflag:s10], $0x1400  }
0x11: {  	[sflag:s10] =	ssyncset.done $0x0  }
0x12: {  	[sflag:s10] =	ssyncadd.s32 $0xFFFFEC00  }
0x13: {  	[tilespmem:s12], [sflag:$0x1] =	stream.indirect.gather [hbm4b:s3+s11], $0x80, s2, s11, $0xb8;
	[tilespmem:$0x9400] =	vst v63  }
0x14: {  	_ = 	snop  }
0x15: {  	[tilespmem:s13], [sflag:$0x2] =	stream.indirect.gather [hbm4b:s3+s11], $0x80, s11, s11, $0xb8;
	[tilespmem:$0x9400] =	vst v63  }
0x16: {  	_ =	swait.ge [sflag:s14], $0x4000  }
0x17: {  	[sflag:s14] =	ssyncset.done $0x0  }
0x18: {  	s17 =	sadd.s32 $0x0, s9;
	[sflag:s14] =	ssyncadd.s32 $0xFFFFC000  }
0x19: {  	[hbm4b:s17+s2] =	stream.linear.scatter [tilespmem:s12], [sflag:$0x3], $0x4000, $0x38;
	[tilespmem:$0x9400] =	vst v63  }
0x1a: {  	_ =	swait.ge [sflag:s10], $0x4000  }
0x1b: {  	[sflag:s10] =	ssyncset.done $0x0  }
0x1c: {  	s30 =	simm.s32 $0x100;
	[sflag:s10] =	ssyncadd.s32 $0xFFFFC000  }
0x1d: {  	[tilespmem:s12], [sflag:$0x1] =	stream.indirect.gather [hbm4b:s3+s11], $0x80, s30, s11, $0xb8;
	[tilespmem:$0x9400] =	vst v63  }
0x1e: {  	_ =	swait.ge [sflag:s15], $0x4000  }
0x1f: {  	[sflag:s15] =	ssyncset.done $0x0  }
0x20: {  	s31 =	sadd.s32 $0x0, s8;
	[sflag:s15] =	ssyncadd.s32 $0xFFFFC000  }
0x21: {  	[hbm4b:s31+s2] =	stream.linear.scatter [tilespmem:s13], [sflag:$0x3], $0x4000, $0x38;
	[tilespmem:$0x9400] =	vst v63  }
0x22: {  	_ =	swait.ge [sflag:s10], $0x4000  }
0x23: {  	s18 =	simm.s32 $0x1000;
	[sflag:s10] =	ssyncset.done $0x0  }
0x24: {  	s19 =	simm.s32 $0x280;
	s17 =	simm.s32 $0x180;
	[sflag:s10] =	ssyncadd.s32 $0xFFFFC000  }
.LBB2_2:
0x25: {  	[tilespmem:s13], [sflag:$0x2] =	stream.indirect.gather [hbm4b:s3+s11], $0x80, s17, s11, $0xb8;
	[tilespmem:$0x9400] =	vst v63  }
0x26: {  	s20 =	smov.u32 s18;
	s17 =	smov.u32 s19  }
0x27: {  	p0 =	sne.s32 s18, $0x12000;
	s18 =	sadd.s32 $0x1000, s18;
	_ =	swait.ge [sflag:s14], $0x4000  }
0x28: {  	[sflag:s14] =	ssyncset.done $0x0  }
0x29: {  	s21 =	sadd.s32 s20, s9;
	[sflag:s14] =	ssyncadd.s32 $0xFFFFC000  }
0x2a: {  	[hbm4b:s21+s2] =	stream.linear.scatter [tilespmem:s12], [sflag:$0x3], $0x4000, $0x38;
	[tilespmem:$0x9400] =	vst v63  }
0x2b: {  	_ =	swait.ge [sflag:s10], $0x4000  }
0x2c: {  	[sflag:s10] =	ssyncset.done $0x0  }
0x2d: {  	s21 =	sadd.s32 $0xFFFFFF80, s19;
	[sflag:s10] =	ssyncadd.s32 $0xFFFFC000  }
0x2e: {  	[tilespmem:s12], [sflag:$0x1] =	stream.indirect.gather [hbm4b:s3+s11], $0x80, s21, s11, $0xb8;
	[tilespmem:$0x9400] =	vst v63  }
0x2f: {  	_ =	swait.ge [sflag:s15], $0x4000  }
0x30: {  	[sflag:s15] =	ssyncset.done $0x0  }
.Ltmp0:
0x31: {  	s20 =	sadd.s32 s20, s8;
	[sflag:s15] =	ssyncadd.s32 $0xFFFFC000;
	(pc) =	sbr.rel @p0 .LBB2_2-.Ltmp0, $4  }
0x32: {  	[hbm4b:s20+s2] =	stream.linear.scatter [tilespmem:s13], [sflag:$0x3], $0x4000, $0x38;
	[tilespmem:$0x9400] =	vst v63  }
0x33: {  	_ =	swait.ge [sflag:s10], $0x4000  }
0x34: {  	[sflag:s10] =	ssyncset.done $0x0  }
0x35: {  	s19 =	sadd.s32 $0x100, s19;
	[sflag:s10] =	ssyncadd.s32 $0xFFFFC000  }
0x36: {  	[tilespmem:s13], [sflag:$0x2] =	stream.indirect.gather [hbm4b:s3+s11], $0x80, s17, s11, $0xb8;
	[tilespmem:$0x9400] =	vst v63  }
0x37: {  	_ =	swait.ge [sflag:s14], $0x4000  }
0x38: {  	[sflag:s14] =	ssyncset.done $0x0  }
0x39: {  	[sflag:s14] =	ssyncadd.s32 $0xFFFFC000  }
0x3a: {  	[hbm4b:s5+s2] =	stream.linear.scatter [tilespmem:s12], [sflag:$0x3], $0x4000, $0x38;
	[tilespmem:$0x9400] =	vst v63  }
0x3b: {  	_ =	swait.ge [sflag:s10], $0x4000  }
0x3c: {  	[sflag:s10] =	ssyncset.done $0x0  }
0x3d: {  	[sflag:s10] =	ssyncadd.s32 $0xFFFFC000  }
0x3e: {  	s16 =	sadd.s32 $0x1, s16;
	_ =	swait.ge [sflag:s15], $0x4000  }
0x3f: {  	p0 =	sne.s32 s16, s7;
	[sflag:s15] =	ssyncset.done $0x0  }
.Ltmp1:
0x40: {  	[sflag:s15] =	ssyncadd.s32 $0xFFFFC000;
	(pc) =	sbr.rel @p0 .LBB2_1-.Ltmp1, $4  }
0x41: {  	[hbm4b:s6+s2] =	stream.linear.scatter [tilespmem:s13], [sflag:$0x3], $0x4000, $0x38;
	[tilespmem:$0x9400] =	vst v63  }
0x42: {  	_ =	swait.ge [sflag:s10], $0x4000  }
0x43: {  	[sflag:s10] =	ssyncset.done $0x0  }
0x44: {  	[sflag:s10] =	ssyncadd.s32 $0xFFFFC000  }
0x45: {  	_ =	sfence.sel $0x180000  }
0x46: {  	[bflag:$0x0] =	sbarrier.arrive $0xFFFF  }
0x47: {  	p0 =	sne.s32 s0, $0x0;
	_ =	strace $0x90000047  }
0x48: {  	s0 =	sadd.s32 @!p0 $0x100000, s1;
	[bflag:$0x2] =	sbarrier.arrive $0xFFFF  }
0x49: {  	[sflag:s0] =	ssyncadd.tile.s32 @!p0 $0x1;
	_ =	shalt  }
.Lfunc_end2:
_tile_overlayer_lowered:
.L_overlay_start_2:
0x4a: {  	(tag) =	ssettag $0x2  }
0x4b: {  	s0 =	rddreg [dreg:$0x0];
	s2 =	stileid.u32  }
0x4c: {  	s1 =	rddreg [dreg:$0x1];
	p0 =	sne.s32 s2, $0x0  }
0x4d: {  	s3 =	rddreg [dreg:$0x2];
	[bflag:$0x3] =	sbarrier.arrive $0xFFFF;
	s2 =	simm.s32 @!p0 $0x1C03  }
0x4e: {  	[timem:s3], [sflag:s2] =	dma.local @!p0 [hbm:s0], s1  }
0x4f: {  	s0 =	simm.s32 @!p0 $0x3  }
0x50: {  	_ =	swait.ge @!p0 [sflag:s0], s1  }
0x51: {  	s1 =	ssub.s32 @!p0 $0x0, s1;
	[sflag:s0] =	ssyncset.done @!p0 $0x0  }
0x52: {  	[sflag:s0] =	ssyncadd.s32 @!p0 s1  }
0x53: {  	[bflag:$0x3] =	sbarrier.arrive $0xFFFF  }
0x54: {  	_ =	shalt  }

// kernel: kernel.27.cloned.1.call-start
scs
__scs_entry_jumppad:
0x0: {  	(pc) =	sbr.rel $0x88, $3  }
0x1: {  	(tag) =	ssettag $0x0;
	lr =	simm.s32 $0x1  }
0x2: {  	[smem:$0x3F8C] =	sst lr;
	_ =	strace $0xD0000000  }
0x3: {  	_ = 	snop  }
0x4: {  	_ = 	snop  }
0x5: {  	_ = 	snop  }
0x6: {  	_ = 	snop  }
0x7: {  	_ = 	snop  }
__scs_overlays_trampoline_lowered:
0x8: {  	[smem:$0x3F9B] =	sst s0  }
0x9: {  	[smem:$0x3F9C] =	sst s1  }
0xa: {  	[smem:$0x3F9D] =	sst s2  }
0xb: {  	[smem:$0x3F9E] =	sst s3  }
0xc: {  	[smem:$0x3F9F] =	sst s4  }
0xd: {  	[smem:$0x3FA0] =	sst s5  }
0xe: {  	[smem:$0x3FA1] =	sst s6  }
0xf: {  	[smem:$0x3FA2] =	sst s7  }
0x10: {  	[smem:$0x3FA3] =	sst s8  }
0x11: {  	[smem:$0x3FA4] =	sst s9;
	s0 =	simm.s32 @!p0 $0x0  }
0x12: {  	s1 =	sld [smem:$0x3F8A];
	s0 =	simm.s32 @p0 $0x1  }
0x13: {  	[smem:$0x3FA5] =	sst s0;
	s0 =	simm.s32 @!p1 $0x0  }
0x14: {  	s2 =	sld [smem:$0x3F89];
	s0 =	simm.s32 @p1 $0x1  }
0x15: {  	[smem:$0x3FA6] =	sst s0;
	s0 =	simm.s32 @!p2 $0x0  }
0x16: {  	s3 =	sld [smem:$0x3FDB];
	s0 =	simm.s32 @p2 $0x1  }
0x17: {  	s4 =	simm.s32 $0x1BF5;
	[smem:$0x3FA8] =	sst s0  }
0x18: {  	s0 =	sld [smem:$0x3F8B];
	_ =	swait.ge [sflag:s4], $0x0  }
0x19: {  	s7 =	sld [smem:$0x3F8C]  }
0x1a: {  	s8 =	sadd.s32 $0xFFFFE003, lr  }
0x1b: {  	s9 =	sadd.s32 $0xFFFFFEF7, lr;
	s5 =	simm.s32 $0xFFFFFFFF;
	p2 =	slt.u32 s8, $0xFFFFF086  }
0x1c: {  	p1 =	slt.u32 s9, $0xF7A;
	s5 =	simm.s32 @!p2 $0x0  }
0x1d: {  	s5 =	simm.s32 @p1 $0x1;
	p0 =	seq.s32 s7, s2  }
0x1e: {  	s7 =	smul.u32 @!p0 $0xF7A, s2;
	p2 =	seq.s32 @!p0 s5, $0x0  }
0x1f: {  	s9 =	smul.u32 $0xF7A, s1;
	s8 =	simm.s32 @!p0 $0x1BF5;
	p2 =	por !p2, p0  }
0x20: {  	[sflag:s8] =	ssyncset.s32 @!p0 $0xFFFFF086;
	s6 =	sadd.s32 @!p0 s3, s7;
	s7 =	simm.s32 @!p0 $0x108  }
0x21: {  	s3 =	sadd.s32 s3, s9;
	s6 =	sadd.s32 @!p0 $0x88, s6;
	s7 =	simm.s32 @p2 $0x1082  }
0x22: {  	[simem:s7], [sflag:s8] =	dma.local @!p0 [hbm:s6], $0xF7A  }
0x23: {  	s9 =	sor.u32 $0xD0000000, s2;
	s6 =	simm.s32 $0x108;
	_ =	swait.ge @!p0 [sflag:s8], $0x0  }
0x24: {  	s3 =	sadd.s32 $0x88, s3;
	s6 =	simm.s32 @!p1 $0x1082;
	[sflag:s4] =	ssyncset.s32 $0xFFFFF086  }
0x25: {  	[simem:s6], [sflag:s4] =	dma.local [hbm:s3], $0xF7A  }
0x26: {  	[smem:$0x3F8C] =	sst s1;
	(tag) =	ssettag s2;
	_ =	strace s9  }
0x27: {  	s1 =	sld [smem:$0x3F9C]  }
0x28: {  	s2 =	sld [smem:$0x3F9D]  }
0x29: {  	s4 =	sld [smem:$0x3F9F]  }
0x2a: {  	p0 =	seq.s32 s5, $0x0;
	s5 =	sld [smem:$0x3FA0]  }
0x2b: {  	s6 =	sld [smem:$0x3FA1]  }
0x2c: {  	s7 =	sld [smem:$0x3FA2]  }
0x2d: {  	s3 =	simm.s32 $0x108;
	s8 =	sld [smem:$0x3FA3]  }
0x2e: {  	s3 =	simm.s32 @!p0 $0x1082;
	s9 =	sld [smem:$0x3FA4]  }
0x2f: {  	lr =	sadd.s32 s0, s3;
	s0 =	sld [smem:$0x3F9B]  }
0x30: {  	s3 =	sld [smem:$0x3F9E]  }
0x31: {  	[smem:$0x3FA7] =	sst s10  }
0x32: {  	s10 =	sld [smem:$0x3FA5];
	_ =	sdelay $0x3  }
0x33: {  	p0 =	seq.s32 s10, $0x1;
	s10 =	sld [smem:$0x3FA7];
	_ =	sdelay $0x3  }
0x34: {  	[smem:$0x3FA7] =	sst s10  }
0x35: {  	s10 =	sld [smem:$0x3FA6];
	_ =	sdelay $0x3  }
0x36: {  	p1 =	seq.s32 s10, $0x1;
	s10 =	sld [smem:$0x3FA7];
	_ =	sdelay $0x3  }
0x37: {  	[smem:$0x3FA7] =	sst s10  }
0x38: {  	s10 =	sld [smem:$0x3FA8]  }
0x39: {  	_ = 	snop;
	(pc) =	sbr.ind lr, $3  }
0x3a: {  	_ = 	snop  }
0x3b: {  	_ = 	snop  }
0x3c: {  	p2 =	seq.s32 s10, $0x1;
	s10 =	sld [smem:$0x3FA7]  }
0x3d: {  	_ =	shalt  }
0x3e: {  	_ =	shalt  }
0x3f: {  	_ =	shalt  }
0x40: {  	_ =	shalt  }
0x41: {  	_ =	shalt  }
0x42: {  	_ =	shalt  }
0x43: {  	_ =	shalt  }
0x44: {  	_ =	shalt  }
0x45: {  	_ =	shalt  }
0x46: {  	_ =	shalt  }
0x47: {  	_ =	shalt  }
0x48: {  	_ =	shalt  }
0x49: {  	_ =	shalt  }
0x4a: {  	_ =	shalt  }
0x4b: {  	_ =	shalt  }
0x4c: {  	_ =	shalt  }
0x4d: {  	_ =	shalt  }
0x4e: {  	_ =	shalt  }
0x4f: {  	_ =	shalt  }
0x50: {  	_ =	shalt  }
0x51: {  	_ =	shalt  }
0x52: {  	_ =	shalt  }
0x53: {  	_ =	shalt  }
0x54: {  	_ =	shalt  }
0x55: {  	_ =	shalt  }
0x56: {  	_ =	shalt  }
0x57: {  	_ =	shalt  }
0x58: {  	_ =	shalt  }
0x59: {  	_ =	shalt  }
0x5a: {  	_ =	shalt  }
0x5b: {  	_ =	shalt  }
0x5c: {  	_ =	shalt  }
0x5d: {  	_ =	shalt  }
0x5e: {  	_ =	shalt  }
0x5f: {  	_ =	shalt  }
0x60: {  	_ =	shalt  }
0x61: {  	_ =	shalt  }
0x62: {  	_ =	shalt  }
0x63: {  	_ =	shalt  }
0x64: {  	_ =	shalt  }
0x65: {  	_ =	shalt  }
0x66: {  	_ =	shalt  }
0x67: {  	_ =	shalt  }
0x68: {  	_ =	shalt  }
0x69: {  	_ =	shalt  }
0x6a: {  	_ =	shalt  }
0x6b: {  	_ =	shalt  }
0x6c: {  	_ =	shalt  }
0x6d: {  	_ =	shalt  }
0x6e: {  	_ =	shalt  }
0x6f: {  	_ =	shalt  }
0x70: {  	_ =	shalt  }
0x71: {  	_ =	shalt  }
0x72: {  	_ =	shalt  }
0x73: {  	_ =	shalt  }
0x74: {  	_ =	shalt  }
0x75: {  	_ =	shalt  }
0x76: {  	_ =	shalt  }
0x77: {  	_ =	shalt  }
0x78: {  	_ =	shalt  }
0x79: {  	_ =	shalt  }
0x7a: {  	_ =	shalt  }
0x7b: {  	_ =	shalt  }
0x7c: {  	_ =	shalt  }
0x7d: {  	_ =	shalt  }
0x7e: {  	_ =	shalt  }
0x7f: {  	_ =	shalt  }
0x80: {  	_ =	shalt  }
0x81: {  	_ =	shalt  }
0x82: {  	_ =	shalt  }
0x83: {  	_ =	shalt  }
0x84: {  	_ =	shalt  }
0x85: {  	_ =	shalt  }
0x86: {  	_ =	shalt  }
0x87: {  	_ =	shalt  }
.Lfunc_end0:
.L_simem_size_0:
called_computation.2_lowered:
.L_overlay_start_0:
0x88: {  	s2 =	sld [smem:$0x3FD9]  }
0x89: {  	s3 =	sld [smem:$0x3FFE];
	_ =	sdelay $0x1  }
0x8a: {  	s1 =	srdreg.scid  }
0x8b: {  	s0 =	sand.u32 $0x1, s1  }
0x8c: {  	s15 =	sshll.u32 s0, $0xA;
	s2 =	sadd.s32 s3, s2  }
0x8d: {  	s2 =	sadd.s32 s2, s15  }
0x8e: {  	[smem:$0x3FB3] =	sst s2  }
0x8f: {  	_ = 	snop  }
0x90: {  	s2 =	sld [smem:$0x3FD0];
	_ =	sdelay $0x2  }
0x91: {  	s4 =	simm.s32 $0xC;
	s16 =	simm.s32 $0x10  }
0x92: {  	[smem:s16], [sflag:s4] =	dma.local [hbm:s2], $0x1  }
0x93: {  	_ =	swait.eq [sflag:s4], $0x1  }
0x94: {  	[sflag:s4] =	ssyncset.done $0x0  }
0x95: {  	s17 =	sld [smem:$0x10];
	[sflag:s4] =	ssyncadd.s32 $0xFFFFFFFF  }
0x96: {  	s18 =	sld [smem:$0x11];
	(tm) =	ssettm $0x1  }
0x97: {  	s19 =	sld [smem:$0x3FFB];
	_ =	sdelay $0x3  }
0x98: {  	_ =	strace s19  }
0x99: {  	s2 =	sld [smem:$0x3FFC];
	_ =	sdelay $0x3  }
0x9a: {  	_ =	strace s2  }
0x9b: {  	s2 =	sld [smem:$0x3FFD];
	_ =	sdelay $0x3  }
0x9c: {  	_ =	strace s2  }
0x9d: {  	_ =	strace $0x8FFFFFFF  }
0x9e: {  	s20 =	sld [smem:$0x3FDB];
	_ =	sdelay $0x1  }
0x9f: {  	s5 =	simm.s32 $_scs_section_size  }
0xa0: {  	s6 =	simm.s32 $_size__tile_overlayer_lowered;
	s7 =	simm.s32 $_tile_overlayer_lowered  }
0xa1: {  	s8 =	simm.s32 $0x1BFF;
	s21 =	sshll.u32 s7, $0x1;
	s5 =	sadd.s32 s5, s20  }
0xa2: {  	s22 =	simm.s32 $0x0;
	s6 =	sshll.u32 s6, $0x1;
	s7 =	sadd.s32 s21, s5  }
0xa3: {  	[timem:s22], [sflag:s8] =	dma.local [hbm:s7], s6  }
0xa4: {  	_ =	swait.ge [sflag:s8], s6  }
0xa5: {  	s6 =	ssub.s32 $0x0, s6;
	[sflag:s8] =	ssyncset.done $0x0  }
0xa6: {  	[sflag:s8] =	ssyncadd.s32 s6;
	_ =	sdelay $0x1  }
0xa7: {  	s23 =	simm.s32 $0x1B8B  }
0xa8: {  	_ =	swait.ge [sflag:s23], $0x1  }
0xa9: {  	[sflag:s23] =	ssyncset.done $0x0  }
0xaa: {  	[sflag:s23] =	ssyncadd.s32 $0xFFFFFFFF  }
0xab: {  	s6 =	sld [smem:$0x0]  }
0xac: {  	s7 =	sand.u32 $0xFFFFFFFE, s1  }
0xad: {  	p0 =	sne.s32 s1, s7  }
0xae: {  	s7 =	sshll.u32 @p0 s7, $0xE  }
0xaf: {  	s7 =	sadd.s32 @p0 $0x11B8D, s7;
	s8 =	sshll.u32 @p0 s6, $0x11  }
0xb0: {  	s7 =	sor.u32 @p0 s8, s7  }
0xb1: {  	[sflag:s7] =	ssyncadd.remote.s32 @p0 $0x1;
	_ =	sdelay $0x1  }
0xb2: {  	s7 =	simm.s32 @p0 $0x1B8D  }
0xb3: {  	_ =	swait.eq @p0 [sflag:s7], $0x1  }
0xb4: {  	[sflag:s7] =	ssyncadd.s32 @p0 $0xFFFFFFFF  }
0xb5: {  	s8 =	sshll.u32 @!p0 s1, $0xE  }
0xb6: {  	s8 =	sor.u32 @!p0 $0x4000, s8;
	s7 =	simm.s32 @!p0 $0x1B8D  }
0xb7: {  	s6 =	sshll.u32 @!p0 s6, $0x11;
	s8 =	sadd.s32 @!p0 $0x11B8D, s8;
	_ =	swait.eq @!p0 [sflag:s7], $0x1  }
0xb8: {  	s6 =	sor.u32 @!p0 s6, s8;
	[sflag:s7] =	ssyncadd.s32 @!p0 $0xFFFFFFFF  }
0xb9: {  	s25 =	simm.s32 $0x1B8E;
	s24 =	sld [smem:$0x3FFE];
	[sflag:s6] =	ssyncadd.remote.s32 @!p0 $0x1  }
0xba: {  	s26 =	simm.s32 $execute0_lowered;
	[smem:$0x3FD2] =	sst s25  }
0xbb: {  	s7 =	sshll.u32 s26, $0x1;
	_ =	strace $0x8000004C;
	[dreg:$0x1] =	wrdreg $0xFFFFFFFF  }
0xbc: {  	s28 =	simm.s32 $_size_execute0_lowered;
	s5 =	sadd.s32 s5, s7;
	[dreg:$0x0] =	wrdreg $0x0  }
0xbd: {  	s7 =	sshll.u32 s28, $0x1;
	[dreg:$0x2] =	wrdreg s5  }
0xbe: {  	[dreg:$0x3] =	wrdreg s7  }
0xbf: {  	[dreg:$0x4] =	wrdreg $0xC0  }
0xc0: {  	_ =	task [dreg:s22], $0x5FFFF  }
0xc1: {  	[dreg:$0x1] =	wrdreg $0xFFFFFFFF  }
0xc2: {  	[dreg:$0x0] =	wrdreg $0x60  }
0xc3: {  	[dreg:$0x2] =	wrdreg s18  }
0xc4: {  	[dreg:$0x3] =	wrdreg s24  }
0xc5: {  	[dreg:$0x4] =	wrdreg s17  }
0xc6: {  	[dreg:$0x5] =	wrdreg $0xB  }
0xc7: {  	_ =	task.clear_ibuf [dreg:s22], $0x6FFFF;
	_ =	strace $0x9000004C  }
0xc8: {  	s29 =	simm.s32 $0xB;
	_ =	strace $0x8000004E  }
0xc9: {  	_ =	swait.ge [sflag:s29], $0x1  }
0xca: {  	[sflag:s29] =	ssyncadd.s32 $0xFFFFFFFF  }
0xcb: {  	_ =	strace $0x9000004E  }
0xcc: {  	_ =	sfence  }
0xcd: {  	s30 =	sld [smem:$0x0];
	_ =	sdelay $0x2  }
0xce: {  	s31 =	sshll.u32 s1, $0xD;
	s1 =	sshrl.u32 s1, $0x2  }
0xcf: {  	s4 =	sand.u32 $0x4000, s31;
	s1 =	sadd.s32 s1, s30  }
0xd0: {  	s0 =	sor.u32 s4, s0;
	s1 =	sshll.u32 s1, $0x11  }
0xd1: {  	s0 =	sor.u32 s1, s0  }
0xd2: {  	s0 =	sadd.s32 $0x8F2B, s0  }
0xd3: {  	[sflag:s0] =	ssyncadd.remote.s32 $0x1  }
0xd4: {  	_ =	sfence.sel $0xFFFF  }
0xd5: {  	[dreg:$0x0] =	wrdreg $0xFFFFFFFF;
	(pc) =	sbr.abs _section_cstart, $3  }
0xd6: {  	[dreg:$0x1] =	wrdreg $0xFFFFFFFF  }
0xd7: {  	_ =	task.clear_ibuf [dreg:s22], $0x2FFFF;
	_ =	strace $0x9FFFFFFF  }
0xd8: {  	(tm) =	ssettm $0x7FFFFFFF  }
0xd9: {  	_ =	shalt  }
tec
execute0_lowered:
.L_overlay_start_1:
0x0: {  	(tag) =	ssettag $0x1  }
0x1: {  	s1 =	rddreg [dreg:$0x0]  }
0x2: {  	s0 =	rddreg [dreg:$0x1]  }
0x3: {  	s2 =	srdreg.scid;
	s3 =	stileid.u32  }
0x4: {  	s7 =	rddreg [dreg:$0x2];
	s16 =	simm.s32 $0x5;
	s17 =	simm.s32 $0x2400  }
0x5: {  	s18 =	simm.s32 $0x80;
	s19 =	simm.s32 $0x4800;
	s20 =	simm.s32 $0x8800  }
0x6: {  	s21 =	simm.s32 $0xC800;
	s23 =	simm.s32 $0x10800;
	s24 =	simm.s32 $0x1  }
0x7: {  	s28 =	simm.s32 $0x4;
	s29 =	simm.s32 $0x0;
	s2 =	sand.u32 $0x1, s2  }
0x8: {  	s5 =	smul.u32 $0x48, s3;
	s6 =	sshll.u32 s3, $0x3;
	s3 =	simm.s32 $0x0  }
0x9: {  	s4 =	sadd.s32 $0x30F400, s0;
	p0 =	seq.s32 s2, $0x0;
	s13 =	sor.u32 $0x480, s6  }
0xa: {  	[smem:$0x7FF] =	sst s3;
	s2 =	ssub.s32 $0x2, s2;
	s11 =	sadd.s32 $0x488, s6  }
0xb: {  	s13 =	smov.u32 @p0 s5;
	_ =	strace $0x8000004D;
	s10 =	sadd.s32 $0x48, s5  }
0xc: {  	s5 =	sadd.s32 $0x58F400, s0;
	s25 =	sshrl.u32 s2, $0x1;
	s8 =	sshll.u32 s13, $0x4  }
0xd: {  	s11 =	smov.u32 @p0 s10;
	s13 =	sshll.u32 s13, $0xB;
	s9 =	sadd.s32 s8, s0  }
0xe: {  	s0 =	ssub.s32 s2, s25;
	s26 =	sshll.u32 s11, $0xB;
	s7 =	sadd.s32 s7, s8  }
0xf: {  	s8 =	simm.s32 $0x8C00;
	s15 =	sor.u32 $0x800, s13;
	s25 =	simm.s32 $0x2  }
0x10: {  	s6 =	sadd.s32 $0x12000, s9;
	s30 =	sadd.s32 $0x1FFFF000, s26;
	s8 =	simm.s32 @!p0 $0xC00  }
0x11: {  	s2 =	sadd.s32 $0x1FFFF800, s26;
	s14 =	smax.u32 s0, $0x1;
	s31 =	sand.u32 $0x1FFFF000, s30  }
0x12: {  	s26 =	simm.s32 $0x3;
	s2 =	sand.u32 $0x1FFFF800, s2;
	s9 =	sadd.s32 s4, s31  }
0x13: {  	s10 =	sadd.s32 s5, s31;
	s11 =	sadd.s32 s4, s2;
	s12 =	sadd.s32 s5, s2  }
.LBB2_1:
0x14: {  	[tilespmem:s3], [sflag:$0x5] =	stream.linear.gather [hbm4b:s6+s3], $0x2400, $0x38;
	[tilespmem:$0x14800] =	vst v63  }
0x15: {  	_ =	swait.ge [sflag:s16], $0x2400  }
0x16: {  	[sflag:s16] =	ssyncset.done $0x0  }
0x17: {  	[sflag:s16] =	ssyncadd.s32 $0xFFFFDC00  }
0x18: {  	[tilespmem:s17], [sflag:$0x5] =	stream.linear.gather [hbm4b:s7+s3], $0x2400, $0x38;
	[tilespmem:$0x14800] =	vst v63  }
0x19: {  	_ =	swait.ge [sflag:s16], $0x2400  }
0x1a: {  	[sflag:s16] =	ssyncset.done $0x0  }
0x1b: {  	[sflag:s16] =	ssyncadd.s32 $0xFFFFDC00  }
0x1c: {  	[tilespmem:s19], [sflag:$0x1] =	stream.indirect.gather [hbm4b:s1+s18], $0x80, s3, s18, $0xb8;
	[tilespmem:$0x14800] =	vst v63  }
0x1d: {  	_ = 	snop  }
0x1e: {  	[tilespmem:s20], [sflag:$0x2] =	stream.indirect.gather [hbm4b:s1+s18], $0x80, s17, s18, $0xb8;
	[tilespmem:$0x14800] =	vst v63  }
0x1f: {  	_ = 	snop  }
0x20: {  	[tilespmem:s21], [sflag:$0x3] =	stream.indirect.gather [hbm4b:s1+s18], $0x80, s18, s18, $0xb8;
	[tilespmem:$0x14800] =	vst v63  }
0x21: {  	s0 =	simm.s32 $0x2480  }
0x22: {  	[tilespmem:s23], [sflag:$0x4] =	stream.indirect.gather [hbm4b:s1+s18], $0x80, s0, s18, $0xb8;
	[tilespmem:$0x14800] =	vst v63  }
0x23: {  	_ =	swait.ge [sflag:s24], $0x4000  }
0x24: {  	[sflag:s24] =	ssyncset.done $0x0  }
0x25: {  	[sflag:s24] =	ssyncadd.s32 $0xFFFFC000  }
0x26: {  	_ =	swait.ge [sflag:s25], $0x4000  }
0x27: {  	[sflag:s25] =	ssyncset.done $0x0  }
0x28: {  	s22 =	sadd.s32 s4, s13;
	[sflag:s25] =	ssyncadd.s32 $0xFFFFC000  }
0x29: {  	[hbm4b:s22+s3] =	stream.linear.scatter [tilespmem:s19], [sflag:$0x5], $0x4000, $0x38;
	[tilespmem:$0x14800] =	vst v63  }
0x2a: {  	_ =	swait.ge [sflag:s16], $0x4000  }
0x2b: {  	[sflag:s16] =	ssyncset.done $0x0  }
0x2c: {  	s2 =	sadd.s32 s5, s13;
	[sflag:s16] =	ssyncadd.s32 $0xFFFFC000  }
0x2d: {  	[hbm4b:s2+s3] =	stream.linear.scatter [tilespmem:s20], [sflag:$0x5], $0x4000, $0x38;
	[tilespmem:$0x14800] =	vst v63  }
0x2e: {  	_ =	swait.ge [sflag:s16], $0x4000  }
0x2f: {  	[sflag:s16] =	ssyncset.done $0x0  }
0x30: {  	s22 =	simm.s32 $0x100;
	[sflag:s16] =	ssyncadd.s32 $0xFFFFC000  }
0x31: {  	[tilespmem:s19], [sflag:$0x1] =	stream.indirect.gather [hbm4b:s1+s18], $0x80, s22, s18, $0xb8;
	[tilespmem:$0x14800] =	vst v63  }
0x32: {  	s2 =	simm.s32 $0x2500  }
0x33: {  	[tilespmem:s20], [sflag:$0x2] =	stream.indirect.gather [hbm4b:s1+s18], $0x80, s2, s18, $0xb8;
	[tilespmem:$0x14800] =	vst v63  }
0x34: {  	_ =	swait.ge [sflag:s26], $0x4000  }
0x35: {  	[sflag:s26] =	ssyncset.done $0x0  }
0x36: {  	[sflag:s26] =	ssyncadd.s32 $0xFFFFC000  }
0x37: {  	_ =	swait.ge [sflag:s28], $0x4000  }
0x38: {  	[sflag:s28] =	ssyncset.done $0x0  }
0x39: {  	s22 =	sadd.s32 s4, s15;
	[sflag:s28] =	ssyncadd.s32 $0xFFFFC000  }
0x3a: {  	[hbm4b:s22+s3] =	stream.linear.scatter [tilespmem:s21], [sflag:$0x5], $0x4000, $0x38;
	[tilespmem:$0x14800] =	vst v63  }
0x3b: {  	_ =	swait.ge [sflag:s16], $0x4000  }
0x3c: {  	[sflag:s16] =	ssyncset.done $0x0  }
0x3d: {  	p0 =	sne.s32 s8, $0x400;
	s2 =	sadd.s32 s5, s15;
	[sflag:s16] =	ssyncadd.s32 $0xFFFFC000  }
0x3e: {  	[hbm4b:s2+s3] =	stream.linear.scatter [tilespmem:s23], [sflag:$0x5], $0x4000, $0x38;
	[tilespmem:$0x14800] =	vst v63  }
.Ltmp0:
0x3f: {  	_ = 	snop;
	(pc) =	sbr.rel @!p0 .LBB2_3-.Ltmp0, $4  }
0x40: {  	s30 =	simm.s32 $0x400;
	_ =	swait.ge [sflag:s16], $0x4000  }
0x41: {  	s31 =	sadd.s32 $0x1000, s5;
	s0 =	simm.s32 $0x2580;
	[sflag:s16] =	ssyncset.done $0x0  }
0x42: {  	s22 =	simm.s32 $0x180;
	s2 =	sadd.s32 $0x1000, s4;
	[sflag:s16] =	ssyncadd.s32 $0xFFFFC000  }
0x43: {  	[tilespmem:s21], [sflag:$0x3] =	stream.indirect.gather [hbm4b:s1+s18], $0x80, s22, s18, $0xb8;
	[tilespmem:$0x14800] =	vst v63  }
.LBB2_2:
0x44: {  	[tilespmem:s23], [sflag:$0x4] =	stream.indirect.gather [hbm4b:s1+s18], $0x80, s0, s18, $0xb8;
	[tilespmem:$0x14800] =	vst v63  }
0x45: {  	s0 =	smov.u32 s30;
	s30 =	sadd.s32 $0x400, s30;
	_ =	swait.ge [sflag:s24], $0x4000  }
0x46: {  	p0 =	sne.s32 s8, s30;
	[sflag:s24] =	ssyncset.done $0x0  }
0x47: {  	[sflag:s24] =	ssyncadd.s32 $0xFFFFC000  }
0x48: {  	_ =	swait.ge [sflag:s25], $0x4000  }
0x49: {  	[sflag:s25] =	ssyncset.done $0x0  }
0x4a: {  	s22 =	sadd.s32 s2, s13;
	[sflag:s25] =	ssyncadd.s32 $0xFFFFC000  }
0x4b: {  	[hbm4b:s22+s3] =	stream.linear.scatter [tilespmem:s19], [sflag:$0x5], $0x4000, $0x38;
	[tilespmem:$0x14800] =	vst v63  }
0x4c: {  	_ =	swait.ge [sflag:s16], $0x4000  }
0x4d: {  	[sflag:s16] =	ssyncset.done $0x0  }
0x4e: {  	s22 =	sadd.s32 s31, s13;
	[sflag:s16] =	ssyncadd.s32 $0xFFFFC000  }
0x4f: {  	[hbm4b:s22+s3] =	stream.linear.scatter [tilespmem:s20], [sflag:$0x5], $0x4000, $0x38;
	[tilespmem:$0x14800] =	vst v63  }
0x50: {  	_ =	swait.ge [sflag:s16], $0x4000  }
0x51: {  	s0 =	sshra.s32 s0, $0x2;
	[sflag:s16] =	ssyncset.done $0x0  }
0x52: {  	s22 =	sadd.s32 $0x100, s0;
	[sflag:s16] =	ssyncadd.s32 $0xFFFFC000  }
0x53: {  	[tilespmem:s19], [sflag:$0x1] =	stream.indirect.gather [hbm4b:s1+s18], $0x80, s22, s18, $0xb8;
	[tilespmem:$0x14800] =	vst v63  }
0x54: {  	s22 =	sadd.s32 $0x2500, s0  }
0x55: {  	[tilespmem:s20], [sflag:$0x2] =	stream.indirect.gather [hbm4b:s1+s18], $0x80, s22, s18, $0xb8;
	[tilespmem:$0x14800] =	vst v63  }
0x56: {  	_ =	swait.ge [sflag:s26], $0x4000  }
0x57: {  	[sflag:s26] =	ssyncset.done $0x0  }
0x58: {  	[sflag:s26] =	ssyncadd.s32 $0xFFFFC000  }
0x59: {  	_ =	swait.ge [sflag:s28], $0x4000  }
0x5a: {  	[sflag:s28] =	ssyncset.done $0x0  }
0x5b: {  	s22 =	sadd.s32 s2, s15;
	[sflag:s28] =	ssyncadd.s32 $0xFFFFC000  }
0x5c: {  	[hbm4b:s22+s3] =	stream.linear.scatter [tilespmem:s21], [sflag:$0x5], $0x4000, $0x38;
	[tilespmem:$0x14800] =	vst v63  }
0x5d: {  	_ =	swait.ge [sflag:s16], $0x4000  }
0x5e: {  	[sflag:s16] =	ssyncset.done $0x0  }
0x5f: {  	s22 =	sadd.s32 s31, s15;
	[sflag:s16] =	ssyncadd.s32 $0xFFFFC000  }
0x60: {  	[hbm4b:s22+s3] =	stream.linear.scatter [tilespmem:s23], [sflag:$0x5], $0x4000, $0x38;
	[tilespmem:$0x14800] =	vst v63  }
.Ltmp1:
0x61: {  	_ =	swait.ge [sflag:s16], $0x4000;
	(pc) =	sbr.rel @p0 .LBB2_2-.Ltmp1, $4  }
0x62: {  	[sflag:s16] =	ssyncset.done $0x0  }
0x63: {  	s22 =	sadd.s32 $0x180, s0;
	[sflag:s16] =	ssyncadd.s32 $0xFFFFC000  }
0x64: {  	[tilespmem:s21], [sflag:$0x3] =	stream.indirect.gather [hbm4b:s1+s18], $0x80, s22, s18, $0xb8;
	[tilespmem:$0x14800] =	vst v63  }
0x65: {  	s2 =	sadd.s32 $0x1000, s2;
	s31 =	sadd.s32 $0x1000, s31;
	s0 =	sadd.s32 $0x2580, s0  }
.LBB2_3:
0x66: {  	[tilespmem:s23], [sflag:$0x4] =	stream.indirect.gather [hbm4b:s1+s18], $0x80, s0, s18, $0xb8;
	[tilespmem:$0x14800] =	vst v63  }
0x67: {  	_ =	swait.ge [sflag:s24], $0x4000  }
0x68: {  	[sflag:s24] =	ssyncset.done $0x0  }
0x69: {  	[sflag:s24] =	ssyncadd.s32 $0xFFFFC000  }
0x6a: {  	_ =	swait.ge [sflag:s25], $0x4000  }
0x6b: {  	[sflag:s25] =	ssyncset.done $0x0  }
0x6c: {  	[sflag:s25] =	ssyncadd.s32 $0xFFFFC000  }
0x6d: {  	[hbm4b:s9+s3] =	stream.linear.scatter [tilespmem:s19], [sflag:$0x5], $0x4000, $0x38;
	[tilespmem:$0x14800] =	vst v63  }
0x6e: {  	_ =	swait.ge [sflag:s16], $0x4000  }
0x6f: {  	[sflag:s16] =	ssyncset.done $0x0  }
0x70: {  	[sflag:s16] =	ssyncadd.s32 $0xFFFFC000  }
0x71: {  	[hbm4b:s10+s3] =	stream.linear.scatter [tilespmem:s20], [sflag:$0x5], $0x4000, $0x38;
	[tilespmem:$0x14800] =	vst v63  }
0x72: {  	_ =	swait.ge [sflag:s16], $0x4000  }
0x73: {  	[sflag:s16] =	ssyncset.done $0x0  }
0x74: {  	[sflag:s16] =	ssyncadd.s32 $0xFFFFC000  }
0x75: {  	_ =	swait.ge [sflag:s26], $0x4000  }
0x76: {  	[sflag:s26] =	ssyncset.done $0x0  }
0x77: {  	[sflag:s26] =	ssyncadd.s32 $0xFFFFC000  }
0x78: {  	_ =	swait.ge [sflag:s28], $0x4000  }
0x79: {  	[sflag:s28] =	ssyncset.done $0x0  }
0x7a: {  	[sflag:s28] =	ssyncadd.s32 $0xFFFFC000  }
0x7b: {  	[hbm4b:s11+s3] =	stream.linear.scatter [tilespmem:s21], [sflag:$0x5], $0x4000, $0x38;
	[tilespmem:$0x14800] =	vst v63  }
0x7c: {  	s29 =	sadd.s32 $0x1, s29;
	_ =	swait.ge [sflag:s16], $0x4000  }
0x7d: {  	p0 =	sne.s32 s29, s14;
	[sflag:s16] =	ssyncset.done $0x0  }
.Ltmp2:
0x7e: {  	[sflag:s16] =	ssyncadd.s32 $0xFFFFC000;
	(pc) =	sbr.rel @p0 .LBB2_1-.Ltmp2, $4  }
0x7f: {  	[hbm4b:s12+s3] =	stream.linear.scatter [tilespmem:s23], [sflag:$0x5], $0x4000, $0x38;
	[tilespmem:$0x14800] =	vst v63  }
0x80: {  	_ =	swait.ge [sflag:s16], $0x4000  }
0x81: {  	[sflag:s16] =	ssyncset.done $0x0  }
0x82: {  	[sflag:s16] =	ssyncadd.s32 $0xFFFFC000  }
0x83: {  	_ =	sfence.sel $0x180000  }
0x84: {  	[bflag:$0x0] =	sbarrier.arrive $0xFFFF  }
0x85: {  	_ =	strace $0x9000004D  }
0x86: {  	s0 =	stileid.u32;
	[bflag:$0x2] =	sbarrier.arrive $0xFFFF  }
0x87: {  	p0 =	sne.s32 s0, $0x0;
	s0 =	rddreg [dreg:$0x3]  }
0x88: {  	s0 =	sadd.s32 @!p0 $0x100000, s0  }
0x89: {  	[sflag:s0] =	ssyncadd.tile.s32 @!p0 $0x1;
	_ =	shalt  }
.Lfunc_end2:
_tile_overlayer_lowered:
.L_overlay_start_2:
0x8a: {  	(tag) =	ssettag $0x2  }
0x8b: {  	s0 =	rddreg [dreg:$0x0];
	s2 =	stileid.u32  }
0x8c: {  	s1 =	rddreg [dreg:$0x1];
	p0 =	sne.s32 s2, $0x0  }
0x8d: {  	s3 =	rddreg [dreg:$0x2];
	[bflag:$0x3] =	sbarrier.arrive $0xFFFF;
	s2 =	simm.s32 @!p0 $0x1C05  }
0x8e: {  	[timem:s3], [sflag:s2] =	dma.local @!p0 [hbm:s0], s1  }
0x8f: {  	s0 =	simm.s32 @!p0 $0x5  }
0x90: {  	_ =	swait.ge @!p0 [sflag:s0], s1  }
0x91: {  	s1 =	ssub.s32 @!p0 $0x0, s1;
	[sflag:s0] =	ssyncset.done @!p0 $0x0  }
0x92: {  	[sflag:s0] =	ssyncadd.s32 @!p0 s1  }
0x93: {  	[bflag:$0x3] =	sbarrier.arrive $0xFFFF  }
0x94: {  	_ =	shalt  }

// kernel: kernel.30.cloned.1.call-start
scs
__scs_entry_jumppad:
0x0: {  	(pc) =	sbr.rel $0x88, $3  }
0x1: {  	(tag) =	ssettag $0x0;
	lr =	simm.s32 $0x1  }
0x2: {  	[smem:$0x3F8C] =	sst lr;
	_ =	strace $0xD0000000  }
0x3: {  	_ = 	snop  }
0x4: {  	_ = 	snop  }
0x5: {  	_ = 	snop  }
0x6: {  	_ = 	snop  }
0x7: {  	_ = 	snop  }
__scs_overlays_trampoline_lowered:
0x8: {  	[smem:$0x3F9B] =	sst s0  }
0x9: {  	[smem:$0x3F9C] =	sst s1  }
0xa: {  	[smem:$0x3F9D] =	sst s2  }
0xb: {  	[smem:$0x3F9E] =	sst s3  }
0xc: {  	[smem:$0x3F9F] =	sst s4  }
0xd: {  	[smem:$0x3FA0] =	sst s5  }
0xe: {  	[smem:$0x3FA1] =	sst s6  }
0xf: {  	[smem:$0x3FA2] =	sst s7  }
0x10: {  	[smem:$0x3FA3] =	sst s8  }
0x11: {  	[smem:$0x3FA4] =	sst s9;
	s0 =	simm.s32 @!p0 $0x0  }
0x12: {  	s1 =	sld [smem:$0x3F8A];
	s0 =	simm.s32 @p0 $0x1  }
0x13: {  	[smem:$0x3FA5] =	sst s0;
	s0 =	simm.s32 @!p1 $0x0  }
0x14: {  	s2 =	sld [smem:$0x3F89];
	s0 =	simm.s32 @p1 $0x1  }
0x15: {  	[smem:$0x3FA6] =	sst s0;
	s0 =	simm.s32 @!p2 $0x0  }
0x16: {  	s3 =	sld [smem:$0x3FDB];
	s0 =	simm.s32 @p2 $0x1  }
0x17: {  	s4 =	simm.s32 $0x1BF5;
	[smem:$0x3FA8] =	sst s0  }
0x18: {  	s0 =	sld [smem:$0x3F8B];
	_ =	swait.ge [sflag:s4], $0x0  }
0x19: {  	s7 =	sld [smem:$0x3F8C]  }
0x1a: {  	s8 =	sadd.s32 $0xFFFFE003, lr  }
0x1b: {  	s9 =	sadd.s32 $0xFFFFFEF7, lr;
	s5 =	simm.s32 $0xFFFFFFFF;
	p2 =	slt.u32 s8, $0xFFFFF086  }
0x1c: {  	p1 =	slt.u32 s9, $0xF7A;
	s5 =	simm.s32 @!p2 $0x0  }
0x1d: {  	s5 =	simm.s32 @p1 $0x1;
	p0 =	seq.s32 s7, s2  }
0x1e: {  	s7 =	smul.u32 @!p0 $0xF7A, s2;
	p2 =	seq.s32 @!p0 s5, $0x0  }
0x1f: {  	s9 =	smul.u32 $0xF7A, s1;
	s8 =	simm.s32 @!p0 $0x1BF5;
	p2 =	por !p2, p0  }
0x20: {  	[sflag:s8] =	ssyncset.s32 @!p0 $0xFFFFF086;
	s6 =	sadd.s32 @!p0 s3, s7;
	s7 =	simm.s32 @!p0 $0x108  }
0x21: {  	s3 =	sadd.s32 s3, s9;
	s6 =	sadd.s32 @!p0 $0x88, s6;
	s7 =	simm.s32 @p2 $0x1082  }
0x22: {  	[simem:s7], [sflag:s8] =	dma.local @!p0 [hbm:s6], $0xF7A  }
0x23: {  	s9 =	sor.u32 $0xD0000000, s2;
	s6 =	simm.s32 $0x108;
	_ =	swait.ge @!p0 [sflag:s8], $0x0  }
0x24: {  	s3 =	sadd.s32 $0x88, s3;
	s6 =	simm.s32 @!p1 $0x1082;
	[sflag:s4] =	ssyncset.s32 $0xFFFFF086  }
0x25: {  	[simem:s6], [sflag:s4] =	dma.local [hbm:s3], $0xF7A  }
0x26: {  	[smem:$0x3F8C] =	sst s1;
	(tag) =	ssettag s2;
	_ =	strace s9  }
0x27: {  	s1 =	sld [smem:$0x3F9C]  }
0x28: {  	s2 =	sld [smem:$0x3F9D]  }
0x29: {  	s4 =	sld [smem:$0x3F9F]  }
0x2a: {  	p0 =	seq.s32 s5, $0x0;
	s5 =	sld [smem:$0x3FA0]  }
0x2b: {  	s6 =	sld [smem:$0x3FA1]  }
0x2c: {  	s7 =	sld [smem:$0x3FA2]  }
0x2d: {  	s3 =	simm.s32 $0x108;
	s8 =	sld [smem:$0x3FA3]  }
0x2e: {  	s3 =	simm.s32 @!p0 $0x1082;
	s9 =	sld [smem:$0x3FA4]  }
0x2f: {  	lr =	sadd.s32 s0, s3;
	s0 =	sld [smem:$0x3F9B]  }
0x30: {  	s3 =	sld [smem:$0x3F9E]  }
0x31: {  	[smem:$0x3FA7] =	sst s10  }
0x32: {  	s10 =	sld [smem:$0x3FA5];
	_ =	sdelay $0x3  }
0x33: {  	p0 =	seq.s32 s10, $0x1;
	s10 =	sld [smem:$0x3FA7];
	_ =	sdelay $0x3  }
0x34: {  	[smem:$0x3FA7] =	sst s10  }
0x35: {  	s10 =	sld [smem:$0x3FA6];
	_ =	sdelay $0x3  }
0x36: {  	p1 =	seq.s32 s10, $0x1;
	s10 =	sld [smem:$0x3FA7];
	_ =	sdelay $0x3  }
0x37: {  	[smem:$0x3FA7] =	sst s10  }
0x38: {  	s10 =	sld [smem:$0x3FA8]  }
0x39: {  	_ = 	snop;
	(pc) =	sbr.ind lr, $3  }
0x3a: {  	_ = 	snop  }
0x3b: {  	_ = 	snop  }
0x3c: {  	p2 =	seq.s32 s10, $0x1;
	s10 =	sld [smem:$0x3FA7]  }
0x3d: {  	_ =	shalt  }
0x3e: {  	_ =	shalt  }
0x3f: {  	_ =	shalt  }
0x40: {  	_ =	shalt  }
0x41: {  	_ =	shalt  }
0x42: {  	_ =	shalt  }
0x43: {  	_ =	shalt  }
0x44: {  	_ =	shalt  }
0x45: {  	_ =	shalt  }
0x46: {  	_ =	shalt  }
0x47: {  	_ =	shalt  }
0x48: {  	_ =	shalt  }
0x49: {  	_ =	shalt  }
0x4a: {  	_ =	shalt  }
0x4b: {  	_ =	shalt  }
0x4c: {  	_ =	shalt  }
0x4d: {  	_ =	shalt  }
0x4e: {  	_ =	shalt  }
0x4f: {  	_ =	shalt  }
0x50: {  	_ =	shalt  }
0x51: {  	_ =	shalt  }
0x52: {  	_ =	shalt  }
0x53: {  	_ =	shalt  }
0x54: {  	_ =	shalt  }
0x55: {  	_ =	shalt  }
0x56: {  	_ =	shalt  }
0x57: {  	_ =	shalt  }
0x58: {  	_ =	shalt  }
0x59: {  	_ =	shalt  }
0x5a: {  	_ =	shalt  }
0x5b: {  	_ =	shalt  }
0x5c: {  	_ =	shalt  }
0x5d: {  	_ =	shalt  }
0x5e: {  	_ =	shalt  }
0x5f: {  	_ =	shalt  }
0x60: {  	_ =	shalt  }
0x61: {  	_ =	shalt  }
0x62: {  	_ =	shalt  }
0x63: {  	_ =	shalt  }
0x64: {  	_ =	shalt  }
0x65: {  	_ =	shalt  }
0x66: {  	_ =	shalt  }
0x67: {  	_ =	shalt  }
0x68: {  	_ =	shalt  }
0x69: {  	_ =	shalt  }
0x6a: {  	_ =	shalt  }
0x6b: {  	_ =	shalt  }
0x6c: {  	_ =	shalt  }
0x6d: {  	_ =	shalt  }
0x6e: {  	_ =	shalt  }
0x6f: {  	_ =	shalt  }
0x70: {  	_ =	shalt  }
0x71: {  	_ =	shalt  }
0x72: {  	_ =	shalt  }
0x73: {  	_ =	shalt  }
0x74: {  	_ =	shalt  }
0x75: {  	_ =	shalt  }
0x76: {  	_ =	shalt  }
0x77: {  	_ =	shalt  }
0x78: {  	_ =	shalt  }
0x79: {  	_ =	shalt  }
0x7a: {  	_ =	shalt  }
0x7b: {  	_ =	shalt  }
0x7c: {  	_ =	shalt  }
0x7d: {  	_ =	shalt  }
0x7e: {  	_ =	shalt  }
0x7f: {  	_ =	shalt  }
0x80: {  	_ =	shalt  }
0x81: {  	_ =	shalt  }
0x82: {  	_ =	shalt  }
0x83: {  	_ =	shalt  }
0x84: {  	_ =	shalt  }
0x85: {  	_ =	shalt  }
0x86: {  	_ =	shalt  }
0x87: {  	_ =	shalt  }
.Lfunc_end0:
.L_simem_size_0:
called_computation.3_lowered:
.L_overlay_start_0:
0x88: {  	s2 =	sld [smem:$0x3FD9]  }
0x89: {  	s3 =	sld [smem:$0x3FFE];
	_ =	sdelay $0x1  }
0x8a: {  	s1 =	srdreg.scid  }
0x8b: {  	s0 =	sand.u32 $0x1, s1  }
0x8c: {  	s14 =	sshll.u32 s0, $0xA;
	s2 =	sadd.s32 s3, s2  }
0x8d: {  	s2 =	sadd.s32 s2, s14  }
0x8e: {  	[smem:$0x3FB3] =	sst s2  }
0x8f: {  	_ = 	snop  }
0x90: {  	s2 =	sld [smem:$0x3FD0];
	_ =	sdelay $0x2  }
0x91: {  	s15 =	simm.s32 $0xC;
	s4 =	simm.s32 $0x10  }
0x92: {  	[smem:s4], [sflag:s15] =	dma.local [hbm:s2], $0x1  }
0x93: {  	_ =	swait.eq [sflag:s15], $0x1  }
0x94: {  	[sflag:s15] =	ssyncset.done $0x0  }
0x95: {  	[sflag:s15] =	ssyncadd.s32 $0xFFFFFFFF  }
0x96: {  	s16 =	sld [smem:$0x10];
	(tm) =	ssettm $0x1  }
0x97: {  	s17 =	sld [smem:$0x3FFB];
	_ =	sdelay $0x3  }
0x98: {  	_ =	strace s17  }
0x99: {  	s3 =	sld [smem:$0x3FFC];
	_ =	sdelay $0x3  }
0x9a: {  	_ =	strace s3  }
0x9b: {  	s3 =	sld [smem:$0x3FFD];
	_ =	sdelay $0x3  }
0x9c: {  	_ =	strace s3  }
0x9d: {  	_ =	strace $0x8FFFFFFF  }
0x9e: {  	s18 =	sld [smem:$0x3FDB];
	_ =	sdelay $0x1  }
0x9f: {  	s19 =	simm.s32 $_scs_section_size  }
0xa0: {  	s5 =	simm.s32 $_size__tile_overlayer_lowered;
	s6 =	simm.s32 $_tile_overlayer_lowered  }
0xa1: {  	s22 =	simm.s32 $0x1BFF;
	s21 =	sshll.u32 s6, $0x1;
	s3 =	sadd.s32 s19, s18  }
0xa2: {  	s7 =	simm.s32 $0x0;
	s20 =	sshll.u32 s5, $0x1;
	s5 =	sadd.s32 s21, s3  }
0xa3: {  	[timem:s7], [sflag:s22] =	dma.local [hbm:s5], s20  }
0xa4: {  	_ =	swait.ge [sflag:s22], s20  }
0xa5: {  	s4 =	ssub.s32 $0x0, s20;
	[sflag:s22] =	ssyncset.done $0x0  }
0xa6: {  	[sflag:s22] =	ssyncadd.s32 s4;
	_ =	sdelay $0x1  }
0xa7: {  	s23 =	simm.s32 $0x1B8B  }
0xa8: {  	_ =	swait.ge [sflag:s23], $0x1  }
0xa9: {  	[sflag:s23] =	ssyncset.done $0x0  }
0xaa: {  	s25 =	simm.s32 $0x1B8E;
	s24 =	sld [smem:$0x3FFE];
	[sflag:s23] =	ssyncadd.s32 $0xFFFFFFFF  }
0xab: {  	s26 =	simm.s32 $execute0_lowered;
	[smem:$0x3FD2] =	sst s25  }
0xac: {  	s5 =	sshll.u32 s26, $0x1;
	_ =	strace $0x8000004F;
	[dreg:$0x1] =	wrdreg $0xFFFFFFFF  }
0xad: {  	s28 =	simm.s32 $_size_execute0_lowered;
	s3 =	sadd.s32 s3, s5;
	[dreg:$0x0] =	wrdreg $0x0  }
0xae: {  	s5 =	sshll.u32 s28, $0x1;
	[dreg:$0x2] =	wrdreg s3  }
0xaf: {  	[dreg:$0x3] =	wrdreg s5  }
0xb0: {  	[dreg:$0x4] =	wrdreg $0xC0  }
0xb1: {  	_ =	task [dreg:s7], $0x5FFFF  }
0xb2: {  	[dreg:$0x1] =	wrdreg $0xFFFFFFFF  }
0xb3: {  	[dreg:$0x0] =	wrdreg $0x60  }
0xb4: {  	[dreg:$0x2] =	wrdreg s24  }
0xb5: {  	[dreg:$0x3] =	wrdreg s16  }
0xb6: {  	[dreg:$0x4] =	wrdreg $0xA8000  }
0xb7: {  	[dreg:$0x5] =	wrdreg $0x9  }
0xb8: {  	_ =	task.clear_ibuf [dreg:s7], $0x6FFFF;
	_ =	strace $0x9000004F  }
0xb9: {  	s29 =	simm.s32 $0x9;
	_ =	strace $0x80000051  }
0xba: {  	_ =	swait.ge [sflag:s29], $0x1  }
0xbb: {  	[sflag:s29] =	ssyncadd.s32 $0xFFFFFFFF  }
0xbc: {  	_ =	strace $0x90000051  }
0xbd: {  	_ =	sfence  }
0xbe: {  	s30 =	sld [smem:$0x0];
	_ =	sdelay $0x2  }
0xbf: {  	s31 =	sshll.u32 s1, $0xD;
	s1 =	sshrl.u32 s1, $0x2  }
0xc0: {  	s3 =	sand.u32 $0x4000, s31;
	s1 =	sadd.s32 s1, s30  }
0xc1: {  	s0 =	sor.u32 s3, s0;
	s1 =	sshll.u32 s1, $0x11  }
0xc2: {  	s0 =	sor.u32 s1, s0  }
0xc3: {  	s0 =	sadd.s32 $0x8F2B, s0  }
0xc4: {  	[sflag:s0] =	ssyncadd.remote.s32 $0x1  }
0xc5: {  	_ =	sfence.sel $0xFFFF  }
0xc6: {  	[dreg:$0x0] =	wrdreg $0xFFFFFFFF;
	(pc) =	sbr.abs _section_cstart, $3  }
0xc7: {  	[dreg:$0x1] =	wrdreg $0xFFFFFFFF  }
0xc8: {  	_ =	task.clear_ibuf [dreg:s7], $0x2FFFF;
	_ =	strace $0x9FFFFFFF  }
0xc9: {  	(tm) =	ssettm $0x7FFFFFFF  }
tec
execute0_lowered:
.L_overlay_start_1:
0x0: {  	(tag) =	ssettag $0x1  }
0x1: {  	s4 =	rddreg [dreg:$0x0]  }
0x2: {  	s5 =	rddreg [dreg:$0x1]  }
0x3: {  	s1 =	rddreg [dreg:$0x2]  }
0x4: {  	s0 =	rddreg [dreg:$0x3];
	s2 =	srdreg.scid  }
0x5: {  	s3 =	simm.s32 $0x0;
	s17 =	simm.s32 $0x3;
	s6 =	sand.u32 $0x1, s2  }
0x6: {  	s18 =	simm.s32 $0x6800;
	s2 =	stileid.u32;
	s7 =	smul.u32 $0x140000, s6  }
0x7: {  	s19 =	simm.s32 $0x1;
	s20 =	simm.s32 $0x80;
	s8 =	smul.u32 $0x14000, s2  }
0x8: {  	s21 =	simm.s32 $0x2;
	s22 =	simm.s32 $0x2700;
	s9 =	smul.u32 $0x1400000, s6  }
0x9: {  	s23 =	simm.s32 $0x2780;
	s24 =	simm.s32 $0x0;
	s28 =	smul.u32 $0x140000, s2  }
0xa: {  	[smem:$0x7FF] =	sst s3;
	s6 =	ssub.s32 $0x2, s6;
	s11 =	smul.u32 $0x50000, s2  }
0xb: {  	s15 =	sadd.s32 $0xF84A00, s4;
	s30 =	smul.u32 $0x500, s2;
	s10 =	sshrl.u32 s6, $0x1  }
0xc: {  	_ =	strace $0x80000050;
	s7 =	sadd.s32 s8, s7;
	s10 =	ssub.s32 s6, s10  }
0xd: {  	s13 =	sadd.s32 s28, s9;
	s29 =	sshrl.u32 s11, $0x2;
	s5 =	sadd.s32 s5, s30  }
0xe: {  	s7 =	sshrl.u32 s7, $0x3;
	s31 =	sor.u32 $0x4000, s13;
	s8 =	sshrl.u32 s13, $0x3  }
0xf: {  	s9 =	smax.u32 s10, $0x1;
	s14 =	sor.u32 $0xC000, s13;
	s13 =	sor.u32 $0x8000, s13  }
0x10: {  	s12 =	sadd.s32 s7, s4;
	s4 =	sadd.s32 s29, s1;
	s7 =	sshrl.u32 s31, $0x3  }
0x11: {  	s6 =	sadd.s32 s15, s8;
	s14 =	sshrl.u32 s14, $0x3;
	s16 =	sshrl.u32 s13, $0x3  }
0x12: {  	s7 =	sadd.s32 s15, s7;
	s8 =	sadd.s32 $0x864200, s12;
	s10 =	sadd.s32 $0x4000, s4  }
0x13: {  	s11 =	sadd.s32 $0x8000, s4;
	s12 =	sadd.s32 $0xC000, s4;
	s13 =	sadd.s32 $0x10000, s4  }
0x14: {  	v0 =	vimm.f32 $0.0e+00;
	s14 =	sadd.s32 s14, s15;
	s15 =	sadd.s32 s16, s15;
	s16 =	simm.s32 $0x2800  }
.LBB2_1:
0x15: {  	s25 =	simm.s32 $0x0;
	s26 =	simm.s32 $0x200  }
.LBB2_2:
0x16: {  	p0 =	sne.s32 s26, $0xFE00;
	[tilespmem:s25+$0x2870] =	vst v0  }
0x17: {  	[tilespmem:s25+$0x2800] =	vst v0  }
0x18: {  	[tilespmem:s25+$0x2810] =	vst v0  }
.Ltmp0:
0x19: {  	[tilespmem:s25+$0x2820] =	vst v0;
	(pc) =	sbr.rel @p0 .LBB2_2-.Ltmp0, $4  }
0x1a: {  	[tilespmem:s25+$0x2830] =	vst v0  }
0x1b: {  	[tilespmem:s25+$0x2840] =	vst v0  }
0x1c: {  	[tilespmem:s25+$0x2850] =	vst v0  }
0x1d: {  	[tilespmem:s25+$0x2860] =	vst v0;
	s25 =	sshra.s32 s26, $0x2;
	s26 =	sadd.s32 $0x200, s26  }
0x1e: {  	[tilespmem:s25+$0x2870] =	vst v0  }
0x1f: {  	[tilespmem:s25+$0x2800] =	vst v0  }
0x20: {  	[tilespmem:s25+$0x2810] =	vst v0  }
0x21: {  	[tilespmem:s25+$0x2820] =	vst v0  }
0x22: {  	[tilespmem:s25+$0x2830] =	vst v0  }
0x23: {  	[tilespmem:s25+$0x2840] =	vst v0  }
0x24: {  	[tilespmem:s25+$0x2850] =	vst v0  }
0x25: {  	[tilespmem:s25+$0x2860] =	vst v0  }
0x26: {  	[spmem:s4] =	stream.linear.scatter [tilespmem:s16], [sflag:$0x3], $0x4000, $0x38;
	[tilespmem:$0x1E800] =	vst v63  }
0x27: {  	_ =	swait.ge [sflag:s17], $0x4000  }
0x28: {  	[sflag:s17] =	ssyncset.done $0x0  }
0x29: {  	[sflag:s17] =	ssyncadd.s32 $0xFFFFC000  }
0x2a: {  	[spmem:s10] =	stream.linear.scatter [tilespmem:s16], [sflag:$0x3], $0x4000, $0x38;
	[tilespmem:$0x1E800] =	vst v63  }
0x2b: {  	_ =	swait.ge [sflag:s17], $0x4000  }
0x2c: {  	[sflag:s17] =	ssyncset.done $0x0  }
0x2d: {  	[sflag:s17] =	ssyncadd.s32 $0xFFFFC000  }
0x2e: {  	[spmem:s11] =	stream.linear.scatter [tilespmem:s16], [sflag:$0x3], $0x4000, $0x38;
	[tilespmem:$0x1E800] =	vst v63  }
0x2f: {  	_ =	swait.ge [sflag:s17], $0x4000  }
0x30: {  	[sflag:s17] =	ssyncset.done $0x0  }
0x31: {  	[sflag:s17] =	ssyncadd.s32 $0xFFFFC000  }
0x32: {  	[spmem:s12] =	stream.linear.scatter [tilespmem:s16], [sflag:$0x3], $0x4000, $0x38;
	[tilespmem:$0x1E800] =	vst v63  }
0x33: {  	_ =	swait.ge [sflag:s17], $0x4000  }
0x34: {  	[sflag:s17] =	ssyncset.done $0x0  }
0x35: {  	[sflag:s17] =	ssyncadd.s32 $0xFFFFC000  }
0x36: {  	[spmem:s13] =	stream.linear.scatter [tilespmem:s16], [sflag:$0x3], $0x4000, $0x38;
	[tilespmem:$0x1E800] =	vst v63  }
0x37: {  	_ =	swait.ge [sflag:s17], $0x4000  }
0x38: {  	[sflag:s17] =	ssyncset.done $0x0  }
0x39: {  	[sflag:s17] =	ssyncadd.s32 $0xFFFFC000  }
0x3a: {  	s26 =	simm.s32 $0x0;
	[bflag:$0x0] =	sbarrier.arrive $0xFFFF  }
0x3b: {  	[tilespmem:s26], [sflag:$0x3] =	stream.linear.gather [hbm4b:s5+s26], $0x2800, $0x38;
	[tilespmem:$0x1E800] =	vst v63  }
0x3c: {  	_ =	swait.ge [sflag:s17], $0x2800  }
0x3d: {  	[sflag:s17] =	ssyncset.done $0x0  }
0x3e: {  	[sflag:s17] =	ssyncadd.s32 $0xFFFFD800  }
0x3f: {  	[tilespmem:s16], [sflag:$0x1] =	stream.linear.gather [hbm4b:s6+s26], $0x4000, $0x38;
	[tilespmem:$0x1E800] =	vst v63  }
0x40: {  	_ = 	snop  }
0x41: {  	[tilespmem:s18], [sflag:$0x2] =	stream.linear.gather [hbm4b:s7+s26], $0x4000, $0x38;
	[tilespmem:$0x1E800] =	vst v63  }
0x42: {  	_ =	swait.ge [sflag:s19], $0x4000  }
0x43: {  	[sflag:s19] =	ssyncset.done $0x0  }
0x44: {  	s29 =	simm.s32 $0x0;
	[sflag:s19] =	ssyncadd.s32 $0xFFFFC000  }
0x45: {  	[spmem:s1] =	stream.indirect.scatter.add.f32 [tilespmem:s16], [sflag:$0x3], $0x80, s29, s20, $0xb8;
	[tilespmem:$0x1E800] =	vst v63  }
0x46: {  	_ =	swait.ge [sflag:s17], $0x4000  }
0x47: {  	[sflag:s17] =	ssyncset.done $0x0  }
0x48: {  	s30 =	sadd.s32 $0x0, s15;
	[sflag:s17] =	ssyncadd.s32 $0xFFFFC000  }
0x49: {  	[tilespmem:s16], [sflag:$0x1] =	stream.linear.gather [hbm4b:s30+s3], $0x4000, $0x38;
	[tilespmem:$0x1E800] =	vst v63  }
0x4a: {  	_ =	swait.ge [sflag:s21], $0x4000  }
0x4b: {  	[sflag:s21] =	ssyncset.done $0x0  }
0x4c: {  	s31 =	simm.s32 $0x80;
	[sflag:s21] =	ssyncadd.s32 $0xFFFFC000  }
0x4d: {  	[spmem:s1] =	stream.indirect.scatter.add.f32 [tilespmem:s18], [sflag:$0x3], $0x80, s31, s20, $0xb8;
	[tilespmem:$0x1E800] =	vst v63  }
0x4e: {  	_ =	swait.ge [sflag:s17], $0x4000  }
0x4f: {  	s25 =	simm.s32 $0x1000;
	[sflag:s17] =	ssyncset.done $0x0  }
0x50: {  	s28 =	sadd.s32 $0x0, s14;
	s26 =	simm.s32 $0x180;
	[sflag:s17] =	ssyncadd.s32 $0xFFFFC000  }
.LBB2_4:
0x51: {  	[tilespmem:s18], [sflag:$0x2] =	stream.linear.gather [hbm4b:s28+s3], $0x4000, $0x38;
	[tilespmem:$0x1E800] =	vst v63  }
0x52: {  	s28 =	smov.u32 s25  }
0x53: {  	p0 =	sne.s32 s25, $0x26000;
	s25 =	sadd.s32 $0x1000, s25;
	_ =	swait.ge [sflag:s19], $0x4000  }
0x54: {  	[sflag:s19] =	ssyncset.done $0x0  }
0x55: {  	s29 =	sadd.s32 $0xFFFFFF80, s26;
	[sflag:s19] =	ssyncadd.s32 $0xFFFFC000  }
0x56: {  	[spmem:s1] =	stream.indirect.scatter.add.f32 [tilespmem:s16], [sflag:$0x3], $0x80, s29, s20, $0xb8;
	[tilespmem:$0x1E800] =	vst v63  }
0x57: {  	_ =	swait.ge [sflag:s17], $0x4000  }
0x58: {  	[sflag:s17] =	ssyncset.done $0x0  }
0x59: {  	s29 =	sadd.s32 s28, s15;
	[sflag:s17] =	ssyncadd.s32 $0xFFFFC000  }
0x5a: {  	[tilespmem:s16], [sflag:$0x1] =	stream.linear.gather [hbm4b:s29+s3], $0x4000, $0x38;
	[tilespmem:$0x1E800] =	vst v63  }
0x5b: {  	_ =	swait.ge [sflag:s21], $0x4000  }
0x5c: {  	[sflag:s21] =	ssyncset.done $0x0  }
.Ltmp1:
0x5d: {  	[sflag:s21] =	ssyncadd.s32 $0xFFFFC000;
	(pc) =	sbr.rel @p0 .LBB2_4-.Ltmp1, $4  }
0x5e: {  	[spmem:s1] =	stream.indirect.scatter.add.f32 [tilespmem:s18], [sflag:$0x3], $0x80, s26, s20, $0xb8;
	[tilespmem:$0x1E800] =	vst v63  }
0x5f: {  	_ =	swait.ge [sflag:s17], $0x4000  }
0x60: {  	[sflag:s17] =	ssyncset.done $0x0  }
0x61: {  	s28 =	sadd.s32 s28, s14;
	s26 =	sadd.s32 $0x100, s26;
	[sflag:s17] =	ssyncadd.s32 $0xFFFFC000  }
0x62: {  	[tilespmem:s18], [sflag:$0x2] =	stream.linear.gather [hbm4b:s28+s3], $0x4000, $0x38;
	[tilespmem:$0x1E800] =	vst v63  }
0x63: {  	_ =	swait.ge [sflag:s19], $0x4000  }
0x64: {  	[sflag:s19] =	ssyncset.done $0x0  }
0x65: {  	[sflag:s19] =	ssyncadd.s32 $0xFFFFC000  }
0x66: {  	[spmem:s1] =	stream.indirect.scatter.add.f32 [tilespmem:s16], [sflag:$0x3], $0x80, s22, s20, $0xb8;
	[tilespmem:$0x1E800] =	vst v63  }
0x67: {  	_ =	swait.ge [sflag:s17], $0x4000  }
0x68: {  	[sflag:s17] =	ssyncset.done $0x0  }
0x69: {  	[sflag:s17] =	ssyncadd.s32 $0xFFFFC000  }
0x6a: {  	_ =	swait.ge [sflag:s21], $0x4000  }
0x6b: {  	[sflag:s21] =	ssyncset.done $0x0  }
0x6c: {  	[sflag:s21] =	ssyncadd.s32 $0xFFFFC000  }
0x6d: {  	[spmem:s1] =	stream.indirect.scatter.add.f32 [tilespmem:s18], [sflag:$0x3], $0x80, s23, s20, $0xb8;
	[tilespmem:$0x1E800] =	vst v63  }
0x6e: {  	_ =	swait.ge [sflag:s17], $0x4000  }
0x6f: {  	s25 =	sshll.u32 s2, $0x6;
	s24 =	sadd.s32 $0x1, s24;
	[sflag:s17] =	ssyncset.done $0x0  }
0x70: {  	s26 =	sshrl.u32 s4, $0x3;
	p0 =	sne.s32 s24, s9;
	[sflag:s17] =	ssyncadd.s32 $0xFFFFC000  }
.Ltmp2:
0x71: {  	s25 =	sor.u32 $0x1C03, s25;
	[bflag:$0x0] =	sbarrier.arrive $0xFFFF;
	(pc) =	sbr.rel @p0 .LBB2_1-.Ltmp2, $4  }
0x72: {  	[hbm:s8], [sflag:s25] =	dma.local [spmem:s26], $0x2800  }
0x73: {  	_ =	swait.ge [sflag:s17], $0x2800  }
0x74: {  	[sflag:s17] =	ssyncset.done $0x0  }
0x75: {  	[sflag:s17] =	ssyncadd.s32 $0xFFFFD800  }
0x76: {  	_ =	sfence.sel $0x180000  }
0x77: {  	[bflag:$0x0] =	sbarrier.arrive $0xFFFF  }
0x78: {  	p0 =	sne.s32 s2, $0x0;
	_ =	strace $0x90000050  }
0x79: {  	s0 =	sadd.s32 @!p0 $0x100000, s0;
	[bflag:$0x2] =	sbarrier.arrive $0xFFFF  }
0x7a: {  	[sflag:s0] =	ssyncadd.tile.s32 @!p0 $0x1;
	_ =	shalt  }
.Lfunc_end2:
_tile_overlayer_lowered:
.L_overlay_start_2:
0x7b: {  	(tag) =	ssettag $0x2  }
0x7c: {  	s0 =	rddreg [dreg:$0x0];
	s2 =	stileid.u32  }
0x7d: {  	s1 =	rddreg [dreg:$0x1];
	p0 =	sne.s32 s2, $0x0  }
0x7e: {  	s3 =	rddreg [dreg:$0x2];
	[bflag:$0x3] =	sbarrier.arrive $0xFFFF;
	s2 =	simm.s32 @!p0 $0x1C03  }
0x7f: {  	[timem:s3], [sflag:s2] =	dma.local @!p0 [hbm:s0], s1  }
0x80: {  	s0 =	simm.s32 @!p0 $0x3  }
0x81: {  	_ =	swait.ge @!p0 [sflag:s0], s1  }
0x82: {  	s1 =	ssub.s32 @!p0 $0x0, s1;
	[sflag:s0] =	ssyncset.done @!p0 $0x0  }
0x83: {  	[sflag:s0] =	ssyncadd.s32 @!p0 s1  }
0x84: {  	[bflag:$0x3] =	sbarrier.arrive $0xFFFF  }
0x85: {  	_ =	shalt  }

// kernel: kernel.33.cloned.1.call-start
scs
__scs_entry_jumppad:
0x0: {  	(pc) =	sbr.rel $0x88, $3  }
0x1: {  	(tag) =	ssettag $0x0;
	lr =	simm.s32 $0x1  }
0x2: {  	[smem:$0x3F8C] =	sst lr;
	_ =	strace $0xD0000000  }
0x3: {  	_ = 	snop  }
0x4: {  	_ = 	snop  }
0x5: {  	_ = 	snop  }
0x6: {  	_ = 	snop  }
0x7: {  	_ = 	snop  }
__scs_overlays_trampoline_lowered:
0x8: {  	[smem:$0x3F9B] =	sst s0  }
0x9: {  	[smem:$0x3F9C] =	sst s1  }
0xa: {  	[smem:$0x3F9D] =	sst s2  }
0xb: {  	[smem:$0x3F9E] =	sst s3  }
0xc: {  	[smem:$0x3F9F] =	sst s4  }
0xd: {  	[smem:$0x3FA0] =	sst s5  }
0xe: {  	[smem:$0x3FA1] =	sst s6  }
0xf: {  	[smem:$0x3FA2] =	sst s7  }
0x10: {  	[smem:$0x3FA3] =	sst s8  }
0x11: {  	[smem:$0x3FA4] =	sst s9;
	s0 =	simm.s32 @!p0 $0x0  }
0x12: {  	s1 =	sld [smem:$0x3F8A];
	s0 =	simm.s32 @p0 $0x1  }
0x13: {  	[smem:$0x3FA5] =	sst s0;
	s0 =	simm.s32 @!p1 $0x0  }
0x14: {  	s2 =	sld [smem:$0x3F89];
	s0 =	simm.s32 @p1 $0x1  }
0x15: {  	[smem:$0x3FA6] =	sst s0;
	s0 =	simm.s32 @!p2 $0x0  }
0x16: {  	s3 =	sld [smem:$0x3FDB];
	s0 =	simm.s32 @p2 $0x1  }
0x17: {  	s4 =	simm.s32 $0x1BF5;
	[smem:$0x3FA8] =	sst s0  }
0x18: {  	s0 =	sld [smem:$0x3F8B];
	_ =	swait.ge [sflag:s4], $0x0  }
0x19: {  	s7 =	sld [smem:$0x3F8C]  }
0x1a: {  	s8 =	sadd.s32 $0xFFFFE003, lr  }
0x1b: {  	s9 =	sadd.s32 $0xFFFFFEF7, lr;
	s5 =	simm.s32 $0xFFFFFFFF;
	p2 =	slt.u32 s8, $0xFFFFF086  }
0x1c: {  	p1 =	slt.u32 s9, $0xF7A;
	s5 =	simm.s32 @!p2 $0x0  }
0x1d: {  	s5 =	simm.s32 @p1 $0x1;
	p0 =	seq.s32 s7, s2  }
0x1e: {  	s7 =	smul.u32 @!p0 $0xF7A, s2;
	p2 =	seq.s32 @!p0 s5, $0x0  }
0x1f: {  	s9 =	smul.u32 $0xF7A, s1;
	s8 =	simm.s32 @!p0 $0x1BF5;
	p2 =	por !p2, p0  }
0x20: {  	[sflag:s8] =	ssyncset.s32 @!p0 $0xFFFFF086;
	s6 =	sadd.s32 @!p0 s3, s7;
	s7 =	simm.s32 @!p0 $0x108  }
0x21: {  	s3 =	sadd.s32 s3, s9;
	s6 =	sadd.s32 @!p0 $0x88, s6;
	s7 =	simm.s32 @p2 $0x1082  }
0x22: {  	[simem:s7], [sflag:s8] =	dma.local @!p0 [hbm:s6], $0xF7A  }
0x23: {  	s9 =	sor.u32 $0xD0000000, s2;
	s6 =	simm.s32 $0x108;
	_ =	swait.ge @!p0 [sflag:s8], $0x0  }
0x24: {  	s3 =	sadd.s32 $0x88, s3;
	s6 =	simm.s32 @!p1 $0x1082;
	[sflag:s4] =	ssyncset.s32 $0xFFFFF086  }
0x25: {  	[simem:s6], [sflag:s4] =	dma.local [hbm:s3], $0xF7A  }
0x26: {  	[smem:$0x3F8C] =	sst s1;
	(tag) =	ssettag s2;
	_ =	strace s9  }
0x27: {  	s1 =	sld [smem:$0x3F9C]  }
0x28: {  	s2 =	sld [smem:$0x3F9D]  }
0x29: {  	s4 =	sld [smem:$0x3F9F]  }
0x2a: {  	p0 =	seq.s32 s5, $0x0;
	s5 =	sld [smem:$0x3FA0]  }
0x2b: {  	s6 =	sld [smem:$0x3FA1]  }
0x2c: {  	s7 =	sld [smem:$0x3FA2]  }
0x2d: {  	s3 =	simm.s32 $0x108;
	s8 =	sld [smem:$0x3FA3]  }
0x2e: {  	s3 =	simm.s32 @!p0 $0x1082;
	s9 =	sld [smem:$0x3FA4]  }
0x2f: {  	lr =	sadd.s32 s0, s3;
	s0 =	sld [smem:$0x3F9B]  }
0x30: {  	s3 =	sld [smem:$0x3F9E]  }
0x31: {  	[smem:$0x3FA7] =	sst s10  }
0x32: {  	s10 =	sld [smem:$0x3FA5];
	_ =	sdelay $0x3  }
0x33: {  	p0 =	seq.s32 s10, $0x1;
	s10 =	sld [smem:$0x3FA7];
	_ =	sdelay $0x3  }
0x34: {  	[smem:$0x3FA7] =	sst s10  }
0x35: {  	s10 =	sld [smem:$0x3FA6];
	_ =	sdelay $0x3  }
0x36: {  	p1 =	seq.s32 s10, $0x1;
	s10 =	sld [smem:$0x3FA7];
	_ =	sdelay $0x3  }
0x37: {  	[smem:$0x3FA7] =	sst s10  }
0x38: {  	s10 =	sld [smem:$0x3FA8]  }
0x39: {  	_ = 	snop;
	(pc) =	sbr.ind lr, $3  }
0x3a: {  	_ = 	snop  }
0x3b: {  	_ = 	snop  }
0x3c: {  	p2 =	seq.s32 s10, $0x1;
	s10 =	sld [smem:$0x3FA7]  }
0x3d: {  	_ =	shalt  }
0x3e: {  	_ =	shalt  }
0x3f: {  	_ =	shalt  }
0x40: {  	_ =	shalt  }
0x41: {  	_ =	shalt  }
0x42: {  	_ =	shalt  }
0x43: {  	_ =	shalt  }
0x44: {  	_ =	shalt  }
0x45: {  	_ =	shalt  }
0x46: {  	_ =	shalt  }
0x47: {  	_ =	shalt  }
0x48: {  	_ =	shalt  }
0x49: {  	_ =	shalt  }
0x4a: {  	_ =	shalt  }
0x4b: {  	_ =	shalt  }
0x4c: {  	_ =	shalt  }
0x4d: {  	_ =	shalt  }
0x4e: {  	_ =	shalt  }
0x4f: {  	_ =	shalt  }
0x50: {  	_ =	shalt  }
0x51: {  	_ =	shalt  }
0x52: {  	_ =	shalt  }
0x53: {  	_ =	shalt  }
0x54: {  	_ =	shalt  }
0x55: {  	_ =	shalt  }
0x56: {  	_ =	shalt  }
0x57: {  	_ =	shalt  }
0x58: {  	_ =	shalt  }
0x59: {  	_ =	shalt  }
0x5a: {  	_ =	shalt  }
0x5b: {  	_ =	shalt  }
0x5c: {  	_ =	shalt  }
0x5d: {  	_ =	shalt  }
0x5e: {  	_ =	shalt  }
0x5f: {  	_ =	shalt  }
0x60: {  	_ =	shalt  }
0x61: {  	_ =	shalt  }
0x62: {  	_ =	shalt  }
0x63: {  	_ =	shalt  }
0x64: {  	_ =	shalt  }
0x65: {  	_ =	shalt  }
0x66: {  	_ =	shalt  }
0x67: {  	_ =	shalt  }
0x68: {  	_ =	shalt  }
0x69: {  	_ =	shalt  }
0x6a: {  	_ =	shalt  }
0x6b: {  	_ =	shalt  }
0x6c: {  	_ =	shalt  }
0x6d: {  	_ =	shalt  }
0x6e: {  	_ =	shalt  }
0x6f: {  	_ =	shalt  }
0x70: {  	_ =	shalt  }
0x71: {  	_ =	shalt  }
0x72: {  	_ =	shalt  }
0x73: {  	_ =	shalt  }
0x74: {  	_ =	shalt  }
0x75: {  	_ =	shalt  }
0x76: {  	_ =	shalt  }
0x77: {  	_ =	shalt  }
0x78: {  	_ =	shalt  }
0x79: {  	_ =	shalt  }
0x7a: {  	_ =	shalt  }
0x7b: {  	_ =	shalt  }
0x7c: {  	_ =	shalt  }
0x7d: {  	_ =	shalt  }
0x7e: {  	_ =	shalt  }
0x7f: {  	_ =	shalt  }
0x80: {  	_ =	shalt  }
0x81: {  	_ =	shalt  }
0x82: {  	_ =	shalt  }
0x83: {  	_ =	shalt  }
0x84: {  	_ =	shalt  }
0x85: {  	_ =	shalt  }
0x86: {  	_ =	shalt  }
0x87: {  	_ =	shalt  }
.Lfunc_end0:
.L_simem_size_0:
called_computation.4_lowered:
.L_overlay_start_0:
0x88: {  	s2 =	sld [smem:$0x3FD9]  }
0x89: {  	s3 =	sld [smem:$0x3FFE];
	_ =	sdelay $0x1  }
0x8a: {  	s1 =	srdreg.scid  }
0x8b: {  	s0 =	sand.u32 $0x1, s1  }
0x8c: {  	s14 =	sshll.u32 s0, $0xA;
	s2 =	sadd.s32 s3, s2  }
0x8d: {  	s2 =	sadd.s32 s2, s14  }
0x8e: {  	[smem:$0x3FB3] =	sst s2  }
0x8f: {  	_ = 	snop  }
0x90: {  	s2 =	sld [smem:$0x3FD0];
	_ =	sdelay $0x2  }
0x91: {  	s15 =	simm.s32 $0xC;
	s4 =	simm.s32 $0x10  }
0x92: {  	[smem:s4], [sflag:s15] =	dma.local [hbm:s2], $0x1  }
0x93: {  	_ =	swait.eq [sflag:s15], $0x1  }
0x94: {  	[sflag:s15] =	ssyncset.done $0x0  }
0x95: {  	s16 =	sld [smem:$0x10];
	[sflag:s15] =	ssyncadd.s32 $0xFFFFFFFF  }
0x96: {  	s17 =	sld [smem:$0x11];
	(tm) =	ssettm $0x1  }
0x97: {  	s18 =	sld [smem:$0x3FFB];
	_ =	sdelay $0x3  }
0x98: {  	_ =	strace s18  }
0x99: {  	s4 =	sld [smem:$0x3FFC];
	_ =	sdelay $0x3  }
0x9a: {  	_ =	strace s4  }
0x9b: {  	s4 =	sld [smem:$0x3FFD];
	_ =	sdelay $0x3  }
0x9c: {  	_ =	strace s4  }
0x9d: {  	_ =	strace $0x8FFFFFFF  }
0x9e: {  	s19 =	sld [smem:$0x3FDB];
	_ =	sdelay $0x1  }
0x9f: {  	s5 =	simm.s32 $_scs_section_size  }
0xa0: {  	s6 =	simm.s32 $_size__tile_overlayer_lowered;
	s7 =	simm.s32 $_tile_overlayer_lowered  }
0xa1: {  	s22 =	simm.s32 $0x1BFF;
	s21 =	sshll.u32 s7, $0x1;
	s4 =	sadd.s32 s5, s19  }
0xa2: {  	s8 =	simm.s32 $0x0;
	s20 =	sshll.u32 s6, $0x1;
	s6 =	sadd.s32 s21, s4  }
0xa3: {  	[timem:s8], [sflag:s22] =	dma.local [hbm:s6], s20  }
0xa4: {  	_ =	swait.ge [sflag:s22], s20  }
0xa5: {  	s5 =	ssub.s32 $0x0, s20;
	[sflag:s22] =	ssyncset.done $0x0  }
0xa6: {  	[sflag:s22] =	ssyncadd.s32 s5;
	_ =	sdelay $0x1  }
0xa7: {  	s23 =	simm.s32 $0x1B8B  }
0xa8: {  	_ =	swait.ge [sflag:s23], $0x1  }
0xa9: {  	[sflag:s23] =	ssyncset.done $0x0  }
0xaa: {  	s25 =	simm.s32 $0x1B8E;
	s24 =	sld [smem:$0x3FFE];
	[sflag:s23] =	ssyncadd.s32 $0xFFFFFFFF  }
0xab: {  	s26 =	simm.s32 $execute0_lowered;
	[smem:$0x3FD2] =	sst s25  }
0xac: {  	s6 =	sshll.u32 s26, $0x1;
	_ =	strace $0x80000052;
	[dreg:$0x1] =	wrdreg $0xFFFFFFFF  }
0xad: {  	s28 =	simm.s32 $_size_execute0_lowered;
	s4 =	sadd.s32 s4, s6;
	[dreg:$0x0] =	wrdreg $0x0  }
0xae: {  	s6 =	sshll.u32 s28, $0x1;
	[dreg:$0x2] =	wrdreg s4  }
0xaf: {  	[dreg:$0x3] =	wrdreg s6  }
0xb0: {  	[dreg:$0x4] =	wrdreg $0xC0  }
0xb1: {  	_ =	task [dreg:s8], $0x5FFFF  }
0xb2: {  	[dreg:$0x1] =	wrdreg $0xFFFFFFFF  }
0xb3: {  	[dreg:$0x0] =	wrdreg $0x60  }
0xb4: {  	[dreg:$0x2] =	wrdreg s17  }
0xb5: {  	[dreg:$0x3] =	wrdreg s24  }
0xb6: {  	[dreg:$0x4] =	wrdreg s16  }
0xb7: {  	[dreg:$0x5] =	wrdreg $0x9  }
0xb8: {  	_ =	task.clear_ibuf [dreg:s8], $0x6FFFF;
	_ =	strace $0x90000052  }
0xb9: {  	s29 =	simm.s32 $0x9;
	_ =	strace $0x80000054  }
0xba: {  	_ =	swait.ge [sflag:s29], $0x1  }
0xbb: {  	[sflag:s29] =	ssyncadd.s32 $0xFFFFFFFF  }
0xbc: {  	_ =	strace $0x90000054  }
0xbd: {  	_ =	sfence  }
0xbe: {  	s30 =	sld [smem:$0x0];
	_ =	sdelay $0x2  }
0xbf: {  	s31 =	sshll.u32 s1, $0xD;
	s1 =	sshrl.u32 s1, $0x2  }
0xc0: {  	s3 =	sand.u32 $0x4000, s31;
	s1 =	sadd.s32 s1, s30  }
0xc1: {  	s0 =	sor.u32 s3, s0;
	s1 =	sshll.u32 s1, $0x11  }
0xc2: {  	s0 =	sor.u32 s1, s0  }
0xc3: {  	s0 =	sadd.s32 $0x8F2B, s0  }
0xc4: {  	[sflag:s0] =	ssyncadd.remote.s32 $0x1  }
0xc5: {  	_ =	sfence.sel $0xFFFF  }
0xc6: {  	[dreg:$0x0] =	wrdreg $0xFFFFFFFF;
	(pc) =	sbr.abs _section_cstart, $3  }
0xc7: {  	[dreg:$0x1] =	wrdreg $0xFFFFFFFF  }
0xc8: {  	_ =	task.clear_ibuf [dreg:s8], $0x2FFFF;
	_ =	strace $0x9FFFFFFF  }
0xc9: {  	(tm) =	ssettm $0x7FFFFFFF  }
tec
execute0_lowered:
.L_overlay_start_1:
0x0: {  	(tag) =	ssettag $0x1  }
0x1: {  	s1 =	rddreg [dreg:$0x0]  }
0x2: {  	s0 =	rddreg [dreg:$0x1]  }
0x3: {  	s2 =	srdreg.scid;
	s3 =	stileid.u32  }
0x4: {  	s7 =	rddreg [dreg:$0x2];
	s16 =	simm.s32 $0x5;
	s17 =	simm.s32 $0x2400  }
0x5: {  	s18 =	simm.s32 $0x80;
	s19 =	simm.s32 $0x4800;
	s20 =	simm.s32 $0x8800  }
0x6: {  	s21 =	simm.s32 $0xC800;
	s23 =	simm.s32 $0x10800;
	s24 =	simm.s32 $0x1  }
0x7: {  	s28 =	simm.s32 $0x4;
	s29 =	simm.s32 $0x0;
	s2 =	sand.u32 $0x1, s2  }
0x8: {  	s5 =	smul.u32 $0x48, s3;
	s6 =	sshll.u32 s3, $0x3;
	s3 =	simm.s32 $0x0  }
0x9: {  	s4 =	sadd.s32 $0x8B9400, s0;
	p0 =	seq.s32 s2, $0x0;
	s13 =	sor.u32 $0x480, s6  }
0xa: {  	[smem:$0x7FF] =	sst s3;
	s2 =	ssub.s32 $0x2, s2;
	s11 =	sadd.s32 $0x488, s6  }
0xb: {  	s13 =	smov.u32 @p0 s5;
	_ =	strace $0x80000053;
	s10 =	sadd.s32 $0x48, s5  }
0xc: {  	s5 =	sadd.s32 $0x297400, s0;
	s25 =	sshrl.u32 s2, $0x1;
	s8 =	sshll.u32 s13, $0x4  }
0xd: {  	s11 =	smov.u32 @p0 s10;
	s13 =	sshll.u32 s13, $0xB;
	s9 =	sadd.s32 s8, s0  }
0xe: {  	s0 =	ssub.s32 s2, s25;
	s26 =	sshll.u32 s11, $0xB;
	s7 =	sadd.s32 s7, s8  }
0xf: {  	s8 =	simm.s32 $0x8C00;
	s15 =	sor.u32 $0x800, s13;
	s25 =	simm.s32 $0x2  }
0x10: {  	s6 =	sadd.s32 $0x12000, s9;
	s30 =	sadd.s32 $0x1FFFF000, s26;
	s8 =	simm.s32 @!p0 $0xC00  }
0x11: {  	s2 =	sadd.s32 $0x1FFFF800, s26;
	s14 =	smax.u32 s0, $0x1;
	s31 =	sand.u32 $0x1FFFF000, s30  }
0x12: {  	s26 =	simm.s32 $0x3;
	s2 =	sand.u32 $0x1FFFF800, s2;
	s9 =	sadd.s32 s4, s31  }
0x13: {  	s10 =	sadd.s32 s5, s31;
	s11 =	sadd.s32 s4, s2;
	s12 =	sadd.s32 s5, s2  }
.LBB2_1:
0x14: {  	[tilespmem:s3], [sflag:$0x5] =	stream.linear.gather [hbm4b:s6+s3], $0x2400, $0x38;
	[tilespmem:$0x14800] =	vst v63  }
0x15: {  	_ =	swait.ge [sflag:s16], $0x2400  }
0x16: {  	[sflag:s16] =	ssyncset.done $0x0  }
0x17: {  	[sflag:s16] =	ssyncadd.s32 $0xFFFFDC00  }
0x18: {  	[tilespmem:s17], [sflag:$0x5] =	stream.linear.gather [hbm4b:s7+s3], $0x2400, $0x38;
	[tilespmem:$0x14800] =	vst v63  }
0x19: {  	_ =	swait.ge [sflag:s16], $0x2400  }
0x1a: {  	[sflag:s16] =	ssyncset.done $0x0  }
0x1b: {  	[sflag:s16] =	ssyncadd.s32 $0xFFFFDC00  }
0x1c: {  	[tilespmem:s19], [sflag:$0x1] =	stream.indirect.gather [hbm4b:s1+s18], $0x80, s3, s18, $0xb8;
	[tilespmem:$0x14800] =	vst v63  }
0x1d: {  	_ = 	snop  }
0x1e: {  	[tilespmem:s20], [sflag:$0x2] =	stream.indirect.gather [hbm4b:s1+s18], $0x80, s17, s18, $0xb8;
	[tilespmem:$0x14800] =	vst v63  }
0x1f: {  	_ = 	snop  }
0x20: {  	[tilespmem:s21], [sflag:$0x3] =	stream.indirect.gather [hbm4b:s1+s18], $0x80, s18, s18, $0xb8;
	[tilespmem:$0x14800] =	vst v63  }
0x21: {  	s0 =	simm.s32 $0x2480  }
0x22: {  	[tilespmem:s23], [sflag:$0x4] =	stream.indirect.gather [hbm4b:s1+s18], $0x80, s0, s18, $0xb8;
	[tilespmem:$0x14800] =	vst v63  }
0x23: {  	_ =	swait.ge [sflag:s24], $0x4000  }
0x24: {  	[sflag:s24] =	ssyncset.done $0x0  }
0x25: {  	[sflag:s24] =	ssyncadd.s32 $0xFFFFC000  }
0x26: {  	_ =	swait.ge [sflag:s25], $0x4000  }
0x27: {  	[sflag:s25] =	ssyncset.done $0x0  }
0x28: {  	s22 =	sadd.s32 s4, s13;
	[sflag:s25] =	ssyncadd.s32 $0xFFFFC000  }
0x29: {  	[hbm4b:s22+s3] =	stream.linear.scatter [tilespmem:s19], [sflag:$0x5], $0x4000, $0x38;
	[tilespmem:$0x14800] =	vst v63  }
0x2a: {  	_ =	swait.ge [sflag:s16], $0x4000  }
0x2b: {  	[sflag:s16] =	ssyncset.done $0x0  }
0x2c: {  	s2 =	sadd.s32 s5, s13;
	[sflag:s16] =	ssyncadd.s32 $0xFFFFC000  }
0x2d: {  	[hbm4b:s2+s3] =	stream.linear.scatter [tilespmem:s20], [sflag:$0x5], $0x4000, $0x38;
	[tilespmem:$0x14800] =	vst v63  }
0x2e: {  	_ =	swait.ge [sflag:s16], $0x4000  }
0x2f: {  	[sflag:s16] =	ssyncset.done $0x0  }
0x30: {  	s22 =	simm.s32 $0x100;
	[sflag:s16] =	ssyncadd.s32 $0xFFFFC000  }
0x31: {  	[tilespmem:s19], [sflag:$0x1] =	stream.indirect.gather [hbm4b:s1+s18], $0x80, s22, s18, $0xb8;
	[tilespmem:$0x14800] =	vst v63  }
0x32: {  	s2 =	simm.s32 $0x2500  }
0x33: {  	[tilespmem:s20], [sflag:$0x2] =	stream.indirect.gather [hbm4b:s1+s18], $0x80, s2, s18, $0xb8;
	[tilespmem:$0x14800] =	vst v63  }
0x34: {  	_ =	swait.ge [sflag:s26], $0x4000  }
0x35: {  	[sflag:s26] =	ssyncset.done $0x0  }
0x36: {  	[sflag:s26] =	ssyncadd.s32 $0xFFFFC000  }
0x37: {  	_ =	swait.ge [sflag:s28], $0x4000  }
0x38: {  	[sflag:s28] =	ssyncset.done $0x0  }
0x39: {  	s22 =	sadd.s32 s4, s15;
	[sflag:s28] =	ssyncadd.s32 $0xFFFFC000  }
0x3a: {  	[hbm4b:s22+s3] =	stream.linear.scatter [tilespmem:s21], [sflag:$0x5], $0x4000, $0x38;
	[tilespmem:$0x14800] =	vst v63  }
0x3b: {  	_ =	swait.ge [sflag:s16], $0x4000  }
0x3c: {  	[sflag:s16] =	ssyncset.done $0x0  }
0x3d: {  	p0 =	sne.s32 s8, $0x400;
	s2 =	sadd.s32 s5, s15;
	[sflag:s16] =	ssyncadd.s32 $0xFFFFC000  }
0x3e: {  	[hbm4b:s2+s3] =	stream.linear.scatter [tilespmem:s23], [sflag:$0x5], $0x4000, $0x38;
	[tilespmem:$0x14800] =	vst v63  }
.Ltmp0:
0x3f: {  	_ = 	snop;
	(pc) =	sbr.rel @!p0 .LBB2_3-.Ltmp0, $4  }
0x40: {  	s30 =	simm.s32 $0x400;
	_ =	swait.ge [sflag:s16], $0x4000  }
0x41: {  	s31 =	sadd.s32 $0x1000, s5;
	s0 =	simm.s32 $0x2580;
	[sflag:s16] =	ssyncset.done $0x0  }
0x42: {  	s22 =	simm.s32 $0x180;
	s2 =	sadd.s32 $0x1000, s4;
	[sflag:s16] =	ssyncadd.s32 $0xFFFFC000  }
0x43: {  	[tilespmem:s21], [sflag:$0x3] =	stream.indirect.gather [hbm4b:s1+s18], $0x80, s22, s18, $0xb8;
	[tilespmem:$0x14800] =	vst v63  }
.LBB2_2:
0x44: {  	[tilespmem:s23], [sflag:$0x4] =	stream.indirect.gather [hbm4b:s1+s18], $0x80, s0, s18, $0xb8;
	[tilespmem:$0x14800] =	vst v63  }
0x45: {  	s0 =	smov.u32 s30;
	s30 =	sadd.s32 $0x400, s30;
	_ =	swait.ge [sflag:s24], $0x4000  }
0x46: {  	p0 =	sne.s32 s8, s30;
	[sflag:s24] =	ssyncset.done $0x0  }
0x47: {  	[sflag:s24] =	ssyncadd.s32 $0xFFFFC000  }
0x48: {  	_ =	swait.ge [sflag:s25], $0x4000  }
0x49: {  	[sflag:s25] =	ssyncset.done $0x0  }
0x4a: {  	s22 =	sadd.s32 s2, s13;
	[sflag:s25] =	ssyncadd.s32 $0xFFFFC000  }
0x4b: {  	[hbm4b:s22+s3] =	stream.linear.scatter [tilespmem:s19], [sflag:$0x5], $0x4000, $0x38;
	[tilespmem:$0x14800] =	vst v63  }
0x4c: {  	_ =	swait.ge [sflag:s16], $0x4000  }
0x4d: {  	[sflag:s16] =	ssyncset.done $0x0  }
0x4e: {  	s22 =	sadd.s32 s31, s13;
	[sflag:s16] =	ssyncadd.s32 $0xFFFFC000  }
0x4f: {  	[hbm4b:s22+s3] =	stream.linear.scatter [tilespmem:s20], [sflag:$0x5], $0x4000, $0x38;
	[tilespmem:$0x14800] =	vst v63  }
0x50: {  	_ =	swait.ge [sflag:s16], $0x4000  }
0x51: {  	s0 =	sshra.s32 s0, $0x2;
	[sflag:s16] =	ssyncset.done $0x0  }
0x52: {  	s22 =	sadd.s32 $0x100, s0;
	[sflag:s16] =	ssyncadd.s32 $0xFFFFC000  }
0x53: {  	[tilespmem:s19], [sflag:$0x1] =	stream.indirect.gather [hbm4b:s1+s18], $0x80, s22, s18, $0xb8;
	[tilespmem:$0x14800] =	vst v63  }
0x54: {  	s22 =	sadd.s32 $0x2500, s0  }
0x55: {  	[tilespmem:s20], [sflag:$0x2] =	stream.indirect.gather [hbm4b:s1+s18], $0x80, s22, s18, $0xb8;
	[tilespmem:$0x14800] =	vst v63  }
0x56: {  	_ =	swait.ge [sflag:s26], $0x4000  }
0x57: {  	[sflag:s26] =	ssyncset.done $0x0  }
0x58: {  	[sflag:s26] =	ssyncadd.s32 $0xFFFFC000  }
0x59: {  	_ =	swait.ge [sflag:s28], $0x4000  }
0x5a: {  	[sflag:s28] =	ssyncset.done $0x0  }
0x5b: {  	s22 =	sadd.s32 s2, s15;
	[sflag:s28] =	ssyncadd.s32 $0xFFFFC000  }
0x5c: {  	[hbm4b:s22+s3] =	stream.linear.scatter [tilespmem:s21], [sflag:$0x5], $0x4000, $0x38;
	[tilespmem:$0x14800] =	vst v63  }
0x5d: {  	_ =	swait.ge [sflag:s16], $0x4000  }
0x5e: {  	[sflag:s16] =	ssyncset.done $0x0  }
0x5f: {  	s22 =	sadd.s32 s31, s15;
	[sflag:s16] =	ssyncadd.s32 $0xFFFFC000  }
0x60: {  	[hbm4b:s22+s3] =	stream.linear.scatter [tilespmem:s23], [sflag:$0x5], $0x4000, $0x38;
	[tilespmem:$0x14800] =	vst v63  }
.Ltmp1:
0x61: {  	_ =	swait.ge [sflag:s16], $0x4000;
	(pc) =	sbr.rel @p0 .LBB2_2-.Ltmp1, $4  }
0x62: {  	[sflag:s16] =	ssyncset.done $0x0  }
0x63: {  	s22 =	sadd.s32 $0x180, s0;
	[sflag:s16] =	ssyncadd.s32 $0xFFFFC000  }
0x64: {  	[tilespmem:s21], [sflag:$0x3] =	stream.indirect.gather [hbm4b:s1+s18], $0x80, s22, s18, $0xb8;
	[tilespmem:$0x14800] =	vst v63  }
0x65: {  	s2 =	sadd.s32 $0x1000, s2;
	s31 =	sadd.s32 $0x1000, s31;
	s0 =	sadd.s32 $0x2580, s0  }
.LBB2_3:
0x66: {  	[tilespmem:s23], [sflag:$0x4] =	stream.indirect.gather [hbm4b:s1+s18], $0x80, s0, s18, $0xb8;
	[tilespmem:$0x14800] =	vst v63  }
0x67: {  	_ =	swait.ge [sflag:s24], $0x4000  }
0x68: {  	[sflag:s24] =	ssyncset.done $0x0  }
0x69: {  	[sflag:s24] =	ssyncadd.s32 $0xFFFFC000  }
0x6a: {  	_ =	swait.ge [sflag:s25], $0x4000  }
0x6b: {  	[sflag:s25] =	ssyncset.done $0x0  }
0x6c: {  	[sflag:s25] =	ssyncadd.s32 $0xFFFFC000  }
0x6d: {  	[hbm4b:s9+s3] =	stream.linear.scatter [tilespmem:s19], [sflag:$0x5], $0x4000, $0x38;
	[tilespmem:$0x14800] =	vst v63  }
0x6e: {  	_ =	swait.ge [sflag:s16], $0x4000  }
0x6f: {  	[sflag:s16] =	ssyncset.done $0x0  }
0x70: {  	[sflag:s16] =	ssyncadd.s32 $0xFFFFC000  }
0x71: {  	[hbm4b:s10+s3] =	stream.linear.scatter [tilespmem:s20], [sflag:$0x5], $0x4000, $0x38;
	[tilespmem:$0x14800] =	vst v63  }
0x72: {  	_ =	swait.ge [sflag:s16], $0x4000  }
0x73: {  	[sflag:s16] =	ssyncset.done $0x0  }
0x74: {  	[sflag:s16] =	ssyncadd.s32 $0xFFFFC000  }
0x75: {  	_ =	swait.ge [sflag:s26], $0x4000  }
0x76: {  	[sflag:s26] =	ssyncset.done $0x0  }
0x77: {  	[sflag:s26] =	ssyncadd.s32 $0xFFFFC000  }
0x78: {  	_ =	swait.ge [sflag:s28], $0x4000  }
0x79: {  	[sflag:s28] =	ssyncset.done $0x0  }
0x7a: {  	[sflag:s28] =	ssyncadd.s32 $0xFFFFC000  }
0x7b: {  	[hbm4b:s11+s3] =	stream.linear.scatter [tilespmem:s21], [sflag:$0x5], $0x4000, $0x38;
	[tilespmem:$0x14800] =	vst v63  }
0x7c: {  	s29 =	sadd.s32 $0x1, s29;
	_ =	swait.ge [sflag:s16], $0x4000  }
0x7d: {  	p0 =	sne.s32 s29, s14;
	[sflag:s16] =	ssyncset.done $0x0  }
.Ltmp2:
0x7e: {  	[sflag:s16] =	ssyncadd.s32 $0xFFFFC000;
	(pc) =	sbr.rel @p0 .LBB2_1-.Ltmp2, $4  }
0x7f: {  	[hbm4b:s12+s3] =	stream.linear.scatter [tilespmem:s23], [sflag:$0x5], $0x4000, $0x38;
	[tilespmem:$0x14800] =	vst v63  }
0x80: {  	_ =	swait.ge [sflag:s16], $0x4000  }
0x81: {  	[sflag:s16] =	ssyncset.done $0x0  }
0x82: {  	[sflag:s16] =	ssyncadd.s32 $0xFFFFC000  }
0x83: {  	_ =	sfence.sel $0x180000  }
0x84: {  	[bflag:$0x0] =	sbarrier.arrive $0xFFFF  }
0x85: {  	_ =	strace $0x90000053  }
0x86: {  	s0 =	stileid.u32;
	[bflag:$0x2] =	sbarrier.arrive $0xFFFF  }
0x87: {  	p0 =	sne.s32 s0, $0x0;
	s0 =	rddreg [dreg:$0x3]  }
0x88: {  	s0 =	sadd.s32 @!p0 $0x100000, s0  }
0x89: {  	[sflag:s0] =	ssyncadd.tile.s32 @!p0 $0x1;
	_ =	shalt  }
.Lfunc_end2:
_tile_overlayer_lowered:
.L_overlay_start_2:
0x8a: {  	(tag) =	ssettag $0x2  }
0x8b: {  	s0 =	rddreg [dreg:$0x0];
	s2 =	stileid.u32  }
0x8c: {  	s1 =	rddreg [dreg:$0x1];
	p0 =	sne.s32 s2, $0x0  }
0x8d: {  	s3 =	rddreg [dreg:$0x2];
	[bflag:$0x3] =	sbarrier.arrive $0xFFFF;
	s2 =	simm.s32 @!p0 $0x1C05  }
0x8e: {  	[timem:s3], [sflag:s2] =	dma.local @!p0 [hbm:s0], s1  }
0x8f: {  	s0 =	simm.s32 @!p0 $0x5  }
0x90: {  	_ =	swait.ge @!p0 [sflag:s0], s1  }
0x91: {  	s1 =	ssub.s32 @!p0 $0x0, s1;
	[sflag:s0] =	ssyncset.done @!p0 $0x0  }
0x92: {  	[sflag:s0] =	ssyncadd.s32 @!p0 s1  }
0x93: {  	[bflag:$0x3] =	sbarrier.arrive $0xFFFF  }
0x94: {  	_ =	shalt  }

// kernel: kernel.36.cloned.1.call-start
scs
__scs_entry_jumppad:
0x0: {  	(pc) =	sbr.rel $0x88, $3  }
0x1: {  	(tag) =	ssettag $0x0;
	lr =	simm.s32 $0x1  }
0x2: {  	[smem:$0x3F8C] =	sst lr;
	_ =	strace $0xD0000000  }
0x3: {  	_ = 	snop  }
0x4: {  	_ = 	snop  }
0x5: {  	_ = 	snop  }
0x6: {  	_ = 	snop  }
0x7: {  	_ = 	snop  }
__scs_overlays_trampoline_lowered:
0x8: {  	[smem:$0x3F9B] =	sst s0  }
0x9: {  	[smem:$0x3F9C] =	sst s1  }
0xa: {  	[smem:$0x3F9D] =	sst s2  }
0xb: {  	[smem:$0x3F9E] =	sst s3  }
0xc: {  	[smem:$0x3F9F] =	sst s4  }
0xd: {  	[smem:$0x3FA0] =	sst s5  }
0xe: {  	[smem:$0x3FA1] =	sst s6  }
0xf: {  	[smem:$0x3FA2] =	sst s7  }
0x10: {  	[smem:$0x3FA3] =	sst s8  }
0x11: {  	[smem:$0x3FA4] =	sst s9;
	s0 =	simm.s32 @!p0 $0x0  }
0x12: {  	s1 =	sld [smem:$0x3F8A];
	s0 =	simm.s32 @p0 $0x1  }
0x13: {  	[smem:$0x3FA5] =	sst s0;
	s0 =	simm.s32 @!p1 $0x0  }
0x14: {  	s2 =	sld [smem:$0x3F89];
	s0 =	simm.s32 @p1 $0x1  }
0x15: {  	[smem:$0x3FA6] =	sst s0;
	s0 =	simm.s32 @!p2 $0x0  }
0x16: {  	s3 =	sld [smem:$0x3FDB];
	s0 =	simm.s32 @p2 $0x1  }
0x17: {  	s4 =	simm.s32 $0x1BF5;
	[smem:$0x3FA8] =	sst s0  }
0x18: {  	s0 =	sld [smem:$0x3F8B];
	_ =	swait.ge [sflag:s4], $0x0  }
0x19: {  	s7 =	sld [smem:$0x3F8C]  }
0x1a: {  	s8 =	sadd.s32 $0xFFFFE003, lr  }
0x1b: {  	s9 =	sadd.s32 $0xFFFFFEF7, lr;
	s5 =	simm.s32 $0xFFFFFFFF;
	p2 =	slt.u32 s8, $0xFFFFF086  }
0x1c: {  	p1 =	slt.u32 s9, $0xF7A;
	s5 =	simm.s32 @!p2 $0x0  }
0x1d: {  	s5 =	simm.s32 @p1 $0x1;
	p0 =	seq.s32 s7, s2  }
0x1e: {  	s7 =	smul.u32 @!p0 $0xF7A, s2;
	p2 =	seq.s32 @!p0 s5, $0x0  }
0x1f: {  	s9 =	smul.u32 $0xF7A, s1;
	s8 =	simm.s32 @!p0 $0x1BF5;
	p2 =	por !p2, p0  }
0x20: {  	[sflag:s8] =	ssyncset.s32 @!p0 $0xFFFFF086;
	s6 =	sadd.s32 @!p0 s3, s7;
	s7 =	simm.s32 @!p0 $0x108  }
0x21: {  	s3 =	sadd.s32 s3, s9;
	s6 =	sadd.s32 @!p0 $0x88, s6;
	s7 =	simm.s32 @p2 $0x1082  }
0x22: {  	[simem:s7], [sflag:s8] =	dma.local @!p0 [hbm:s6], $0xF7A  }
0x23: {  	s9 =	sor.u32 $0xD0000000, s2;
	s6 =	simm.s32 $0x108;
	_ =	swait.ge @!p0 [sflag:s8], $0x0  }
0x24: {  	s3 =	sadd.s32 $0x88, s3;
	s6 =	simm.s32 @!p1 $0x1082;
	[sflag:s4] =	ssyncset.s32 $0xFFFFF086  }
0x25: {  	[simem:s6], [sflag:s4] =	dma.local [hbm:s3], $0xF7A  }
0x26: {  	[smem:$0x3F8C] =	sst s1;
	(tag) =	ssettag s2;
	_ =	strace s9  }
0x27: {  	s1 =	sld [smem:$0x3F9C]  }
0x28: {  	s2 =	sld [smem:$0x3F9D]  }
0x29: {  	s4 =	sld [smem:$0x3F9F]  }
0x2a: {  	p0 =	seq.s32 s5, $0x0;
	s5 =	sld [smem:$0x3FA0]  }
0x2b: {  	s6 =	sld [smem:$0x3FA1]  }
0x2c: {  	s7 =	sld [smem:$0x3FA2]  }
0x2d: {  	s3 =	simm.s32 $0x108;
	s8 =	sld [smem:$0x3FA3]  }
0x2e: {  	s3 =	simm.s32 @!p0 $0x1082;
	s9 =	sld [smem:$0x3FA4]  }
0x2f: {  	lr =	sadd.s32 s0, s3;
	s0 =	sld [smem:$0x3F9B]  }
0x30: {  	s3 =	sld [smem:$0x3F9E]  }
0x31: {  	[smem:$0x3FA7] =	sst s10  }
0x32: {  	s10 =	sld [smem:$0x3FA5];
	_ =	sdelay $0x3  }
0x33: {  	p0 =	seq.s32 s10, $0x1;
	s10 =	sld [smem:$0x3FA7];
	_ =	sdelay $0x3  }
0x34: {  	[smem:$0x3FA7] =	sst s10  }
0x35: {  	s10 =	sld [smem:$0x3FA6];
	_ =	sdelay $0x3  }
0x36: {  	p1 =	seq.s32 s10, $0x1;
	s10 =	sld [smem:$0x3FA7];
	_ =	sdelay $0x3  }
0x37: {  	[smem:$0x3FA7] =	sst s10  }
0x38: {  	s10 =	sld [smem:$0x3FA8]  }
0x39: {  	_ = 	snop;
	(pc) =	sbr.ind lr, $3  }
0x3a: {  	_ = 	snop  }
0x3b: {  	_ = 	snop  }
0x3c: {  	p2 =	seq.s32 s10, $0x1;
	s10 =	sld [smem:$0x3FA7]  }
0x3d: {  	_ =	shalt  }
0x3e: {  	_ =	shalt  }
0x3f: {  	_ =	shalt  }
0x40: {  	_ =	shalt  }
0x41: {  	_ =	shalt  }
0x42: {  	_ =	shalt  }
0x43: {  	_ =	shalt  }
0x44: {  	_ =	shalt  }
0x45: {  	_ =	shalt  }
0x46: {  	_ =	shalt  }
0x47: {  	_ =	shalt  }
0x48: {  	_ =	shalt  }
0x49: {  	_ =	shalt  }
0x4a: {  	_ =	shalt  }
0x4b: {  	_ =	shalt  }
0x4c: {  	_ =	shalt  }
0x4d: {  	_ =	shalt  }
0x4e: {  	_ =	shalt  }
0x4f: {  	_ =	shalt  }
0x50: {  	_ =	shalt  }
0x51: {  	_ =	shalt  }
0x52: {  	_ =	shalt  }
0x53: {  	_ =	shalt  }
0x54: {  	_ =	shalt  }
0x55: {  	_ =	shalt  }
0x56: {  	_ =	shalt  }
0x57: {  	_ =	shalt  }
0x58: {  	_ =	shalt  }
0x59: {  	_ =	shalt  }
0x5a: {  	_ =	shalt  }
0x5b: {  	_ =	shalt  }
0x5c: {  	_ =	shalt  }
0x5d: {  	_ =	shalt  }
0x5e: {  	_ =	shalt  }
0x5f: {  	_ =	shalt  }
0x60: {  	_ =	shalt  }
0x61: {  	_ =	shalt  }
0x62: {  	_ =	shalt  }
0x63: {  	_ =	shalt  }
0x64: {  	_ =	shalt  }
0x65: {  	_ =	shalt  }
0x66: {  	_ =	shalt  }
0x67: {  	_ =	shalt  }
0x68: {  	_ =	shalt  }
0x69: {  	_ =	shalt  }
0x6a: {  	_ =	shalt  }
0x6b: {  	_ =	shalt  }
0x6c: {  	_ =	shalt  }
0x6d: {  	_ =	shalt  }
0x6e: {  	_ =	shalt  }
0x6f: {  	_ =	shalt  }
0x70: {  	_ =	shalt  }
0x71: {  	_ =	shalt  }
0x72: {  	_ =	shalt  }
0x73: {  	_ =	shalt  }
0x74: {  	_ =	shalt  }
0x75: {  	_ =	shalt  }
0x76: {  	_ =	shalt  }
0x77: {  	_ =	shalt  }
0x78: {  	_ =	shalt  }
0x79: {  	_ =	shalt  }
0x7a: {  	_ =	shalt  }
0x7b: {  	_ =	shalt  }
0x7c: {  	_ =	shalt  }
0x7d: {  	_ =	shalt  }
0x7e: {  	_ =	shalt  }
0x7f: {  	_ =	shalt  }
0x80: {  	_ =	shalt  }
0x81: {  	_ =	shalt  }
0x82: {  	_ =	shalt  }
0x83: {  	_ =	shalt  }
0x84: {  	_ =	shalt  }
0x85: {  	_ =	shalt  }
0x86: {  	_ =	shalt  }
0x87: {  	_ =	shalt  }
.Lfunc_end0:
.L_simem_size_0:
called_computation.5_lowered:
.L_overlay_start_0:
0x88: {  	s2 =	sld [smem:$0x3FD9]  }
0x89: {  	s3 =	sld [smem:$0x3FFE];
	_ =	sdelay $0x1  }
0x8a: {  	s1 =	srdreg.scid  }
0x8b: {  	s0 =	sand.u32 $0x1, s1  }
0x8c: {  	s14 =	sshll.u32 s0, $0xA;
	s2 =	sadd.s32 s3, s2  }
0x8d: {  	s2 =	sadd.s32 s2, s14  }
0x8e: {  	[smem:$0x3FB3] =	sst s2  }
0x8f: {  	_ = 	snop  }
0x90: {  	s2 =	sld [smem:$0x3FD0];
	_ =	sdelay $0x2  }
0x91: {  	s15 =	simm.s32 $0xC;
	s4 =	simm.s32 $0x10  }
0x92: {  	[smem:s4], [sflag:s15] =	dma.local [hbm:s2], $0x1  }
0x93: {  	_ =	swait.eq [sflag:s15], $0x1  }
0x94: {  	[sflag:s15] =	ssyncset.done $0x0  }
0x95: {  	[sflag:s15] =	ssyncadd.s32 $0xFFFFFFFF  }
0x96: {  	s16 =	sld [smem:$0x10];
	(tm) =	ssettm $0x1  }
0x97: {  	s17 =	sld [smem:$0x3FFB];
	_ =	sdelay $0x3  }
0x98: {  	_ =	strace s17  }
0x99: {  	s3 =	sld [smem:$0x3FFC];
	_ =	sdelay $0x3  }
0x9a: {  	_ =	strace s3  }
0x9b: {  	s3 =	sld [smem:$0x3FFD];
	_ =	sdelay $0x3  }
0x9c: {  	_ =	strace s3  }
0x9d: {  	_ =	strace $0x8FFFFFFF  }
0x9e: {  	s18 =	sld [smem:$0x3FDB];
	_ =	sdelay $0x1  }
0x9f: {  	s19 =	simm.s32 $_scs_section_size  }
0xa0: {  	s5 =	simm.s32 $_size__tile_overlayer_lowered;
	s6 =	simm.s32 $_tile_overlayer_lowered  }
0xa1: {  	s22 =	simm.s32 $0x1BFF;
	s21 =	sshll.u32 s6, $0x1;
	s3 =	sadd.s32 s19, s18  }
0xa2: {  	s7 =	simm.s32 $0x0;
	s20 =	sshll.u32 s5, $0x1;
	s5 =	sadd.s32 s21, s3  }
0xa3: {  	[timem:s7], [sflag:s22] =	dma.local [hbm:s5], s20  }
0xa4: {  	_ =	swait.ge [sflag:s22], s20  }
0xa5: {  	s4 =	ssub.s32 $0x0, s20;
	[sflag:s22] =	ssyncset.done $0x0  }
0xa6: {  	[sflag:s22] =	ssyncadd.s32 s4;
	_ =	sdelay $0x1  }
0xa7: {  	s23 =	simm.s32 $0x1B8B  }
0xa8: {  	_ =	swait.ge [sflag:s23], $0x1  }
0xa9: {  	[sflag:s23] =	ssyncset.done $0x0  }
0xaa: {  	s25 =	simm.s32 $0x1B8E;
	s24 =	sld [smem:$0x3FFE];
	[sflag:s23] =	ssyncadd.s32 $0xFFFFFFFF  }
0xab: {  	s26 =	simm.s32 $execute0_lowered;
	[smem:$0x3FD2] =	sst s25  }
0xac: {  	s5 =	sshll.u32 s26, $0x1;
	_ =	strace $0x80000055;
	[dreg:$0x1] =	wrdreg $0xFFFFFFFF  }
0xad: {  	s28 =	simm.s32 $_size_execute0_lowered;
	s3 =	sadd.s32 s3, s5;
	[dreg:$0x0] =	wrdreg $0x0  }
0xae: {  	s5 =	sshll.u32 s28, $0x1;
	[dreg:$0x2] =	wrdreg s3  }
0xaf: {  	[dreg:$0x3] =	wrdreg s5  }
0xb0: {  	[dreg:$0x4] =	wrdreg $0xC0  }
0xb1: {  	_ =	task [dreg:s7], $0x5FFFF  }
0xb2: {  	[dreg:$0x1] =	wrdreg $0xFFFFFFFF  }
0xb3: {  	[dreg:$0x0] =	wrdreg $0x60  }
0xb4: {  	[dreg:$0x2] =	wrdreg s24  }
0xb5: {  	[dreg:$0x3] =	wrdreg s16  }
0xb6: {  	[dreg:$0x4] =	wrdreg $0xA8000  }
0xb7: {  	[dreg:$0x5] =	wrdreg $0x9  }
0xb8: {  	_ =	task.clear_ibuf [dreg:s7], $0x6FFFF;
	_ =	strace $0x90000055  }
0xb9: {  	s29 =	simm.s32 $0x9;
	_ =	strace $0x80000057  }
0xba: {  	_ =	swait.ge [sflag:s29], $0x1  }
0xbb: {  	[sflag:s29] =	ssyncadd.s32 $0xFFFFFFFF  }
0xbc: {  	_ =	strace $0x90000057  }
0xbd: {  	_ =	sfence  }
0xbe: {  	s30 =	sld [smem:$0x0];
	_ =	sdelay $0x2  }
0xbf: {  	s31 =	sshll.u32 s1, $0xD;
	s1 =	sshrl.u32 s1, $0x2  }
0xc0: {  	s3 =	sand.u32 $0x4000, s31;
	s1 =	sadd.s32 s1, s30  }
0xc1: {  	s0 =	sor.u32 s3, s0;
	s1 =	sshll.u32 s1, $0x11  }
0xc2: {  	s0 =	sor.u32 s1, s0  }
0xc3: {  	s0 =	sadd.s32 $0x8F2B, s0  }
0xc4: {  	[sflag:s0] =	ssyncadd.remote.s32 $0x1  }
0xc5: {  	_ =	sfence.sel $0xFFFF  }
0xc6: {  	[dreg:$0x0] =	wrdreg $0xFFFFFFFF;
	(pc) =	sbr.abs _section_cstart, $3  }
0xc7: {  	[dreg:$0x1] =	wrdreg $0xFFFFFFFF  }
0xc8: {  	_ =	task.clear_ibuf [dreg:s7], $0x2FFFF;
	_ =	strace $0x9FFFFFFF  }
0xc9: {  	(tm) =	ssettm $0x7FFFFFFF  }
tec
execute0_lowered:
.L_overlay_start_1:
0x0: {  	(tag) =	ssettag $0x1  }
0x1: {  	s4 =	rddreg [dreg:$0x0]  }
0x2: {  	s5 =	rddreg [dreg:$0x1]  }
0x3: {  	s1 =	rddreg [dreg:$0x2]  }
0x4: {  	s0 =	rddreg [dreg:$0x3];
	s2 =	srdreg.scid  }
0x5: {  	s3 =	simm.s32 $0x0;
	s17 =	simm.s32 $0x3;
	s6 =	sand.u32 $0x1, s2  }
0x6: {  	s18 =	simm.s32 $0x6800;
	s2 =	stileid.u32;
	s7 =	smul.u32 $0x140000, s6  }
0x7: {  	s19 =	simm.s32 $0x1;
	s20 =	simm.s32 $0x80;
	s8 =	smul.u32 $0x14000, s2  }
0x8: {  	s21 =	simm.s32 $0x2;
	s22 =	simm.s32 $0x2700;
	s9 =	smul.u32 $0x1400000, s6  }
0x9: {  	s23 =	simm.s32 $0x2780;
	s24 =	simm.s32 $0x0;
	s28 =	smul.u32 $0x140000, s2  }
0xa: {  	[smem:$0x7FF] =	sst s3;
	s6 =	ssub.s32 $0x2, s6;
	s11 =	smul.u32 $0x50000, s2  }
0xb: {  	s15 =	sadd.s32 $0xF84A00, s4;
	s30 =	smul.u32 $0x500, s2;
	s10 =	sshrl.u32 s6, $0x1  }
0xc: {  	_ =	strace $0x80000056;
	s7 =	sadd.s32 s8, s7;
	s10 =	ssub.s32 s6, s10  }
0xd: {  	s13 =	sadd.s32 s28, s9;
	s29 =	sshrl.u32 s11, $0x2;
	s5 =	sadd.s32 s5, s30  }
0xe: {  	s7 =	sshrl.u32 s7, $0x3;
	s31 =	sor.u32 $0x4000, s13;
	s8 =	sshrl.u32 s13, $0x3  }
0xf: {  	s9 =	smax.u32 s10, $0x1;
	s14 =	sor.u32 $0xC000, s13;
	s13 =	sor.u32 $0x8000, s13  }
0x10: {  	s12 =	sadd.s32 s7, s4;
	s4 =	sadd.s32 s29, s1;
	s7 =	sshrl.u32 s31, $0x3  }
0x11: {  	s6 =	sadd.s32 s15, s8;
	s14 =	sshrl.u32 s14, $0x3;
	s16 =	sshrl.u32 s13, $0x3  }
0x12: {  	s7 =	sadd.s32 s15, s7;
	s8 =	sadd.s32 $0x797400, s12;
	s10 =	sadd.s32 $0x4000, s4  }
0x13: {  	s11 =	sadd.s32 $0x8000, s4;
	s12 =	sadd.s32 $0xC000, s4;
	s13 =	sadd.s32 $0x10000, s4  }
0x14: {  	v0 =	vimm.f32 $0.0e+00;
	s14 =	sadd.s32 s14, s15;
	s15 =	sadd.s32 s16, s15;
	s16 =	simm.s32 $0x2800  }
.LBB2_1:
0x15: {  	s25 =	simm.s32 $0x0;
	s26 =	simm.s32 $0x200  }
.LBB2_2:
0x16: {  	p0 =	sne.s32 s26, $0xFE00;
	[tilespmem:s25+$0x2870] =	vst v0  }
0x17: {  	[tilespmem:s25+$0x2800] =	vst v0  }
0x18: {  	[tilespmem:s25+$0x2810] =	vst v0  }
.Ltmp0:
0x19: {  	[tilespmem:s25+$0x2820] =	vst v0;
	(pc) =	sbr.rel @p0 .LBB2_2-.Ltmp0, $4  }
0x1a: {  	[tilespmem:s25+$0x2830] =	vst v0  }
0x1b: {  	[tilespmem:s25+$0x2840] =	vst v0  }
0x1c: {  	[tilespmem:s25+$0x2850] =	vst v0  }
0x1d: {  	[tilespmem:s25+$0x2860] =	vst v0;
	s25 =	sshra.s32 s26, $0x2;
	s26 =	sadd.s32 $0x200, s26  }
0x1e: {  	[tilespmem:s25+$0x2870] =	vst v0  }
0x1f: {  	[tilespmem:s25+$0x2800] =	vst v0  }
0x20: {  	[tilespmem:s25+$0x2810] =	vst v0  }
0x21: {  	[tilespmem:s25+$0x2820] =	vst v0  }
0x22: {  	[tilespmem:s25+$0x2830] =	vst v0  }
0x23: {  	[tilespmem:s25+$0x2840] =	vst v0  }
0x24: {  	[tilespmem:s25+$0x2850] =	vst v0  }
0x25: {  	[tilespmem:s25+$0x2860] =	vst v0  }
0x26: {  	[spmem:s4] =	stream.linear.scatter [tilespmem:s16], [sflag:$0x3], $0x4000, $0x38;
	[tilespmem:$0x1E800] =	vst v63  }
0x27: {  	_ =	swait.ge [sflag:s17], $0x4000  }
0x28: {  	[sflag:s17] =	ssyncset.done $0x0  }
0x29: {  	[sflag:s17] =	ssyncadd.s32 $0xFFFFC000  }
0x2a: {  	[spmem:s10] =	stream.linear.scatter [tilespmem:s16], [sflag:$0x3], $0x4000, $0x38;
	[tilespmem:$0x1E800] =	vst v63  }
0x2b: {  	_ =	swait.ge [sflag:s17], $0x4000  }
0x2c: {  	[sflag:s17] =	ssyncset.done $0x0  }
0x2d: {  	[sflag:s17] =	ssyncadd.s32 $0xFFFFC000  }
0x2e: {  	[spmem:s11] =	stream.linear.scatter [tilespmem:s16], [sflag:$0x3], $0x4000, $0x38;
	[tilespmem:$0x1E800] =	vst v63  }
0x2f: {  	_ =	swait.ge [sflag:s17], $0x4000  }
0x30: {  	[sflag:s17] =	ssyncset.done $0x0  }
0x31: {  	[sflag:s17] =	ssyncadd.s32 $0xFFFFC000  }
0x32: {  	[spmem:s12] =	stream.linear.scatter [tilespmem:s16], [sflag:$0x3], $0x4000, $0x38;
	[tilespmem:$0x1E800] =	vst v63  }
0x33: {  	_ =	swait.ge [sflag:s17], $0x4000  }
0x34: {  	[sflag:s17] =	ssyncset.done $0x0  }
0x35: {  	[sflag:s17] =	ssyncadd.s32 $0xFFFFC000  }
0x36: {  	[spmem:s13] =	stream.linear.scatter [tilespmem:s16], [sflag:$0x3], $0x4000, $0x38;
	[tilespmem:$0x1E800] =	vst v63  }
0x37: {  	_ =	swait.ge [sflag:s17], $0x4000  }
0x38: {  	[sflag:s17] =	ssyncset.done $0x0  }
0x39: {  	[sflag:s17] =	ssyncadd.s32 $0xFFFFC000  }
0x3a: {  	s26 =	simm.s32 $0x0;
	[bflag:$0x0] =	sbarrier.arrive $0xFFFF  }
0x3b: {  	[tilespmem:s26], [sflag:$0x3] =	stream.linear.gather [hbm4b:s5+s26], $0x2800, $0x38;
	[tilespmem:$0x1E800] =	vst v63  }
0x3c: {  	_ =	swait.ge [sflag:s17], $0x2800  }
0x3d: {  	[sflag:s17] =	ssyncset.done $0x0  }
0x3e: {  	[sflag:s17] =	ssyncadd.s32 $0xFFFFD800  }
0x3f: {  	[tilespmem:s16], [sflag:$0x1] =	stream.linear.gather [hbm4b:s6+s26], $0x4000, $0x38;
	[tilespmem:$0x1E800] =	vst v63  }
0x40: {  	_ = 	snop  }
0x41: {  	[tilespmem:s18], [sflag:$0x2] =	stream.linear.gather [hbm4b:s7+s26], $0x4000, $0x38;
	[tilespmem:$0x1E800] =	vst v63  }
0x42: {  	_ =	swait.ge [sflag:s19], $0x4000  }
0x43: {  	[sflag:s19] =	ssyncset.done $0x0  }
0x44: {  	s29 =	simm.s32 $0x0;
	[sflag:s19] =	ssyncadd.s32 $0xFFFFC000  }
0x45: {  	[spmem:s1] =	stream.indirect.scatter.add.f32 [tilespmem:s16], [sflag:$0x3], $0x80, s29, s20, $0xb8;
	[tilespmem:$0x1E800] =	vst v63  }
0x46: {  	_ =	swait.ge [sflag:s17], $0x4000  }
0x47: {  	[sflag:s17] =	ssyncset.done $0x0  }
0x48: {  	s30 =	sadd.s32 $0x0, s15;
	[sflag:s17] =	ssyncadd.s32 $0xFFFFC000  }
0x49: {  	[tilespmem:s16], [sflag:$0x1] =	stream.linear.gather [hbm4b:s30+s3], $0x4000, $0x38;
	[tilespmem:$0x1E800] =	vst v63  }
0x4a: {  	_ =	swait.ge [sflag:s21], $0x4000  }
0x4b: {  	[sflag:s21] =	ssyncset.done $0x0  }
0x4c: {  	s31 =	simm.s32 $0x80;
	[sflag:s21] =	ssyncadd.s32 $0xFFFFC000  }
0x4d: {  	[spmem:s1] =	stream.indirect.scatter.add.f32 [tilespmem:s18], [sflag:$0x3], $0x80, s31, s20, $0xb8;
	[tilespmem:$0x1E800] =	vst v63  }
0x4e: {  	_ =	swait.ge [sflag:s17], $0x4000  }
0x4f: {  	s25 =	simm.s32 $0x1000;
	[sflag:s17] =	ssyncset.done $0x0  }
0x50: {  	s28 =	sadd.s32 $0x0, s14;
	s26 =	simm.s32 $0x180;
	[sflag:s17] =	ssyncadd.s32 $0xFFFFC000  }
.LBB2_4:
0x51: {  	[tilespmem:s18], [sflag:$0x2] =	stream.linear.gather [hbm4b:s28+s3], $0x4000, $0x38;
	[tilespmem:$0x1E800] =	vst v63  }
0x52: {  	s28 =	smov.u32 s25  }
0x53: {  	p0 =	sne.s32 s25, $0x26000;
	s25 =	sadd.s32 $0x1000, s25;
	_ =	swait.ge [sflag:s19], $0x4000  }
0x54: {  	[sflag:s19] =	ssyncset.done $0x0  }
0x55: {  	s29 =	sadd.s32 $0xFFFFFF80, s26;
	[sflag:s19] =	ssyncadd.s32 $0xFFFFC000  }
0x56: {  	[spmem:s1] =	stream.indirect.scatter.add.f32 [tilespmem:s16], [sflag:$0x3], $0x80, s29, s20, $0xb8;
	[tilespmem:$0x1E800] =	vst v63  }
0x57: {  	_ =	swait.ge [sflag:s17], $0x4000  }
0x58: {  	[sflag:s17] =	ssyncset.done $0x0  }
0x59: {  	s29 =	sadd.s32 s28, s15;
	[sflag:s17] =	ssyncadd.s32 $0xFFFFC000  }
0x5a: {  	[tilespmem:s16], [sflag:$0x1] =	stream.linear.gather [hbm4b:s29+s3], $0x4000, $0x38;
	[tilespmem:$0x1E800] =	vst v63  }
0x5b: {  	_ =	swait.ge [sflag:s21], $0x4000  }
0x5c: {  	[sflag:s21] =	ssyncset.done $0x0  }
.Ltmp1:
0x5d: {  	[sflag:s21] =	ssyncadd.s32 $0xFFFFC000;
	(pc) =	sbr.rel @p0 .LBB2_4-.Ltmp1, $4  }
0x5e: {  	[spmem:s1] =	stream.indirect.scatter.add.f32 [tilespmem:s18], [sflag:$0x3], $0x80, s26, s20, $0xb8;
	[tilespmem:$0x1E800] =	vst v63  }
0x5f: {  	_ =	swait.ge [sflag:s17], $0x4000  }
0x60: {  	[sflag:s17] =	ssyncset.done $0x0  }
0x61: {  	s28 =	sadd.s32 s28, s14;
	s26 =	sadd.s32 $0x100, s26;
	[sflag:s17] =	ssyncadd.s32 $0xFFFFC000  }
0x62: {  	[tilespmem:s18], [sflag:$0x2] =	stream.linear.gather [hbm4b:s28+s3], $0x4000, $0x38;
	[tilespmem:$0x1E800] =	vst v63  }
0x63: {  	_ =	swait.ge [sflag:s19], $0x4000  }
0x64: {  	[sflag:s19] =	ssyncset.done $0x0  }
0x65: {  	[sflag:s19] =	ssyncadd.s32 $0xFFFFC000  }
0x66: {  	[spmem:s1] =	stream.indirect.scatter.add.f32 [tilespmem:s16], [sflag:$0x3], $0x80, s22, s20, $0xb8;
	[tilespmem:$0x1E800] =	vst v63  }
0x67: {  	_ =	swait.ge [sflag:s17], $0x4000  }
0x68: {  	[sflag:s17] =	ssyncset.done $0x0  }
0x69: {  	[sflag:s17] =	ssyncadd.s32 $0xFFFFC000  }
0x6a: {  	_ =	swait.ge [sflag:s21], $0x4000  }
0x6b: {  	[sflag:s21] =	ssyncset.done $0x0  }
0x6c: {  	[sflag:s21] =	ssyncadd.s32 $0xFFFFC000  }
0x6d: {  	[spmem:s1] =	stream.indirect.scatter.add.f32 [tilespmem:s18], [sflag:$0x3], $0x80, s23, s20, $0xb8;
	[tilespmem:$0x1E800] =	vst v63  }
0x6e: {  	_ =	swait.ge [sflag:s17], $0x4000  }
0x6f: {  	s25 =	sshll.u32 s2, $0x6;
	s24 =	sadd.s32 $0x1, s24;
	[sflag:s17] =	ssyncset.done $0x0  }
0x70: {  	s26 =	sshrl.u32 s4, $0x3;
	p0 =	sne.s32 s24, s9;
	[sflag:s17] =	ssyncadd.s32 $0xFFFFC000  }
.Ltmp2:
0x71: {  	s25 =	sor.u32 $0x1C03, s25;
	[bflag:$0x0] =	sbarrier.arrive $0xFFFF;
	(pc) =	sbr.rel @p0 .LBB2_1-.Ltmp2, $4  }
0x72: {  	[hbm:s8], [sflag:s25] =	dma.local [spmem:s26], $0x2800  }
0x73: {  	_ =	swait.ge [sflag:s17], $0x2800  }
0x74: {  	[sflag:s17] =	ssyncset.done $0x0  }
0x75: {  	[sflag:s17] =	ssyncadd.s32 $0xFFFFD800  }
0x76: {  	_ =	sfence.sel $0x180000  }
0x77: {  	[bflag:$0x0] =	sbarrier.arrive $0xFFFF  }
0x78: {  	p0 =	sne.s32 s2, $0x0;
	_ =	strace $0x90000056  }
0x79: {  	s0 =	sadd.s32 @!p0 $0x100000, s0;
	[bflag:$0x2] =	sbarrier.arrive $0xFFFF  }
0x7a: {  	[sflag:s0] =	ssyncadd.tile.s32 @!p0 $0x1;
	_ =	shalt  }
.Lfunc_end2:
_tile_overlayer_lowered:
.L_overlay_start_2:
0x7b: {  	(tag) =	ssettag $0x2  }
0x7c: {  	s0 =	rddreg [dreg:$0x0];
	s2 =	stileid.u32  }
0x7d: {  	s1 =	rddreg [dreg:$0x1];
	p0 =	sne.s32 s2, $0x0  }
0x7e: {  	s3 =	rddreg [dreg:$0x2];
	[bflag:$0x3] =	sbarrier.arrive $0xFFFF;
	s2 =	simm.s32 @!p0 $0x1C03  }
0x7f: {  	[timem:s3], [sflag:s2] =	dma.local @!p0 [hbm:s0], s1  }
0x80: {  	s0 =	simm.s32 @!p0 $0x3  }
0x81: {  	_ =	swait.ge @!p0 [sflag:s0], s1  }
0x82: {  	s1 =	ssub.s32 @!p0 $0x0, s1;
	[sflag:s0] =	ssyncset.done @!p0 $0x0  }
0x83: {  	[sflag:s0] =	ssyncadd.s32 @!p0 s1  }
0x84: {  	[bflag:$0x3] =	sbarrier.arrive $0xFFFF  }
0x85: {  	_ =	shalt  }

// kernel: kernel.39.cloned.1.call-start
scs
__scs_entry_jumppad:
0x0: {  	(pc) =	sbr.rel $0x88, $3  }
0x1: {  	(tag) =	ssettag $0x0;
	lr =	simm.s32 $0x1  }
0x2: {  	[smem:$0x3F8C] =	sst lr;
	_ =	strace $0xD0000000  }
0x3: {  	_ = 	snop  }
0x4: {  	_ = 	snop  }
0x5: {  	_ = 	snop  }
0x6: {  	_ = 	snop  }
0x7: {  	_ = 	snop  }
__scs_overlays_trampoline_lowered:
0x8: {  	[smem:$0x3F9B] =	sst s0  }
0x9: {  	[smem:$0x3F9C] =	sst s1  }
0xa: {  	[smem:$0x3F9D] =	sst s2  }
0xb: {  	[smem:$0x3F9E] =	sst s3  }
0xc: {  	[smem:$0x3F9F] =	sst s4  }
0xd: {  	[smem:$0x3FA0] =	sst s5  }
0xe: {  	[smem:$0x3FA1] =	sst s6  }
0xf: {  	[smem:$0x3FA2] =	sst s7  }
0x10: {  	[smem:$0x3FA3] =	sst s8  }
0x11: {  	[smem:$0x3FA4] =	sst s9;
	s0 =	simm.s32 @!p0 $0x0  }
0x12: {  	s1 =	sld [smem:$0x3F8A];
	s0 =	simm.s32 @p0 $0x1  }
0x13: {  	[smem:$0x3FA5] =	sst s0;
	s0 =	simm.s32 @!p1 $0x0  }
0x14: {  	s2 =	sld [smem:$0x3F89];
	s0 =	simm.s32 @p1 $0x1  }
0x15: {  	[smem:$0x3FA6] =	sst s0;
	s0 =	simm.s32 @!p2 $0x0  }
0x16: {  	s3 =	sld [smem:$0x3FDB];
	s0 =	simm.s32 @p2 $0x1  }
0x17: {  	s4 =	simm.s32 $0x1BF5;
	[smem:$0x3FA8] =	sst s0  }
0x18: {  	s0 =	sld [smem:$0x3F8B];
	_ =	swait.ge [sflag:s4], $0x0  }
0x19: {  	s7 =	sld [smem:$0x3F8C]  }
0x1a: {  	s8 =	sadd.s32 $0xFFFFE003, lr  }
0x1b: {  	s9 =	sadd.s32 $0xFFFFFEF7, lr;
	s5 =	simm.s32 $0xFFFFFFFF;
	p2 =	slt.u32 s8, $0xFFFFF086  }
0x1c: {  	p1 =	slt.u32 s9, $0xF7A;
	s5 =	simm.s32 @!p2 $0x0  }
0x1d: {  	s5 =	simm.s32 @p1 $0x1;
	p0 =	seq.s32 s7, s2  }
0x1e: {  	s7 =	smul.u32 @!p0 $0xF7A, s2;
	p2 =	seq.s32 @!p0 s5, $0x0  }
0x1f: {  	s9 =	smul.u32 $0xF7A, s1;
	s8 =	simm.s32 @!p0 $0x1BF5;
	p2 =	por !p2, p0  }
0x20: {  	[sflag:s8] =	ssyncset.s32 @!p0 $0xFFFFF086;
	s6 =	sadd.s32 @!p0 s3, s7;
	s7 =	simm.s32 @!p0 $0x108  }
0x21: {  	s3 =	sadd.s32 s3, s9;
	s6 =	sadd.s32 @!p0 $0x88, s6;
	s7 =	simm.s32 @p2 $0x1082  }
0x22: {  	[simem:s7], [sflag:s8] =	dma.local @!p0 [hbm:s6], $0xF7A  }
0x23: {  	s9 =	sor.u32 $0xD0000000, s2;
	s6 =	simm.s32 $0x108;
	_ =	swait.ge @!p0 [sflag:s8], $0x0  }
0x24: {  	s3 =	sadd.s32 $0x88, s3;
	s6 =	simm.s32 @!p1 $0x1082;
	[sflag:s4] =	ssyncset.s32 $0xFFFFF086  }
0x25: {  	[simem:s6], [sflag:s4] =	dma.local [hbm:s3], $0xF7A  }
0x26: {  	[smem:$0x3F8C] =	sst s1;
	(tag) =	ssettag s2;
	_ =	strace s9  }
0x27: {  	s1 =	sld [smem:$0x3F9C]  }
0x28: {  	s2 =	sld [smem:$0x3F9D]  }
0x29: {  	s4 =	sld [smem:$0x3F9F]  }
0x2a: {  	p0 =	seq.s32 s5, $0x0;
	s5 =	sld [smem:$0x3FA0]  }
0x2b: {  	s6 =	sld [smem:$0x3FA1]  }
0x2c: {  	s7 =	sld [smem:$0x3FA2]  }
0x2d: {  	s3 =	simm.s32 $0x108;
	s8 =	sld [smem:$0x3FA3]  }
0x2e: {  	s3 =	simm.s32 @!p0 $0x1082;
	s9 =	sld [smem:$0x3FA4]  }
0x2f: {  	lr =	sadd.s32 s0, s3;
	s0 =	sld [smem:$0x3F9B]  }
0x30: {  	s3 =	sld [smem:$0x3F9E]  }
0x31: {  	[smem:$0x3FA7] =	sst s10  }
0x32: {  	s10 =	sld [smem:$0x3FA5];
	_ =	sdelay $0x3  }
0x33: {  	p0 =	seq.s32 s10, $0x1;
	s10 =	sld [smem:$0x3FA7];
	_ =	sdelay $0x3  }
0x34: {  	[smem:$0x3FA7] =	sst s10  }
0x35: {  	s10 =	sld [smem:$0x3FA6];
	_ =	sdelay $0x3  }
0x36: {  	p1 =	seq.s32 s10, $0x1;
	s10 =	sld [smem:$0x3FA7];
	_ =	sdelay $0x3  }
0x37: {  	[smem:$0x3FA7] =	sst s10  }
0x38: {  	s10 =	sld [smem:$0x3FA8]  }
0x39: {  	_ = 	snop;
	(pc) =	sbr.ind lr, $3  }
0x3a: {  	_ = 	snop  }
0x3b: {  	_ = 	snop  }
0x3c: {  	p2 =	seq.s32 s10, $0x1;
	s10 =	sld [smem:$0x3FA7]  }
0x3d: {  	_ =	shalt  }
0x3e: {  	_ =	shalt  }
0x3f: {  	_ =	shalt  }
0x40: {  	_ =	shalt  }
0x41: {  	_ =	shalt  }
0x42: {  	_ =	shalt  }
0x43: {  	_ =	shalt  }
0x44: {  	_ =	shalt  }
0x45: {  	_ =	shalt  }
0x46: {  	_ =	shalt  }
0x47: {  	_ =	shalt  }
0x48: {  	_ =	shalt  }
0x49: {  	_ =	shalt  }
0x4a: {  	_ =	shalt  }
0x4b: {  	_ =	shalt  }
0x4c: {  	_ =	shalt  }
0x4d: {  	_ =	shalt  }
0x4e: {  	_ =	shalt  }
0x4f: {  	_ =	shalt  }
0x50: {  	_ =	shalt  }
0x51: {  	_ =	shalt  }
0x52: {  	_ =	shalt  }
0x53: {  	_ =	shalt  }
0x54: {  	_ =	shalt  }
0x55: {  	_ =	shalt  }
0x56: {  	_ =	shalt  }
0x57: {  	_ =	shalt  }
0x58: {  	_ =	shalt  }
0x59: {  	_ =	shalt  }
0x5a: {  	_ =	shalt  }
0x5b: {  	_ =	shalt  }
0x5c: {  	_ =	shalt  }
0x5d: {  	_ =	shalt  }
0x5e: {  	_ =	shalt  }
0x5f: {  	_ =	shalt  }
0x60: {  	_ =	shalt  }
0x61: {  	_ =	shalt  }
0x62: {  	_ =	shalt  }
0x63: {  	_ =	shalt  }
0x64: {  	_ =	shalt  }
0x65: {  	_ =	shalt  }
0x66: {  	_ =	shalt  }
0x67: {  	_ =	shalt  }
0x68: {  	_ =	shalt  }
0x69: {  	_ =	shalt  }
0x6a: {  	_ =	shalt  }
0x6b: {  	_ =	shalt  }
0x6c: {  	_ =	shalt  }
0x6d: {  	_ =	shalt  }
0x6e: {  	_ =	shalt  }
0x6f: {  	_ =	shalt  }
0x70: {  	_ =	shalt  }
0x71: {  	_ =	shalt  }
0x72: {  	_ =	shalt  }
0x73: {  	_ =	shalt  }
0x74: {  	_ =	shalt  }
0x75: {  	_ =	shalt  }
0x76: {  	_ =	shalt  }
0x77: {  	_ =	shalt  }
0x78: {  	_ =	shalt  }
0x79: {  	_ =	shalt  }
0x7a: {  	_ =	shalt  }
0x7b: {  	_ =	shalt  }
0x7c: {  	_ =	shalt  }
0x7d: {  	_ =	shalt  }
0x7e: {  	_ =	shalt  }
0x7f: {  	_ =	shalt  }
0x80: {  	_ =	shalt  }
0x81: {  	_ =	shalt  }
0x82: {  	_ =	shalt  }
0x83: {  	_ =	shalt  }
0x84: {  	_ =	shalt  }
0x85: {  	_ =	shalt  }
0x86: {  	_ =	shalt  }
0x87: {  	_ =	shalt  }
.Lfunc_end0:
.L_simem_size_0:
called_computation.6_lowered:
.L_overlay_start_0:
0x88: {  	s2 =	sld [smem:$0x3FD9]  }
0x89: {  	s3 =	sld [smem:$0x3FFE];
	_ =	sdelay $0x1  }
0x8a: {  	s1 =	srdreg.scid  }
0x8b: {  	s0 =	sand.u32 $0x1, s1  }
0x8c: {  	s14 =	sshll.u32 s0, $0xA;
	s2 =	sadd.s32 s3, s2  }
0x8d: {  	s2 =	sadd.s32 s2, s14  }
0x8e: {  	[smem:$0x3FB3] =	sst s2  }
0x8f: {  	_ = 	snop  }
0x90: {  	s2 =	sld [smem:$0x3FD0];
	_ =	sdelay $0x2  }
0x91: {  	s15 =	simm.s32 $0xC;
	s4 =	simm.s32 $0x10  }
0x92: {  	[smem:s4], [sflag:s15] =	dma.local [hbm:s2], $0x1  }
0x93: {  	_ =	swait.eq [sflag:s15], $0x1  }
0x94: {  	[sflag:s15] =	ssyncset.done $0x0  }
0x95: {  	[sflag:s15] =	ssyncadd.s32 $0xFFFFFFFF  }
0x96: {  	s16 =	sld [smem:$0x10];
	(tm) =	ssettm $0x1  }
0x97: {  	s17 =	sld [smem:$0x3FFB];
	_ =	sdelay $0x3  }
0x98: {  	_ =	strace s17  }
0x99: {  	s3 =	sld [smem:$0x3FFC];
	_ =	sdelay $0x3  }
0x9a: {  	_ =	strace s3  }
0x9b: {  	s3 =	sld [smem:$0x3FFD];
	_ =	sdelay $0x3  }
0x9c: {  	_ =	strace s3  }
0x9d: {  	_ =	strace $0x8FFFFFFF  }
0x9e: {  	s18 =	sld [smem:$0x3FDB];
	_ =	sdelay $0x1  }
0x9f: {  	s19 =	simm.s32 $_scs_section_size  }
0xa0: {  	s5 =	simm.s32 $_size__tile_overlayer_lowered;
	s6 =	simm.s32 $_tile_overlayer_lowered  }
0xa1: {  	s22 =	simm.s32 $0x1BFF;
	s21 =	sshll.u32 s6, $0x1;
	s3 =	sadd.s32 s19, s18  }
0xa2: {  	s7 =	simm.s32 $0x0;
	s20 =	sshll.u32 s5, $0x1;
	s5 =	sadd.s32 s21, s3  }
0xa3: {  	[timem:s7], [sflag:s22] =	dma.local [hbm:s5], s20  }
0xa4: {  	_ =	swait.ge [sflag:s22], s20  }
0xa5: {  	s4 =	ssub.s32 $0x0, s20;
	[sflag:s22] =	ssyncset.done $0x0  }
0xa6: {  	[sflag:s22] =	ssyncadd.s32 s4;
	_ =	sdelay $0x1  }
0xa7: {  	s23 =	simm.s32 $0x1B8B  }
0xa8: {  	_ =	swait.ge [sflag:s23], $0x1  }
0xa9: {  	[sflag:s23] =	ssyncset.done $0x0  }
0xaa: {  	s25 =	simm.s32 $0x1B8E;
	s24 =	sld [smem:$0x3FFE];
	[sflag:s23] =	ssyncadd.s32 $0xFFFFFFFF  }
0xab: {  	s26 =	simm.s32 $execute0_lowered;
	[smem:$0x3FD2] =	sst s25  }
0xac: {  	s5 =	sshll.u32 s26, $0x1;
	_ =	strace $0x80000058;
	[dreg:$0x1] =	wrdreg $0xFFFFFFFF  }
0xad: {  	s28 =	simm.s32 $_size_execute0_lowered;
	s3 =	sadd.s32 s3, s5;
	[dreg:$0x0] =	wrdreg $0x0  }
0xae: {  	s5 =	sshll.u32 s28, $0x1;
	[dreg:$0x2] =	wrdreg s3  }
0xaf: {  	[dreg:$0x3] =	wrdreg s5  }
0xb0: {  	[dreg:$0x4] =	wrdreg $0xC0  }
0xb1: {  	_ =	task [dreg:s7], $0x5FFFF  }
0xb2: {  	[dreg:$0x1] =	wrdreg $0xFFFFFFFF  }
0xb3: {  	[dreg:$0x0] =	wrdreg $0x60  }
0xb4: {  	[dreg:$0x2] =	wrdreg s24  }
0xb5: {  	[dreg:$0x3] =	wrdreg s16  }
0xb6: {  	[dreg:$0x4] =	wrdreg $0x9  }
0xb7: {  	_ =	task.clear_ibuf [dreg:s7], $0x5FFFF;
	_ =	strace $0x90000058  }
0xb8: {  	s29 =	simm.s32 $0x9;
	_ =	strace $0x8000005A  }
0xb9: {  	_ =	swait.ge [sflag:s29], $0x1  }
0xba: {  	[sflag:s29] =	ssyncadd.s32 $0xFFFFFFFF  }
0xbb: {  	_ =	strace $0x9000005A  }
0xbc: {  	_ =	sfence  }
0xbd: {  	s30 =	sld [smem:$0x0];
	_ =	sdelay $0x2  }
0xbe: {  	s31 =	sshll.u32 s1, $0xD;
	s1 =	sshrl.u32 s1, $0x2  }
0xbf: {  	s3 =	sand.u32 $0x4000, s31;
	s1 =	sadd.s32 s1, s30  }
0xc0: {  	s0 =	sor.u32 s3, s0;
	s1 =	sshll.u32 s1, $0x11  }
0xc1: {  	s0 =	sor.u32 s1, s0  }
0xc2: {  	s0 =	sadd.s32 $0x8F2B, s0  }
0xc3: {  	[sflag:s0] =	ssyncadd.remote.s32 $0x1  }
0xc4: {  	_ =	sfence.sel $0xFFFF  }
0xc5: {  	[dreg:$0x0] =	wrdreg $0xFFFFFFFF;
	(pc) =	sbr.abs _section_cstart, $3  }
0xc6: {  	[dreg:$0x1] =	wrdreg $0xFFFFFFFF  }
0xc7: {  	_ =	task.clear_ibuf [dreg:s7], $0x2FFFF;
	_ =	strace $0x9FFFFFFF  }
0xc8: {  	(tm) =	ssettm $0x7FFFFFFF  }
0xc9: {  	_ =	shalt  }
tec
execute0_lowered:
.L_overlay_start_1:
0x0: {  	(tag) =	ssettag $0x1  }
0x1: {  	s0 =	rddreg [dreg:$0x0]  }
0x2: {  	s1 =	rddreg [dreg:$0x1]  }
0x3: {  	s2 =	srdreg.scid;
	s3 =	stileid.u32  }
0x4: {  	s16 =	simm.s32 $0x5;
	s17 =	simm.s32 $0x2400;
	s18 =	simm.s32 $0x80  }
0x5: {  	s19 =	simm.s32 $0x4800;
	s20 =	simm.s32 $0x8800;
	s21 =	simm.s32 $0xC800  }
0x6: {  	s23 =	simm.s32 $0x10800;
	s24 =	simm.s32 $0x1;
	s28 =	simm.s32 $0x4  }
0x7: {  	s29 =	simm.s32 $0x0;
	s5 =	sand.u32 $0x1, s2;
	s6 =	smul.u32 $0x48, s3  }
0x8: {  	s7 =	sshll.u32 s3, $0x3;
	s2 =	simm.s32 $0x0;
	s3 =	sadd.s32 $0x866200, s0  }
0x9: {  	s4 =	sadd.s32 $0x8B9400, s0;
	p0 =	seq.s32 s5, $0x0;
	s13 =	sor.u32 $0x480, s7  }
0xa: {  	[smem:$0x7FF] =	sst s2;
	s10 =	ssub.s32 $0x2, s5;
	s7 =	sadd.s32 $0x488, s7  }
0xb: {  	s5 =	sadd.s32 $0x17400, s0;
	s13 =	smov.u32 @p0 s6;
	_ =	strace $0x80000059  }
0xc: {  	s6 =	sadd.s32 $0x48, s6;
	s25 =	sshrl.u32 s10, $0x1;
	s8 =	sshll.u32 s13, $0x4  }
0xd: {  	s7 =	smov.u32 @p0 s6;
	s13 =	sshll.u32 s13, $0xB;
	s9 =	sadd.s32 s8, s0  }
0xe: {  	s0 =	ssub.s32 s10, s25;
	s26 =	sshll.u32 s7, $0xB;
	s7 =	sadd.s32 s1, s8  }
0xf: {  	s8 =	simm.s32 $0x8C00;
	s15 =	sor.u32 $0x800, s13;
	s25 =	simm.s32 $0x2  }
0x10: {  	s6 =	sadd.s32 $0x12000, s9;
	s30 =	sadd.s32 $0x1FFFF000, s26;
	s8 =	simm.s32 @!p0 $0xC00  }
0x11: {  	s11 =	sadd.s32 $0x1FFFF800, s26;
	s14 =	smax.u32 s0, $0x1;
	s1 =	sand.u32 $0x1FFFF000, s30  }
0x12: {  	s26 =	simm.s32 $0x3;
	s31 =	sand.u32 $0x1FFFF800, s11;
	s9 =	sadd.s32 s4, s1  }
0x13: {  	s10 =	sadd.s32 s5, s1;
	s11 =	sadd.s32 s4, s31;
	s12 =	sadd.s32 s5, s31  }
.LBB2_1:
0x14: {  	[tilespmem:s2], [sflag:$0x5] =	stream.linear.gather [hbm4b:s6+s2], $0x2400, $0x38;
	[tilespmem:$0x14800] =	vst v63  }
0x15: {  	_ =	swait.ge [sflag:s16], $0x2400  }
0x16: {  	[sflag:s16] =	ssyncset.done $0x0  }
0x17: {  	[sflag:s16] =	ssyncadd.s32 $0xFFFFDC00  }
0x18: {  	[tilespmem:s17], [sflag:$0x5] =	stream.linear.gather [hbm4b:s7+s2], $0x2400, $0x38;
	[tilespmem:$0x14800] =	vst v63  }
0x19: {  	_ =	swait.ge [sflag:s16], $0x2400  }
0x1a: {  	[sflag:s16] =	ssyncset.done $0x0  }
0x1b: {  	[sflag:s16] =	ssyncadd.s32 $0xFFFFDC00  }
0x1c: {  	[tilespmem:s19], [sflag:$0x1] =	stream.indirect.gather [hbm4b:s3+s18], $0x80, s2, s18, $0xb8;
	[tilespmem:$0x14800] =	vst v63  }
0x1d: {  	_ = 	snop  }
0x1e: {  	[tilespmem:s20], [sflag:$0x2] =	stream.indirect.gather [hbm4b:s3+s18], $0x80, s17, s18, $0xb8;
	[tilespmem:$0x14800] =	vst v63  }
0x1f: {  	_ = 	snop  }
0x20: {  	[tilespmem:s21], [sflag:$0x3] =	stream.indirect.gather [hbm4b:s3+s18], $0x80, s18, s18, $0xb8;
	[tilespmem:$0x14800] =	vst v63  }
0x21: {  	s0 =	simm.s32 $0x2480  }
0x22: {  	[tilespmem:s23], [sflag:$0x4] =	stream.indirect.gather [hbm4b:s3+s18], $0x80, s0, s18, $0xb8;
	[tilespmem:$0x14800] =	vst v63  }
0x23: {  	_ =	swait.ge [sflag:s24], $0x4000  }
0x24: {  	[sflag:s24] =	ssyncset.done $0x0  }
0x25: {  	[sflag:s24] =	ssyncadd.s32 $0xFFFFC000  }
0x26: {  	_ =	swait.ge [sflag:s25], $0x4000  }
0x27: {  	[sflag:s25] =	ssyncset.done $0x0  }
0x28: {  	s22 =	sadd.s32 s4, s13;
	[sflag:s25] =	ssyncadd.s32 $0xFFFFC000  }
0x29: {  	[hbm4b:s22+s2] =	stream.linear.scatter [tilespmem:s19], [sflag:$0x5], $0x4000, $0x38;
	[tilespmem:$0x14800] =	vst v63  }
0x2a: {  	_ =	swait.ge [sflag:s16], $0x4000  }
0x2b: {  	[sflag:s16] =	ssyncset.done $0x0  }
0x2c: {  	s1 =	sadd.s32 s5, s13;
	[sflag:s16] =	ssyncadd.s32 $0xFFFFC000  }
0x2d: {  	[hbm4b:s1+s2] =	stream.linear.scatter [tilespmem:s20], [sflag:$0x5], $0x4000, $0x38;
	[tilespmem:$0x14800] =	vst v63  }
0x2e: {  	_ =	swait.ge [sflag:s16], $0x4000  }
0x2f: {  	[sflag:s16] =	ssyncset.done $0x0  }
0x30: {  	s22 =	simm.s32 $0x100;
	[sflag:s16] =	ssyncadd.s32 $0xFFFFC000  }
0x31: {  	[tilespmem:s19], [sflag:$0x1] =	stream.indirect.gather [hbm4b:s3+s18], $0x80, s22, s18, $0xb8;
	[tilespmem:$0x14800] =	vst v63  }
0x32: {  	s1 =	simm.s32 $0x2500  }
0x33: {  	[tilespmem:s20], [sflag:$0x2] =	stream.indirect.gather [hbm4b:s3+s18], $0x80, s1, s18, $0xb8;
	[tilespmem:$0x14800] =	vst v63  }
0x34: {  	_ =	swait.ge [sflag:s26], $0x4000  }
0x35: {  	[sflag:s26] =	ssyncset.done $0x0  }
0x36: {  	[sflag:s26] =	ssyncadd.s32 $0xFFFFC000  }
0x37: {  	_ =	swait.ge [sflag:s28], $0x4000  }
0x38: {  	[sflag:s28] =	ssyncset.done $0x0  }
0x39: {  	s22 =	sadd.s32 s4, s15;
	[sflag:s28] =	ssyncadd.s32 $0xFFFFC000  }
0x3a: {  	[hbm4b:s22+s2] =	stream.linear.scatter [tilespmem:s21], [sflag:$0x5], $0x4000, $0x38;
	[tilespmem:$0x14800] =	vst v63  }
0x3b: {  	_ =	swait.ge [sflag:s16], $0x4000  }
0x3c: {  	[sflag:s16] =	ssyncset.done $0x0  }
0x3d: {  	p0 =	sne.s32 s8, $0x400;
	s1 =	sadd.s32 s5, s15;
	[sflag:s16] =	ssyncadd.s32 $0xFFFFC000  }
0x3e: {  	[hbm4b:s1+s2] =	stream.linear.scatter [tilespmem:s23], [sflag:$0x5], $0x4000, $0x38;
	[tilespmem:$0x14800] =	vst v63  }
.Ltmp0:
0x3f: {  	_ = 	snop;
	(pc) =	sbr.rel @!p0 .LBB2_3-.Ltmp0, $4  }
0x40: {  	s30 =	simm.s32 $0x400;
	_ =	swait.ge [sflag:s16], $0x4000  }
0x41: {  	s31 =	sadd.s32 $0x1000, s5;
	s0 =	sadd.s32 $0x1000, s4;
	[sflag:s16] =	ssyncset.done $0x0  }
0x42: {  	s22 =	simm.s32 $0x180;
	s1 =	simm.s32 $0x2580;
	[sflag:s16] =	ssyncadd.s32 $0xFFFFC000  }
0x43: {  	[tilespmem:s21], [sflag:$0x3] =	stream.indirect.gather [hbm4b:s3+s18], $0x80, s22, s18, $0xb8;
	[tilespmem:$0x14800] =	vst v63  }
.LBB2_2:
0x44: {  	[tilespmem:s23], [sflag:$0x4] =	stream.indirect.gather [hbm4b:s3+s18], $0x80, s1, s18, $0xb8;
	[tilespmem:$0x14800] =	vst v63  }
0x45: {  	s1 =	smov.u32 s30;
	s30 =	sadd.s32 $0x400, s30;
	_ =	swait.ge [sflag:s24], $0x4000  }
0x46: {  	p0 =	sne.s32 s8, s30;
	[sflag:s24] =	ssyncset.done $0x0  }
0x47: {  	[sflag:s24] =	ssyncadd.s32 $0xFFFFC000  }
0x48: {  	_ =	swait.ge [sflag:s25], $0x4000  }
0x49: {  	[sflag:s25] =	ssyncset.done $0x0  }
0x4a: {  	s22 =	sadd.s32 s0, s13;
	[sflag:s25] =	ssyncadd.s32 $0xFFFFC000  }
0x4b: {  	[hbm4b:s22+s2] =	stream.linear.scatter [tilespmem:s19], [sflag:$0x5], $0x4000, $0x38;
	[tilespmem:$0x14800] =	vst v63  }
0x4c: {  	_ =	swait.ge [sflag:s16], $0x4000  }
0x4d: {  	[sflag:s16] =	ssyncset.done $0x0  }
0x4e: {  	s22 =	sadd.s32 s31, s13;
	[sflag:s16] =	ssyncadd.s32 $0xFFFFC000  }
0x4f: {  	[hbm4b:s22+s2] =	stream.linear.scatter [tilespmem:s20], [sflag:$0x5], $0x4000, $0x38;
	[tilespmem:$0x14800] =	vst v63  }
0x50: {  	_ =	swait.ge [sflag:s16], $0x4000  }
0x51: {  	s1 =	sshra.s32 s1, $0x2;
	[sflag:s16] =	ssyncset.done $0x0  }
0x52: {  	s22 =	sadd.s32 $0x100, s1;
	[sflag:s16] =	ssyncadd.s32 $0xFFFFC000  }
0x53: {  	[tilespmem:s19], [sflag:$0x1] =	stream.indirect.gather [hbm4b:s3+s18], $0x80, s22, s18, $0xb8;
	[tilespmem:$0x14800] =	vst v63  }
0x54: {  	s22 =	sadd.s32 $0x2500, s1  }
0x55: {  	[tilespmem:s20], [sflag:$0x2] =	stream.indirect.gather [hbm4b:s3+s18], $0x80, s22, s18, $0xb8;
	[tilespmem:$0x14800] =	vst v63  }
0x56: {  	_ =	swait.ge [sflag:s26], $0x4000  }
0x57: {  	[sflag:s26] =	ssyncset.done $0x0  }
0x58: {  	[sflag:s26] =	ssyncadd.s32 $0xFFFFC000  }
0x59: {  	_ =	swait.ge [sflag:s28], $0x4000  }
0x5a: {  	[sflag:s28] =	ssyncset.done $0x0  }
0x5b: {  	s22 =	sadd.s32 s0, s15;
	[sflag:s28] =	ssyncadd.s32 $0xFFFFC000  }
0x5c: {  	[hbm4b:s22+s2] =	stream.linear.scatter [tilespmem:s21], [sflag:$0x5], $0x4000, $0x38;
	[tilespmem:$0x14800] =	vst v63  }
0x5d: {  	_ =	swait.ge [sflag:s16], $0x4000  }
0x5e: {  	[sflag:s16] =	ssyncset.done $0x0  }
0x5f: {  	s22 =	sadd.s32 s31, s15;
	[sflag:s16] =	ssyncadd.s32 $0xFFFFC000  }
0x60: {  	[hbm4b:s22+s2] =	stream.linear.scatter [tilespmem:s23], [sflag:$0x5], $0x4000, $0x38;
	[tilespmem:$0x14800] =	vst v63  }
.Ltmp1:
0x61: {  	_ =	swait.ge [sflag:s16], $0x4000;
	(pc) =	sbr.rel @p0 .LBB2_2-.Ltmp1, $4  }
0x62: {  	[sflag:s16] =	ssyncset.done $0x0  }
0x63: {  	s22 =	sadd.s32 $0x180, s1;
	[sflag:s16] =	ssyncadd.s32 $0xFFFFC000  }
0x64: {  	[tilespmem:s21], [sflag:$0x3] =	stream.indirect.gather [hbm4b:s3+s18], $0x80, s22, s18, $0xb8;
	[tilespmem:$0x14800] =	vst v63  }
0x65: {  	s0 =	sadd.s32 $0x1000, s0;
	s31 =	sadd.s32 $0x1000, s31;
	s1 =	sadd.s32 $0x2580, s1  }
.LBB2_3:
0x66: {  	[tilespmem:s23], [sflag:$0x4] =	stream.indirect.gather [hbm4b:s3+s18], $0x80, s1, s18, $0xb8;
	[tilespmem:$0x14800] =	vst v63  }
0x67: {  	_ =	swait.ge [sflag:s24], $0x4000  }
0x68: {  	[sflag:s24] =	ssyncset.done $0x0  }
0x69: {  	[sflag:s24] =	ssyncadd.s32 $0xFFFFC000  }
0x6a: {  	_ =	swait.ge [sflag:s25], $0x4000  }
0x6b: {  	[sflag:s25] =	ssyncset.done $0x0  }
0x6c: {  	[sflag:s25] =	ssyncadd.s32 $0xFFFFC000  }
0x6d: {  	[hbm4b:s9+s2] =	stream.linear.scatter [tilespmem:s19], [sflag:$0x5], $0x4000, $0x38;
	[tilespmem:$0x14800] =	vst v63  }
0x6e: {  	_ =	swait.ge [sflag:s16], $0x4000  }
0x6f: {  	[sflag:s16] =	ssyncset.done $0x0  }
0x70: {  	[sflag:s16] =	ssyncadd.s32 $0xFFFFC000  }
0x71: {  	[hbm4b:s10+s2] =	stream.linear.scatter [tilespmem:s20], [sflag:$0x5], $0x4000, $0x38;
	[tilespmem:$0x14800] =	vst v63  }
0x72: {  	_ =	swait.ge [sflag:s16], $0x4000  }
0x73: {  	[sflag:s16] =	ssyncset.done $0x0  }
0x74: {  	[sflag:s16] =	ssyncadd.s32 $0xFFFFC000  }
0x75: {  	_ =	swait.ge [sflag:s26], $0x4000  }
0x76: {  	[sflag:s26] =	ssyncset.done $0x0  }
0x77: {  	[sflag:s26] =	ssyncadd.s32 $0xFFFFC000  }
0x78: {  	_ =	swait.ge [sflag:s28], $0x4000  }
0x79: {  	[sflag:s28] =	ssyncset.done $0x0  }
0x7a: {  	[sflag:s28] =	ssyncadd.s32 $0xFFFFC000  }
0x7b: {  	[hbm4b:s11+s2] =	stream.linear.scatter [tilespmem:s21], [sflag:$0x5], $0x4000, $0x38;
	[tilespmem:$0x14800] =	vst v63  }
0x7c: {  	s29 =	sadd.s32 $0x1, s29;
	_ =	swait.ge [sflag:s16], $0x4000  }
0x7d: {  	p0 =	sne.s32 s29, s14;
	[sflag:s16] =	ssyncset.done $0x0  }
.Ltmp2:
0x7e: {  	[sflag:s16] =	ssyncadd.s32 $0xFFFFC000;
	(pc) =	sbr.rel @p0 .LBB2_1-.Ltmp2, $4  }
0x7f: {  	[hbm4b:s12+s2] =	stream.linear.scatter [tilespmem:s23], [sflag:$0x5], $0x4000, $0x38;
	[tilespmem:$0x14800] =	vst v63  }
0x80: {  	_ =	swait.ge [sflag:s16], $0x4000  }
0x81: {  	[sflag:s16] =	ssyncset.done $0x0  }
0x82: {  	[sflag:s16] =	ssyncadd.s32 $0xFFFFC000  }
0x83: {  	_ =	sfence.sel $0x180000  }
0x84: {  	[bflag:$0x0] =	sbarrier.arrive $0xFFFF  }
0x85: {  	_ =	strace $0x90000059  }
0x86: {  	s0 =	stileid.u32;
	[bflag:$0x2] =	sbarrier.arrive $0xFFFF  }
0x87: {  	p0 =	sne.s32 s0, $0x0;
	s0 =	rddreg [dreg:$0x2]  }
0x88: {  	s0 =	sadd.s32 @!p0 $0x100000, s0  }
0x89: {  	[sflag:s0] =	ssyncadd.tile.s32 @!p0 $0x1;
	_ =	shalt  }
.Lfunc_end2:
_tile_overlayer_lowered:
.L_overlay_start_2:
0x8a: {  	(tag) =	ssettag $0x2  }
0x8b: {  	s0 =	rddreg [dreg:$0x0];
	s2 =	stileid.u32  }
0x8c: {  	s1 =	rddreg [dreg:$0x1];
	p0 =	sne.s32 s2, $0x0  }
0x8d: {  	s3 =	rddreg [dreg:$0x2];
	[bflag:$0x3] =	sbarrier.arrive $0xFFFF;
	s2 =	simm.s32 @!p0 $0x1C05  }
0x8e: {  	[timem:s3], [sflag:s2] =	dma.local @!p0 [hbm:s0], s1  }
0x8f: {  	s0 =	simm.s32 @!p0 $0x5  }
0x90: {  	_ =	swait.ge @!p0 [sflag:s0], s1  }
0x91: {  	s1 =	ssub.s32 @!p0 $0x0, s1;
	[sflag:s0] =	ssyncset.done @!p0 $0x0  }
0x92: {  	[sflag:s0] =	ssyncadd.s32 @!p0 s1  }
0x93: {  	[bflag:$0x3] =	sbarrier.arrive $0xFFFF  }
0x94: {  	_ =	shalt  }

// kernel: kernel.42.cloned.1.call-start
scs
__scs_entry_jumppad:
0x0: {  	(pc) =	sbr.rel $0x88, $3  }
0x1: {  	(tag) =	ssettag $0x0;
	lr =	simm.s32 $0x1  }
0x2: {  	[smem:$0x3F8C] =	sst lr;
	_ =	strace $0xD0000000  }
0x3: {  	_ = 	snop  }
0x4: {  	_ = 	snop  }
0x5: {  	_ = 	snop  }
0x6: {  	_ = 	snop  }
0x7: {  	_ = 	snop  }
__scs_overlays_trampoline_lowered:
0x8: {  	[smem:$0x3F9B] =	sst s0  }
0x9: {  	[smem:$0x3F9C] =	sst s1  }
0xa: {  	[smem:$0x3F9D] =	sst s2  }
0xb: {  	[smem:$0x3F9E] =	sst s3  }
0xc: {  	[smem:$0x3F9F] =	sst s4  }
0xd: {  	[smem:$0x3FA0] =	sst s5  }
0xe: {  	[smem:$0x3FA1] =	sst s6  }
0xf: {  	[smem:$0x3FA2] =	sst s7  }
0x10: {  	[smem:$0x3FA3] =	sst s8  }
0x11: {  	[smem:$0x3FA4] =	sst s9;
	s0 =	simm.s32 @!p0 $0x0  }
0x12: {  	s1 =	sld [smem:$0x3F8A];
	s0 =	simm.s32 @p0 $0x1  }
0x13: {  	[smem:$0x3FA5] =	sst s0;
	s0 =	simm.s32 @!p1 $0x0  }
0x14: {  	s2 =	sld [smem:$0x3F89];
	s0 =	simm.s32 @p1 $0x1  }
0x15: {  	[smem:$0x3FA6] =	sst s0;
	s0 =	simm.s32 @!p2 $0x0  }
0x16: {  	s3 =	sld [smem:$0x3FDB];
	s0 =	simm.s32 @p2 $0x1  }
0x17: {  	s4 =	simm.s32 $0x1BF5;
	[smem:$0x3FA8] =	sst s0  }
0x18: {  	s0 =	sld [smem:$0x3F8B];
	_ =	swait.ge [sflag:s4], $0x0  }
0x19: {  	s7 =	sld [smem:$0x3F8C]  }
0x1a: {  	s8 =	sadd.s32 $0xFFFFE003, lr  }
0x1b: {  	s9 =	sadd.s32 $0xFFFFFEF7, lr;
	s5 =	simm.s32 $0xFFFFFFFF;
	p2 =	slt.u32 s8, $0xFFFFF086  }
0x1c: {  	p1 =	slt.u32 s9, $0xF7A;
	s5 =	simm.s32 @!p2 $0x0  }
0x1d: {  	s5 =	simm.s32 @p1 $0x1;
	p0 =	seq.s32 s7, s2  }
0x1e: {  	s7 =	smul.u32 @!p0 $0xF7A, s2;
	p2 =	seq.s32 @!p0 s5, $0x0  }
0x1f: {  	s9 =	smul.u32 $0xF7A, s1;
	s8 =	simm.s32 @!p0 $0x1BF5;
	p2 =	por !p2, p0  }
0x20: {  	[sflag:s8] =	ssyncset.s32 @!p0 $0xFFFFF086;
	s6 =	sadd.s32 @!p0 s3, s7;
	s7 =	simm.s32 @!p0 $0x108  }
0x21: {  	s3 =	sadd.s32 s3, s9;
	s6 =	sadd.s32 @!p0 $0x88, s6;
	s7 =	simm.s32 @p2 $0x1082  }
0x22: {  	[simem:s7], [sflag:s8] =	dma.local @!p0 [hbm:s6], $0xF7A  }
0x23: {  	s9 =	sor.u32 $0xD0000000, s2;
	s6 =	simm.s32 $0x108;
	_ =	swait.ge @!p0 [sflag:s8], $0x0  }
0x24: {  	s3 =	sadd.s32 $0x88, s3;
	s6 =	simm.s32 @!p1 $0x1082;
	[sflag:s4] =	ssyncset.s32 $0xFFFFF086  }
0x25: {  	[simem:s6], [sflag:s4] =	dma.local [hbm:s3], $0xF7A  }
0x26: {  	[smem:$0x3F8C] =	sst s1;
	(tag) =	ssettag s2;
	_ =	strace s9  }
0x27: {  	s1 =	sld [smem:$0x3F9C]  }
0x28: {  	s2 =	sld [smem:$0x3F9D]  }
0x29: {  	s4 =	sld [smem:$0x3F9F]  }
0x2a: {  	p0 =	seq.s32 s5, $0x0;
	s5 =	sld [smem:$0x3FA0]  }
0x2b: {  	s6 =	sld [smem:$0x3FA1]  }
0x2c: {  	s7 =	sld [smem:$0x3FA2]  }
0x2d: {  	s3 =	simm.s32 $0x108;
	s8 =	sld [smem:$0x3FA3]  }
0x2e: {  	s3 =	simm.s32 @!p0 $0x1082;
	s9 =	sld [smem:$0x3FA4]  }
0x2f: {  	lr =	sadd.s32 s0, s3;
	s0 =	sld [smem:$0x3F9B]  }
0x30: {  	s3 =	sld [smem:$0x3F9E]  }
0x31: {  	[smem:$0x3FA7] =	sst s10  }
0x32: {  	s10 =	sld [smem:$0x3FA5];
	_ =	sdelay $0x3  }
0x33: {  	p0 =	seq.s32 s10, $0x1;
	s10 =	sld [smem:$0x3FA7];
	_ =	sdelay $0x3  }
0x34: {  	[smem:$0x3FA7] =	sst s10  }
0x35: {  	s10 =	sld [smem:$0x3FA6];
	_ =	sdelay $0x3  }
0x36: {  	p1 =	seq.s32 s10, $0x1;
	s10 =	sld [smem:$0x3FA7];
	_ =	sdelay $0x3  }
0x37: {  	[smem:$0x3FA7] =	sst s10  }
0x38: {  	s10 =	sld [smem:$0x3FA8]  }
0x39: {  	_ = 	snop;
	(pc) =	sbr.ind lr, $3  }
0x3a: {  	_ = 	snop  }
0x3b: {  	_ = 	snop  }
0x3c: {  	p2 =	seq.s32 s10, $0x1;
	s10 =	sld [smem:$0x3FA7]  }
0x3d: {  	_ =	shalt  }
0x3e: {  	_ =	shalt  }
0x3f: {  	_ =	shalt  }
0x40: {  	_ =	shalt  }
0x41: {  	_ =	shalt  }
0x42: {  	_ =	shalt  }
0x43: {  	_ =	shalt  }
0x44: {  	_ =	shalt  }
0x45: {  	_ =	shalt  }
0x46: {  	_ =	shalt  }
0x47: {  	_ =	shalt  }
0x48: {  	_ =	shalt  }
0x49: {  	_ =	shalt  }
0x4a: {  	_ =	shalt  }
0x4b: {  	_ =	shalt  }
0x4c: {  	_ =	shalt  }
0x4d: {  	_ =	shalt  }
0x4e: {  	_ =	shalt  }
0x4f: {  	_ =	shalt  }
0x50: {  	_ =	shalt  }
0x51: {  	_ =	shalt  }
0x52: {  	_ =	shalt  }
0x53: {  	_ =	shalt  }
0x54: {  	_ =	shalt  }
0x55: {  	_ =	shalt  }
0x56: {  	_ =	shalt  }
0x57: {  	_ =	shalt  }
0x58: {  	_ =	shalt  }
0x59: {  	_ =	shalt  }
0x5a: {  	_ =	shalt  }
0x5b: {  	_ =	shalt  }
0x5c: {  	_ =	shalt  }
0x5d: {  	_ =	shalt  }
0x5e: {  	_ =	shalt  }
0x5f: {  	_ =	shalt  }
0x60: {  	_ =	shalt  }
0x61: {  	_ =	shalt  }
0x62: {  	_ =	shalt  }
0x63: {  	_ =	shalt  }
0x64: {  	_ =	shalt  }
0x65: {  	_ =	shalt  }
0x66: {  	_ =	shalt  }
0x67: {  	_ =	shalt  }
0x68: {  	_ =	shalt  }
0x69: {  	_ =	shalt  }
0x6a: {  	_ =	shalt  }
0x6b: {  	_ =	shalt  }
0x6c: {  	_ =	shalt  }
0x6d: {  	_ =	shalt  }
0x6e: {  	_ =	shalt  }
0x6f: {  	_ =	shalt  }
0x70: {  	_ =	shalt  }
0x71: {  	_ =	shalt  }
0x72: {  	_ =	shalt  }
0x73: {  	_ =	shalt  }
0x74: {  	_ =	shalt  }
0x75: {  	_ =	shalt  }
0x76: {  	_ =	shalt  }
0x77: {  	_ =	shalt  }
0x78: {  	_ =	shalt  }
0x79: {  	_ =	shalt  }
0x7a: {  	_ =	shalt  }
0x7b: {  	_ =	shalt  }
0x7c: {  	_ =	shalt  }
0x7d: {  	_ =	shalt  }
0x7e: {  	_ =	shalt  }
0x7f: {  	_ =	shalt  }
0x80: {  	_ =	shalt  }
0x81: {  	_ =	shalt  }
0x82: {  	_ =	shalt  }
0x83: {  	_ =	shalt  }
0x84: {  	_ =	shalt  }
0x85: {  	_ =	shalt  }
0x86: {  	_ =	shalt  }
0x87: {  	_ =	shalt  }
.Lfunc_end0:
.L_simem_size_0:
called_computation.7_lowered:
.L_overlay_start_0:
0x88: {  	s2 =	sld [smem:$0x3FD9]  }
0x89: {  	s3 =	sld [smem:$0x3FFE];
	_ =	sdelay $0x1  }
0x8a: {  	s1 =	srdreg.scid  }
0x8b: {  	s0 =	sand.u32 $0x1, s1  }
0x8c: {  	s14 =	sshll.u32 s0, $0xA;
	s2 =	sadd.s32 s3, s2  }
0x8d: {  	s2 =	sadd.s32 s2, s14  }
0x8e: {  	[smem:$0x3FB3] =	sst s2  }
0x8f: {  	_ = 	snop  }
0x90: {  	s2 =	sld [smem:$0x3FD0];
	_ =	sdelay $0x2  }
0x91: {  	s15 =	simm.s32 $0xC;
	s4 =	simm.s32 $0x10  }
0x92: {  	[smem:s4], [sflag:s15] =	dma.local [hbm:s2], $0x1  }
0x93: {  	_ =	swait.eq [sflag:s15], $0x1  }
0x94: {  	[sflag:s15] =	ssyncset.done $0x0  }
0x95: {  	[sflag:s15] =	ssyncadd.s32 $0xFFFFFFFF  }
0x96: {  	s16 =	sld [smem:$0x10];
	(tm) =	ssettm $0x1  }
0x97: {  	s17 =	sld [smem:$0x3FFB];
	_ =	sdelay $0x3  }
0x98: {  	_ =	strace s17  }
0x99: {  	s3 =	sld [smem:$0x3FFC];
	_ =	sdelay $0x3  }
0x9a: {  	_ =	strace s3  }
0x9b: {  	s3 =	sld [smem:$0x3FFD];
	_ =	sdelay $0x3  }
0x9c: {  	_ =	strace s3  }
0x9d: {  	_ =	strace $0x8FFFFFFF  }
0x9e: {  	s18 =	sld [smem:$0x3FDB];
	_ =	sdelay $0x1  }
0x9f: {  	s19 =	simm.s32 $_scs_section_size  }
0xa0: {  	s5 =	simm.s32 $_size__tile_overlayer_lowered;
	s6 =	simm.s32 $_tile_overlayer_lowered  }
0xa1: {  	s22 =	simm.s32 $0x1BFF;
	s21 =	sshll.u32 s6, $0x1;
	s3 =	sadd.s32 s19, s18  }
0xa2: {  	s7 =	simm.s32 $0x0;
	s20 =	sshll.u32 s5, $0x1;
	s5 =	sadd.s32 s21, s3  }
0xa3: {  	[timem:s7], [sflag:s22] =	dma.local [hbm:s5], s20  }
0xa4: {  	_ =	swait.ge [sflag:s22], s20  }
0xa5: {  	s4 =	ssub.s32 $0x0, s20;
	[sflag:s22] =	ssyncset.done $0x0  }
0xa6: {  	[sflag:s22] =	ssyncadd.s32 s4;
	_ =	sdelay $0x1  }
0xa7: {  	s23 =	simm.s32 $0x1B8B  }
0xa8: {  	_ =	swait.ge [sflag:s23], $0x1  }
0xa9: {  	[sflag:s23] =	ssyncset.done $0x0  }
0xaa: {  	s25 =	simm.s32 $0x1B8E;
	s24 =	sld [smem:$0x3FFE];
	[sflag:s23] =	ssyncadd.s32 $0xFFFFFFFF  }
0xab: {  	s26 =	simm.s32 $execute0_lowered;
	[smem:$0x3FD2] =	sst s25  }
0xac: {  	s5 =	sshll.u32 s26, $0x1;
	_ =	strace $0x8000005B;
	[dreg:$0x1] =	wrdreg $0xFFFFFFFF  }
0xad: {  	s28 =	simm.s32 $_size_execute0_lowered;
	s3 =	sadd.s32 s3, s5;
	[dreg:$0x0] =	wrdreg $0x0  }
0xae: {  	s5 =	sshll.u32 s28, $0x1;
	[dreg:$0x2] =	wrdreg s3  }
0xaf: {  	[dreg:$0x3] =	wrdreg s5  }
0xb0: {  	[dreg:$0x4] =	wrdreg $0xC0  }
0xb1: {  	_ =	task [dreg:s7], $0x5FFFF  }
0xb2: {  	[dreg:$0x1] =	wrdreg $0xFFFFFFFF  }
0xb3: {  	[dreg:$0x0] =	wrdreg $0x60  }
0xb4: {  	[dreg:$0x2] =	wrdreg s24  }
0xb5: {  	[dreg:$0x3] =	wrdreg s16  }
0xb6: {  	[dreg:$0x4] =	wrdreg $0xA8000  }
0xb7: {  	[dreg:$0x5] =	wrdreg $0x9  }
0xb8: {  	_ =	task.clear_ibuf [dreg:s7], $0x6FFFF;
	_ =	strace $0x9000005B  }
0xb9: {  	s29 =	simm.s32 $0x9;
	_ =	strace $0x8000005D  }
0xba: {  	_ =	swait.ge [sflag:s29], $0x1  }
0xbb: {  	[sflag:s29] =	ssyncadd.s32 $0xFFFFFFFF  }
0xbc: {  	_ =	strace $0x9000005D  }
0xbd: {  	_ =	sfence  }
0xbe: {  	s30 =	sld [smem:$0x0];
	_ =	sdelay $0x2  }
0xbf: {  	s31 =	sshll.u32 s1, $0xD;
	s1 =	sshrl.u32 s1, $0x2  }
0xc0: {  	s3 =	sand.u32 $0x4000, s31;
	s1 =	sadd.s32 s1, s30  }
0xc1: {  	s0 =	sor.u32 s3, s0;
	s1 =	sshll.u32 s1, $0x11  }
0xc2: {  	s0 =	sor.u32 s1, s0  }
0xc3: {  	s0 =	sadd.s32 $0x8F2B, s0  }
0xc4: {  	[sflag:s0] =	ssyncadd.remote.s32 $0x1  }
0xc5: {  	_ =	sfence.sel $0xFFFF  }
0xc6: {  	[dreg:$0x0] =	wrdreg $0xFFFFFFFF;
	(pc) =	sbr.abs _section_cstart, $3  }
0xc7: {  	[dreg:$0x1] =	wrdreg $0xFFFFFFFF  }
0xc8: {  	_ =	task.clear_ibuf [dreg:s7], $0x2FFFF;
	_ =	strace $0x9FFFFFFF  }
0xc9: {  	(tm) =	ssettm $0x7FFFFFFF  }
tec
execute0_lowered:
.L_overlay_start_1:
0x0: {  	(tag) =	ssettag $0x1  }
0x1: {  	s4 =	rddreg [dreg:$0x0]  }
0x2: {  	s5 =	rddreg [dreg:$0x1]  }
0x3: {  	s1 =	rddreg [dreg:$0x2]  }
0x4: {  	s0 =	rddreg [dreg:$0x3];
	s2 =	srdreg.scid  }
0x5: {  	s3 =	simm.s32 $0x0;
	s17 =	simm.s32 $0x3;
	s6 =	sand.u32 $0x1, s2  }
0x6: {  	s18 =	simm.s32 $0x6800;
	s2 =	stileid.u32;
	s7 =	smul.u32 $0x140000, s6  }
0x7: {  	s19 =	simm.s32 $0x1;
	s20 =	simm.s32 $0x80;
	s8 =	smul.u32 $0x14000, s2  }
0x8: {  	s21 =	simm.s32 $0x2;
	s22 =	simm.s32 $0x2700;
	s9 =	smul.u32 $0x1400000, s6  }
0x9: {  	s23 =	simm.s32 $0x2780;
	s24 =	simm.s32 $0x0;
	s28 =	smul.u32 $0x140000, s2  }
0xa: {  	[smem:$0x7FF] =	sst s3;
	s6 =	ssub.s32 $0x2, s6;
	s11 =	smul.u32 $0x50000, s2  }
0xb: {  	s15 =	sadd.s32 $0xF84A00, s4;
	s30 =	smul.u32 $0x500, s2;
	s10 =	sshrl.u32 s6, $0x1  }
0xc: {  	_ =	strace $0x8000005C;
	s7 =	sadd.s32 s8, s7;
	s10 =	ssub.s32 s6, s10  }
0xd: {  	s13 =	sadd.s32 s28, s9;
	s29 =	sshrl.u32 s11, $0x2;
	s5 =	sadd.s32 s5, s30  }
0xe: {  	s7 =	sshrl.u32 s7, $0x3;
	s31 =	sor.u32 $0x4000, s13;
	s8 =	sshrl.u32 s13, $0x3  }
0xf: {  	s9 =	smax.u32 s10, $0x1;
	s14 =	sor.u32 $0xC000, s13;
	s13 =	sor.u32 $0x8000, s13  }
0x10: {  	s12 =	sadd.s32 s7, s4;
	s4 =	sadd.s32 s29, s1;
	s7 =	sshrl.u32 s31, $0x3  }
0x11: {  	s6 =	sadd.s32 s15, s8;
	s14 =	sshrl.u32 s14, $0x3;
	s16 =	sshrl.u32 s13, $0x3  }
0x12: {  	s7 =	sadd.s32 s15, s7;
	s8 =	sadd.s32 $0x12000, s12;
	s10 =	sadd.s32 $0x4000, s4  }
0x13: {  	s11 =	sadd.s32 $0x8000, s4;
	s12 =	sadd.s32 $0xC000, s4;
	s13 =	sadd.s32 $0x10000, s4  }
0x14: {  	v0 =	vimm.f32 $0.0e+00;
	s14 =	sadd.s32 s14, s15;
	s15 =	sadd.s32 s16, s15;
	s16 =	simm.s32 $0x2800  }
.LBB2_1:
0x15: {  	s25 =	simm.s32 $0x0;
	s26 =	simm.s32 $0x200  }
.LBB2_2:
0x16: {  	p0 =	sne.s32 s26, $0xFE00;
	[tilespmem:s25+$0x2870] =	vst v0  }
0x17: {  	[tilespmem:s25+$0x2800] =	vst v0  }
0x18: {  	[tilespmem:s25+$0x2810] =	vst v0  }
.Ltmp0:
0x19: {  	[tilespmem:s25+$0x2820] =	vst v0;
	(pc) =	sbr.rel @p0 .LBB2_2-.Ltmp0, $4  }
0x1a: {  	[tilespmem:s25+$0x2830] =	vst v0  }
0x1b: {  	[tilespmem:s25+$0x2840] =	vst v0  }
0x1c: {  	[tilespmem:s25+$0x2850] =	vst v0  }
0x1d: {  	[tilespmem:s25+$0x2860] =	vst v0;
	s25 =	sshra.s32 s26, $0x2;
	s26 =	sadd.s32 $0x200, s26  }
0x1e: {  	[tilespmem:s25+$0x2870] =	vst v0  }
0x1f: {  	[tilespmem:s25+$0x2800] =	vst v0  }
0x20: {  	[tilespmem:s25+$0x2810] =	vst v0  }
0x21: {  	[tilespmem:s25+$0x2820] =	vst v0  }
0x22: {  	[tilespmem:s25+$0x2830] =	vst v0  }
0x23: {  	[tilespmem:s25+$0x2840] =	vst v0  }
0x24: {  	[tilespmem:s25+$0x2850] =	vst v0  }
0x25: {  	[tilespmem:s25+$0x2860] =	vst v0  }
0x26: {  	[spmem:s4] =	stream.linear.scatter [tilespmem:s16], [sflag:$0x3], $0x4000, $0x38;
	[tilespmem:$0x1E800] =	vst v63  }
0x27: {  	_ =	swait.ge [sflag:s17], $0x4000  }
0x28: {  	[sflag:s17] =	ssyncset.done $0x0  }
0x29: {  	[sflag:s17] =	ssyncadd.s32 $0xFFFFC000  }
0x2a: {  	[spmem:s10] =	stream.linear.scatter [tilespmem:s16], [sflag:$0x3], $0x4000, $0x38;
	[tilespmem:$0x1E800] =	vst v63  }
0x2b: {  	_ =	swait.ge [sflag:s17], $0x4000  }
0x2c: {  	[sflag:s17] =	ssyncset.done $0x0  }
0x2d: {  	[sflag:s17] =	ssyncadd.s32 $0xFFFFC000  }
0x2e: {  	[spmem:s11] =	stream.linear.scatter [tilespmem:s16], [sflag:$0x3], $0x4000, $0x38;
	[tilespmem:$0x1E800] =	vst v63  }
0x2f: {  	_ =	swait.ge [sflag:s17], $0x4000  }
0x30: {  	[sflag:s17] =	ssyncset.done $0x0  }
0x31: {  	[sflag:s17] =	ssyncadd.s32 $0xFFFFC000  }
0x32: {  	[spmem:s12] =	stream.linear.scatter [tilespmem:s16], [sflag:$0x3], $0x4000, $0x38;
	[tilespmem:$0x1E800] =	vst v63  }
0x33: {  	_ =	swait.ge [sflag:s17], $0x4000  }
0x34: {  	[sflag:s17] =	ssyncset.done $0x0  }
0x35: {  	[sflag:s17] =	ssyncadd.s32 $0xFFFFC000  }
0x36: {  	[spmem:s13] =	stream.linear.scatter [tilespmem:s16], [sflag:$0x3], $0x4000, $0x38;
	[tilespmem:$0x1E800] =	vst v63  }
0x37: {  	_ =	swait.ge [sflag:s17], $0x4000  }
0x38: {  	[sflag:s17] =	ssyncset.done $0x0  }
0x39: {  	[sflag:s17] =	ssyncadd.s32 $0xFFFFC000  }
0x3a: {  	s26 =	simm.s32 $0x0;
	[bflag:$0x0] =	sbarrier.arrive $0xFFFF  }
0x3b: {  	[tilespmem:s26], [sflag:$0x3] =	stream.linear.gather [hbm4b:s5+s26], $0x2800, $0x38;
	[tilespmem:$0x1E800] =	vst v63  }
0x3c: {  	_ =	swait.ge [sflag:s17], $0x2800  }
0x3d: {  	[sflag:s17] =	ssyncset.done $0x0  }
0x3e: {  	[sflag:s17] =	ssyncadd.s32 $0xFFFFD800  }
0x3f: {  	[tilespmem:s16], [sflag:$0x1] =	stream.linear.gather [hbm4b:s6+s26], $0x4000, $0x38;
	[tilespmem:$0x1E800] =	vst v63  }
0x40: {  	_ = 	snop  }
0x41: {  	[tilespmem:s18], [sflag:$0x2] =	stream.linear.gather [hbm4b:s7+s26], $0x4000, $0x38;
	[tilespmem:$0x1E800] =	vst v63  }
0x42: {  	_ =	swait.ge [sflag:s19], $0x4000  }
0x43: {  	[sflag:s19] =	ssyncset.done $0x0  }
0x44: {  	s29 =	simm.s32 $0x0;
	[sflag:s19] =	ssyncadd.s32 $0xFFFFC000  }
0x45: {  	[spmem:s1] =	stream.indirect.scatter.add.f32 [tilespmem:s16], [sflag:$0x3], $0x80, s29, s20, $0xb8;
	[tilespmem:$0x1E800] =	vst v63  }
0x46: {  	_ =	swait.ge [sflag:s17], $0x4000  }
0x47: {  	[sflag:s17] =	ssyncset.done $0x0  }
0x48: {  	s30 =	sadd.s32 $0x0, s15;
	[sflag:s17] =	ssyncadd.s32 $0xFFFFC000  }
0x49: {  	[tilespmem:s16], [sflag:$0x1] =	stream.linear.gather [hbm4b:s30+s3], $0x4000, $0x38;
	[tilespmem:$0x1E800] =	vst v63  }
0x4a: {  	_ =	swait.ge [sflag:s21], $0x4000  }
0x4b: {  	[sflag:s21] =	ssyncset.done $0x0  }
0x4c: {  	s31 =	simm.s32 $0x80;
	[sflag:s21] =	ssyncadd.s32 $0xFFFFC000  }
0x4d: {  	[spmem:s1] =	stream.indirect.scatter.add.f32 [tilespmem:s18], [sflag:$0x3], $0x80, s31, s20, $0xb8;
	[tilespmem:$0x1E800] =	vst v63  }
0x4e: {  	_ =	swait.ge [sflag:s17], $0x4000  }
0x4f: {  	s25 =	simm.s32 $0x1000;
	[sflag:s17] =	ssyncset.done $0x0  }
0x50: {  	s28 =	sadd.s32 $0x0, s14;
	s26 =	simm.s32 $0x180;
	[sflag:s17] =	ssyncadd.s32 $0xFFFFC000  }
.LBB2_4:
0x51: {  	[tilespmem:s18], [sflag:$0x2] =	stream.linear.gather [hbm4b:s28+s3], $0x4000, $0x38;
	[tilespmem:$0x1E800] =	vst v63  }
0x52: {  	s28 =	smov.u32 s25  }
0x53: {  	p0 =	sne.s32 s25, $0x26000;
	s25 =	sadd.s32 $0x1000, s25;
	_ =	swait.ge [sflag:s19], $0x4000  }
0x54: {  	[sflag:s19] =	ssyncset.done $0x0  }
0x55: {  	s29 =	sadd.s32 $0xFFFFFF80, s26;
	[sflag:s19] =	ssyncadd.s32 $0xFFFFC000  }
0x56: {  	[spmem:s1] =	stream.indirect.scatter.add.f32 [tilespmem:s16], [sflag:$0x3], $0x80, s29, s20, $0xb8;
	[tilespmem:$0x1E800] =	vst v63  }
0x57: {  	_ =	swait.ge [sflag:s17], $0x4000  }
0x58: {  	[sflag:s17] =	ssyncset.done $0x0  }
0x59: {  	s29 =	sadd.s32 s28, s15;
	[sflag:s17] =	ssyncadd.s32 $0xFFFFC000  }
0x5a: {  	[tilespmem:s16], [sflag:$0x1] =	stream.linear.gather [hbm4b:s29+s3], $0x4000, $0x38;
	[tilespmem:$0x1E800] =	vst v63  }
0x5b: {  	_ =	swait.ge [sflag:s21], $0x4000  }
0x5c: {  	[sflag:s21] =	ssyncset.done $0x0  }
.Ltmp1:
0x5d: {  	[sflag:s21] =	ssyncadd.s32 $0xFFFFC000;
	(pc) =	sbr.rel @p0 .LBB2_4-.Ltmp1, $4  }
0x5e: {  	[spmem:s1] =	stream.indirect.scatter.add.f32 [tilespmem:s18], [sflag:$0x3], $0x80, s26, s20, $0xb8;
	[tilespmem:$0x1E800] =	vst v63  }
0x5f: {  	_ =	swait.ge [sflag:s17], $0x4000  }
0x60: {  	[sflag:s17] =	ssyncset.done $0x0  }
0x61: {  	s28 =	sadd.s32 s28, s14;
	s26 =	sadd.s32 $0x100, s26;
	[sflag:s17] =	ssyncadd.s32 $0xFFFFC000  }
0x62: {  	[tilespmem:s18], [sflag:$0x2] =	stream.linear.gather [hbm4b:s28+s3], $0x4000, $0x38;
	[tilespmem:$0x1E800] =	vst v63  }
0x63: {  	_ =	swait.ge [sflag:s19], $0x4000  }
0x64: {  	[sflag:s19] =	ssyncset.done $0x0  }
0x65: {  	[sflag:s19] =	ssyncadd.s32 $0xFFFFC000  }
0x66: {  	[spmem:s1] =	stream.indirect.scatter.add.f32 [tilespmem:s16], [sflag:$0x3], $0x80, s22, s20, $0xb8;
	[tilespmem:$0x1E800] =	vst v63  }
0x67: {  	_ =	swait.ge [sflag:s17], $0x4000  }
0x68: {  	[sflag:s17] =	ssyncset.done $0x0  }
0x69: {  	[sflag:s17] =	ssyncadd.s32 $0xFFFFC000  }
0x6a: {  	_ =	swait.ge [sflag:s21], $0x4000  }
0x6b: {  	[sflag:s21] =	ssyncset.done $0x0  }
0x6c: {  	[sflag:s21] =	ssyncadd.s32 $0xFFFFC000  }
0x6d: {  	[spmem:s1] =	stream.indirect.scatter.add.f32 [tilespmem:s18], [sflag:$0x3], $0x80, s23, s20, $0xb8;
	[tilespmem:$0x1E800] =	vst v63  }
0x6e: {  	_ =	swait.ge [sflag:s17], $0x4000  }
0x6f: {  	s25 =	sshll.u32 s2, $0x6;
	s24 =	sadd.s32 $0x1, s24;
	[sflag:s17] =	ssyncset.done $0x0  }
0x70: {  	s26 =	sshrl.u32 s4, $0x3;
	p0 =	sne.s32 s24, s9;
	[sflag:s17] =	ssyncadd.s32 $0xFFFFC000  }
.Ltmp2:
0x71: {  	s25 =	sor.u32 $0x1C03, s25;
	[bflag:$0x0] =	sbarrier.arrive $0xFFFF;
	(pc) =	sbr.rel @p0 .LBB2_1-.Ltmp2, $4  }
0x72: {  	[hbm:s8], [sflag:s25] =	dma.local [spmem:s26], $0x2800  }
0x73: {  	_ =	swait.ge [sflag:s17], $0x2800  }
0x74: {  	[sflag:s17] =	ssyncset.done $0x0  }
0x75: {  	[sflag:s17] =	ssyncadd.s32 $0xFFFFD800  }
0x76: {  	_ =	sfence.sel $0x180000  }
0x77: {  	[bflag:$0x0] =	sbarrier.arrive $0xFFFF  }
0x78: {  	p0 =	sne.s32 s2, $0x0;
	_ =	strace $0x9000005C  }
0x79: {  	s0 =	sadd.s32 @!p0 $0x100000, s0;
	[bflag:$0x2] =	sbarrier.arrive $0xFFFF  }
0x7a: {  	[sflag:s0] =	ssyncadd.tile.s32 @!p0 $0x1;
	_ =	shalt  }
.Lfunc_end2:
_tile_overlayer_lowered:
.L_overlay_start_2:
0x7b: {  	(tag) =	ssettag $0x2  }
0x7c: {  	s0 =	rddreg [dreg:$0x0];
	s2 =	stileid.u32  }
0x7d: {  	s1 =	rddreg [dreg:$0x1];
	p0 =	sne.s32 s2, $0x0  }
0x7e: {  	s3 =	rddreg [dreg:$0x2];
	[bflag:$0x3] =	sbarrier.arrive $0xFFFF;
	s2 =	simm.s32 @!p0 $0x1C03  }
0x7f: {  	[timem:s3], [sflag:s2] =	dma.local @!p0 [hbm:s0], s1  }
0x80: {  	s0 =	simm.s32 @!p0 $0x3  }
0x81: {  	_ =	swait.ge @!p0 [sflag:s0], s1  }
0x82: {  	s1 =	ssub.s32 @!p0 $0x0, s1;
	[sflag:s0] =	ssyncset.done @!p0 $0x0  }
0x83: {  	[sflag:s0] =	ssyncadd.s32 @!p0 s1  }
0x84: {  	[bflag:$0x3] =	sbarrier.arrive $0xFFFF  }
0x85: {  	_ =	shalt  }

</sc_bundles>
